<compile_context>
chip_gen: v7x
topology: tpu7x:2x2x1
jax: 0.10.2.dev20260603
libtpu: 0.0.44.dev20260713+nightly
codegen_flags: <defaults>
</compile_context>

<pallas_src>
import jax
import jax.numpy as jnp
from jax import lax
from jax.experimental import pallas as pl
from jax.experimental.pallas import tpu as pltpu
from jax.experimental.pallas import tpu_sc as plsc

B = 16384
D = 64
V = 1000000
NC = 2
NS = 16
NW = NC * NS
E = 2 * B
EPW = E // NW
L = 16
NG = EPW // L
TBIT = 1 << 20
LOOKAHEAD = 7
P2B = 2048


def _p1_body(vs_hbm, es_hbm, eut_hbm, eit_hbm, scr_hbm,
             keys_v, es1_v, es2_v, ord2_v, fk_v, bufs_v, rowbuf_v,
             sem, sem2):
  wid = lax.axis_index("s") * NC + lax.axis_index("c")
  base = wid * EPW
  pltpu.sync_copy(vs_hbm.at[pl.ds(base, EPW)], keys_v)
  pltpu.sync_copy(es_hbm.at[pl.ds(base, EPW)], es1_v)

  lane = lax.broadcasted_iota(jnp.int32, (L,), 0)
  rotp = (lane + 15) & 15

  carry_key = jnp.int32(-1)
  carry_ord = jnp.int32(-1)
  for g in range(NG):
    kv = keys_v[pl.ds(g * L, L)]
    rot = kv.at[rotp].get(mode="promise_in_bounds")
    prev = jnp.where(lane == 0, carry_key, rot)
    flag = (kv != prev).astype(jnp.int32)
    ordv = carry_ord + plsc.cumsum(flag)
    plsc.store_scatter(fk_v, [ordv], lax.shift_right_logical(kv, 7),
                       mask=flag == 1)
    ord2_v[g, pl.ds(0, L)] = ordv
    es2_v[g, pl.ds(0, L)] = es1_v[pl.ds(g * L, L)]
    carry_key = kv[15]
    carry_ord = ordv[15]
  nf = carry_ord + 1

  a0 = lax.shift_right_logical(lane, 3)
  rv = lane & 7

  def issue(f, c):
    fl = f & 15
    flv = jnp.zeros((L,), jnp.int32) + fl
    fkvec = fk_v[pl.ds(pl.multiple_of(f - fl, L), L)]
    kf = fkvec.at[flv].get(mode="promise_in_bounds")[0]
    start = pl.multiple_of(lax.shift_left(kf & 8191, 7), 128)
    slot = f & 7

    @pl.when(kf < 8192)
    def _():
      for a in range(8):
        pltpu.async_copy(eut_hbm.at[a, :, pl.ds(start, 128)],
                         bufs_v.at[slot, a], sem)

    @pl.when(kf >= 8192)
    def _():
      for a in range(8):
        pltpu.async_copy(eit_hbm.at[a, :, pl.ds(start, 128)],
                         bufs_v.at[slot, a], sem)
    return c

  def drain(f, c):
    pltpu.make_async_copy(eut_hbm.at[:, :, pl.ds(0, 128)],
                          bufs_v.at[0], sem).wait()
    return c

  def entry(j, carry):
    fi, fw = carry
    g = lax.shift_right_logical(j, 4)
    ln = j & 15
    lnv = jnp.zeros((L,), jnp.int32) + ln
    kvec = keys_v[pl.ds(pl.multiple_of(j - ln, L), L)]
    ksp = kvec.at[lnv].get(mode="promise_in_bounds")
    colsp = ksp & 127
    ov = ord2_v[g, pl.ds(0, L)]
    osp = ov.at[lnv].get(mode="promise_in_bounds")
    ordj = osp[0]
    slotsp = osp & 7

    hi = jnp.minimum(ordj + LOOKAHEAD, nf - 1)
    lax.fori_loop(fi, hi + 1, issue, 0)
    fi = jnp.maximum(fi, hi + 1)
    lax.fori_loop(fw, ordj + 1, drain, 0)
    fw = jnp.maximum(fw, ordj + 1)

    rb = pl.multiple_of((g & 1) * L, L)
    for k in range(4):
      val = plsc.load_gather(bufs_v, [slotsp, a0 + 2 * k, rv, colsp])
      rowbuf_v[rb + ln, pl.ds(k * L, L)] = val

    @pl.when(ln == 15)
    def _():
      @pl.when(g >= 2)
      def _():
        pltpu.make_async_copy(scr_hbm.at[pl.ds(0, L)],
                              rowbuf_v.at[pl.ds(0, L)], sem2).wait()
      pltpu.async_copy(rowbuf_v.at[pl.ds(rb, L)], scr_hbm.at[es2_v.at[g]],
                       sem2)

    return (fi, fw)

  lax.fori_loop(0, EPW, entry, (jnp.int32(0), jnp.int32(0)))

  for _ in range(2):
    pltpu.make_async_copy(scr_hbm.at[pl.ds(0, L)],
                          rowbuf_v.at[pl.ds(0, L)], sem2).wait()


def _p2_tc(u_ref, i_ref, o_ref):
  mask = lax.broadcasted_iota(jnp.int32, (P2B, 128), 1) < D
  u = jnp.where(mask, u_ref[...], 0.0)
  i = jnp.where(mask, i_ref[...], 0.0)
  o_ref[...] = jnp.sum(u * i, axis=-1)


@jax.jit
def kernel(user, item, embed_user, embed_item):
  keys = jnp.concatenate([user, item + TBIT])
  vs, es = lax.sort_key_val(keys, lax.iota(jnp.int32, E))
  eut3 = embed_user.T.reshape(8, 8, V)
  eit3 = embed_item.T.reshape(8, 8, V)
  mesh = plsc.VectorSubcoreMesh(
      core_axis_name="c", subcore_axis_name="s", num_cores=NC, num_subcores=NS)
  cp = pltpu.CompilerParams(
      needs_layout_passes=False, disable_bounds_checks=True)

  scr = pl.kernel(
      _p1_body,
      out_type=jax.ShapeDtypeStruct((E, 128), jnp.float32),
      mesh=mesh,
      compiler_params=cp,
      scratch_types=[
          pltpu.VMEM((EPW,), jnp.int32),
          pltpu.VMEM((EPW,), jnp.int32),
          pltpu.VMEM((NG, L), jnp.int32),
          pltpu.VMEM((NG, L), jnp.int32),
          pltpu.VMEM((EPW,), jnp.int32),
          pltpu.VMEM((8, 8, 8, 128), jnp.float32),
          pltpu.VMEM((2 * L, 128), jnp.float32),
          pltpu.SemaphoreType.DMA,
          pltpu.SemaphoreType.DMA,
      ],
  )(vs, es, eut3, eit3)

  return pl.pallas_call(
      _p2_tc,
      grid=(B // P2B,),
      in_specs=[
          pl.BlockSpec((P2B, 128), lambda n: (n, 0)),
          pl.BlockSpec((P2B, 128), lambda n: (n + B // P2B, 0)),
      ],
      out_specs=pl.BlockSpec((P2B,), lambda n: (n,)),
      out_shape=jax.ShapeDtypeStruct((B,), jnp.float32),
  )(scr, scr)

# --- scband reference (transcript-rebuilt; emitter-appended) ---
"""Pipeline reference for scband-point-mf-5308579578062 (READ-ONLY COPY).

The authoritative reference and input builder live on the scoring server;
editing this copy changes nothing except your own understanding.
"""

import jax, jax.numpy as jnp
import numpy as np

USER_NUM = 1000000
ITEM_NUM = 1000000
FACTOR_NUM = 64
BATCH = 16384

def setup_inputs(seed: int = 0) -> dict:
    key = jax.random.key(seed)
    k1, k2, k3, k4 = jax.random.split(key, 4)
    user = jax.random.randint(k1, (BATCH,), 0, USER_NUM, dtype=jnp.int64 if jax.config.jax_enable_x64 else jnp.int32).astype(jnp.int32)
    item = jax.random.randint(k2, (BATCH,), 0, ITEM_NUM, dtype=jnp.int32)
    embed_user = jax.random.normal(k3, (USER_NUM, FACTOR_NUM), dtype=jnp.float32) * 0.01
    embed_item = jax.random.normal(k4, (ITEM_NUM, FACTOR_NUM), dtype=jnp.float32) * 0.01
    return {"user": user, "item": item, "embed_user": embed_user, "embed_item": embed_item}

def reference(user, item, embed_user, embed_item):
    eu = jnp.take(embed_user, user, axis=0)
    ei = jnp.take(embed_item, item, axis=0)
    pred = (eu * ei).sum(axis=-1)
    return pred

if __name__ == "__main__":
    import jax
    _d = setup_inputs()
    print(jax.jit(kernel)(*tuple(_d.values())))

</pallas_src>

<mosaic_0001>
#map = affine_map<(d0, d1) -> (0)>
#map1 = affine_map<(d0, d1) -> (0, 0, 0)>
#map2 = affine_map<(d0, d1) -> (0, 0)>
module attributes {stable_mosaic.version = 14 : i64} {
  func.func @_p1_body(%arg0: i32, %arg1: i32, %arg2: memref<32768xi32, #tpu.memory_space<hbm>>, %arg3: memref<32768xi32, #tpu.memory_space<hbm>>, %arg4: memref<8x8x1000000xf32, #tpu.memory_space<hbm>>, %arg5: memref<8x8x1000000xf32, #tpu.memory_space<hbm>>, %arg6: memref<32768x128xf32, #tpu.memory_space<hbm>>, %arg7: memref<1024xi32, #tpu.memory_space<vmem>>, %arg8: memref<1024xi32, #tpu.memory_space<vmem>>, %arg9: memref<64x16xi32, #tpu.memory_space<vmem>>, %arg10: memref<64x16xi32, #tpu.memory_space<vmem>>, %arg11: memref<1024xi32, #tpu.memory_space<vmem>>, %arg12: memref<8x8x8x128xf32, #tpu.memory_space<vmem>>, %arg13: memref<32x128xf32, #tpu.memory_space<vmem>>, %arg14: memref<!tpu.dma_semaphore, #tpu.memory_space<semaphore_mem>>, %arg15: memref<!tpu.dma_semaphore, #tpu.memory_space<semaphore_mem>>) attributes {dimension_semantics = [#tpu.dimension_semantics<core_parallel>, #tpu.dimension_semantics<subcore_parallel>], iteration_bounds = array<i64: 2, 16>, scalar_prefetch = 0 : i64, scratch_operands = 9 : i64, tpu.core_type = #tpu.core_type<sc_vector_subcore>, window_params = [{transform_indices = #map}, {transform_indices = #map}, {transform_indices = #map1}, {transform_indices = #map1}, {transform_indices = #map2}]} {
    %mul3A = arith.constant 2 : i32
    %mul3A_0 = arith.muli %arg1, %mul3A : i32
    %add3A = arith.addi %mul3A_0, %arg0 : i32
    %mul3A_1 = arith.constant 1024 : i32
    %mul3A_2 = arith.muli %add3A, %mul3A_1 : i32
    "tpu.region"() ({
      %run_scoped3A = tpu.sem_alloc : memref<!tpu.dma_semaphore, #tpu.memory_space<semaphore_mem>>
      %dma_start3A = tpu.memref_slice %arg2[%mul3A_2] : memref<32768xi32, #tpu.memory_space<hbm>> -> memref<1024xi32, #tpu.memory_space<hbm>>
      %dma_start3A_2850 = tpu.memref_slice %arg2[%mul3A_2] : memref<32768xi32, #tpu.memory_space<hbm>> -> memref<1024xi32, #tpu.memory_space<hbm>>
      tpu.enqueue_dma source(%dma_start3A_2850 : memref<1024xi32, #tpu.memory_space<hbm>>) target(%arg7 : memref<1024xi32, #tpu.memory_space<vmem>>) target_semaphore(%run_scoped3A : memref<!tpu.dma_semaphore, #tpu.memory_space<semaphore_mem>>)
      %dma_wait3A_2851 = tpu.memref_slice %arg2[%mul3A_2] : memref<32768xi32, #tpu.memory_space<hbm>> -> memref<1024xi32, #tpu.memory_space<hbm>>
      %dma_wait3A_2852 = tpu.memref_slice %arg2[%mul3A_2] : memref<32768xi32, #tpu.memory_space<hbm>> -> memref<1024xi32, #tpu.memory_space<hbm>>
      tpu.wait_dma2 semaphore(%run_scoped3A : memref<!tpu.dma_semaphore, #tpu.memory_space<semaphore_mem>>) src(%dma_wait3A_2852 : memref<1024xi32, #tpu.memory_space<hbm>>) dst(%arg7 : memref<1024xi32, #tpu.memory_space<vmem>>)
      tpu.yield
    }) : () -> ()
    "tpu.region"() ({
      %run_scoped3A = tpu.sem_alloc : memref<!tpu.dma_semaphore, #tpu.memory_space<semaphore_mem>>
      %dma_start3A = tpu.memref_slice %arg3[%mul3A_2] : memref<32768xi32, #tpu.memory_space<hbm>> -> memref<1024xi32, #tpu.memory_space<hbm>>
      %dma_start3A_2850 = tpu.memref_slice %arg3[%mul3A_2] : memref<32768xi32, #tpu.memory_space<hbm>> -> memref<1024xi32, #tpu.memory_space<hbm>>
      tpu.enqueue_dma source(%dma_start3A_2850 : memref<1024xi32, #tpu.memory_space<hbm>>) target(%arg8 : memref<1024xi32, #tpu.memory_space<vmem>>) target_semaphore(%run_scoped3A : memref<!tpu.dma_semaphore, #tpu.memory_space<semaphore_mem>>)
      %dma_wait3A_2851 = tpu.memref_slice %arg3[%mul3A_2] : memref<32768xi32, #tpu.memory_space<hbm>> -> memref<1024xi32, #tpu.memory_space<hbm>>
      %dma_wait3A_2852 = tpu.memref_slice %arg3[%mul3A_2] : memref<32768xi32, #tpu.memory_space<hbm>> -> memref<1024xi32, #tpu.memory_space<hbm>>
      tpu.wait_dma2 semaphore(%run_scoped3A : memref<!tpu.dma_semaphore, #tpu.memory_space<semaphore_mem>>) src(%dma_wait3A_2852 : memref<1024xi32, #tpu.memory_space<hbm>>) dst(%arg8 : memref<1024xi32, #tpu.memory_space<vmem>>)
      tpu.yield
    }) : () -> ()
    %iota3A = tpu.iota {dimensions = array<i32: 0>} : vector<16xi32>
    %add3A_3 = arith.constant 15 : i32
    %add3A_4 = vector.broadcast %add3A_3 : i32 to vector<16xi32>
    %add3A_5 = arith.addi %iota3A, %add3A_4 : vector<16xi32>
    %and3A = arith.constant 15 : i32
    %and3A_6 = vector.broadcast %and3A : i32 to vector<16xi32>
    %and3A_7 = arith.andi %add3A_5, %and3A_6 : vector<16xi32>
    %get3A = arith.constant 0 : index
    %get3A_8 = tpu.vector_load %arg7[%get3A] {strides = array<i32>} : memref<1024xi32, #tpu.memory_space<vmem>>, vector<16xi32>,
    %lt3A = arith.constant 0 : i32
    %lt3A_9 = vector.broadcast %lt3A : i32 to vector<16xi32>
    %lt3A_10 = arith.cmpi slt, %and3A_7, %lt3A_9 : vector<16xi32>
    %add3A_11 = arith.constant 16 : i32
    %add3A_12 = vector.broadcast %add3A_11 : i32 to vector<16xi32>
    %add3A_13 = arith.addi %and3A_7, %add3A_12 : vector<16xi32>
    %select_n3A = arith.select %lt3A_10, %add3A_13, %and3A_7 : vector<16xi1>, vector<16xi32>
    %broadcast_in_dim3A = vector.shape_cast %select_n3A : vector<16xi32> to vector<16x1xi32>
    %gather3A = vector.shape_cast %broadcast_in_dim3A : vector<16x1xi32> to vector<16xi32>
    %gather3A_14 = tpu.dynamic_gather %get3A_8[%gather3A] in [0] : vector<16xi32>, vector<16xi32> -> vector<16xi32>
    %eq3A = arith.constant 0 : i32
    %eq3A_15 = vector.broadcast %eq3A : i32 to vector<16xi32>
    %eq3A_16 = arith.cmpi eq, %iota3A, %eq3A_15 : vector<16xi32>
    %jit3A = arith.constant -1 : i32
    %broadcast_in_dim3A_17 = vector.broadcast %jit3A : i32 to vector<16xi32>
    %select_n3A_18 = arith.select %eq3A_16, %broadcast_in_dim3A_17, %gather3A_14 : vector<16xi1>, vector<16xi32>
    %ne3A = arith.cmpi ne, %get3A_8, %select_n3A_18 : vector<16xi32>
    %convert_element_type3A = arith.extui %ne3A : vector<16xi1> to vector<16xi32>
    %broadcast_in_dim3A_19 = arith.constant true
    %broadcast_in_dim3A_20 = vector.broadcast %broadcast_in_dim3A_19 : i1 to vector<16xi1>
    %masked_cumsum3A = tpu.scan <sum>, %convert_element_type3A masked %broadcast_in_dim3A_20 : vector<16xi32>, vector<16xi1> -> vector<16xi32>
    %add3A_21 = arith.constant -1 : i32
    %add3A_22 = vector.broadcast %add3A_21 : i32 to vector<16xi32>
    %add3A_23 = arith.addi %add3A_22, %masked_cumsum3A : vector<16xi32>
    %shift_right_logical3A = arith.constant 7 : i32
    %shift_right_logical3A_24 = vector.broadcast %shift_right_logical3A : i32 to vector<16xi32>
    %shift_right_logical3A_25 = arith.shrui %get3A_8, %shift_right_logical3A_24 : vector<16xi32>
    %eq3A_26 = arith.constant 1 : i32
    %eq3A_27 = vector.broadcast %eq3A_26 : i32 to vector<16xi32>
    %eq3A_28 = arith.cmpi eq, %convert_element_type3A, %eq3A_27 : vector<16xi32>
    tpu.vector_store_idx %arg11[%add3A_23], %shift_right_logical3A_25 masked %eq3A_28 : memref<1024xi32, #tpu.memory_space<vmem>>[vector<16xi32>], vector<16xi32>, vector<16xi1>
    %swap3A = arith.constant 0 : i32
    %swap3A_29 = arith.index_cast %swap3A : i32 to index
    %swap3A_30 = arith.constant 0 : index
    %swap3A_31 = tpu.vector_load %arg10[%swap3A_29, %swap3A_30] {strides = array<i32>} : memref<64x16xi32, #tpu.memory_space<vmem>>, vector<16xi32>,
    tpu.vector_store %arg10[%swap3A_29, %swap3A_30], %add3A_23 {strides = array<i32>} : memref<64x16xi32, #tpu.memory_space<vmem>>, vector<16xi32>,
    %get3A_32 = arith.constant 0 : index
    %get3A_33 = tpu.vector_load %arg8[%get3A_32] {strides = array<i32>} : memref<1024xi32, #tpu.memory_space<vmem>>, vector<16xi32>,
    %swap3A_34 = arith.constant 0 : i32
    %swap3A_35 = arith.index_cast %swap3A_34 : i32 to index
    %swap3A_36 = arith.constant 0 : index
    %swap3A_37 = tpu.vector_load %arg9[%swap3A_35, %swap3A_36] {strides = array<i32>} : memref<64x16xi32, #tpu.memory_space<vmem>>, vector<16xi32>,
    tpu.vector_store %arg9[%swap3A_35, %swap3A_36], %get3A_33 {strides = array<i32>} : memref<64x16xi32, #tpu.memory_space<vmem>>, vector<16xi32>,
    %slice3A = vector.extract_strided_slice %get3A_8 {offsets = [15], sizes = [1], strides = [1]} : vector<16xi32> to vector<1xi32>
    %squeeze3A = vector.extract %slice3A[0] : i32 from vector<1xi32>
    %slice3A_38 = vector.extract_strided_slice %add3A_23 {offsets = [15], sizes = [1], strides = [1]} : vector<16xi32> to vector<1xi32>
    %squeeze3A_39 = vector.extract %slice3A_38[0] : i32 from vector<1xi32>
    %get3A_40 = arith.constant 16 : index
    %get3A_41 = tpu.vector_load %arg7[%get3A_40] {strides = array<i32>} : memref<1024xi32, #tpu.memory_space<vmem>>, vector<16xi32>,
    %lt3A_42 = arith.constant 0 : i32
    %lt3A_43 = vector.broadcast %lt3A_42 : i32 to vector<16xi32>
    %lt3A_44 = arith.cmpi slt, %and3A_7, %lt3A_43 : vector<16xi32>
    %add3A_45 = arith.constant 16 : i32
    %add3A_46 = vector.broadcast %add3A_45 : i32 to vector<16xi32>
    %add3A_47 = arith.addi %and3A_7, %add3A_46 : vector<16xi32>
    %select_n3A_48 = arith.select %lt3A_44, %add3A_47, %and3A_7 : vector<16xi1>, vector<16xi32>
    %broadcast_in_dim3A_49 = vector.shape_cast %select_n3A_48 : vector<16xi32> to vector<16x1xi32>
    %gather3A_50 = vector.shape_cast %broadcast_in_dim3A_49 : vector<16x1xi32> to vector<16xi32>
    %gather3A_51 = tpu.dynamic_gather %get3A_41[%gather3A_50] in [0] : vector<16xi32>, vector<16xi32> -> vector<16xi32>
    %eq3A_52 = arith.constant 0 : i32
    %eq3A_53 = vector.broadcast %eq3A_52 : i32 to vector<16xi32>
    %eq3A_54 = arith.cmpi eq, %iota3A, %eq3A_53 : vector<16xi32>
    %broadcast_in_dim3A_55 = vector.broadcast %squeeze3A : i32 to vector<16xi32>
    %select_n3A_56 = arith.select %eq3A_54, %broadcast_in_dim3A_55, %gather3A_51 : vector<16xi1>, vector<16xi32>
    %ne3A_57 = arith.cmpi ne, %get3A_41, %select_n3A_56 : vector<16xi32>
    %convert_element_type3A_58 = arith.extui %ne3A_57 : vector<16xi1> to vector<16xi32>
    %broadcast_in_dim3A_59 = arith.constant true
    %broadcast_in_dim3A_60 = vector.broadcast %broadcast_in_dim3A_59 : i1 to vector<16xi1>
    %masked_cumsum3A_61 = tpu.scan <sum>, %convert_element_type3A_58 masked %broadcast_in_dim3A_60 : vector<16xi32>, vector<16xi1> -> vector<16xi32>
    %add3A_62 = vector.broadcast %squeeze3A_39 : i32 to vector<16xi32>
    %add3A_63 = arith.addi %add3A_62, %masked_cumsum3A_61 : vector<16xi32>
    %shift_right_logical3A_64 = arith.constant 7 : i32
    %shift_right_logical3A_65 = vector.broadcast %shift_right_logical3A_64 : i32 to vector<16xi32>
    %shift_right_logical3A_66 = arith.shrui %get3A_41, %shift_right_logical3A_65 : vector<16xi32>
    %eq3A_67 = arith.constant 1 : i32
    %eq3A_68 = vector.broadcast %eq3A_67 : i32 to vector<16xi32>
    %eq3A_69 = arith.cmpi eq, %convert_element_type3A_58, %eq3A_68 : vector<16xi32>
    tpu.vector_store_idx %arg11[%add3A_63], %shift_right_logical3A_66 masked %eq3A_69 : memref<1024xi32, #tpu.memory_space<vmem>>[vector<16xi32>], vector<16xi32>, vector<16xi1>
    %swap3A_70 = arith.constant 1 : i32
    %swap3A_71 = arith.index_cast %swap3A_70 : i32 to index
    %swap3A_72 = arith.constant 0 : index
    %swap3A_73 = tpu.vector_load %arg10[%swap3A_71, %swap3A_72] {strides = array<i32>} : memref<64x16xi32, #tpu.memory_space<vmem>>, vector<16xi32>,
    tpu.vector_store %arg10[%swap3A_71, %swap3A_72], %add3A_63 {strides = array<i32>} : memref<64x16xi32, #tpu.memory_space<vmem>>, vector<16xi32>,
    %get3A_74 = arith.constant 16 : index
    %get3A_75 = tpu.vector_load %arg8[%get3A_74] {strides = array<i32>} : memref<1024xi32, #tpu.memory_space<vmem>>, vector<16xi32>,
    %swap3A_76 = arith.constant 1 : i32
    %swap3A_77 = arith.index_cast %swap3A_76 : i32 to index
    %swap3A_78 = arith.constant 0 : index
    %swap3A_79 = tpu.vector_load %arg9[%swap3A_77, %swap3A_78] {strides = array<i32>} : memref<64x16xi32, #tpu.memory_space<vmem>>, vector<16xi32>,
    tpu.vector_store %arg9[%swap3A_77, %swap3A_78], %get3A_75 {strides = array<i32>} : memref<64x16xi32, #tpu.memory_space<vmem>>, vector<16xi32>,
    %slice3A_80 = vector.extract_strided_slice %get3A_41 {offsets = [15], sizes = [1], strides = [1]} : vector<16xi32> to vector<1xi32>
    %squeeze3A_81 = vector.extract %slice3A_80[0] : i32 from vector<1xi32>
    %slice3A_82 = vector.extract_strided_slice %add3A_63 {offsets = [15], sizes = [1], strides = [1]} : vector<16xi32> to vector<1xi32>
    %squeeze3A_83 = vector.extract %slice3A_82[0] : i32 from vector<1xi32>
    %get3A_84 = arith.constant 32 : index
    %get3A_85 = tpu.vector_load %arg7[%get3A_84] {strides = array<i32>} : memref<1024xi32, #tpu.memory_space<vmem>>, vector<16xi32>,
    %lt3A_86 = arith.constant 0 : i32
    %lt3A_87 = vector.broadcast %lt3A_86 : i32 to vector<16xi32>
    %lt3A_88 = arith.cmpi slt, %and3A_7, %lt3A_87 : vector<16xi32>
    %add3A_89 = arith.constant 16 : i32
    %add3A_90 = vector.broadcast %add3A_89 : i32 to vector<16xi32>
    %add3A_91 = arith.addi %and3A_7, %add3A_90 : vector<16xi32>
    %select_n3A_92 = arith.select %lt3A_88, %add3A_91, %and3A_7 : vector<16xi1>, vector<16xi32>
    %broadcast_in_dim3A_93 = vector.shape_cast %select_n3A_92 : vector<16xi32> to vector<16x1xi32>
    %gather3A_94 = vector.shape_cast %broadcast_in_dim3A_93 : vector<16x1xi32> to vector<16xi32>
    %gather3A_95 = tpu.dynamic_gather %get3A_85[%gather3A_94] in [0] : vector<16xi32>, vector<16xi32> -> vector<16xi32>
    %eq3A_96 = arith.constant 0 : i32
    %eq3A_97 = vector.broadcast %eq3A_96 : i32 to vector<16xi32>
    %eq3A_98 = arith.cmpi eq, %iota3A, %eq3A_97 : vector<16xi32>
    %broadcast_in_dim3A_99 = vector.broadcast %squeeze3A_81 : i32 to vector<16xi32>
    %select_n3A_100 = arith.select %eq3A_98, %broadcast_in_dim3A_99, %gather3A_95 : vector<16xi1>, vector<16xi32>
    %ne3A_101 = arith.cmpi ne, %get3A_85, %select_n3A_100 : vector<16xi32>
    %convert_element_type3A_102 = arith.extui %ne3A_101 : vector<16xi1> to vector<16xi32>
    %broadcast_in_dim3A_103 = arith.constant true
    %broadcast_in_dim3A_104 = vector.broadcast %broadcast_in_dim3A_103 : i1 to vector<16xi1>
    %masked_cumsum3A_105 = tpu.scan <sum>, %convert_element_type3A_102 masked %broadcast_in_dim3A_104 : vector<16xi32>, vector<16xi1> -> vector<16xi32>
    %add3A_106 = vector.broadcast %squeeze3A_83 : i32 to vector<16xi32>
    %add3A_107 = arith.addi %add3A_106, %masked_cumsum3A_105 : vector<16xi32>
    %shift_right_logical3A_108 = arith.constant 7 : i32
    %shift_right_logical3A_109 = vector.broadcast %shift_right_logical3A_108 : i32 to vector<16xi32>
    %shift_right_logical3A_110 = arith.shrui %get3A_85, %shift_right_logical3A_109 : vector<16xi32>
    %eq3A_111 = arith.constant 1 : i32
    %eq3A_112 = vector.broadcast %eq3A_111 : i32 to vector<16xi32>
    %eq3A_113 = arith.cmpi eq, %convert_element_type3A_102, %eq3A_112 : vector<16xi32>
    tpu.vector_store_idx %arg11[%add3A_107], %shift_right_logical3A_110 masked %eq3A_113 : memref<1024xi32, #tpu.memory_space<vmem>>[vector<16xi32>], vector<16xi32>, vector<16xi1>
    %swap3A_114 = arith.constant 2 : i32
    %swap3A_115 = arith.index_cast %swap3A_114 : i32 to index
    %swap3A_116 = arith.constant 0 : index
    %swap3A_117 = tpu.vector_load %arg10[%swap3A_115, %swap3A_116] {strides = array<i32>} : memref<64x16xi32, #tpu.memory_space<vmem>>, vector<16xi32>,
    tpu.vector_store %arg10[%swap3A_115, %swap3A_116], %add3A_107 {strides = array<i32>} : memref<64x16xi32, #tpu.memory_space<vmem>>, vector<16xi32>,
    %get3A_118 = arith.constant 32 : index
    %get3A_119 = tpu.vector_load %arg8[%get3A_118] {strides = array<i32>} : memref<1024xi32, #tpu.memory_space<vmem>>, vector<16xi32>,
    %swap3A_120 = arith.constant 2 : i32
    %swap3A_121 = arith.index_cast %swap3A_120 : i32 to index
    %swap3A_122 = arith.constant 0 : index
    %swap3A_123 = tpu.vector_load %arg9[%swap3A_121, %swap3A_122] {strides = array<i32>} : memref<64x16xi32, #tpu.memory_space<vmem>>, vector<16xi32>,
    tpu.vector_store %arg9[%swap3A_121, %swap3A_122], %get3A_119 {strides = array<i32>} : memref<64x16xi32, #tpu.memory_space<vmem>>, vector<16xi32>,
    %slice3A_124 = vector.extract_strided_slice %get3A_85 {offsets = [15], sizes = [1], strides = [1]} : vector<16xi32> to vector<1xi32>
    %squeeze3A_125 = vector.extract %slice3A_124[0] : i32 from vector<1xi32>
    %slice3A_126 = vector.extract_strided_slice %add3A_107 {offsets = [15], sizes = [1], strides = [1]} : vector<16xi32> to vector<1xi32>
    %squeeze3A_127 = vector.extract %slice3A_126[0] : i32 from vector<1xi32>
    %get3A_128 = arith.constant 48 : index
    %get3A_129 = tpu.vector_load %arg7[%get3A_128] {strides = array<i32>} : memref<1024xi32, #tpu.memory_space<vmem>>, vector<16xi32>,
    %lt3A_130 = arith.constant 0 : i32
    %lt3A_131 = vector.broadcast %lt3A_130 : i32 to vector<16xi32>
    %lt3A_132 = arith.cmpi slt, %and3A_7, %lt3A_131 : vector<16xi32>
    %add3A_133 = arith.constant 16 : i32
    %add3A_134 = vector.broadcast %add3A_133 : i32 to vector<16xi32>
    %add3A_135 = arith.addi %and3A_7, %add3A_134 : vector<16xi32>
    %select_n3A_136 = arith.select %lt3A_132, %add3A_135, %and3A_7 : vector<16xi1>, vector<16xi32>
    %broadcast_in_dim3A_137 = vector.shape_cast %select_n3A_136 : vector<16xi32> to vector<16x1xi32>
    %gather3A_138 = vector.shape_cast %broadcast_in_dim3A_137 : vector<16x1xi32> to vector<16xi32>
    %gather3A_139 = tpu.dynamic_gather %get3A_129[%gather3A_138] in [0] : vector<16xi32>, vector<16xi32> -> vector<16xi32>
    %eq3A_140 = arith.constant 0 : i32
    %eq3A_141 = vector.broadcast %eq3A_140 : i32 to vector<16xi32>
    %eq3A_142 = arith.cmpi eq, %iota3A, %eq3A_141 : vector<16xi32>
    %broadcast_in_dim3A_143 = vector.broadcast %squeeze3A_125 : i32 to vector<16xi32>
    %select_n3A_144 = arith.select %eq3A_142, %broadcast_in_dim3A_143, %gather3A_139 : vector<16xi1>, vector<16xi32>
    %ne3A_145 = arith.cmpi ne, %get3A_129, %select_n3A_144 : vector<16xi32>
    %convert_element_type3A_146 = arith.extui %ne3A_145 : vector<16xi1> to vector<16xi32>
    %broadcast_in_dim3A_147 = arith.constant true
    %broadcast_in_dim3A_148 = vector.broadcast %broadcast_in_dim3A_147 : i1 to vector<16xi1>
    %masked_cumsum3A_149 = tpu.scan <sum>, %convert_element_type3A_146 masked %broadcast_in_dim3A_148 : vector<16xi32>, vector<16xi1> -> vector<16xi32>
    %add3A_150 = vector.broadcast %squeeze3A_127 : i32 to vector<16xi32>
    %add3A_151 = arith.addi %add3A_150, %masked_cumsum3A_149 : vector<16xi32>
    %shift_right_logical3A_152 = arith.constant 7 : i32
    %shift_right_logical3A_153 = vector.broadcast %shift_right_logical3A_152 : i32 to vector<16xi32>
    %shift_right_logical3A_154 = arith.shrui %get3A_129, %shift_right_logical3A_153 : vector<16xi32>
    %eq3A_155 = arith.constant 1 : i32
    %eq3A_156 = vector.broadcast %eq3A_155 : i32 to vector<16xi32>
    %eq3A_157 = arith.cmpi eq, %convert_element_type3A_146, %eq3A_156 : vector<16xi32>
    tpu.vector_store_idx %arg11[%add3A_151], %shift_right_logical3A_154 masked %eq3A_157 : memref<1024xi32, #tpu.memory_space<vmem>>[vector<16xi32>], vector<16xi32>, vector<16xi1>
    %swap3A_158 = arith.constant 3 : i32
    %swap3A_159 = arith.index_cast %swap3A_158 : i32 to index
    %swap3A_160 = arith.constant 0 : index
    %swap3A_161 = tpu.vector_load %arg10[%swap3A_159, %swap3A_160] {strides = array<i32>} : memref<64x16xi32, #tpu.memory_space<vmem>>, vector<16xi32>,
    tpu.vector_store %arg10[%swap3A_159, %swap3A_160], %add3A_151 {strides = array<i32>} : memref<64x16xi32, #tpu.memory_space<vmem>>, vector<16xi32>,
    %get3A_162 = arith.constant 48 : index
    %get3A_163 = tpu.vector_load %arg8[%get3A_162] {strides = array<i32>} : memref<1024xi32, #tpu.memory_space<vmem>>, vector<16xi32>,
    %swap3A_164 = arith.constant 3 : i32
    %swap3A_165 = arith.index_cast %swap3A_164 : i32 to index
    %swap3A_166 = arith.constant 0 : index
    %swap3A_167 = tpu.vector_load %arg9[%swap3A_165, %swap3A_166] {strides = array<i32>} : memref<64x16xi32, #tpu.memory_space<vmem>>, vector<16xi32>,
    tpu.vector_store %arg9[%swap3A_165, %swap3A_166], %get3A_163 {strides = array<i32>} : memref<64x16xi32, #tpu.memory_space<vmem>>, vector<16xi32>,
    %slice3A_168 = vector.extract_strided_slice %get3A_129 {offsets = [15], sizes = [1], strides = [1]} : vector<16xi32> to vector<1xi32>
    %squeeze3A_169 = vector.extract %slice3A_168[0] : i32 from vector<1xi32>
    %slice3A_170 = vector.extract_strided_slice %add3A_151 {offsets = [15], sizes = [1], strides = [1]} : vector<16xi32> to vector<1xi32>
    %squeeze3A_171 = vector.extract %slice3A_170[0] : i32 from vector<1xi32>
    %get3A_172 = arith.constant 64 : index
    %get3A_173 = tpu.vector_load %arg7[%get3A_172] {strides = array<i32>} : memref<1024xi32, #tpu.memory_space<vmem>>, vector<16xi32>,
    %lt3A_174 = arith.constant 0 : i32
    %lt3A_175 = vector.broadcast %lt3A_174 : i32 to vector<16xi32>
    %lt3A_176 = arith.cmpi slt, %and3A_7, %lt3A_175 : vector<16xi32>
    %add3A_177 = arith.constant 16 : i32
    %add3A_178 = vector.broadcast %add3A_177 : i32 to vector<16xi32>
    %add3A_179 = arith.addi %and3A_7, %add3A_178 : vector<16xi32>
    %select_n3A_180 = arith.select %lt3A_176, %add3A_179, %and3A_7 : vector<16xi1>, vector<16xi32>
    %broadcast_in_dim3A_181 = vector.shape_cast %select_n3A_180 : vector<16xi32> to vector<16x1xi32>
    %gather3A_182 = vector.shape_cast %broadcast_in_dim3A_181 : vector<16x1xi32> to vector<16xi32>
    %gather3A_183 = tpu.dynamic_gather %get3A_173[%gather3A_182] in [0] : vector<16xi32>, vector<16xi32> -> vector<16xi32>
    %eq3A_184 = arith.constant 0 : i32
    %eq3A_185 = vector.broadcast %eq3A_184 : i32 to vector<16xi32>
    %eq3A_186 = arith.cmpi eq, %iota3A, %eq3A_185 : vector<16xi32>
    %broadcast_in_dim3A_187 = vector.broadcast %squeeze3A_169 : i32 to vector<16xi32>
    %select_n3A_188 = arith.select %eq3A_186, %broadcast_in_dim3A_187, %gather3A_183 : vector<16xi1>, vector<16xi32>
    %ne3A_189 = arith.cmpi ne, %get3A_173, %select_n3A_188 : vector<16xi32>
    %convert_element_type3A_190 = arith.extui %ne3A_189 : vector<16xi1> to vector<16xi32>
    %broadcast_in_dim3A_191 = arith.constant true
    %broadcast_in_dim3A_192 = vector.broadcast %broadcast_in_dim3A_191 : i1 to vector<16xi1>
    %masked_cumsum3A_193 = tpu.scan <sum>, %convert_element_type3A_190 masked %broadcast_in_dim3A_192 : vector<16xi32>, vector<16xi1> -> vector<16xi32>
    %add3A_194 = vector.broadcast %squeeze3A_171 : i32 to vector<16xi32>
    %add3A_195 = arith.addi %add3A_194, %masked_cumsum3A_193 : vector<16xi32>
    %shift_right_logical3A_196 = arith.constant 7 : i32
    %shift_right_logical3A_197 = vector.broadcast %shift_right_logical3A_196 : i32 to vector<16xi32>
    %shift_right_logical3A_198 = arith.shrui %get3A_173, %shift_right_logical3A_197 : vector<16xi32>
    %eq3A_199 = arith.constant 1 : i32
    %eq3A_200 = vector.broadcast %eq3A_199 : i32 to vector<16xi32>
    %eq3A_201 = arith.cmpi eq, %convert_element_type3A_190, %eq3A_200 : vector<16xi32>
    tpu.vector_store_idx %arg11[%add3A_195], %shift_right_logical3A_198 masked %eq3A_201 : memref<1024xi32, #tpu.memory_space<vmem>>[vector<16xi32>], vector<16xi32>, vector<16xi1>
    %swap3A_202 = arith.constant 4 : i32
    %swap3A_203 = arith.index_cast %swap3A_202 : i32 to index
    %swap3A_204 = arith.constant 0 : index
    %swap3A_205 = tpu.vector_load %arg10[%swap3A_203, %swap3A_204] {strides = array<i32>} : memref<64x16xi32, #tpu.memory_space<vmem>>, vector<16xi32>,
    tpu.vector_store %arg10[%swap3A_203, %swap3A_204], %add3A_195 {strides = array<i32>} : memref<64x16xi32, #tpu.memory_space<vmem>>, vector<16xi32>,
    %get3A_206 = arith.constant 64 : index
    %get3A_207 = tpu.vector_load %arg8[%get3A_206] {strides = array<i32>} : memref<1024xi32, #tpu.memory_space<vmem>>, vector<16xi32>,
    %swap3A_208 = arith.constant 4 : i32
    %swap3A_209 = arith.index_cast %swap3A_208 : i32 to index
    %swap3A_210 = arith.constant 0 : index
    %swap3A_211 = tpu.vector_load %arg9[%swap3A_209, %swap3A_210] {strides = array<i32>} : memref<64x16xi32, #tpu.memory_space<vmem>>, vector<16xi32>,
    tpu.vector_store %arg9[%swap3A_209, %swap3A_210], %get3A_207 {strides = array<i32>} : memref<64x16xi32, #tpu.memory_space<vmem>>, vector<16xi32>,
    %slice3A_212 = vector.extract_strided_slice %get3A_173 {offsets = [15], sizes = [1], strides = [1]} : vector<16xi32> to vector<1xi32>
    %squeeze3A_213 = vector.extract %slice3A_212[0] : i32 from vector<1xi32>
    %slice3A_214 = vector.extract_strided_slice %add3A_195 {offsets = [15], sizes = [1], strides = [1]} : vector<16xi32> to vector<1xi32>
    %squeeze3A_215 = vector.extract %slice3A_214[0] : i32 from vector<1xi32>
    %get3A_216 = arith.constant 80 : index
    %get3A_217 = tpu.vector_load %arg7[%get3A_216] {strides = array<i32>} : memref<1024xi32, #tpu.memory_space<vmem>>, vector<16xi32>,
    %lt3A_218 = arith.constant 0 : i32
    %lt3A_219 = vector.broadcast %lt3A_218 : i32 to vector<16xi32>
    %lt3A_220 = arith.cmpi slt, %and3A_7, %lt3A_219 : vector<16xi32>
    %add3A_221 = arith.constant 16 : i32
    %add3A_222 = vector.broadcast %add3A_221 : i32 to vector<16xi32>
    %add3A_223 = arith.addi %and3A_7, %add3A_222 : vector<16xi32>
    %select_n3A_224 = arith.select %lt3A_220, %add3A_223, %and3A_7 : vector<16xi1>, vector<16xi32>
    %broadcast_in_dim3A_225 = vector.shape_cast %select_n3A_224 : vector<16xi32> to vector<16x1xi32>
    %gather3A_226 = vector.shape_cast %broadcast_in_dim3A_225 : vector<16x1xi32> to vector<16xi32>
    %gather3A_227 = tpu.dynamic_gather %get3A_217[%gather3A_226] in [0] : vector<16xi32>, vector<16xi32> -> vector<16xi32>
    %eq3A_228 = arith.constant 0 : i32
    %eq3A_229 = vector.broadcast %eq3A_228 : i32 to vector<16xi32>
    %eq3A_230 = arith.cmpi eq, %iota3A, %eq3A_229 : vector<16xi32>
    %broadcast_in_dim3A_231 = vector.broadcast %squeeze3A_213 : i32 to vector<16xi32>
    %select_n3A_232 = arith.select %eq3A_230, %broadcast_in_dim3A_231, %gather3A_227 : vector<16xi1>, vector<16xi32>
    %ne3A_233 = arith.cmpi ne, %get3A_217, %select_n3A_232 : vector<16xi32>
    %convert_element_type3A_234 = arith.extui %ne3A_233 : vector<16xi1> to vector<16xi32>
    %broadcast_in_dim3A_235 = arith.constant true
    %broadcast_in_dim3A_236 = vector.broadcast %broadcast_in_dim3A_235 : i1 to vector<16xi1>
    %masked_cumsum3A_237 = tpu.scan <sum>, %convert_element_type3A_234 masked %broadcast_in_dim3A_236 : vector<16xi32>, vector<16xi1> -> vector<16xi32>
    %add3A_238 = vector.broadcast %squeeze3A_215 : i32 to vector<16xi32>
    %add3A_239 = arith.addi %add3A_238, %masked_cumsum3A_237 : vector<16xi32>
    %shift_right_logical3A_240 = arith.constant 7 : i32
    %shift_right_logical3A_241 = vector.broadcast %shift_right_logical3A_240 : i32 to vector<16xi32>
    %shift_right_logical3A_242 = arith.shrui %get3A_217, %shift_right_logical3A_241 : vector<16xi32>
    %eq3A_243 = arith.constant 1 : i32
    %eq3A_244 = vector.broadcast %eq3A_243 : i32 to vector<16xi32>
    %eq3A_245 = arith.cmpi eq, %convert_element_type3A_234, %eq3A_244 : vector<16xi32>
    tpu.vector_store_idx %arg11[%add3A_239], %shift_right_logical3A_242 masked %eq3A_245 : memref<1024xi32, #tpu.memory_space<vmem>>[vector<16xi32>], vector<16xi32>, vector<16xi1>
    %swap3A_246 = arith.constant 5 : i32
    %swap3A_247 = arith.index_cast %swap3A_246 : i32 to index
    %swap3A_248 = arith.constant 0 : index
    %swap3A_249 = tpu.vector_load %arg10[%swap3A_247, %swap3A_248] {strides = array<i32>} : memref<64x16xi32, #tpu.memory_space<vmem>>, vector<16xi32>,
    tpu.vector_store %arg10[%swap3A_247, %swap3A_248], %add3A_239 {strides = array<i32>} : memref<64x16xi32, #tpu.memory_space<vmem>>, vector<16xi32>,
    %get3A_250 = arith.constant 80 : index
    %get3A_251 = tpu.vector_load %arg8[%get3A_250] {strides = array<i32>} : memref<1024xi32, #tpu.memory_space<vmem>>, vector<16xi32>,
    %swap3A_252 = arith.constant 5 : i32
    %swap3A_253 = arith.index_cast %swap3A_252 : i32 to index
    %swap3A_254 = arith.constant 0 : index
    %swap3A_255 = tpu.vector_load %arg9[%swap3A_253, %swap3A_254] {strides = array<i32>} : memref<64x16xi32, #tpu.memory_space<vmem>>, vector<16xi32>,
    tpu.vector_store %arg9[%swap3A_253, %swap3A_254], %get3A_251 {strides = array<i32>} : memref<64x16xi32, #tpu.memory_space<vmem>>, vector<16xi32>,
    %slice3A_256 = vector.extract_strided_slice %get3A_217 {offsets = [15], sizes = [1], strides = [1]} : vector<16xi32> to vector<1xi32>
    %squeeze3A_257 = vector.extract %slice3A_256[0] : i32 from vector<1xi32>
    %slice3A_258 = vector.extract_strided_slice %add3A_239 {offsets = [15], sizes = [1], strides = [1]} : vector<16xi32> to vector<1xi32>
    %squeeze3A_259 = vector.extract %slice3A_258[0] : i32 from vector<1xi32>
    %get3A_260 = arith.constant 96 : index
    %get3A_261 = tpu.vector_load %arg7[%get3A_260] {strides = array<i32>} : memref<1024xi32, #tpu.memory_space<vmem>>, vector<16xi32>,
    %lt3A_262 = arith.constant 0 : i32
    %lt3A_263 = vector.broadcast %lt3A_262 : i32 to vector<16xi32>
    %lt3A_264 = arith.cmpi slt, %and3A_7, %lt3A_263 : vector<16xi32>
    %add3A_265 = arith.constant 16 : i32
    %add3A_266 = vector.broadcast %add3A_265 : i32 to vector<16xi32>
    %add3A_267 = arith.addi %and3A_7, %add3A_266 : vector<16xi32>
    %select_n3A_268 = arith.select %lt3A_264, %add3A_267, %and3A_7 : vector<16xi1>, vector<16xi32>
    %broadcast_in_dim3A_269 = vector.shape_cast %select_n3A_268 : vector<16xi32> to vector<16x1xi32>
    %gather3A_270 = vector.shape_cast %broadcast_in_dim3A_269 : vector<16x1xi32> to vector<16xi32>
    %gather3A_271 = tpu.dynamic_gather %get3A_261[%gather3A_270] in [0] : vector<16xi32>, vector<16xi32> -> vector<16xi32>
    %eq3A_272 = arith.constant 0 : i32
    %eq3A_273 = vector.broadcast %eq3A_272 : i32 to vector<16xi32>
    %eq3A_274 = arith.cmpi eq, %iota3A, %eq3A_273 : vector<16xi32>
    %broadcast_in_dim3A_275 = vector.broadcast %squeeze3A_257 : i32 to vector<16xi32>
    %select_n3A_276 = arith.select %eq3A_274, %broadcast_in_dim3A_275, %gather3A_271 : vector<16xi1>, vector<16xi32>
    %ne3A_277 = arith.cmpi ne, %get3A_261, %select_n3A_276 : vector<16xi32>
    %convert_element_type3A_278 = arith.extui %ne3A_277 : vector<16xi1> to vector<16xi32>
    %broadcast_in_dim3A_279 = arith.constant true
    %broadcast_in_dim3A_280 = vector.broadcast %broadcast_in_dim3A_279 : i1 to vector<16xi1>
    %masked_cumsum3A_281 = tpu.scan <sum>, %convert_element_type3A_278 masked %broadcast_in_dim3A_280 : vector<16xi32>, vector<16xi1> -> vector<16xi32>
    %add3A_282 = vector.broadcast %squeeze3A_259 : i32 to vector<16xi32>
    %add3A_283 = arith.addi %add3A_282, %masked_cumsum3A_281 : vector<16xi32>
    %shift_right_logical3A_284 = arith.constant 7 : i32
    %shift_right_logical3A_285 = vector.broadcast %shift_right_logical3A_284 : i32 to vector<16xi32>
    %shift_right_logical3A_286 = arith.shrui %get3A_261, %shift_right_logical3A_285 : vector<16xi32>
    %eq3A_287 = arith.constant 1 : i32
    %eq3A_288 = vector.broadcast %eq3A_287 : i32 to vector<16xi32>
    %eq3A_289 = arith.cmpi eq, %convert_element_type3A_278, %eq3A_288 : vector<16xi32>
    tpu.vector_store_idx %arg11[%add3A_283], %shift_right_logical3A_286 masked %eq3A_289 : memref<1024xi32, #tpu.memory_space<vmem>>[vector<16xi32>], vector<16xi32>, vector<16xi1>
    %swap3A_290 = arith.constant 6 : i32
    %swap3A_291 = arith.index_cast %swap3A_290 : i32 to index
    %swap3A_292 = arith.constant 0 : index
    %swap3A_293 = tpu.vector_load %arg10[%swap3A_291, %swap3A_292] {strides = array<i32>} : memref<64x16xi32, #tpu.memory_space<vmem>>, vector<16xi32>,
    tpu.vector_store %arg10[%swap3A_291, %swap3A_292], %add3A_283 {strides = array<i32>} : memref<64x16xi32, #tpu.memory_space<vmem>>, vector<16xi32>,
    %get3A_294 = arith.constant 96 : index
    %get3A_295 = tpu.vector_load %arg8[%get3A_294] {strides = array<i32>} : memref<1024xi32, #tpu.memory_space<vmem>>, vector<16xi32>,
    %swap3A_296 = arith.constant 6 : i32
    %swap3A_297 = arith.index_cast %swap3A_296 : i32 to index
    %swap3A_298 = arith.constant 0 : index
    %swap3A_299 = tpu.vector_load %arg9[%swap3A_297, %swap3A_298] {strides = array<i32>} : memref<64x16xi32, #tpu.memory_space<vmem>>, vector<16xi32>,
    tpu.vector_store %arg9[%swap3A_297, %swap3A_298], %get3A_295 {strides = array<i32>} : memref<64x16xi32, #tpu.memory_space<vmem>>, vector<16xi32>,
    %slice3A_300 = vector.extract_strided_slice %get3A_261 {offsets = [15], sizes = [1], strides = [1]} : vector<16xi32> to vector<1xi32>
    %squeeze3A_301 = vector.extract %slice3A_300[0] : i32 from vector<1xi32>
    %slice3A_302 = vector.extract_strided_slice %add3A_283 {offsets = [15], sizes = [1], strides = [1]} : vector<16xi32> to vector<1xi32>
    %squeeze3A_303 = vector.extract %slice3A_302[0] : i32 from vector<1xi32>
    %get3A_304 = arith.constant 112 : index
    %get3A_305 = tpu.vector_load %arg7[%get3A_304] {strides = array<i32>} : memref<1024xi32, #tpu.memory_space<vmem>>, vector<16xi32>,
    %lt3A_306 = arith.constant 0 : i32
    %lt3A_307 = vector.broadcast %lt3A_306 : i32 to vector<16xi32>
    %lt3A_308 = arith.cmpi slt, %and3A_7, %lt3A_307 : vector<16xi32>
    %add3A_309 = arith.constant 16 : i32
    %add3A_310 = vector.broadcast %add3A_309 : i32 to vector<16xi32>
    %add3A_311 = arith.addi %and3A_7, %add3A_310 : vector<16xi32>
    %select_n3A_312 = arith.select %lt3A_308, %add3A_311, %and3A_7 : vector<16xi1>, vector<16xi32>
    %broadcast_in_dim3A_313 = vector.shape_cast %select_n3A_312 : vector<16xi32> to vector<16x1xi32>
    %gather3A_314 = vector.shape_cast %broadcast_in_dim3A_313 : vector<16x1xi32> to vector<16xi32>
    %gather3A_315 = tpu.dynamic_gather %get3A_305[%gather3A_314] in [0] : vector<16xi32>, vector<16xi32> -> vector<16xi32>
    %eq3A_316 = arith.constant 0 : i32
    %eq3A_317 = vector.broadcast %eq3A_316 : i32 to vector<16xi32>
    %eq3A_318 = arith.cmpi eq, %iota3A, %eq3A_317 : vector<16xi32>
    %broadcast_in_dim3A_319 = vector.broadcast %squeeze3A_301 : i32 to vector<16xi32>
    %select_n3A_320 = arith.select %eq3A_318, %broadcast_in_dim3A_319, %gather3A_315 : vector<16xi1>, vector<16xi32>
    %ne3A_321 = arith.cmpi ne, %get3A_305, %select_n3A_320 : vector<16xi32>
    %convert_element_type3A_322 = arith.extui %ne3A_321 : vector<16xi1> to vector<16xi32>
    %broadcast_in_dim3A_323 = arith.constant true
    %broadcast_in_dim3A_324 = vector.broadcast %broadcast_in_dim3A_323 : i1 to vector<16xi1>
    %masked_cumsum3A_325 = tpu.scan <sum>, %convert_element_type3A_322 masked %broadcast_in_dim3A_324 : vector<16xi32>, vector<16xi1> -> vector<16xi32>
    %add3A_326 = vector.broadcast %squeeze3A_303 : i32 to vector<16xi32>
    %add3A_327 = arith.addi %add3A_326, %masked_cumsum3A_325 : vector<16xi32>
    %shift_right_logical3A_328 = arith.constant 7 : i32
    %shift_right_logical3A_329 = vector.broadcast %shift_right_logical3A_328 : i32 to vector<16xi32>
    %shift_right_logical3A_330 = arith.shrui %get3A_305, %shift_right_logical3A_329 : vector<16xi32>
    %eq3A_331 = arith.constant 1 : i32
    %eq3A_332 = vector.broadcast %eq3A_331 : i32 to vector<16xi32>
    %eq3A_333 = arith.cmpi eq, %convert_element_type3A_322, %eq3A_332 : vector<16xi32>
    tpu.vector_store_idx %arg11[%add3A_327], %shift_right_logical3A_330 masked %eq3A_333 : memref<1024xi32, #tpu.memory_space<vmem>>[vector<16xi32>], vector<16xi32>, vector<16xi1>
    %swap3A_334 = arith.constant 7 : i32
    %swap3A_335 = arith.index_cast %swap3A_334 : i32 to index
    %swap3A_336 = arith.constant 0 : index
    %swap3A_337 = tpu.vector_load %arg10[%swap3A_335, %swap3A_336] {strides = array<i32>} : memref<64x16xi32, #tpu.memory_space<vmem>>, vector<16xi32>,
    tpu.vector_store %arg10[%swap3A_335, %swap3A_336], %add3A_327 {strides = array<i32>} : memref<64x16xi32, #tpu.memory_space<vmem>>, vector<16xi32>,
    %get3A_338 = arith.constant 112 : index
    %get3A_339 = tpu.vector_load %arg8[%get3A_338] {strides = array<i32>} : memref<1024xi32, #tpu.memory_space<vmem>>, vector<16xi32>,
    %swap3A_340 = arith.constant 7 : i32
    %swap3A_341 = arith.index_cast %swap3A_340 : i32 to index
    %swap3A_342 = arith.constant 0 : index
    %swap3A_343 = tpu.vector_load %arg9[%swap3A_341, %swap3A_342] {strides = array<i32>} : memref<64x16xi32, #tpu.memory_space<vmem>>, vector<16xi32>,
    tpu.vector_store %arg9[%swap3A_341, %swap3A_342], %get3A_339 {strides = array<i32>} : memref<64x16xi32, #tpu.memory_space<vmem>>, vector<16xi32>,
    %slice3A_344 = vector.extract_strided_slice %get3A_305 {offsets = [15], sizes = [1], strides = [1]} : vector<16xi32> to vector<1xi32>
    %squeeze3A_345 = vector.extract %slice3A_344[0] : i32 from vector<1xi32>
    %slice3A_346 = vector.extract_strided_slice %add3A_327 {offsets = [15], sizes = [1], strides = [1]} : vector<16xi32> to vector<1xi32>
    %squeeze3A_347 = vector.extract %slice3A_346[0] : i32 from vector<1xi32>
    %get3A_348 = arith.constant 128 : index
    %get3A_349 = tpu.vector_load %arg7[%get3A_348] {strides = array<i32>} : memref<1024xi32, #tpu.memory_space<vmem>>, vector<16xi32>,
    %lt3A_350 = arith.constant 0 : i32
    %lt3A_351 = vector.broadcast %lt3A_350 : i32 to vector<16xi32>
    %lt3A_352 = arith.cmpi slt, %and3A_7, %lt3A_351 : vector<16xi32>
    %add3A_353 = arith.constant 16 : i32
    %add3A_354 = vector.broadcast %add3A_353 : i32 to vector<16xi32>
    %add3A_355 = arith.addi %and3A_7, %add3A_354 : vector<16xi32>
    %select_n3A_356 = arith.select %lt3A_352, %add3A_355, %and3A_7 : vector<16xi1>, vector<16xi32>
    %broadcast_in_dim3A_357 = vector.shape_cast %select_n3A_356 : vector<16xi32> to vector<16x1xi32>
    %gather3A_358 = vector.shape_cast %broadcast_in_dim3A_357 : vector<16x1xi32> to vector<16xi32>
    %gather3A_359 = tpu.dynamic_gather %get3A_349[%gather3A_358] in [0] : vector<16xi32>, vector<16xi32> -> vector<16xi32>
    %eq3A_360 = arith.constant 0 : i32
    %eq3A_361 = vector.broadcast %eq3A_360 : i32 to vector<16xi32>
    %eq3A_362 = arith.cmpi eq, %iota3A, %eq3A_361 : vector<16xi32>
    %broadcast_in_dim3A_363 = vector.broadcast %squeeze3A_345 : i32 to vector<16xi32>
    %select_n3A_364 = arith.select %eq3A_362, %broadcast_in_dim3A_363, %gather3A_359 : vector<16xi1>, vector<16xi32>
    %ne3A_365 = arith.cmpi ne, %get3A_349, %select_n3A_364 : vector<16xi32>
    %convert_element_type3A_366 = arith.extui %ne3A_365 : vector<16xi1> to vector<16xi32>
    %broadcast_in_dim3A_367 = arith.constant true
    %broadcast_in_dim3A_368 = vector.broadcast %broadcast_in_dim3A_367 : i1 to vector<16xi1>
    %masked_cumsum3A_369 = tpu.scan <sum>, %convert_element_type3A_366 masked %broadcast_in_dim3A_368 : vector<16xi32>, vector<16xi1> -> vector<16xi32>
    %add3A_370 = vector.broadcast %squeeze3A_347 : i32 to vector<16xi32>
    %add3A_371 = arith.addi %add3A_370, %masked_cumsum3A_369 : vector<16xi32>
    %shift_right_logical3A_372 = arith.constant 7 : i32
    %shift_right_logical3A_373 = vector.broadcast %shift_right_logical3A_372 : i32 to vector<16xi32>
    %shift_right_logical3A_374 = arith.shrui %get3A_349, %shift_right_logical3A_373 : vector<16xi32>
    %eq3A_375 = arith.constant 1 : i32
    %eq3A_376 = vector.broadcast %eq3A_375 : i32 to vector<16xi32>
    %eq3A_377 = arith.cmpi eq, %convert_element_type3A_366, %eq3A_376 : vector<16xi32>
    tpu.vector_store_idx %arg11[%add3A_371], %shift_right_logical3A_374 masked %eq3A_377 : memref<1024xi32, #tpu.memory_space<vmem>>[vector<16xi32>], vector<16xi32>, vector<16xi1>
    %swap3A_378 = arith.constant 8 : i32
    %swap3A_379 = arith.index_cast %swap3A_378 : i32 to index
    %swap3A_380 = arith.constant 0 : index
    %swap3A_381 = tpu.vector_load %arg10[%swap3A_379, %swap3A_380] {strides = array<i32>} : memref<64x16xi32, #tpu.memory_space<vmem>>, vector<16xi32>,
    tpu.vector_store %arg10[%swap3A_379, %swap3A_380], %add3A_371 {strides = array<i32>} : memref<64x16xi32, #tpu.memory_space<vmem>>, vector<16xi32>,
    %get3A_382 = arith.constant 128 : index
    %get3A_383 = tpu.vector_load %arg8[%get3A_382] {strides = array<i32>} : memref<1024xi32, #tpu.memory_space<vmem>>, vector<16xi32>,
    %swap3A_384 = arith.constant 8 : i32
    %swap3A_385 = arith.index_cast %swap3A_384 : i32 to index
    %swap3A_386 = arith.constant 0 : index
    %swap3A_387 = tpu.vector_load %arg9[%swap3A_385, %swap3A_386] {strides = array<i32>} : memref<64x16xi32, #tpu.memory_space<vmem>>, vector<16xi32>,
    tpu.vector_store %arg9[%swap3A_385, %swap3A_386], %get3A_383 {strides = array<i32>} : memref<64x16xi32, #tpu.memory_space<vmem>>, vector<16xi32>,
    %slice3A_388 = vector.extract_strided_slice %get3A_349 {offsets = [15], sizes = [1], strides = [1]} : vector<16xi32> to vector<1xi32>
    %squeeze3A_389 = vector.extract %slice3A_388[0] : i32 from vector<1xi32>
    %slice3A_390 = vector.extract_strided_slice %add3A_371 {offsets = [15], sizes = [1], strides = [1]} : vector<16xi32> to vector<1xi32>
    %squeeze3A_391 = vector.extract %slice3A_390[0] : i32 from vector<1xi32>
    %get3A_392 = arith.constant 144 : index
    %get3A_393 = tpu.vector_load %arg7[%get3A_392] {strides = array<i32>} : memref<1024xi32, #tpu.memory_space<vmem>>, vector<16xi32>,
    %lt3A_394 = arith.constant 0 : i32
    %lt3A_395 = vector.broadcast %lt3A_394 : i32 to vector<16xi32>
    %lt3A_396 = arith.cmpi slt, %and3A_7, %lt3A_395 : vector<16xi32>
    %add3A_397 = arith.constant 16 : i32
    %add3A_398 = vector.broadcast %add3A_397 : i32 to vector<16xi32>
    %add3A_399 = arith.addi %and3A_7, %add3A_398 : vector<16xi32>
    %select_n3A_400 = arith.select %lt3A_396, %add3A_399, %and3A_7 : vector<16xi1>, vector<16xi32>
    %broadcast_in_dim3A_401 = vector.shape_cast %select_n3A_400 : vector<16xi32> to vector<16x1xi32>
    %gather3A_402 = vector.shape_cast %broadcast_in_dim3A_401 : vector<16x1xi32> to vector<16xi32>
    %gather3A_403 = tpu.dynamic_gather %get3A_393[%gather3A_402] in [0] : vector<16xi32>, vector<16xi32> -> vector<16xi32>
    %eq3A_404 = arith.constant 0 : i32
    %eq3A_405 = vector.broadcast %eq3A_404 : i32 to vector<16xi32>
    %eq3A_406 = arith.cmpi eq, %iota3A, %eq3A_405 : vector<16xi32>
    %broadcast_in_dim3A_407 = vector.broadcast %squeeze3A_389 : i32 to vector<16xi32>
    %select_n3A_408 = arith.select %eq3A_406, %broadcast_in_dim3A_407, %gather3A_403 : vector<16xi1>, vector<16xi32>
    %ne3A_409 = arith.cmpi ne, %get3A_393, %select_n3A_408 : vector<16xi32>
    %convert_element_type3A_410 = arith.extui %ne3A_409 : vector<16xi1> to vector<16xi32>
    %broadcast_in_dim3A_411 = arith.constant true
    %broadcast_in_dim3A_412 = vector.broadcast %broadcast_in_dim3A_411 : i1 to vector<16xi1>
    %masked_cumsum3A_413 = tpu.scan <sum>, %convert_element_type3A_410 masked %broadcast_in_dim3A_412 : vector<16xi32>, vector<16xi1> -> vector<16xi32>
    %add3A_414 = vector.broadcast %squeeze3A_391 : i32 to vector<16xi32>
    %add3A_415 = arith.addi %add3A_414, %masked_cumsum3A_413 : vector<16xi32>
    %shift_right_logical3A_416 = arith.constant 7 : i32
    %shift_right_logical3A_417 = vector.broadcast %shift_right_logical3A_416 : i32 to vector<16xi32>
    %shift_right_logical3A_418 = arith.shrui %get3A_393, %shift_right_logical3A_417 : vector<16xi32>
    %eq3A_419 = arith.constant 1 : i32
    %eq3A_420 = vector.broadcast %eq3A_419 : i32 to vector<16xi32>
    %eq3A_421 = arith.cmpi eq, %convert_element_type3A_410, %eq3A_420 : vector<16xi32>
    tpu.vector_store_idx %arg11[%add3A_415], %shift_right_logical3A_418 masked %eq3A_421 : memref<1024xi32, #tpu.memory_space<vmem>>[vector<16xi32>], vector<16xi32>, vector<16xi1>
    %swap3A_422 = arith.constant 9 : i32
    %swap3A_423 = arith.index_cast %swap3A_422 : i32 to index
    %swap3A_424 = arith.constant 0 : index
    %swap3A_425 = tpu.vector_load %arg10[%swap3A_423, %swap3A_424] {strides = array<i32>} : memref<64x16xi32, #tpu.memory_space<vmem>>, vector<16xi32>,
    tpu.vector_store %arg10[%swap3A_423, %swap3A_424], %add3A_415 {strides = array<i32>} : memref<64x16xi32, #tpu.memory_space<vmem>>, vector<16xi32>,
    %get3A_426 = arith.constant 144 : index
    %get3A_427 = tpu.vector_load %arg8[%get3A_426] {strides = array<i32>} : memref<1024xi32, #tpu.memory_space<vmem>>, vector<16xi32>,
    %swap3A_428 = arith.constant 9 : i32
    %swap3A_429 = arith.index_cast %swap3A_428 : i32 to index
    %swap3A_430 = arith.constant 0 : index
    %swap3A_431 = tpu.vector_load %arg9[%swap3A_429, %swap3A_430] {strides = array<i32>} : memref<64x16xi32, #tpu.memory_space<vmem>>, vector<16xi32>,
    tpu.vector_store %arg9[%swap3A_429, %swap3A_430], %get3A_427 {strides = array<i32>} : memref<64x16xi32, #tpu.memory_space<vmem>>, vector<16xi32>,
    %slice3A_432 = vector.extract_strided_slice %get3A_393 {offsets = [15], sizes = [1], strides = [1]} : vector<16xi32> to vector<1xi32>
    %squeeze3A_433 = vector.extract %slice3A_432[0] : i32 from vector<1xi32>
    %slice3A_434 = vector.extract_strided_slice %add3A_415 {offsets = [15], sizes = [1], strides = [1]} : vector<16xi32> to vector<1xi32>
    %squeeze3A_435 = vector.extract %slice3A_434[0] : i32 from vector<1xi32>
    %get3A_436 = arith.constant 160 : index
    %get3A_437 = tpu.vector_load %arg7[%get3A_436] {strides = array<i32>} : memref<1024xi32, #tpu.memory_space<vmem>>, vector<16xi32>,
    %lt3A_438 = arith.constant 0 : i32
    %lt3A_439 = vector.broadcast %lt3A_438 : i32 to vector<16xi32>
    %lt3A_440 = arith.cmpi slt, %and3A_7, %lt3A_439 : vector<16xi32>
    %add3A_441 = arith.constant 16 : i32
    %add3A_442 = vector.broadcast %add3A_441 : i32 to vector<16xi32>
    %add3A_443 = arith.addi %and3A_7, %add3A_442 : vector<16xi32>
    %select_n3A_444 = arith.select %lt3A_440, %add3A_443, %and3A_7 : vector<16xi1>, vector<16xi32>
    %broadcast_in_dim3A_445 = vector.shape_cast %select_n3A_444 : vector<16xi32> to vector<16x1xi32>
    %gather3A_446 = vector.shape_cast %broadcast_in_dim3A_445 : vector<16x1xi32> to vector<16xi32>
    %gather3A_447 = tpu.dynamic_gather %get3A_437[%gather3A_446] in [0] : vector<16xi32>, vector<16xi32> -> vector<16xi32>
    %eq3A_448 = arith.constant 0 : i32
    %eq3A_449 = vector.broadcast %eq3A_448 : i32 to vector<16xi32>
    %eq3A_450 = arith.cmpi eq, %iota3A, %eq3A_449 : vector<16xi32>
    %broadcast_in_dim3A_451 = vector.broadcast %squeeze3A_433 : i32 to vector<16xi32>
    %select_n3A_452 = arith.select %eq3A_450, %broadcast_in_dim3A_451, %gather3A_447 : vector<16xi1>, vector<16xi32>
    %ne3A_453 = arith.cmpi ne, %get3A_437, %select_n3A_452 : vector<16xi32>
    %convert_element_type3A_454 = arith.extui %ne3A_453 : vector<16xi1> to vector<16xi32>
    %broadcast_in_dim3A_455 = arith.constant true
    %broadcast_in_dim3A_456 = vector.broadcast %broadcast_in_dim3A_455 : i1 to vector<16xi1>
    %masked_cumsum3A_457 = tpu.scan <sum>, %convert_element_type3A_454 masked %broadcast_in_dim3A_456 : vector<16xi32>, vector<16xi1> -> vector<16xi32>
    %add3A_458 = vector.broadcast %squeeze3A_435 : i32 to vector<16xi32>
    %add3A_459 = arith.addi %add3A_458, %masked_cumsum3A_457 : vector<16xi32>
    %shift_right_logical3A_460 = arith.constant 7 : i32
    %shift_right_logical3A_461 = vector.broadcast %shift_right_logical3A_460 : i32 to vector<16xi32>
    %shift_right_logical3A_462 = arith.shrui %get3A_437, %shift_right_logical3A_461 : vector<16xi32>
    %eq3A_463 = arith.constant 1 : i32
    %eq3A_464 = vector.broadcast %eq3A_463 : i32 to vector<16xi32>
    %eq3A_465 = arith.cmpi eq, %convert_element_type3A_454, %eq3A_464 : vector<16xi32>
    tpu.vector_store_idx %arg11[%add3A_459], %shift_right_logical3A_462 masked %eq3A_465 : memref<1024xi32, #tpu.memory_space<vmem>>[vector<16xi32>], vector<16xi32>, vector<16xi1>
    %swap3A_466 = arith.constant 10 : i32
    %swap3A_467 = arith.index_cast %swap3A_466 : i32 to index
    %swap3A_468 = arith.constant 0 : index
    %swap3A_469 = tpu.vector_load %arg10[%swap3A_467, %swap3A_468] {strides = array<i32>} : memref<64x16xi32, #tpu.memory_space<vmem>>, vector<16xi32>,
    tpu.vector_store %arg10[%swap3A_467, %swap3A_468], %add3A_459 {strides = array<i32>} : memref<64x16xi32, #tpu.memory_space<vmem>>, vector<16xi32>,
    %get3A_470 = arith.constant 160 : index
    %get3A_471 = tpu.vector_load %arg8[%get3A_470] {strides = array<i32>} : memref<1024xi32, #tpu.memory_space<vmem>>, vector<16xi32>,
    %swap3A_472 = arith.constant 10 : i32
    %swap3A_473 = arith.index_cast %swap3A_472 : i32 to index
    %swap3A_474 = arith.constant 0 : index
    %swap3A_475 = tpu.vector_load %arg9[%swap3A_473, %swap3A_474] {strides = array<i32>} : memref<64x16xi32, #tpu.memory_space<vmem>>, vector<16xi32>,
    tpu.vector_store %arg9[%swap3A_473, %swap3A_474], %get3A_471 {strides = array<i32>} : memref<64x16xi32, #tpu.memory_space<vmem>>, vector<16xi32>,
    %slice3A_476 = vector.extract_strided_slice %get3A_437 {offsets = [15], sizes = [1], strides = [1]} : vector<16xi32> to vector<1xi32>
    %squeeze3A_477 = vector.extract %slice3A_476[0] : i32 from vector<1xi32>
    %slice3A_478 = vector.extract_strided_slice %add3A_459 {offsets = [15], sizes = [1], strides = [1]} : vector<16xi32> to vector<1xi32>
    %squeeze3A_479 = vector.extract %slice3A_478[0] : i32 from vector<1xi32>
    %get3A_480 = arith.constant 176 : index
    %get3A_481 = tpu.vector_load %arg7[%get3A_480] {strides = array<i32>} : memref<1024xi32, #tpu.memory_space<vmem>>, vector<16xi32>,
    %lt3A_482 = arith.constant 0 : i32
    %lt3A_483 = vector.broadcast %lt3A_482 : i32 to vector<16xi32>
    %lt3A_484 = arith.cmpi slt, %and3A_7, %lt3A_483 : vector<16xi32>
    %add3A_485 = arith.constant 16 : i32
    %add3A_486 = vector.broadcast %add3A_485 : i32 to vector<16xi32>
    %add3A_487 = arith.addi %and3A_7, %add3A_486 : vector<16xi32>
    %select_n3A_488 = arith.select %lt3A_484, %add3A_487, %and3A_7 : vector<16xi1>, vector<16xi32>
    %broadcast_in_dim3A_489 = vector.shape_cast %select_n3A_488 : vector<16xi32> to vector<16x1xi32>
    %gather3A_490 = vector.shape_cast %broadcast_in_dim3A_489 : vector<16x1xi32> to vector<16xi32>
    %gather3A_491 = tpu.dynamic_gather %get3A_481[%gather3A_490] in [0] : vector<16xi32>, vector<16xi32> -> vector<16xi32>
    %eq3A_492 = arith.constant 0 : i32
    %eq3A_493 = vector.broadcast %eq3A_492 : i32 to vector<16xi32>
    %eq3A_494 = arith.cmpi eq, %iota3A, %eq3A_493 : vector<16xi32>
    %broadcast_in_dim3A_495 = vector.broadcast %squeeze3A_477 : i32 to vector<16xi32>
    %select_n3A_496 = arith.select %eq3A_494, %broadcast_in_dim3A_495, %gather3A_491 : vector<16xi1>, vector<16xi32>
    %ne3A_497 = arith.cmpi ne, %get3A_481, %select_n3A_496 : vector<16xi32>
    %convert_element_type3A_498 = arith.extui %ne3A_497 : vector<16xi1> to vector<16xi32>
    %broadcast_in_dim3A_499 = arith.constant true
    %broadcast_in_dim3A_500 = vector.broadcast %broadcast_in_dim3A_499 : i1 to vector<16xi1>
    %masked_cumsum3A_501 = tpu.scan <sum>, %convert_element_type3A_498 masked %broadcast_in_dim3A_500 : vector<16xi32>, vector<16xi1> -> vector<16xi32>
    %add3A_502 = vector.broadcast %squeeze3A_479 : i32 to vector<16xi32>
    %add3A_503 = arith.addi %add3A_502, %masked_cumsum3A_501 : vector<16xi32>
    %shift_right_logical3A_504 = arith.constant 7 : i32
    %shift_right_logical3A_505 = vector.broadcast %shift_right_logical3A_504 : i32 to vector<16xi32>
    %shift_right_logical3A_506 = arith.shrui %get3A_481, %shift_right_logical3A_505 : vector<16xi32>
    %eq3A_507 = arith.constant 1 : i32
    %eq3A_508 = vector.broadcast %eq3A_507 : i32 to vector<16xi32>
    %eq3A_509 = arith.cmpi eq, %convert_element_type3A_498, %eq3A_508 : vector<16xi32>
    tpu.vector_store_idx %arg11[%add3A_503], %shift_right_logical3A_506 masked %eq3A_509 : memref<1024xi32, #tpu.memory_space<vmem>>[vector<16xi32>], vector<16xi32>, vector<16xi1>
    %swap3A_510 = arith.constant 11 : i32
    %swap3A_511 = arith.index_cast %swap3A_510 : i32 to index
    %swap3A_512 = arith.constant 0 : index
    %swap3A_513 = tpu.vector_load %arg10[%swap3A_511, %swap3A_512] {strides = array<i32>} : memref<64x16xi32, #tpu.memory_space<vmem>>, vector<16xi32>,
    tpu.vector_store %arg10[%swap3A_511, %swap3A_512], %add3A_503 {strides = array<i32>} : memref<64x16xi32, #tpu.memory_space<vmem>>, vector<16xi32>,
    %get3A_514 = arith.constant 176 : index
    %get3A_515 = tpu.vector_load %arg8[%get3A_514] {strides = array<i32>} : memref<1024xi32, #tpu.memory_space<vmem>>, vector<16xi32>,
    %swap3A_516 = arith.constant 11 : i32
    %swap3A_517 = arith.index_cast %swap3A_516 : i32 to index
    %swap3A_518 = arith.constant 0 : index
    %swap3A_519 = tpu.vector_load %arg9[%swap3A_517, %swap3A_518] {strides = array<i32>} : memref<64x16xi32, #tpu.memory_space<vmem>>, vector<16xi32>,
    tpu.vector_store %arg9[%swap3A_517, %swap3A_518], %get3A_515 {strides = array<i32>} : memref<64x16xi32, #tpu.memory_space<vmem>>, vector<16xi32>,
    %slice3A_520 = vector.extract_strided_slice %get3A_481 {offsets = [15], sizes = [1], strides = [1]} : vector<16xi32> to vector<1xi32>
    %squeeze3A_521 = vector.extract %slice3A_520[0] : i32 from vector<1xi32>
    %slice3A_522 = vector.extract_strided_slice %add3A_503 {offsets = [15], sizes = [1], strides = [1]} : vector<16xi32> to vector<1xi32>
    %squeeze3A_523 = vector.extract %slice3A_522[0] : i32 from vector<1xi32>
    %get3A_524 = arith.constant 192 : index
    %get3A_525 = tpu.vector_load %arg7[%get3A_524] {strides = array<i32>} : memref<1024xi32, #tpu.memory_space<vmem>>, vector<16xi32>,
    %lt3A_526 = arith.constant 0 : i32
    %lt3A_527 = vector.broadcast %lt3A_526 : i32 to vector<16xi32>
    %lt3A_528 = arith.cmpi slt, %and3A_7, %lt3A_527 : vector<16xi32>
    %add3A_529 = arith.constant 16 : i32
    %add3A_530 = vector.broadcast %add3A_529 : i32 to vector<16xi32>
    %add3A_531 = arith.addi %and3A_7, %add3A_530 : vector<16xi32>
    %select_n3A_532 = arith.select %lt3A_528, %add3A_531, %and3A_7 : vector<16xi1>, vector<16xi32>
    %broadcast_in_dim3A_533 = vector.shape_cast %select_n3A_532 : vector<16xi32> to vector<16x1xi32>
    %gather3A_534 = vector.shape_cast %broadcast_in_dim3A_533 : vector<16x1xi32> to vector<16xi32>
    %gather3A_535 = tpu.dynamic_gather %get3A_525[%gather3A_534] in [0] : vector<16xi32>, vector<16xi32> -> vector<16xi32>
    %eq3A_536 = arith.constant 0 : i32
    %eq3A_537 = vector.broadcast %eq3A_536 : i32 to vector<16xi32>
    %eq3A_538 = arith.cmpi eq, %iota3A, %eq3A_537 : vector<16xi32>
    %broadcast_in_dim3A_539 = vector.broadcast %squeeze3A_521 : i32 to vector<16xi32>
    %select_n3A_540 = arith.select %eq3A_538, %broadcast_in_dim3A_539, %gather3A_535 : vector<16xi1>, vector<16xi32>
    %ne3A_541 = arith.cmpi ne, %get3A_525, %select_n3A_540 : vector<16xi32>
    %convert_element_type3A_542 = arith.extui %ne3A_541 : vector<16xi1> to vector<16xi32>
    %broadcast_in_dim3A_543 = arith.constant true
    %broadcast_in_dim3A_544 = vector.broadcast %broadcast_in_dim3A_543 : i1 to vector<16xi1>
    %masked_cumsum3A_545 = tpu.scan <sum>, %convert_element_type3A_542 masked %broadcast_in_dim3A_544 : vector<16xi32>, vector<16xi1> -> vector<16xi32>
    %add3A_546 = vector.broadcast %squeeze3A_523 : i32 to vector<16xi32>
    %add3A_547 = arith.addi %add3A_546, %masked_cumsum3A_545 : vector<16xi32>
    %shift_right_logical3A_548 = arith.constant 7 : i32
    %shift_right_logical3A_549 = vector.broadcast %shift_right_logical3A_548 : i32 to vector<16xi32>
    %shift_right_logical3A_550 = arith.shrui %get3A_525, %shift_right_logical3A_549 : vector<16xi32>
    %eq3A_551 = arith.constant 1 : i32
    %eq3A_552 = vector.broadcast %eq3A_551 : i32 to vector<16xi32>
    %eq3A_553 = arith.cmpi eq, %convert_element_type3A_542, %eq3A_552 : vector<16xi32>
    tpu.vector_store_idx %arg11[%add3A_547], %shift_right_logical3A_550 masked %eq3A_553 : memref<1024xi32, #tpu.memory_space<vmem>>[vector<16xi32>], vector<16xi32>, vector<16xi1>
    %swap3A_554 = arith.constant 12 : i32
    %swap3A_555 = arith.index_cast %swap3A_554 : i32 to index
    %swap3A_556 = arith.constant 0 : index
    %swap3A_557 = tpu.vector_load %arg10[%swap3A_555, %swap3A_556] {strides = array<i32>} : memref<64x16xi32, #tpu.memory_space<vmem>>, vector<16xi32>,
    tpu.vector_store %arg10[%swap3A_555, %swap3A_556], %add3A_547 {strides = array<i32>} : memref<64x16xi32, #tpu.memory_space<vmem>>, vector<16xi32>,
    %get3A_558 = arith.constant 192 : index
    %get3A_559 = tpu.vector_load %arg8[%get3A_558] {strides = array<i32>} : memref<1024xi32, #tpu.memory_space<vmem>>, vector<16xi32>,
    %swap3A_560 = arith.constant 12 : i32
    %swap3A_561 = arith.index_cast %swap3A_560 : i32 to index
    %swap3A_562 = arith.constant 0 : index
    %swap3A_563 = tpu.vector_load %arg9[%swap3A_561, %swap3A_562] {strides = array<i32>} : memref<64x16xi32, #tpu.memory_space<vmem>>, vector<16xi32>,
    tpu.vector_store %arg9[%swap3A_561, %swap3A_562], %get3A_559 {strides = array<i32>} : memref<64x16xi32, #tpu.memory_space<vmem>>, vector<16xi32>,
    %slice3A_564 = vector.extract_strided_slice %get3A_525 {offsets = [15], sizes = [1], strides = [1]} : vector<16xi32> to vector<1xi32>
    %squeeze3A_565 = vector.extract %slice3A_564[0] : i32 from vector<1xi32>
    %slice3A_566 = vector.extract_strided_slice %add3A_547 {offsets = [15], sizes = [1], strides = [1]} : vector<16xi32> to vector<1xi32>
    %squeeze3A_567 = vector.extract %slice3A_566[0] : i32 from vector<1xi32>
    %get3A_568 = arith.constant 208 : index
    %get3A_569 = tpu.vector_load %arg7[%get3A_568] {strides = array<i32>} : memref<1024xi32, #tpu.memory_space<vmem>>, vector<16xi32>,
    %lt3A_570 = arith.constant 0 : i32
    %lt3A_571 = vector.broadcast %lt3A_570 : i32 to vector<16xi32>
    %lt3A_572 = arith.cmpi slt, %and3A_7, %lt3A_571 : vector<16xi32>
    %add3A_573 = arith.constant 16 : i32
    %add3A_574 = vector.broadcast %add3A_573 : i32 to vector<16xi32>
    %add3A_575 = arith.addi %and3A_7, %add3A_574 : vector<16xi32>
    %select_n3A_576 = arith.select %lt3A_572, %add3A_575, %and3A_7 : vector<16xi1>, vector<16xi32>
    %broadcast_in_dim3A_577 = vector.shape_cast %select_n3A_576 : vector<16xi32> to vector<16x1xi32>
    %gather3A_578 = vector.shape_cast %broadcast_in_dim3A_577 : vector<16x1xi32> to vector<16xi32>
    %gather3A_579 = tpu.dynamic_gather %get3A_569[%gather3A_578] in [0] : vector<16xi32>, vector<16xi32> -> vector<16xi32>
    %eq3A_580 = arith.constant 0 : i32
    %eq3A_581 = vector.broadcast %eq3A_580 : i32 to vector<16xi32>
    %eq3A_582 = arith.cmpi eq, %iota3A, %eq3A_581 : vector<16xi32>
    %broadcast_in_dim3A_583 = vector.broadcast %squeeze3A_565 : i32 to vector<16xi32>
    %select_n3A_584 = arith.select %eq3A_582, %broadcast_in_dim3A_583, %gather3A_579 : vector<16xi1>, vector<16xi32>
    %ne3A_585 = arith.cmpi ne, %get3A_569, %select_n3A_584 : vector<16xi32>
    %convert_element_type3A_586 = arith.extui %ne3A_585 : vector<16xi1> to vector<16xi32>
    %broadcast_in_dim3A_587 = arith.constant true
    %broadcast_in_dim3A_588 = vector.broadcast %broadcast_in_dim3A_587 : i1 to vector<16xi1>
    %masked_cumsum3A_589 = tpu.scan <sum>, %convert_element_type3A_586 masked %broadcast_in_dim3A_588 : vector<16xi32>, vector<16xi1> -> vector<16xi32>
    %add3A_590 = vector.broadcast %squeeze3A_567 : i32 to vector<16xi32>
    %add3A_591 = arith.addi %add3A_590, %masked_cumsum3A_589 : vector<16xi32>
    %shift_right_logical3A_592 = arith.constant 7 : i32
    %shift_right_logical3A_593 = vector.broadcast %shift_right_logical3A_592 : i32 to vector<16xi32>
    %shift_right_logical3A_594 = arith.shrui %get3A_569, %shift_right_logical3A_593 : vector<16xi32>
    %eq3A_595 = arith.constant 1 : i32
    %eq3A_596 = vector.broadcast %eq3A_595 : i32 to vector<16xi32>
    %eq3A_597 = arith.cmpi eq, %convert_element_type3A_586, %eq3A_596 : vector<16xi32>
    tpu.vector_store_idx %arg11[%add3A_591], %shift_right_logical3A_594 masked %eq3A_597 : memref<1024xi32, #tpu.memory_space<vmem>>[vector<16xi32>], vector<16xi32>, vector<16xi1>
    %swap3A_598 = arith.constant 13 : i32
    %swap3A_599 = arith.index_cast %swap3A_598 : i32 to index
    %swap3A_600 = arith.constant 0 : index
    %swap3A_601 = tpu.vector_load %arg10[%swap3A_599, %swap3A_600] {strides = array<i32>} : memref<64x16xi32, #tpu.memory_space<vmem>>, vector<16xi32>,
    tpu.vector_store %arg10[%swap3A_599, %swap3A_600], %add3A_591 {strides = array<i32>} : memref<64x16xi32, #tpu.memory_space<vmem>>, vector<16xi32>,
    %get3A_602 = arith.constant 208 : index
    %get3A_603 = tpu.vector_load %arg8[%get3A_602] {strides = array<i32>} : memref<1024xi32, #tpu.memory_space<vmem>>, vector<16xi32>,
    %swap3A_604 = arith.constant 13 : i32
    %swap3A_605 = arith.index_cast %swap3A_604 : i32 to index
    %swap3A_606 = arith.constant 0 : index
    %swap3A_607 = tpu.vector_load %arg9[%swap3A_605, %swap3A_606] {strides = array<i32>} : memref<64x16xi32, #tpu.memory_space<vmem>>, vector<16xi32>,
    tpu.vector_store %arg9[%swap3A_605, %swap3A_606], %get3A_603 {strides = array<i32>} : memref<64x16xi32, #tpu.memory_space<vmem>>, vector<16xi32>,
    %slice3A_608 = vector.extract_strided_slice %get3A_569 {offsets = [15], sizes = [1], strides = [1]} : vector<16xi32> to vector<1xi32>
    %squeeze3A_609 = vector.extract %slice3A_608[0] : i32 from vector<1xi32>
    %slice3A_610 = vector.extract_strided_slice %add3A_591 {offsets = [15], sizes = [1], strides = [1]} : vector<16xi32> to vector<1xi32>
    %squeeze3A_611 = vector.extract %slice3A_610[0] : i32 from vector<1xi32>
    %get3A_612 = arith.constant 224 : index
    %get3A_613 = tpu.vector_load %arg7[%get3A_612] {strides = array<i32>} : memref<1024xi32, #tpu.memory_space<vmem>>, vector<16xi32>,
    %lt3A_614 = arith.constant 0 : i32
    %lt3A_615 = vector.broadcast %lt3A_614 : i32 to vector<16xi32>
    %lt3A_616 = arith.cmpi slt, %and3A_7, %lt3A_615 : vector<16xi32>
    %add3A_617 = arith.constant 16 : i32
    %add3A_618 = vector.broadcast %add3A_617 : i32 to vector<16xi32>
    %add3A_619 = arith.addi %and3A_7, %add3A_618 : vector<16xi32>
    %select_n3A_620 = arith.select %lt3A_616, %add3A_619, %and3A_7 : vector<16xi1>, vector<16xi32>
    %broadcast_in_dim3A_621 = vector.shape_cast %select_n3A_620 : vector<16xi32> to vector<16x1xi32>
    %gather3A_622 = vector.shape_cast %broadcast_in_dim3A_621 : vector<16x1xi32> to vector<16xi32>
    %gather3A_623 = tpu.dynamic_gather %get3A_613[%gather3A_622] in [0] : vector<16xi32>, vector<16xi32> -> vector<16xi32>
    %eq3A_624 = arith.constant 0 : i32
    %eq3A_625 = vector.broadcast %eq3A_624 : i32 to vector<16xi32>
    %eq3A_626 = arith.cmpi eq, %iota3A, %eq3A_625 : vector<16xi32>
    %broadcast_in_dim3A_627 = vector.broadcast %squeeze3A_609 : i32 to vector<16xi32>
    %select_n3A_628 = arith.select %eq3A_626, %broadcast_in_dim3A_627, %gather3A_623 : vector<16xi1>, vector<16xi32>
    %ne3A_629 = arith.cmpi ne, %get3A_613, %select_n3A_628 : vector<16xi32>
    %convert_element_type3A_630 = arith.extui %ne3A_629 : vector<16xi1> to vector<16xi32>
    %broadcast_in_dim3A_631 = arith.constant true
    %broadcast_in_dim3A_632 = vector.broadcast %broadcast_in_dim3A_631 : i1 to vector<16xi1>
    %masked_cumsum3A_633 = tpu.scan <sum>, %convert_element_type3A_630 masked %broadcast_in_dim3A_632 : vector<16xi32>, vector<16xi1> -> vector<16xi32>
    %add3A_634 = vector.broadcast %squeeze3A_611 : i32 to vector<16xi32>
    %add3A_635 = arith.addi %add3A_634, %masked_cumsum3A_633 : vector<16xi32>
    %shift_right_logical3A_636 = arith.constant 7 : i32
    %shift_right_logical3A_637 = vector.broadcast %shift_right_logical3A_636 : i32 to vector<16xi32>
    %shift_right_logical3A_638 = arith.shrui %get3A_613, %shift_right_logical3A_637 : vector<16xi32>
    %eq3A_639 = arith.constant 1 : i32
    %eq3A_640 = vector.broadcast %eq3A_639 : i32 to vector<16xi32>
    %eq3A_641 = arith.cmpi eq, %convert_element_type3A_630, %eq3A_640 : vector<16xi32>
    tpu.vector_store_idx %arg11[%add3A_635], %shift_right_logical3A_638 masked %eq3A_641 : memref<1024xi32, #tpu.memory_space<vmem>>[vector<16xi32>], vector<16xi32>, vector<16xi1>
    %swap3A_642 = arith.constant 14 : i32
    %swap3A_643 = arith.index_cast %swap3A_642 : i32 to index
    %swap3A_644 = arith.constant 0 : index
    %swap3A_645 = tpu.vector_load %arg10[%swap3A_643, %swap3A_644] {strides = array<i32>} : memref<64x16xi32, #tpu.memory_space<vmem>>, vector<16xi32>,
    tpu.vector_store %arg10[%swap3A_643, %swap3A_644], %add3A_635 {strides = array<i32>} : memref<64x16xi32, #tpu.memory_space<vmem>>, vector<16xi32>,
    %get3A_646 = arith.constant 224 : index
    %get3A_647 = tpu.vector_load %arg8[%get3A_646] {strides = array<i32>} : memref<1024xi32, #tpu.memory_space<vmem>>, vector<16xi32>,
    %swap3A_648 = arith.constant 14 : i32
    %swap3A_649 = arith.index_cast %swap3A_648 : i32 to index
    %swap3A_650 = arith.constant 0 : index
    %swap3A_651 = tpu.vector_load %arg9[%swap3A_649, %swap3A_650] {strides = array<i32>} : memref<64x16xi32, #tpu.memory_space<vmem>>, vector<16xi32>,
    tpu.vector_store %arg9[%swap3A_649, %swap3A_650], %get3A_647 {strides = array<i32>} : memref<64x16xi32, #tpu.memory_space<vmem>>, vector<16xi32>,
    %slice3A_652 = vector.extract_strided_slice %get3A_613 {offsets = [15], sizes = [1], strides = [1]} : vector<16xi32> to vector<1xi32>
    %squeeze3A_653 = vector.extract %slice3A_652[0] : i32 from vector<1xi32>
    %slice3A_654 = vector.extract_strided_slice %add3A_635 {offsets = [15], sizes = [1], strides = [1]} : vector<16xi32> to vector<1xi32>
    %squeeze3A_655 = vector.extract %slice3A_654[0] : i32 from vector<1xi32>
    %get3A_656 = arith.constant 240 : index
    %get3A_657 = tpu.vector_load %arg7[%get3A_656] {strides = array<i32>} : memref<1024xi32, #tpu.memory_space<vmem>>, vector<16xi32>,
    %lt3A_658 = arith.constant 0 : i32
    %lt3A_659 = vector.broadcast %lt3A_658 : i32 to vector<16xi32>
    %lt3A_660 = arith.cmpi slt, %and3A_7, %lt3A_659 : vector<16xi32>
    %add3A_661 = arith.constant 16 : i32
    %add3A_662 = vector.broadcast %add3A_661 : i32 to vector<16xi32>
    %add3A_663 = arith.addi %and3A_7, %add3A_662 : vector<16xi32>
    %select_n3A_664 = arith.select %lt3A_660, %add3A_663, %and3A_7 : vector<16xi1>, vector<16xi32>
    %broadcast_in_dim3A_665 = vector.shape_cast %select_n3A_664 : vector<16xi32> to vector<16x1xi32>
    %gather3A_666 = vector.shape_cast %broadcast_in_dim3A_665 : vector<16x1xi32> to vector<16xi32>
    %gather3A_667 = tpu.dynamic_gather %get3A_657[%gather3A_666] in [0] : vector<16xi32>, vector<16xi32> -> vector<16xi32>
    %eq3A_668 = arith.constant 0 : i32
    %eq3A_669 = vector.broadcast %eq3A_668 : i32 to vector<16xi32>
    %eq3A_670 = arith.cmpi eq, %iota3A, %eq3A_669 : vector<16xi32>
    %broadcast_in_dim3A_671 = vector.broadcast %squeeze3A_653 : i32 to vector<16xi32>
    %select_n3A_672 = arith.select %eq3A_670, %broadcast_in_dim3A_671, %gather3A_667 : vector<16xi1>, vector<16xi32>
    %ne3A_673 = arith.cmpi ne, %get3A_657, %select_n3A_672 : vector<16xi32>
    %convert_element_type3A_674 = arith.extui %ne3A_673 : vector<16xi1> to vector<16xi32>
    %broadcast_in_dim3A_675 = arith.constant true
    %broadcast_in_dim3A_676 = vector.broadcast %broadcast_in_dim3A_675 : i1 to vector<16xi1>
    %masked_cumsum3A_677 = tpu.scan <sum>, %convert_element_type3A_674 masked %broadcast_in_dim3A_676 : vector<16xi32>, vector<16xi1> -> vector<16xi32>
    %add3A_678 = vector.broadcast %squeeze3A_655 : i32 to vector<16xi32>
    %add3A_679 = arith.addi %add3A_678, %masked_cumsum3A_677 : vector<16xi32>
    %shift_right_logical3A_680 = arith.constant 7 : i32
    %shift_right_logical3A_681 = vector.broadcast %shift_right_logical3A_680 : i32 to vector<16xi32>
    %shift_right_logical3A_682 = arith.shrui %get3A_657, %shift_right_logical3A_681 : vector<16xi32>
    %eq3A_683 = arith.constant 1 : i32
    %eq3A_684 = vector.broadcast %eq3A_683 : i32 to vector<16xi32>
    %eq3A_685 = arith.cmpi eq, %convert_element_type3A_674, %eq3A_684 : vector<16xi32>
    tpu.vector_store_idx %arg11[%add3A_679], %shift_right_logical3A_682 masked %eq3A_685 : memref<1024xi32, #tpu.memory_space<vmem>>[vector<16xi32>], vector<16xi32>, vector<16xi1>
    %swap3A_686 = arith.constant 15 : i32
    %swap3A_687 = arith.index_cast %swap3A_686 : i32 to index
    %swap3A_688 = arith.constant 0 : index
    %swap3A_689 = tpu.vector_load %arg10[%swap3A_687, %swap3A_688] {strides = array<i32>} : memref<64x16xi32, #tpu.memory_space<vmem>>, vector<16xi32>,
    tpu.vector_store %arg10[%swap3A_687, %swap3A_688], %add3A_679 {strides = array<i32>} : memref<64x16xi32, #tpu.memory_space<vmem>>, vector<16xi32>,
    %get3A_690 = arith.constant 240 : index
    %get3A_691 = tpu.vector_load %arg8[%get3A_690] {strides = array<i32>} : memref<1024xi32, #tpu.memory_space<vmem>>, vector<16xi32>,
    %swap3A_692 = arith.constant 15 : i32
    %swap3A_693 = arith.index_cast %swap3A_692 : i32 to index
    %swap3A_694 = arith.constant 0 : index
    %swap3A_695 = tpu.vector_load %arg9[%swap3A_693, %swap3A_694] {strides = array<i32>} : memref<64x16xi32, #tpu.memory_space<vmem>>, vector<16xi32>,
    tpu.vector_store %arg9[%swap3A_693, %swap3A_694], %get3A_691 {strides = array<i32>} : memref<64x16xi32, #tpu.memory_space<vmem>>, vector<16xi32>,
    %slice3A_696 = vector.extract_strided_slice %get3A_657 {offsets = [15], sizes = [1], strides = [1]} : vector<16xi32> to vector<1xi32>
    %squeeze3A_697 = vector.extract %slice3A_696[0] : i32 from vector<1xi32>
    %slice3A_698 = vector.extract_strided_slice %add3A_679 {offsets = [15], sizes = [1], strides = [1]} : vector<16xi32> to vector<1xi32>
    %squeeze3A_699 = vector.extract %slice3A_698[0] : i32 from vector<1xi32>
    %get3A_700 = arith.constant 256 : index
    %get3A_701 = tpu.vector_load %arg7[%get3A_700] {strides = array<i32>} : memref<1024xi32, #tpu.memory_space<vmem>>, vector<16xi32>,
    %lt3A_702 = arith.constant 0 : i32
    %lt3A_703 = vector.broadcast %lt3A_702 : i32 to vector<16xi32>
    %lt3A_704 = arith.cmpi slt, %and3A_7, %lt3A_703 : vector<16xi32>
    %add3A_705 = arith.constant 16 : i32
    %add3A_706 = vector.broadcast %add3A_705 : i32 to vector<16xi32>
    %add3A_707 = arith.addi %and3A_7, %add3A_706 : vector<16xi32>
    %select_n3A_708 = arith.select %lt3A_704, %add3A_707, %and3A_7 : vector<16xi1>, vector<16xi32>
    %broadcast_in_dim3A_709 = vector.shape_cast %select_n3A_708 : vector<16xi32> to vector<16x1xi32>
    %gather3A_710 = vector.shape_cast %broadcast_in_dim3A_709 : vector<16x1xi32> to vector<16xi32>
    %gather3A_711 = tpu.dynamic_gather %get3A_701[%gather3A_710] in [0] : vector<16xi32>, vector<16xi32> -> vector<16xi32>
    %eq3A_712 = arith.constant 0 : i32
    %eq3A_713 = vector.broadcast %eq3A_712 : i32 to vector<16xi32>
    %eq3A_714 = arith.cmpi eq, %iota3A, %eq3A_713 : vector<16xi32>
    %broadcast_in_dim3A_715 = vector.broadcast %squeeze3A_697 : i32 to vector<16xi32>
    %select_n3A_716 = arith.select %eq3A_714, %broadcast_in_dim3A_715, %gather3A_711 : vector<16xi1>, vector<16xi32>
    %ne3A_717 = arith.cmpi ne, %get3A_701, %select_n3A_716 : vector<16xi32>
    %convert_element_type3A_718 = arith.extui %ne3A_717 : vector<16xi1> to vector<16xi32>
    %broadcast_in_dim3A_719 = arith.constant true
    %broadcast_in_dim3A_720 = vector.broadcast %broadcast_in_dim3A_719 : i1 to vector<16xi1>
    %masked_cumsum3A_721 = tpu.scan <sum>, %convert_element_type3A_718 masked %broadcast_in_dim3A_720 : vector<16xi32>, vector<16xi1> -> vector<16xi32>
    %add3A_722 = vector.broadcast %squeeze3A_699 : i32 to vector<16xi32>
    %add3A_723 = arith.addi %add3A_722, %masked_cumsum3A_721 : vector<16xi32>
    %shift_right_logical3A_724 = arith.constant 7 : i32
    %shift_right_logical3A_725 = vector.broadcast %shift_right_logical3A_724 : i32 to vector<16xi32>
    %shift_right_logical3A_726 = arith.shrui %get3A_701, %shift_right_logical3A_725 : vector<16xi32>
    %eq3A_727 = arith.constant 1 : i32
    %eq3A_728 = vector.broadcast %eq3A_727 : i32 to vector<16xi32>
    %eq3A_729 = arith.cmpi eq, %convert_element_type3A_718, %eq3A_728 : vector<16xi32>
    tpu.vector_store_idx %arg11[%add3A_723], %shift_right_logical3A_726 masked %eq3A_729 : memref<1024xi32, #tpu.memory_space<vmem>>[vector<16xi32>], vector<16xi32>, vector<16xi1>
    %swap3A_730 = arith.constant 16 : i32
    %swap3A_731 = arith.index_cast %swap3A_730 : i32 to index
    %swap3A_732 = arith.constant 0 : index
    %swap3A_733 = tpu.vector_load %arg10[%swap3A_731, %swap3A_732] {strides = array<i32>} : memref<64x16xi32, #tpu.memory_space<vmem>>, vector<16xi32>,
    tpu.vector_store %arg10[%swap3A_731, %swap3A_732], %add3A_723 {strides = array<i32>} : memref<64x16xi32, #tpu.memory_space<vmem>>, vector<16xi32>,
    %get3A_734 = arith.constant 256 : index
    %get3A_735 = tpu.vector_load %arg8[%get3A_734] {strides = array<i32>} : memref<1024xi32, #tpu.memory_space<vmem>>, vector<16xi32>,
    %swap3A_736 = arith.constant 16 : i32
    %swap3A_737 = arith.index_cast %swap3A_736 : i32 to index
    %swap3A_738 = arith.constant 0 : index
    %swap3A_739 = tpu.vector_load %arg9[%swap3A_737, %swap3A_738] {strides = array<i32>} : memref<64x16xi32, #tpu.memory_space<vmem>>, vector<16xi32>,
    tpu.vector_store %arg9[%swap3A_737, %swap3A_738], %get3A_735 {strides = array<i32>} : memref<64x16xi32, #tpu.memory_space<vmem>>, vector<16xi32>,
    %slice3A_740 = vector.extract_strided_slice %get3A_701 {offsets = [15], sizes = [1], strides = [1]} : vector<16xi32> to vector<1xi32>
    %squeeze3A_741 = vector.extract %slice3A_740[0] : i32 from vector<1xi32>
    %slice3A_742 = vector.extract_strided_slice %add3A_723 {offsets = [15], sizes = [1], strides = [1]} : vector<16xi32> to vector<1xi32>
    %squeeze3A_743 = vector.extract %slice3A_742[0] : i32 from vector<1xi32>
    %get3A_744 = arith.constant 272 : index
    %get3A_745 = tpu.vector_load %arg7[%get3A_744] {strides = array<i32>} : memref<1024xi32, #tpu.memory_space<vmem>>, vector<16xi32>,
    %lt3A_746 = arith.constant 0 : i32
    %lt3A_747 = vector.broadcast %lt3A_746 : i32 to vector<16xi32>
    %lt3A_748 = arith.cmpi slt, %and3A_7, %lt3A_747 : vector<16xi32>
    %add3A_749 = arith.constant 16 : i32
    %add3A_750 = vector.broadcast %add3A_749 : i32 to vector<16xi32>
    %add3A_751 = arith.addi %and3A_7, %add3A_750 : vector<16xi32>
    %select_n3A_752 = arith.select %lt3A_748, %add3A_751, %and3A_7 : vector<16xi1>, vector<16xi32>
    %broadcast_in_dim3A_753 = vector.shape_cast %select_n3A_752 : vector<16xi32> to vector<16x1xi32>
    %gather3A_754 = vector.shape_cast %broadcast_in_dim3A_753 : vector<16x1xi32> to vector<16xi32>
    %gather3A_755 = tpu.dynamic_gather %get3A_745[%gather3A_754] in [0] : vector<16xi32>, vector<16xi32> -> vector<16xi32>
    %eq3A_756 = arith.constant 0 : i32
    %eq3A_757 = vector.broadcast %eq3A_756 : i32 to vector<16xi32>
    %eq3A_758 = arith.cmpi eq, %iota3A, %eq3A_757 : vector<16xi32>
    %broadcast_in_dim3A_759 = vector.broadcast %squeeze3A_741 : i32 to vector<16xi32>
    %select_n3A_760 = arith.select %eq3A_758, %broadcast_in_dim3A_759, %gather3A_755 : vector<16xi1>, vector<16xi32>
    %ne3A_761 = arith.cmpi ne, %get3A_745, %select_n3A_760 : vector<16xi32>
    %convert_element_type3A_762 = arith.extui %ne3A_761 : vector<16xi1> to vector<16xi32>
    %broadcast_in_dim3A_763 = arith.constant true
    %broadcast_in_dim3A_764 = vector.broadcast %broadcast_in_dim3A_763 : i1 to vector<16xi1>
    %masked_cumsum3A_765 = tpu.scan <sum>, %convert_element_type3A_762 masked %broadcast_in_dim3A_764 : vector<16xi32>, vector<16xi1> -> vector<16xi32>
    %add3A_766 = vector.broadcast %squeeze3A_743 : i32 to vector<16xi32>
    %add3A_767 = arith.addi %add3A_766, %masked_cumsum3A_765 : vector<16xi32>
    %shift_right_logical3A_768 = arith.constant 7 : i32
    %shift_right_logical3A_769 = vector.broadcast %shift_right_logical3A_768 : i32 to vector<16xi32>
    %shift_right_logical3A_770 = arith.shrui %get3A_745, %shift_right_logical3A_769 : vector<16xi32>
    %eq3A_771 = arith.constant 1 : i32
    %eq3A_772 = vector.broadcast %eq3A_771 : i32 to vector<16xi32>
    %eq3A_773 = arith.cmpi eq, %convert_element_type3A_762, %eq3A_772 : vector<16xi32>
    tpu.vector_store_idx %arg11[%add3A_767], %shift_right_logical3A_770 masked %eq3A_773 : memref<1024xi32, #tpu.memory_space<vmem>>[vector<16xi32>], vector<16xi32>, vector<16xi1>
    %swap3A_774 = arith.constant 17 : i32
    %swap3A_775 = arith.index_cast %swap3A_774 : i32 to index
    %swap3A_776 = arith.constant 0 : index
    %swap3A_777 = tpu.vector_load %arg10[%swap3A_775, %swap3A_776] {strides = array<i32>} : memref<64x16xi32, #tpu.memory_space<vmem>>, vector<16xi32>,
    tpu.vector_store %arg10[%swap3A_775, %swap3A_776], %add3A_767 {strides = array<i32>} : memref<64x16xi32, #tpu.memory_space<vmem>>, vector<16xi32>,
    %get3A_778 = arith.constant 272 : index
    %get3A_779 = tpu.vector_load %arg8[%get3A_778] {strides = array<i32>} : memref<1024xi32, #tpu.memory_space<vmem>>, vector<16xi32>,
    %swap3A_780 = arith.constant 17 : i32
    %swap3A_781 = arith.index_cast %swap3A_780 : i32 to index
    %swap3A_782 = arith.constant 0 : index
    %swap3A_783 = tpu.vector_load %arg9[%swap3A_781, %swap3A_782] {strides = array<i32>} : memref<64x16xi32, #tpu.memory_space<vmem>>, vector<16xi32>,
    tpu.vector_store %arg9[%swap3A_781, %swap3A_782], %get3A_779 {strides = array<i32>} : memref<64x16xi32, #tpu.memory_space<vmem>>, vector<16xi32>,
    %slice3A_784 = vector.extract_strided_slice %get3A_745 {offsets = [15], sizes = [1], strides = [1]} : vector<16xi32> to vector<1xi32>
    %squeeze3A_785 = vector.extract %slice3A_784[0] : i32 from vector<1xi32>
    %slice3A_786 = vector.extract_strided_slice %add3A_767 {offsets = [15], sizes = [1], strides = [1]} : vector<16xi32> to vector<1xi32>
    %squeeze3A_787 = vector.extract %slice3A_786[0] : i32 from vector<1xi32>
    %get3A_788 = arith.constant 288 : index
    %get3A_789 = tpu.vector_load %arg7[%get3A_788] {strides = array<i32>} : memref<1024xi32, #tpu.memory_space<vmem>>, vector<16xi32>,
    %lt3A_790 = arith.constant 0 : i32
    %lt3A_791 = vector.broadcast %lt3A_790 : i32 to vector<16xi32>
    %lt3A_792 = arith.cmpi slt, %and3A_7, %lt3A_791 : vector<16xi32>
    %add3A_793 = arith.constant 16 : i32
    %add3A_794 = vector.broadcast %add3A_793 : i32 to vector<16xi32>
    %add3A_795 = arith.addi %and3A_7, %add3A_794 : vector<16xi32>
    %select_n3A_796 = arith.select %lt3A_792, %add3A_795, %and3A_7 : vector<16xi1>, vector<16xi32>
    %broadcast_in_dim3A_797 = vector.shape_cast %select_n3A_796 : vector<16xi32> to vector<16x1xi32>
    %gather3A_798 = vector.shape_cast %broadcast_in_dim3A_797 : vector<16x1xi32> to vector<16xi32>
    %gather3A_799 = tpu.dynamic_gather %get3A_789[%gather3A_798] in [0] : vector<16xi32>, vector<16xi32> -> vector<16xi32>
    %eq3A_800 = arith.constant 0 : i32
    %eq3A_801 = vector.broadcast %eq3A_800 : i32 to vector<16xi32>
    %eq3A_802 = arith.cmpi eq, %iota3A, %eq3A_801 : vector<16xi32>
    %broadcast_in_dim3A_803 = vector.broadcast %squeeze3A_785 : i32 to vector<16xi32>
    %select_n3A_804 = arith.select %eq3A_802, %broadcast_in_dim3A_803, %gather3A_799 : vector<16xi1>, vector<16xi32>
    %ne3A_805 = arith.cmpi ne, %get3A_789, %select_n3A_804 : vector<16xi32>
    %convert_element_type3A_806 = arith.extui %ne3A_805 : vector<16xi1> to vector<16xi32>
    %broadcast_in_dim3A_807 = arith.constant true
    %broadcast_in_dim3A_808 = vector.broadcast %broadcast_in_dim3A_807 : i1 to vector<16xi1>
    %masked_cumsum3A_809 = tpu.scan <sum>, %convert_element_type3A_806 masked %broadcast_in_dim3A_808 : vector<16xi32>, vector<16xi1> -> vector<16xi32>
    %add3A_810 = vector.broadcast %squeeze3A_787 : i32 to vector<16xi32>
    %add3A_811 = arith.addi %add3A_810, %masked_cumsum3A_809 : vector<16xi32>
    %shift_right_logical3A_812 = arith.constant 7 : i32
    %shift_right_logical3A_813 = vector.broadcast %shift_right_logical3A_812 : i32 to vector<16xi32>
    %shift_right_logical3A_814 = arith.shrui %get3A_789, %shift_right_logical3A_813 : vector<16xi32>
    %eq3A_815 = arith.constant 1 : i32
    %eq3A_816 = vector.broadcast %eq3A_815 : i32 to vector<16xi32>
    %eq3A_817 = arith.cmpi eq, %convert_element_type3A_806, %eq3A_816 : vector<16xi32>
    tpu.vector_store_idx %arg11[%add3A_811], %shift_right_logical3A_814 masked %eq3A_817 : memref<1024xi32, #tpu.memory_space<vmem>>[vector<16xi32>], vector<16xi32>, vector<16xi1>
    %swap3A_818 = arith.constant 18 : i32
    %swap3A_819 = arith.index_cast %swap3A_818 : i32 to index
    %swap3A_820 = arith.constant 0 : index
    %swap3A_821 = tpu.vector_load %arg10[%swap3A_819, %swap3A_820] {strides = array<i32>} : memref<64x16xi32, #tpu.memory_space<vmem>>, vector<16xi32>,
    tpu.vector_store %arg10[%swap3A_819, %swap3A_820], %add3A_811 {strides = array<i32>} : memref<64x16xi32, #tpu.memory_space<vmem>>, vector<16xi32>,
    %get3A_822 = arith.constant 288 : index
    %get3A_823 = tpu.vector_load %arg8[%get3A_822] {strides = array<i32>} : memref<1024xi32, #tpu.memory_space<vmem>>, vector<16xi32>,
    %swap3A_824 = arith.constant 18 : i32
    %swap3A_825 = arith.index_cast %swap3A_824 : i32 to index
    %swap3A_826 = arith.constant 0 : index
    %swap3A_827 = tpu.vector_load %arg9[%swap3A_825, %swap3A_826] {strides = array<i32>} : memref<64x16xi32, #tpu.memory_space<vmem>>, vector<16xi32>,
    tpu.vector_store %arg9[%swap3A_825, %swap3A_826], %get3A_823 {strides = array<i32>} : memref<64x16xi32, #tpu.memory_space<vmem>>, vector<16xi32>,
    %slice3A_828 = vector.extract_strided_slice %get3A_789 {offsets = [15], sizes = [1], strides = [1]} : vector<16xi32> to vector<1xi32>
    %squeeze3A_829 = vector.extract %slice3A_828[0] : i32 from vector<1xi32>
    %slice3A_830 = vector.extract_strided_slice %add3A_811 {offsets = [15], sizes = [1], strides = [1]} : vector<16xi32> to vector<1xi32>
    %squeeze3A_831 = vector.extract %slice3A_830[0] : i32 from vector<1xi32>
    %get3A_832 = arith.constant 304 : index
    %get3A_833 = tpu.vector_load %arg7[%get3A_832] {strides = array<i32>} : memref<1024xi32, #tpu.memory_space<vmem>>, vector<16xi32>,
    %lt3A_834 = arith.constant 0 : i32
    %lt3A_835 = vector.broadcast %lt3A_834 : i32 to vector<16xi32>
    %lt3A_836 = arith.cmpi slt, %and3A_7, %lt3A_835 : vector<16xi32>
    %add3A_837 = arith.constant 16 : i32
    %add3A_838 = vector.broadcast %add3A_837 : i32 to vector<16xi32>
    %add3A_839 = arith.addi %and3A_7, %add3A_838 : vector<16xi32>
    %select_n3A_840 = arith.select %lt3A_836, %add3A_839, %and3A_7 : vector<16xi1>, vector<16xi32>
    %broadcast_in_dim3A_841 = vector.shape_cast %select_n3A_840 : vector<16xi32> to vector<16x1xi32>
    %gather3A_842 = vector.shape_cast %broadcast_in_dim3A_841 : vector<16x1xi32> to vector<16xi32>
    %gather3A_843 = tpu.dynamic_gather %get3A_833[%gather3A_842] in [0] : vector<16xi32>, vector<16xi32> -> vector<16xi32>
    %eq3A_844 = arith.constant 0 : i32
    %eq3A_845 = vector.broadcast %eq3A_844 : i32 to vector<16xi32>
    %eq3A_846 = arith.cmpi eq, %iota3A, %eq3A_845 : vector<16xi32>
    %broadcast_in_dim3A_847 = vector.broadcast %squeeze3A_829 : i32 to vector<16xi32>
    %select_n3A_848 = arith.select %eq3A_846, %broadcast_in_dim3A_847, %gather3A_843 : vector<16xi1>, vector<16xi32>
    %ne3A_849 = arith.cmpi ne, %get3A_833, %select_n3A_848 : vector<16xi32>
    %convert_element_type3A_850 = arith.extui %ne3A_849 : vector<16xi1> to vector<16xi32>
    %broadcast_in_dim3A_851 = arith.constant true
    %broadcast_in_dim3A_852 = vector.broadcast %broadcast_in_dim3A_851 : i1 to vector<16xi1>
    %masked_cumsum3A_853 = tpu.scan <sum>, %convert_element_type3A_850 masked %broadcast_in_dim3A_852 : vector<16xi32>, vector<16xi1> -> vector<16xi32>
    %add3A_854 = vector.broadcast %squeeze3A_831 : i32 to vector<16xi32>
    %add3A_855 = arith.addi %add3A_854, %masked_cumsum3A_853 : vector<16xi32>
    %shift_right_logical3A_856 = arith.constant 7 : i32
    %shift_right_logical3A_857 = vector.broadcast %shift_right_logical3A_856 : i32 to vector<16xi32>
    %shift_right_logical3A_858 = arith.shrui %get3A_833, %shift_right_logical3A_857 : vector<16xi32>
    %eq3A_859 = arith.constant 1 : i32
    %eq3A_860 = vector.broadcast %eq3A_859 : i32 to vector<16xi32>
    %eq3A_861 = arith.cmpi eq, %convert_element_type3A_850, %eq3A_860 : vector<16xi32>
    tpu.vector_store_idx %arg11[%add3A_855], %shift_right_logical3A_858 masked %eq3A_861 : memref<1024xi32, #tpu.memory_space<vmem>>[vector<16xi32>], vector<16xi32>, vector<16xi1>
    %swap3A_862 = arith.constant 19 : i32
    %swap3A_863 = arith.index_cast %swap3A_862 : i32 to index
    %swap3A_864 = arith.constant 0 : index
    %swap3A_865 = tpu.vector_load %arg10[%swap3A_863, %swap3A_864] {strides = array<i32>} : memref<64x16xi32, #tpu.memory_space<vmem>>, vector<16xi32>,
    tpu.vector_store %arg10[%swap3A_863, %swap3A_864], %add3A_855 {strides = array<i32>} : memref<64x16xi32, #tpu.memory_space<vmem>>, vector<16xi32>,
    %get3A_866 = arith.constant 304 : index
    %get3A_867 = tpu.vector_load %arg8[%get3A_866] {strides = array<i32>} : memref<1024xi32, #tpu.memory_space<vmem>>, vector<16xi32>,
    %swap3A_868 = arith.constant 19 : i32
    %swap3A_869 = arith.index_cast %swap3A_868 : i32 to index
    %swap3A_870 = arith.constant 0 : index
    %swap3A_871 = tpu.vector_load %arg9[%swap3A_869, %swap3A_870] {strides = array<i32>} : memref<64x16xi32, #tpu.memory_space<vmem>>, vector<16xi32>,
    tpu.vector_store %arg9[%swap3A_869, %swap3A_870], %get3A_867 {strides = array<i32>} : memref<64x16xi32, #tpu.memory_space<vmem>>, vector<16xi32>,
    %slice3A_872 = vector.extract_strided_slice %get3A_833 {offsets = [15], sizes = [1], strides = [1]} : vector<16xi32> to vector<1xi32>
    %squeeze3A_873 = vector.extract %slice3A_872[0] : i32 from vector<1xi32>
    %slice3A_874 = vector.extract_strided_slice %add3A_855 {offsets = [15], sizes = [1], strides = [1]} : vector<16xi32> to vector<1xi32>
    %squeeze3A_875 = vector.extract %slice3A_874[0] : i32 from vector<1xi32>
    %get3A_876 = arith.constant 320 : index
    %get3A_877 = tpu.vector_load %arg7[%get3A_876] {strides = array<i32>} : memref<1024xi32, #tpu.memory_space<vmem>>, vector<16xi32>,
    %lt3A_878 = arith.constant 0 : i32
    %lt3A_879 = vector.broadcast %lt3A_878 : i32 to vector<16xi32>
    %lt3A_880 = arith.cmpi slt, %and3A_7, %lt3A_879 : vector<16xi32>
    %add3A_881 = arith.constant 16 : i32
    %add3A_882 = vector.broadcast %add3A_881 : i32 to vector<16xi32>
    %add3A_883 = arith.addi %and3A_7, %add3A_882 : vector<16xi32>
    %select_n3A_884 = arith.select %lt3A_880, %add3A_883, %and3A_7 : vector<16xi1>, vector<16xi32>
    %broadcast_in_dim3A_885 = vector.shape_cast %select_n3A_884 : vector<16xi32> to vector<16x1xi32>
    %gather3A_886 = vector.shape_cast %broadcast_in_dim3A_885 : vector<16x1xi32> to vector<16xi32>
    %gather3A_887 = tpu.dynamic_gather %get3A_877[%gather3A_886] in [0] : vector<16xi32>, vector<16xi32> -> vector<16xi32>
    %eq3A_888 = arith.constant 0 : i32
    %eq3A_889 = vector.broadcast %eq3A_888 : i32 to vector<16xi32>
    %eq3A_890 = arith.cmpi eq, %iota3A, %eq3A_889 : vector<16xi32>
    %broadcast_in_dim3A_891 = vector.broadcast %squeeze3A_873 : i32 to vector<16xi32>
    %select_n3A_892 = arith.select %eq3A_890, %broadcast_in_dim3A_891, %gather3A_887 : vector<16xi1>, vector<16xi32>
    %ne3A_893 = arith.cmpi ne, %get3A_877, %select_n3A_892 : vector<16xi32>
    %convert_element_type3A_894 = arith.extui %ne3A_893 : vector<16xi1> to vector<16xi32>
    %broadcast_in_dim3A_895 = arith.constant true
    %broadcast_in_dim3A_896 = vector.broadcast %broadcast_in_dim3A_895 : i1 to vector<16xi1>
    %masked_cumsum3A_897 = tpu.scan <sum>, %convert_element_type3A_894 masked %broadcast_in_dim3A_896 : vector<16xi32>, vector<16xi1> -> vector<16xi32>
    %add3A_898 = vector.broadcast %squeeze3A_875 : i32 to vector<16xi32>
    %add3A_899 = arith.addi %add3A_898, %masked_cumsum3A_897 : vector<16xi32>
    %shift_right_logical3A_900 = arith.constant 7 : i32
    %shift_right_logical3A_901 = vector.broadcast %shift_right_logical3A_900 : i32 to vector<16xi32>
    %shift_right_logical3A_902 = arith.shrui %get3A_877, %shift_right_logical3A_901 : vector<16xi32>
    %eq3A_903 = arith.constant 1 : i32
    %eq3A_904 = vector.broadcast %eq3A_903 : i32 to vector<16xi32>
    %eq3A_905 = arith.cmpi eq, %convert_element_type3A_894, %eq3A_904 : vector<16xi32>
    tpu.vector_store_idx %arg11[%add3A_899], %shift_right_logical3A_902 masked %eq3A_905 : memref<1024xi32, #tpu.memory_space<vmem>>[vector<16xi32>], vector<16xi32>, vector<16xi1>
    %swap3A_906 = arith.constant 20 : i32
    %swap3A_907 = arith.index_cast %swap3A_906 : i32 to index
    %swap3A_908 = arith.constant 0 : index
    %swap3A_909 = tpu.vector_load %arg10[%swap3A_907, %swap3A_908] {strides = array<i32>} : memref<64x16xi32, #tpu.memory_space<vmem>>, vector<16xi32>,
    tpu.vector_store %arg10[%swap3A_907, %swap3A_908], %add3A_899 {strides = array<i32>} : memref<64x16xi32, #tpu.memory_space<vmem>>, vector<16xi32>,
    %get3A_910 = arith.constant 320 : index
    %get3A_911 = tpu.vector_load %arg8[%get3A_910] {strides = array<i32>} : memref<1024xi32, #tpu.memory_space<vmem>>, vector<16xi32>,
    %swap3A_912 = arith.constant 20 : i32
    %swap3A_913 = arith.index_cast %swap3A_912 : i32 to index
    %swap3A_914 = arith.constant 0 : index
    %swap3A_915 = tpu.vector_load %arg9[%swap3A_913, %swap3A_914] {strides = array<i32>} : memref<64x16xi32, #tpu.memory_space<vmem>>, vector<16xi32>,
    tpu.vector_store %arg9[%swap3A_913, %swap3A_914], %get3A_911 {strides = array<i32>} : memref<64x16xi32, #tpu.memory_space<vmem>>, vector<16xi32>,
    %slice3A_916 = vector.extract_strided_slice %get3A_877 {offsets = [15], sizes = [1], strides = [1]} : vector<16xi32> to vector<1xi32>
    %squeeze3A_917 = vector.extract %slice3A_916[0] : i32 from vector<1xi32>
    %slice3A_918 = vector.extract_strided_slice %add3A_899 {offsets = [15], sizes = [1], strides = [1]} : vector<16xi32> to vector<1xi32>
    %squeeze3A_919 = vector.extract %slice3A_918[0] : i32 from vector<1xi32>
    %get3A_920 = arith.constant 336 : index
    %get3A_921 = tpu.vector_load %arg7[%get3A_920] {strides = array<i32>} : memref<1024xi32, #tpu.memory_space<vmem>>, vector<16xi32>,
    %lt3A_922 = arith.constant 0 : i32
    %lt3A_923 = vector.broadcast %lt3A_922 : i32 to vector<16xi32>
    %lt3A_924 = arith.cmpi slt, %and3A_7, %lt3A_923 : vector<16xi32>
    %add3A_925 = arith.constant 16 : i32
    %add3A_926 = vector.broadcast %add3A_925 : i32 to vector<16xi32>
    %add3A_927 = arith.addi %and3A_7, %add3A_926 : vector<16xi32>
    %select_n3A_928 = arith.select %lt3A_924, %add3A_927, %and3A_7 : vector<16xi1>, vector<16xi32>
    %broadcast_in_dim3A_929 = vector.shape_cast %select_n3A_928 : vector<16xi32> to vector<16x1xi32>
    %gather3A_930 = vector.shape_cast %broadcast_in_dim3A_929 : vector<16x1xi32> to vector<16xi32>
    %gather3A_931 = tpu.dynamic_gather %get3A_921[%gather3A_930] in [0] : vector<16xi32>, vector<16xi32> -> vector<16xi32>
    %eq3A_932 = arith.constant 0 : i32
    %eq3A_933 = vector.broadcast %eq3A_932 : i32 to vector<16xi32>
    %eq3A_934 = arith.cmpi eq, %iota3A, %eq3A_933 : vector<16xi32>
    %broadcast_in_dim3A_935 = vector.broadcast %squeeze3A_917 : i32 to vector<16xi32>
    %select_n3A_936 = arith.select %eq3A_934, %broadcast_in_dim3A_935, %gather3A_931 : vector<16xi1>, vector<16xi32>
    %ne3A_937 = arith.cmpi ne, %get3A_921, %select_n3A_936 : vector<16xi32>
    %convert_element_type3A_938 = arith.extui %ne3A_937 : vector<16xi1> to vector<16xi32>
    %broadcast_in_dim3A_939 = arith.constant true
    %broadcast_in_dim3A_940 = vector.broadcast %broadcast_in_dim3A_939 : i1 to vector<16xi1>
    %masked_cumsum3A_941 = tpu.scan <sum>, %convert_element_type3A_938 masked %broadcast_in_dim3A_940 : vector<16xi32>, vector<16xi1> -> vector<16xi32>
    %add3A_942 = vector.broadcast %squeeze3A_919 : i32 to vector<16xi32>
    %add3A_943 = arith.addi %add3A_942, %masked_cumsum3A_941 : vector<16xi32>
    %shift_right_logical3A_944 = arith.constant 7 : i32
    %shift_right_logical3A_945 = vector.broadcast %shift_right_logical3A_944 : i32 to vector<16xi32>
    %shift_right_logical3A_946 = arith.shrui %get3A_921, %shift_right_logical3A_945 : vector<16xi32>
    %eq3A_947 = arith.constant 1 : i32
    %eq3A_948 = vector.broadcast %eq3A_947 : i32 to vector<16xi32>
    %eq3A_949 = arith.cmpi eq, %convert_element_type3A_938, %eq3A_948 : vector<16xi32>
    tpu.vector_store_idx %arg11[%add3A_943], %shift_right_logical3A_946 masked %eq3A_949 : memref<1024xi32, #tpu.memory_space<vmem>>[vector<16xi32>], vector<16xi32>, vector<16xi1>
    %swap3A_950 = arith.constant 21 : i32
    %swap3A_951 = arith.index_cast %swap3A_950 : i32 to index
    %swap3A_952 = arith.constant 0 : index
    %swap3A_953 = tpu.vector_load %arg10[%swap3A_951, %swap3A_952] {strides = array<i32>} : memref<64x16xi32, #tpu.memory_space<vmem>>, vector<16xi32>,
    tpu.vector_store %arg10[%swap3A_951, %swap3A_952], %add3A_943 {strides = array<i32>} : memref<64x16xi32, #tpu.memory_space<vmem>>, vector<16xi32>,
    %get3A_954 = arith.constant 336 : index
    %get3A_955 = tpu.vector_load %arg8[%get3A_954] {strides = array<i32>} : memref<1024xi32, #tpu.memory_space<vmem>>, vector<16xi32>,
    %swap3A_956 = arith.constant 21 : i32
    %swap3A_957 = arith.index_cast %swap3A_956 : i32 to index
    %swap3A_958 = arith.constant 0 : index
    %swap3A_959 = tpu.vector_load %arg9[%swap3A_957, %swap3A_958] {strides = array<i32>} : memref<64x16xi32, #tpu.memory_space<vmem>>, vector<16xi32>,
    tpu.vector_store %arg9[%swap3A_957, %swap3A_958], %get3A_955 {strides = array<i32>} : memref<64x16xi32, #tpu.memory_space<vmem>>, vector<16xi32>,
    %slice3A_960 = vector.extract_strided_slice %get3A_921 {offsets = [15], sizes = [1], strides = [1]} : vector<16xi32> to vector<1xi32>
    %squeeze3A_961 = vector.extract %slice3A_960[0] : i32 from vector<1xi32>
    %slice3A_962 = vector.extract_strided_slice %add3A_943 {offsets = [15], sizes = [1], strides = [1]} : vector<16xi32> to vector<1xi32>
    %squeeze3A_963 = vector.extract %slice3A_962[0] : i32 from vector<1xi32>
    %get3A_964 = arith.constant 352 : index
    %get3A_965 = tpu.vector_load %arg7[%get3A_964] {strides = array<i32>} : memref<1024xi32, #tpu.memory_space<vmem>>, vector<16xi32>,
    %lt3A_966 = arith.constant 0 : i32
    %lt3A_967 = vector.broadcast %lt3A_966 : i32 to vector<16xi32>
    %lt3A_968 = arith.cmpi slt, %and3A_7, %lt3A_967 : vector<16xi32>
    %add3A_969 = arith.constant 16 : i32
    %add3A_970 = vector.broadcast %add3A_969 : i32 to vector<16xi32>
    %add3A_971 = arith.addi %and3A_7, %add3A_970 : vector<16xi32>
    %select_n3A_972 = arith.select %lt3A_968, %add3A_971, %and3A_7 : vector<16xi1>, vector<16xi32>
    %broadcast_in_dim3A_973 = vector.shape_cast %select_n3A_972 : vector<16xi32> to vector<16x1xi32>
    %gather3A_974 = vector.shape_cast %broadcast_in_dim3A_973 : vector<16x1xi32> to vector<16xi32>
    %gather3A_975 = tpu.dynamic_gather %get3A_965[%gather3A_974] in [0] : vector<16xi32>, vector<16xi32> -> vector<16xi32>
    %eq3A_976 = arith.constant 0 : i32
    %eq3A_977 = vector.broadcast %eq3A_976 : i32 to vector<16xi32>
    %eq3A_978 = arith.cmpi eq, %iota3A, %eq3A_977 : vector<16xi32>
    %broadcast_in_dim3A_979 = vector.broadcast %squeeze3A_961 : i32 to vector<16xi32>
    %select_n3A_980 = arith.select %eq3A_978, %broadcast_in_dim3A_979, %gather3A_975 : vector<16xi1>, vector<16xi32>
    %ne3A_981 = arith.cmpi ne, %get3A_965, %select_n3A_980 : vector<16xi32>
    %convert_element_type3A_982 = arith.extui %ne3A_981 : vector<16xi1> to vector<16xi32>
    %broadcast_in_dim3A_983 = arith.constant true
    %broadcast_in_dim3A_984 = vector.broadcast %broadcast_in_dim3A_983 : i1 to vector<16xi1>
    %masked_cumsum3A_985 = tpu.scan <sum>, %convert_element_type3A_982 masked %broadcast_in_dim3A_984 : vector<16xi32>, vector<16xi1> -> vector<16xi32>
    %add3A_986 = vector.broadcast %squeeze3A_963 : i32 to vector<16xi32>
    %add3A_987 = arith.addi %add3A_986, %masked_cumsum3A_985 : vector<16xi32>
    %shift_right_logical3A_988 = arith.constant 7 : i32
    %shift_right_logical3A_989 = vector.broadcast %shift_right_logical3A_988 : i32 to vector<16xi32>
    %shift_right_logical3A_990 = arith.shrui %get3A_965, %shift_right_logical3A_989 : vector<16xi32>
    %eq3A_991 = arith.constant 1 : i32
    %eq3A_992 = vector.broadcast %eq3A_991 : i32 to vector<16xi32>
    %eq3A_993 = arith.cmpi eq, %convert_element_type3A_982, %eq3A_992 : vector<16xi32>
    tpu.vector_store_idx %arg11[%add3A_987], %shift_right_logical3A_990 masked %eq3A_993 : memref<1024xi32, #tpu.memory_space<vmem>>[vector<16xi32>], vector<16xi32>, vector<16xi1>
    %swap3A_994 = arith.constant 22 : i32
    %swap3A_995 = arith.index_cast %swap3A_994 : i32 to index
    %swap3A_996 = arith.constant 0 : index
    %swap3A_997 = tpu.vector_load %arg10[%swap3A_995, %swap3A_996] {strides = array<i32>} : memref<64x16xi32, #tpu.memory_space<vmem>>, vector<16xi32>,
    tpu.vector_store %arg10[%swap3A_995, %swap3A_996], %add3A_987 {strides = array<i32>} : memref<64x16xi32, #tpu.memory_space<vmem>>, vector<16xi32>,
    %get3A_998 = arith.constant 352 : index
    %get3A_999 = tpu.vector_load %arg8[%get3A_998] {strides = array<i32>} : memref<1024xi32, #tpu.memory_space<vmem>>, vector<16xi32>,
    %swap3A_1000 = arith.constant 22 : i32
    %swap3A_1001 = arith.index_cast %swap3A_1000 : i32 to index
    %swap3A_1002 = arith.constant 0 : index
    %swap3A_1003 = tpu.vector_load %arg9[%swap3A_1001, %swap3A_1002] {strides = array<i32>} : memref<64x16xi32, #tpu.memory_space<vmem>>, vector<16xi32>,
    tpu.vector_store %arg9[%swap3A_1001, %swap3A_1002], %get3A_999 {strides = array<i32>} : memref<64x16xi32, #tpu.memory_space<vmem>>, vector<16xi32>,
    %slice3A_1004 = vector.extract_strided_slice %get3A_965 {offsets = [15], sizes = [1], strides = [1]} : vector<16xi32> to vector<1xi32>
    %squeeze3A_1005 = vector.extract %slice3A_1004[0] : i32 from vector<1xi32>
    %slice3A_1006 = vector.extract_strided_slice %add3A_987 {offsets = [15], sizes = [1], strides = [1]} : vector<16xi32> to vector<1xi32>
    %squeeze3A_1007 = vector.extract %slice3A_1006[0] : i32 from vector<1xi32>
    %get3A_1008 = arith.constant 368 : index
    %get3A_1009 = tpu.vector_load %arg7[%get3A_1008] {strides = array<i32>} : memref<1024xi32, #tpu.memory_space<vmem>>, vector<16xi32>,
    %lt3A_1010 = arith.constant 0 : i32
    %lt3A_1011 = vector.broadcast %lt3A_1010 : i32 to vector<16xi32>
    %lt3A_1012 = arith.cmpi slt, %and3A_7, %lt3A_1011 : vector<16xi32>
    %add3A_1013 = arith.constant 16 : i32
    %add3A_1014 = vector.broadcast %add3A_1013 : i32 to vector<16xi32>
    %add3A_1015 = arith.addi %and3A_7, %add3A_1014 : vector<16xi32>
    %select_n3A_1016 = arith.select %lt3A_1012, %add3A_1015, %and3A_7 : vector<16xi1>, vector<16xi32>
    %broadcast_in_dim3A_1017 = vector.shape_cast %select_n3A_1016 : vector<16xi32> to vector<16x1xi32>
    %gather3A_1018 = vector.shape_cast %broadcast_in_dim3A_1017 : vector<16x1xi32> to vector<16xi32>
    %gather3A_1019 = tpu.dynamic_gather %get3A_1009[%gather3A_1018] in [0] : vector<16xi32>, vector<16xi32> -> vector<16xi32>
    %eq3A_1020 = arith.constant 0 : i32
    %eq3A_1021 = vector.broadcast %eq3A_1020 : i32 to vector<16xi32>
    %eq3A_1022 = arith.cmpi eq, %iota3A, %eq3A_1021 : vector<16xi32>
    %broadcast_in_dim3A_1023 = vector.broadcast %squeeze3A_1005 : i32 to vector<16xi32>
    %select_n3A_1024 = arith.select %eq3A_1022, %broadcast_in_dim3A_1023, %gather3A_1019 : vector<16xi1>, vector<16xi32>
    %ne3A_1025 = arith.cmpi ne, %get3A_1009, %select_n3A_1024 : vector<16xi32>
    %convert_element_type3A_1026 = arith.extui %ne3A_1025 : vector<16xi1> to vector<16xi32>
    %broadcast_in_dim3A_1027 = arith.constant true
    %broadcast_in_dim3A_1028 = vector.broadcast %broadcast_in_dim3A_1027 : i1 to vector<16xi1>
    %masked_cumsum3A_1029 = tpu.scan <sum>, %convert_element_type3A_1026 masked %broadcast_in_dim3A_1028 : vector<16xi32>, vector<16xi1> -> vector<16xi32>
    %add3A_1030 = vector.broadcast %squeeze3A_1007 : i32 to vector<16xi32>
    %add3A_1031 = arith.addi %add3A_1030, %masked_cumsum3A_1029 : vector<16xi32>
    %shift_right_logical3A_1032 = arith.constant 7 : i32
    %shift_right_logical3A_1033 = vector.broadcast %shift_right_logical3A_1032 : i32 to vector<16xi32>
    %shift_right_logical3A_1034 = arith.shrui %get3A_1009, %shift_right_logical3A_1033 : vector<16xi32>
    %eq3A_1035 = arith.constant 1 : i32
    %eq3A_1036 = vector.broadcast %eq3A_1035 : i32 to vector<16xi32>
    %eq3A_1037 = arith.cmpi eq, %convert_element_type3A_1026, %eq3A_1036 : vector<16xi32>
    tpu.vector_store_idx %arg11[%add3A_1031], %shift_right_logical3A_1034 masked %eq3A_1037 : memref<1024xi32, #tpu.memory_space<vmem>>[vector<16xi32>], vector<16xi32>, vector<16xi1>
    %swap3A_1038 = arith.constant 23 : i32
    %swap3A_1039 = arith.index_cast %swap3A_1038 : i32 to index
    %swap3A_1040 = arith.constant 0 : index
    %swap3A_1041 = tpu.vector_load %arg10[%swap3A_1039, %swap3A_1040] {strides = array<i32>} : memref<64x16xi32, #tpu.memory_space<vmem>>, vector<16xi32>,
    tpu.vector_store %arg10[%swap3A_1039, %swap3A_1040], %add3A_1031 {strides = array<i32>} : memref<64x16xi32, #tpu.memory_space<vmem>>, vector<16xi32>,
    %get3A_1042 = arith.constant 368 : index
    %get3A_1043 = tpu.vector_load %arg8[%get3A_1042] {strides = array<i32>} : memref<1024xi32, #tpu.memory_space<vmem>>, vector<16xi32>,
    %swap3A_1044 = arith.constant 23 : i32
    %swap3A_1045 = arith.index_cast %swap3A_1044 : i32 to index
    %swap3A_1046 = arith.constant 0 : index
    %swap3A_1047 = tpu.vector_load %arg9[%swap3A_1045, %swap3A_1046] {strides = array<i32>} : memref<64x16xi32, #tpu.memory_space<vmem>>, vector<16xi32>,
    tpu.vector_store %arg9[%swap3A_1045, %swap3A_1046], %get3A_1043 {strides = array<i32>} : memref<64x16xi32, #tpu.memory_space<vmem>>, vector<16xi32>,
    %slice3A_1048 = vector.extract_strided_slice %get3A_1009 {offsets = [15], sizes = [1], strides = [1]} : vector<16xi32> to vector<1xi32>
    %squeeze3A_1049 = vector.extract %slice3A_1048[0] : i32 from vector<1xi32>
    %slice3A_1050 = vector.extract_strided_slice %add3A_1031 {offsets = [15], sizes = [1], strides = [1]} : vector<16xi32> to vector<1xi32>
    %squeeze3A_1051 = vector.extract %slice3A_1050[0] : i32 from vector<1xi32>
    %get3A_1052 = arith.constant 384 : index
    %get3A_1053 = tpu.vector_load %arg7[%get3A_1052] {strides = array<i32>} : memref<1024xi32, #tpu.memory_space<vmem>>, vector<16xi32>,
    %lt3A_1054 = arith.constant 0 : i32
    %lt3A_1055 = vector.broadcast %lt3A_1054 : i32 to vector<16xi32>
    %lt3A_1056 = arith.cmpi slt, %and3A_7, %lt3A_1055 : vector<16xi32>
    %add3A_1057 = arith.constant 16 : i32
    %add3A_1058 = vector.broadcast %add3A_1057 : i32 to vector<16xi32>
    %add3A_1059 = arith.addi %and3A_7, %add3A_1058 : vector<16xi32>
    %select_n3A_1060 = arith.select %lt3A_1056, %add3A_1059, %and3A_7 : vector<16xi1>, vector<16xi32>
    %broadcast_in_dim3A_1061 = vector.shape_cast %select_n3A_1060 : vector<16xi32> to vector<16x1xi32>
    %gather3A_1062 = vector.shape_cast %broadcast_in_dim3A_1061 : vector<16x1xi32> to vector<16xi32>
    %gather3A_1063 = tpu.dynamic_gather %get3A_1053[%gather3A_1062] in [0] : vector<16xi32>, vector<16xi32> -> vector<16xi32>
    %eq3A_1064 = arith.constant 0 : i32
    %eq3A_1065 = vector.broadcast %eq3A_1064 : i32 to vector<16xi32>
    %eq3A_1066 = arith.cmpi eq, %iota3A, %eq3A_1065 : vector<16xi32>
    %broadcast_in_dim3A_1067 = vector.broadcast %squeeze3A_1049 : i32 to vector<16xi32>
    %select_n3A_1068 = arith.select %eq3A_1066, %broadcast_in_dim3A_1067, %gather3A_1063 : vector<16xi1>, vector<16xi32>
    %ne3A_1069 = arith.cmpi ne, %get3A_1053, %select_n3A_1068 : vector<16xi32>
    %convert_element_type3A_1070 = arith.extui %ne3A_1069 : vector<16xi1> to vector<16xi32>
    %broadcast_in_dim3A_1071 = arith.constant true
    %broadcast_in_dim3A_1072 = vector.broadcast %broadcast_in_dim3A_1071 : i1 to vector<16xi1>
    %masked_cumsum3A_1073 = tpu.scan <sum>, %convert_element_type3A_1070 masked %broadcast_in_dim3A_1072 : vector<16xi32>, vector<16xi1> -> vector<16xi32>
    %add3A_1074 = vector.broadcast %squeeze3A_1051 : i32 to vector<16xi32>
    %add3A_1075 = arith.addi %add3A_1074, %masked_cumsum3A_1073 : vector<16xi32>
    %shift_right_logical3A_1076 = arith.constant 7 : i32
    %shift_right_logical3A_1077 = vector.broadcast %shift_right_logical3A_1076 : i32 to vector<16xi32>
    %shift_right_logical3A_1078 = arith.shrui %get3A_1053, %shift_right_logical3A_1077 : vector<16xi32>
    %eq3A_1079 = arith.constant 1 : i32
    %eq3A_1080 = vector.broadcast %eq3A_1079 : i32 to vector<16xi32>
    %eq3A_1081 = arith.cmpi eq, %convert_element_type3A_1070, %eq3A_1080 : vector<16xi32>
    tpu.vector_store_idx %arg11[%add3A_1075], %shift_right_logical3A_1078 masked %eq3A_1081 : memref<1024xi32, #tpu.memory_space<vmem>>[vector<16xi32>], vector<16xi32>, vector<16xi1>
    %swap3A_1082 = arith.constant 24 : i32
    %swap3A_1083 = arith.index_cast %swap3A_1082 : i32 to index
    %swap3A_1084 = arith.constant 0 : index
    %swap3A_1085 = tpu.vector_load %arg10[%swap3A_1083, %swap3A_1084] {strides = array<i32>} : memref<64x16xi32, #tpu.memory_space<vmem>>, vector<16xi32>,
    tpu.vector_store %arg10[%swap3A_1083, %swap3A_1084], %add3A_1075 {strides = array<i32>} : memref<64x16xi32, #tpu.memory_space<vmem>>, vector<16xi32>,
    %get3A_1086 = arith.constant 384 : index
    %get3A_1087 = tpu.vector_load %arg8[%get3A_1086] {strides = array<i32>} : memref<1024xi32, #tpu.memory_space<vmem>>, vector<16xi32>,
    %swap3A_1088 = arith.constant 24 : i32
    %swap3A_1089 = arith.index_cast %swap3A_1088 : i32 to index
    %swap3A_1090 = arith.constant 0 : index
    %swap3A_1091 = tpu.vector_load %arg9[%swap3A_1089, %swap3A_1090] {strides = array<i32>} : memref<64x16xi32, #tpu.memory_space<vmem>>, vector<16xi32>,
    tpu.vector_store %arg9[%swap3A_1089, %swap3A_1090], %get3A_1087 {strides = array<i32>} : memref<64x16xi32, #tpu.memory_space<vmem>>, vector<16xi32>,
    %slice3A_1092 = vector.extract_strided_slice %get3A_1053 {offsets = [15], sizes = [1], strides = [1]} : vector<16xi32> to vector<1xi32>
    %squeeze3A_1093 = vector.extract %slice3A_1092[0] : i32 from vector<1xi32>
    %slice3A_1094 = vector.extract_strided_slice %add3A_1075 {offsets = [15], sizes = [1], strides = [1]} : vector<16xi32> to vector<1xi32>
    %squeeze3A_1095 = vector.extract %slice3A_1094[0] : i32 from vector<1xi32>
    %get3A_1096 = arith.constant 400 : index
    %get3A_1097 = tpu.vector_load %arg7[%get3A_1096] {strides = array<i32>} : memref<1024xi32, #tpu.memory_space<vmem>>, vector<16xi32>,
    %lt3A_1098 = arith.constant 0 : i32
    %lt3A_1099 = vector.broadcast %lt3A_1098 : i32 to vector<16xi32>
    %lt3A_1100 = arith.cmpi slt, %and3A_7, %lt3A_1099 : vector<16xi32>
    %add3A_1101 = arith.constant 16 : i32
    %add3A_1102 = vector.broadcast %add3A_1101 : i32 to vector<16xi32>
    %add3A_1103 = arith.addi %and3A_7, %add3A_1102 : vector<16xi32>
    %select_n3A_1104 = arith.select %lt3A_1100, %add3A_1103, %and3A_7 : vector<16xi1>, vector<16xi32>
    %broadcast_in_dim3A_1105 = vector.shape_cast %select_n3A_1104 : vector<16xi32> to vector<16x1xi32>
    %gather3A_1106 = vector.shape_cast %broadcast_in_dim3A_1105 : vector<16x1xi32> to vector<16xi32>
    %gather3A_1107 = tpu.dynamic_gather %get3A_1097[%gather3A_1106] in [0] : vector<16xi32>, vector<16xi32> -> vector<16xi32>
    %eq3A_1108 = arith.constant 0 : i32
    %eq3A_1109 = vector.broadcast %eq3A_1108 : i32 to vector<16xi32>
    %eq3A_1110 = arith.cmpi eq, %iota3A, %eq3A_1109 : vector<16xi32>
    %broadcast_in_dim3A_1111 = vector.broadcast %squeeze3A_1093 : i32 to vector<16xi32>
    %select_n3A_1112 = arith.select %eq3A_1110, %broadcast_in_dim3A_1111, %gather3A_1107 : vector<16xi1>, vector<16xi32>
    %ne3A_1113 = arith.cmpi ne, %get3A_1097, %select_n3A_1112 : vector<16xi32>
    %convert_element_type3A_1114 = arith.extui %ne3A_1113 : vector<16xi1> to vector<16xi32>
    %broadcast_in_dim3A_1115 = arith.constant true
    %broadcast_in_dim3A_1116 = vector.broadcast %broadcast_in_dim3A_1115 : i1 to vector<16xi1>
    %masked_cumsum3A_1117 = tpu.scan <sum>, %convert_element_type3A_1114 masked %broadcast_in_dim3A_1116 : vector<16xi32>, vector<16xi1> -> vector<16xi32>
    %add3A_1118 = vector.broadcast %squeeze3A_1095 : i32 to vector<16xi32>
    %add3A_1119 = arith.addi %add3A_1118, %masked_cumsum3A_1117 : vector<16xi32>
    %shift_right_logical3A_1120 = arith.constant 7 : i32
    %shift_right_logical3A_1121 = vector.broadcast %shift_right_logical3A_1120 : i32 to vector<16xi32>
    %shift_right_logical3A_1122 = arith.shrui %get3A_1097, %shift_right_logical3A_1121 : vector<16xi32>
    %eq3A_1123 = arith.constant 1 : i32
    %eq3A_1124 = vector.broadcast %eq3A_1123 : i32 to vector<16xi32>
    %eq3A_1125 = arith.cmpi eq, %convert_element_type3A_1114, %eq3A_1124 : vector<16xi32>
    tpu.vector_store_idx %arg11[%add3A_1119], %shift_right_logical3A_1122 masked %eq3A_1125 : memref<1024xi32, #tpu.memory_space<vmem>>[vector<16xi32>], vector<16xi32>, vector<16xi1>
    %swap3A_1126 = arith.constant 25 : i32
    %swap3A_1127 = arith.index_cast %swap3A_1126 : i32 to index
    %swap3A_1128 = arith.constant 0 : index
    %swap3A_1129 = tpu.vector_load %arg10[%swap3A_1127, %swap3A_1128] {strides = array<i32>} : memref<64x16xi32, #tpu.memory_space<vmem>>, vector<16xi32>,
    tpu.vector_store %arg10[%swap3A_1127, %swap3A_1128], %add3A_1119 {strides = array<i32>} : memref<64x16xi32, #tpu.memory_space<vmem>>, vector<16xi32>,
    %get3A_1130 = arith.constant 400 : index
    %get3A_1131 = tpu.vector_load %arg8[%get3A_1130] {strides = array<i32>} : memref<1024xi32, #tpu.memory_space<vmem>>, vector<16xi32>,
    %swap3A_1132 = arith.constant 25 : i32
    %swap3A_1133 = arith.index_cast %swap3A_1132 : i32 to index
    %swap3A_1134 = arith.constant 0 : index
    %swap3A_1135 = tpu.vector_load %arg9[%swap3A_1133, %swap3A_1134] {strides = array<i32>} : memref<64x16xi32, #tpu.memory_space<vmem>>, vector<16xi32>,
    tpu.vector_store %arg9[%swap3A_1133, %swap3A_1134], %get3A_1131 {strides = array<i32>} : memref<64x16xi32, #tpu.memory_space<vmem>>, vector<16xi32>,
    %slice3A_1136 = vector.extract_strided_slice %get3A_1097 {offsets = [15], sizes = [1], strides = [1]} : vector<16xi32> to vector<1xi32>
    %squeeze3A_1137 = vector.extract %slice3A_1136[0] : i32 from vector<1xi32>
    %slice3A_1138 = vector.extract_strided_slice %add3A_1119 {offsets = [15], sizes = [1], strides = [1]} : vector<16xi32> to vector<1xi32>
    %squeeze3A_1139 = vector.extract %slice3A_1138[0] : i32 from vector<1xi32>
    %get3A_1140 = arith.constant 416 : index
    %get3A_1141 = tpu.vector_load %arg7[%get3A_1140] {strides = array<i32>} : memref<1024xi32, #tpu.memory_space<vmem>>, vector<16xi32>,
    %lt3A_1142 = arith.constant 0 : i32
    %lt3A_1143 = vector.broadcast %lt3A_1142 : i32 to vector<16xi32>
    %lt3A_1144 = arith.cmpi slt, %and3A_7, %lt3A_1143 : vector<16xi32>
    %add3A_1145 = arith.constant 16 : i32
    %add3A_1146 = vector.broadcast %add3A_1145 : i32 to vector<16xi32>
    %add3A_1147 = arith.addi %and3A_7, %add3A_1146 : vector<16xi32>
    %select_n3A_1148 = arith.select %lt3A_1144, %add3A_1147, %and3A_7 : vector<16xi1>, vector<16xi32>
    %broadcast_in_dim3A_1149 = vector.shape_cast %select_n3A_1148 : vector<16xi32> to vector<16x1xi32>
    %gather3A_1150 = vector.shape_cast %broadcast_in_dim3A_1149 : vector<16x1xi32> to vector<16xi32>
    %gather3A_1151 = tpu.dynamic_gather %get3A_1141[%gather3A_1150] in [0] : vector<16xi32>, vector<16xi32> -> vector<16xi32>
    %eq3A_1152 = arith.constant 0 : i32
    %eq3A_1153 = vector.broadcast %eq3A_1152 : i32 to vector<16xi32>
    %eq3A_1154 = arith.cmpi eq, %iota3A, %eq3A_1153 : vector<16xi32>
    %broadcast_in_dim3A_1155 = vector.broadcast %squeeze3A_1137 : i32 to vector<16xi32>
    %select_n3A_1156 = arith.select %eq3A_1154, %broadcast_in_dim3A_1155, %gather3A_1151 : vector<16xi1>, vector<16xi32>
    %ne3A_1157 = arith.cmpi ne, %get3A_1141, %select_n3A_1156 : vector<16xi32>
    %convert_element_type3A_1158 = arith.extui %ne3A_1157 : vector<16xi1> to vector<16xi32>
    %broadcast_in_dim3A_1159 = arith.constant true
    %broadcast_in_dim3A_1160 = vector.broadcast %broadcast_in_dim3A_1159 : i1 to vector<16xi1>
    %masked_cumsum3A_1161 = tpu.scan <sum>, %convert_element_type3A_1158 masked %broadcast_in_dim3A_1160 : vector<16xi32>, vector<16xi1> -> vector<16xi32>
    %add3A_1162 = vector.broadcast %squeeze3A_1139 : i32 to vector<16xi32>
    %add3A_1163 = arith.addi %add3A_1162, %masked_cumsum3A_1161 : vector<16xi32>
    %shift_right_logical3A_1164 = arith.constant 7 : i32
    %shift_right_logical3A_1165 = vector.broadcast %shift_right_logical3A_1164 : i32 to vector<16xi32>
    %shift_right_logical3A_1166 = arith.shrui %get3A_1141, %shift_right_logical3A_1165 : vector<16xi32>
    %eq3A_1167 = arith.constant 1 : i32
    %eq3A_1168 = vector.broadcast %eq3A_1167 : i32 to vector<16xi32>
    %eq3A_1169 = arith.cmpi eq, %convert_element_type3A_1158, %eq3A_1168 : vector<16xi32>
    tpu.vector_store_idx %arg11[%add3A_1163], %shift_right_logical3A_1166 masked %eq3A_1169 : memref<1024xi32, #tpu.memory_space<vmem>>[vector<16xi32>], vector<16xi32>, vector<16xi1>
    %swap3A_1170 = arith.constant 26 : i32
    %swap3A_1171 = arith.index_cast %swap3A_1170 : i32 to index
    %swap3A_1172 = arith.constant 0 : index
    %swap3A_1173 = tpu.vector_load %arg10[%swap3A_1171, %swap3A_1172] {strides = array<i32>} : memref<64x16xi32, #tpu.memory_space<vmem>>, vector<16xi32>,
    tpu.vector_store %arg10[%swap3A_1171, %swap3A_1172], %add3A_1163 {strides = array<i32>} : memref<64x16xi32, #tpu.memory_space<vmem>>, vector<16xi32>,
    %get3A_1174 = arith.constant 416 : index
    %get3A_1175 = tpu.vector_load %arg8[%get3A_1174] {strides = array<i32>} : memref<1024xi32, #tpu.memory_space<vmem>>, vector<16xi32>,
    %swap3A_1176 = arith.constant 26 : i32
    %swap3A_1177 = arith.index_cast %swap3A_1176 : i32 to index
    %swap3A_1178 = arith.constant 0 : index
    %swap3A_1179 = tpu.vector_load %arg9[%swap3A_1177, %swap3A_1178] {strides = array<i32>} : memref<64x16xi32, #tpu.memory_space<vmem>>, vector<16xi32>,
    tpu.vector_store %arg9[%swap3A_1177, %swap3A_1178], %get3A_1175 {strides = array<i32>} : memref<64x16xi32, #tpu.memory_space<vmem>>, vector<16xi32>,
    %slice3A_1180 = vector.extract_strided_slice %get3A_1141 {offsets = [15], sizes = [1], strides = [1]} : vector<16xi32> to vector<1xi32>
    %squeeze3A_1181 = vector.extract %slice3A_1180[0] : i32 from vector<1xi32>
    %slice3A_1182 = vector.extract_strided_slice %add3A_1163 {offsets = [15], sizes = [1], strides = [1]} : vector<16xi32> to vector<1xi32>
    %squeeze3A_1183 = vector.extract %slice3A_1182[0] : i32 from vector<1xi32>
    %get3A_1184 = arith.constant 432 : index
    %get3A_1185 = tpu.vector_load %arg7[%get3A_1184] {strides = array<i32>} : memref<1024xi32, #tpu.memory_space<vmem>>, vector<16xi32>,
    %lt3A_1186 = arith.constant 0 : i32
    %lt3A_1187 = vector.broadcast %lt3A_1186 : i32 to vector<16xi32>
    %lt3A_1188 = arith.cmpi slt, %and3A_7, %lt3A_1187 : vector<16xi32>
    %add3A_1189 = arith.constant 16 : i32
    %add3A_1190 = vector.broadcast %add3A_1189 : i32 to vector<16xi32>
    %add3A_1191 = arith.addi %and3A_7, %add3A_1190 : vector<16xi32>
    %select_n3A_1192 = arith.select %lt3A_1188, %add3A_1191, %and3A_7 : vector<16xi1>, vector<16xi32>
    %broadcast_in_dim3A_1193 = vector.shape_cast %select_n3A_1192 : vector<16xi32> to vector<16x1xi32>
    %gather3A_1194 = vector.shape_cast %broadcast_in_dim3A_1193 : vector<16x1xi32> to vector<16xi32>
    %gather3A_1195 = tpu.dynamic_gather %get3A_1185[%gather3A_1194] in [0] : vector<16xi32>, vector<16xi32> -> vector<16xi32>
    %eq3A_1196 = arith.constant 0 : i32
    %eq3A_1197 = vector.broadcast %eq3A_1196 : i32 to vector<16xi32>
    %eq3A_1198 = arith.cmpi eq, %iota3A, %eq3A_1197 : vector<16xi32>
    %broadcast_in_dim3A_1199 = vector.broadcast %squeeze3A_1181 : i32 to vector<16xi32>
    %select_n3A_1200 = arith.select %eq3A_1198, %broadcast_in_dim3A_1199, %gather3A_1195 : vector<16xi1>, vector<16xi32>
    %ne3A_1201 = arith.cmpi ne, %get3A_1185, %select_n3A_1200 : vector<16xi32>
    %convert_element_type3A_1202 = arith.extui %ne3A_1201 : vector<16xi1> to vector<16xi32>
    %broadcast_in_dim3A_1203 = arith.constant true
    %broadcast_in_dim3A_1204 = vector.broadcast %broadcast_in_dim3A_1203 : i1 to vector<16xi1>
    %masked_cumsum3A_1205 = tpu.scan <sum>, %convert_element_type3A_1202 masked %broadcast_in_dim3A_1204 : vector<16xi32>, vector<16xi1> -> vector<16xi32>
    %add3A_1206 = vector.broadcast %squeeze3A_1183 : i32 to vector<16xi32>
    %add3A_1207 = arith.addi %add3A_1206, %masked_cumsum3A_1205 : vector<16xi32>
    %shift_right_logical3A_1208 = arith.constant 7 : i32
    %shift_right_logical3A_1209 = vector.broadcast %shift_right_logical3A_1208 : i32 to vector<16xi32>
    %shift_right_logical3A_1210 = arith.shrui %get3A_1185, %shift_right_logical3A_1209 : vector<16xi32>
    %eq3A_1211 = arith.constant 1 : i32
    %eq3A_1212 = vector.broadcast %eq3A_1211 : i32 to vector<16xi32>
    %eq3A_1213 = arith.cmpi eq, %convert_element_type3A_1202, %eq3A_1212 : vector<16xi32>
    tpu.vector_store_idx %arg11[%add3A_1207], %shift_right_logical3A_1210 masked %eq3A_1213 : memref<1024xi32, #tpu.memory_space<vmem>>[vector<16xi32>], vector<16xi32>, vector<16xi1>
    %swap3A_1214 = arith.constant 27 : i32
    %swap3A_1215 = arith.index_cast %swap3A_1214 : i32 to index
    %swap3A_1216 = arith.constant 0 : index
    %swap3A_1217 = tpu.vector_load %arg10[%swap3A_1215, %swap3A_1216] {strides = array<i32>} : memref<64x16xi32, #tpu.memory_space<vmem>>, vector<16xi32>,
    tpu.vector_store %arg10[%swap3A_1215, %swap3A_1216], %add3A_1207 {strides = array<i32>} : memref<64x16xi32, #tpu.memory_space<vmem>>, vector<16xi32>,
    %get3A_1218 = arith.constant 432 : index
    %get3A_1219 = tpu.vector_load %arg8[%get3A_1218] {strides = array<i32>} : memref<1024xi32, #tpu.memory_space<vmem>>, vector<16xi32>,
    %swap3A_1220 = arith.constant 27 : i32
    %swap3A_1221 = arith.index_cast %swap3A_1220 : i32 to index
    %swap3A_1222 = arith.constant 0 : index
    %swap3A_1223 = tpu.vector_load %arg9[%swap3A_1221, %swap3A_1222] {strides = array<i32>} : memref<64x16xi32, #tpu.memory_space<vmem>>, vector<16xi32>,
    tpu.vector_store %arg9[%swap3A_1221, %swap3A_1222], %get3A_1219 {strides = array<i32>} : memref<64x16xi32, #tpu.memory_space<vmem>>, vector<16xi32>,
    %slice3A_1224 = vector.extract_strided_slice %get3A_1185 {offsets = [15], sizes = [1], strides = [1]} : vector<16xi32> to vector<1xi32>
    %squeeze3A_1225 = vector.extract %slice3A_1224[0] : i32 from vector<1xi32>
    %slice3A_1226 = vector.extract_strided_slice %add3A_1207 {offsets = [15], sizes = [1], strides = [1]} : vector<16xi32> to vector<1xi32>
    %squeeze3A_1227 = vector.extract %slice3A_1226[0] : i32 from vector<1xi32>
    %get3A_1228 = arith.constant 448 : index
    %get3A_1229 = tpu.vector_load %arg7[%get3A_1228] {strides = array<i32>} : memref<1024xi32, #tpu.memory_space<vmem>>, vector<16xi32>,
    %lt3A_1230 = arith.constant 0 : i32
    %lt3A_1231 = vector.broadcast %lt3A_1230 : i32 to vector<16xi32>
    %lt3A_1232 = arith.cmpi slt, %and3A_7, %lt3A_1231 : vector<16xi32>
    %add3A_1233 = arith.constant 16 : i32
    %add3A_1234 = vector.broadcast %add3A_1233 : i32 to vector<16xi32>
    %add3A_1235 = arith.addi %and3A_7, %add3A_1234 : vector<16xi32>
    %select_n3A_1236 = arith.select %lt3A_1232, %add3A_1235, %and3A_7 : vector<16xi1>, vector<16xi32>
    %broadcast_in_dim3A_1237 = vector.shape_cast %select_n3A_1236 : vector<16xi32> to vector<16x1xi32>
    %gather3A_1238 = vector.shape_cast %broadcast_in_dim3A_1237 : vector<16x1xi32> to vector<16xi32>
    %gather3A_1239 = tpu.dynamic_gather %get3A_1229[%gather3A_1238] in [0] : vector<16xi32>, vector<16xi32> -> vector<16xi32>
    %eq3A_1240 = arith.constant 0 : i32
    %eq3A_1241 = vector.broadcast %eq3A_1240 : i32 to vector<16xi32>
    %eq3A_1242 = arith.cmpi eq, %iota3A, %eq3A_1241 : vector<16xi32>
    %broadcast_in_dim3A_1243 = vector.broadcast %squeeze3A_1225 : i32 to vector<16xi32>
    %select_n3A_1244 = arith.select %eq3A_1242, %broadcast_in_dim3A_1243, %gather3A_1239 : vector<16xi1>, vector<16xi32>
    %ne3A_1245 = arith.cmpi ne, %get3A_1229, %select_n3A_1244 : vector<16xi32>
    %convert_element_type3A_1246 = arith.extui %ne3A_1245 : vector<16xi1> to vector<16xi32>
    %broadcast_in_dim3A_1247 = arith.constant true
    %broadcast_in_dim3A_1248 = vector.broadcast %broadcast_in_dim3A_1247 : i1 to vector<16xi1>
    %masked_cumsum3A_1249 = tpu.scan <sum>, %convert_element_type3A_1246 masked %broadcast_in_dim3A_1248 : vector<16xi32>, vector<16xi1> -> vector<16xi32>
    %add3A_1250 = vector.broadcast %squeeze3A_1227 : i32 to vector<16xi32>
    %add3A_1251 = arith.addi %add3A_1250, %masked_cumsum3A_1249 : vector<16xi32>
    %shift_right_logical3A_1252 = arith.constant 7 : i32
    %shift_right_logical3A_1253 = vector.broadcast %shift_right_logical3A_1252 : i32 to vector<16xi32>
    %shift_right_logical3A_1254 = arith.shrui %get3A_1229, %shift_right_logical3A_1253 : vector<16xi32>
    %eq3A_1255 = arith.constant 1 : i32
    %eq3A_1256 = vector.broadcast %eq3A_1255 : i32 to vector<16xi32>
    %eq3A_1257 = arith.cmpi eq, %convert_element_type3A_1246, %eq3A_1256 : vector<16xi32>
    tpu.vector_store_idx %arg11[%add3A_1251], %shift_right_logical3A_1254 masked %eq3A_1257 : memref<1024xi32, #tpu.memory_space<vmem>>[vector<16xi32>], vector<16xi32>, vector<16xi1>
    %swap3A_1258 = arith.constant 28 : i32
    %swap3A_1259 = arith.index_cast %swap3A_1258 : i32 to index
    %swap3A_1260 = arith.constant 0 : index
    %swap3A_1261 = tpu.vector_load %arg10[%swap3A_1259, %swap3A_1260] {strides = array<i32>} : memref<64x16xi32, #tpu.memory_space<vmem>>, vector<16xi32>,
    tpu.vector_store %arg10[%swap3A_1259, %swap3A_1260], %add3A_1251 {strides = array<i32>} : memref<64x16xi32, #tpu.memory_space<vmem>>, vector<16xi32>,
    %get3A_1262 = arith.constant 448 : index
    %get3A_1263 = tpu.vector_load %arg8[%get3A_1262] {strides = array<i32>} : memref<1024xi32, #tpu.memory_space<vmem>>, vector<16xi32>,
    %swap3A_1264 = arith.constant 28 : i32
    %swap3A_1265 = arith.index_cast %swap3A_1264 : i32 to index
    %swap3A_1266 = arith.constant 0 : index
    %swap3A_1267 = tpu.vector_load %arg9[%swap3A_1265, %swap3A_1266] {strides = array<i32>} : memref<64x16xi32, #tpu.memory_space<vmem>>, vector<16xi32>,
    tpu.vector_store %arg9[%swap3A_1265, %swap3A_1266], %get3A_1263 {strides = array<i32>} : memref<64x16xi32, #tpu.memory_space<vmem>>, vector<16xi32>,
    %slice3A_1268 = vector.extract_strided_slice %get3A_1229 {offsets = [15], sizes = [1], strides = [1]} : vector<16xi32> to vector<1xi32>
    %squeeze3A_1269 = vector.extract %slice3A_1268[0] : i32 from vector<1xi32>
    %slice3A_1270 = vector.extract_strided_slice %add3A_1251 {offsets = [15], sizes = [1], strides = [1]} : vector<16xi32> to vector<1xi32>
    %squeeze3A_1271 = vector.extract %slice3A_1270[0] : i32 from vector<1xi32>
    %get3A_1272 = arith.constant 464 : index
    %get3A_1273 = tpu.vector_load %arg7[%get3A_1272] {strides = array<i32>} : memref<1024xi32, #tpu.memory_space<vmem>>, vector<16xi32>,
    %lt3A_1274 = arith.constant 0 : i32
    %lt3A_1275 = vector.broadcast %lt3A_1274 : i32 to vector<16xi32>
    %lt3A_1276 = arith.cmpi slt, %and3A_7, %lt3A_1275 : vector<16xi32>
    %add3A_1277 = arith.constant 16 : i32
    %add3A_1278 = vector.broadcast %add3A_1277 : i32 to vector<16xi32>
    %add3A_1279 = arith.addi %and3A_7, %add3A_1278 : vector<16xi32>
    %select_n3A_1280 = arith.select %lt3A_1276, %add3A_1279, %and3A_7 : vector<16xi1>, vector<16xi32>
    %broadcast_in_dim3A_1281 = vector.shape_cast %select_n3A_1280 : vector<16xi32> to vector<16x1xi32>
    %gather3A_1282 = vector.shape_cast %broadcast_in_dim3A_1281 : vector<16x1xi32> to vector<16xi32>
    %gather3A_1283 = tpu.dynamic_gather %get3A_1273[%gather3A_1282] in [0] : vector<16xi32>, vector<16xi32> -> vector<16xi32>
    %eq3A_1284 = arith.constant 0 : i32
    %eq3A_1285 = vector.broadcast %eq3A_1284 : i32 to vector<16xi32>
    %eq3A_1286 = arith.cmpi eq, %iota3A, %eq3A_1285 : vector<16xi32>
    %broadcast_in_dim3A_1287 = vector.broadcast %squeeze3A_1269 : i32 to vector<16xi32>
    %select_n3A_1288 = arith.select %eq3A_1286, %broadcast_in_dim3A_1287, %gather3A_1283 : vector<16xi1>, vector<16xi32>
    %ne3A_1289 = arith.cmpi ne, %get3A_1273, %select_n3A_1288 : vector<16xi32>
    %convert_element_type3A_1290 = arith.extui %ne3A_1289 : vector<16xi1> to vector<16xi32>
    %broadcast_in_dim3A_1291 = arith.constant true
    %broadcast_in_dim3A_1292 = vector.broadcast %broadcast_in_dim3A_1291 : i1 to vector<16xi1>
    %masked_cumsum3A_1293 = tpu.scan <sum>, %convert_element_type3A_1290 masked %broadcast_in_dim3A_1292 : vector<16xi32>, vector<16xi1> -> vector<16xi32>
    %add3A_1294 = vector.broadcast %squeeze3A_1271 : i32 to vector<16xi32>
    %add3A_1295 = arith.addi %add3A_1294, %masked_cumsum3A_1293 : vector<16xi32>
    %shift_right_logical3A_1296 = arith.constant 7 : i32
    %shift_right_logical3A_1297 = vector.broadcast %shift_right_logical3A_1296 : i32 to vector<16xi32>
    %shift_right_logical3A_1298 = arith.shrui %get3A_1273, %shift_right_logical3A_1297 : vector<16xi32>
    %eq3A_1299 = arith.constant 1 : i32
    %eq3A_1300 = vector.broadcast %eq3A_1299 : i32 to vector<16xi32>
    %eq3A_1301 = arith.cmpi eq, %convert_element_type3A_1290, %eq3A_1300 : vector<16xi32>
    tpu.vector_store_idx %arg11[%add3A_1295], %shift_right_logical3A_1298 masked %eq3A_1301 : memref<1024xi32, #tpu.memory_space<vmem>>[vector<16xi32>], vector<16xi32>, vector<16xi1>
    %swap3A_1302 = arith.constant 29 : i32
    %swap3A_1303 = arith.index_cast %swap3A_1302 : i32 to index
    %swap3A_1304 = arith.constant 0 : index
    %swap3A_1305 = tpu.vector_load %arg10[%swap3A_1303, %swap3A_1304] {strides = array<i32>} : memref<64x16xi32, #tpu.memory_space<vmem>>, vector<16xi32>,
    tpu.vector_store %arg10[%swap3A_1303, %swap3A_1304], %add3A_1295 {strides = array<i32>} : memref<64x16xi32, #tpu.memory_space<vmem>>, vector<16xi32>,
    %get3A_1306 = arith.constant 464 : index
    %get3A_1307 = tpu.vector_load %arg8[%get3A_1306] {strides = array<i32>} : memref<1024xi32, #tpu.memory_space<vmem>>, vector<16xi32>,
    %swap3A_1308 = arith.constant 29 : i32
    %swap3A_1309 = arith.index_cast %swap3A_1308 : i32 to index
    %swap3A_1310 = arith.constant 0 : index
    %swap3A_1311 = tpu.vector_load %arg9[%swap3A_1309, %swap3A_1310] {strides = array<i32>} : memref<64x16xi32, #tpu.memory_space<vmem>>, vector<16xi32>,
    tpu.vector_store %arg9[%swap3A_1309, %swap3A_1310], %get3A_1307 {strides = array<i32>} : memref<64x16xi32, #tpu.memory_space<vmem>>, vector<16xi32>,
    %slice3A_1312 = vector.extract_strided_slice %get3A_1273 {offsets = [15], sizes = [1], strides = [1]} : vector<16xi32> to vector<1xi32>
    %squeeze3A_1313 = vector.extract %slice3A_1312[0] : i32 from vector<1xi32>
    %slice3A_1314 = vector.extract_strided_slice %add3A_1295 {offsets = [15], sizes = [1], strides = [1]} : vector<16xi32> to vector<1xi32>
    %squeeze3A_1315 = vector.extract %slice3A_1314[0] : i32 from vector<1xi32>
    %get3A_1316 = arith.constant 480 : index
    %get3A_1317 = tpu.vector_load %arg7[%get3A_1316] {strides = array<i32>} : memref<1024xi32, #tpu.memory_space<vmem>>, vector<16xi32>,
    %lt3A_1318 = arith.constant 0 : i32
    %lt3A_1319 = vector.broadcast %lt3A_1318 : i32 to vector<16xi32>
    %lt3A_1320 = arith.cmpi slt, %and3A_7, %lt3A_1319 : vector<16xi32>
    %add3A_1321 = arith.constant 16 : i32
    %add3A_1322 = vector.broadcast %add3A_1321 : i32 to vector<16xi32>
    %add3A_1323 = arith.addi %and3A_7, %add3A_1322 : vector<16xi32>
    %select_n3A_1324 = arith.select %lt3A_1320, %add3A_1323, %and3A_7 : vector<16xi1>, vector<16xi32>
    %broadcast_in_dim3A_1325 = vector.shape_cast %select_n3A_1324 : vector<16xi32> to vector<16x1xi32>
    %gather3A_1326 = vector.shape_cast %broadcast_in_dim3A_1325 : vector<16x1xi32> to vector<16xi32>
    %gather3A_1327 = tpu.dynamic_gather %get3A_1317[%gather3A_1326] in [0] : vector<16xi32>, vector<16xi32> -> vector<16xi32>
    %eq3A_1328 = arith.constant 0 : i32
    %eq3A_1329 = vector.broadcast %eq3A_1328 : i32 to vector<16xi32>
    %eq3A_1330 = arith.cmpi eq, %iota3A, %eq3A_1329 : vector<16xi32>
    %broadcast_in_dim3A_1331 = vector.broadcast %squeeze3A_1313 : i32 to vector<16xi32>
    %select_n3A_1332 = arith.select %eq3A_1330, %broadcast_in_dim3A_1331, %gather3A_1327 : vector<16xi1>, vector<16xi32>
    %ne3A_1333 = arith.cmpi ne, %get3A_1317, %select_n3A_1332 : vector<16xi32>
    %convert_element_type3A_1334 = arith.extui %ne3A_1333 : vector<16xi1> to vector<16xi32>
    %broadcast_in_dim3A_1335 = arith.constant true
    %broadcast_in_dim3A_1336 = vector.broadcast %broadcast_in_dim3A_1335 : i1 to vector<16xi1>
    %masked_cumsum3A_1337 = tpu.scan <sum>, %convert_element_type3A_1334 masked %broadcast_in_dim3A_1336 : vector<16xi32>, vector<16xi1> -> vector<16xi32>
    %add3A_1338 = vector.broadcast %squeeze3A_1315 : i32 to vector<16xi32>
    %add3A_1339 = arith.addi %add3A_1338, %masked_cumsum3A_1337 : vector<16xi32>
    %shift_right_logical3A_1340 = arith.constant 7 : i32
    %shift_right_logical3A_1341 = vector.broadcast %shift_right_logical3A_1340 : i32 to vector<16xi32>
    %shift_right_logical3A_1342 = arith.shrui %get3A_1317, %shift_right_logical3A_1341 : vector<16xi32>
    %eq3A_1343 = arith.constant 1 : i32
    %eq3A_1344 = vector.broadcast %eq3A_1343 : i32 to vector<16xi32>
    %eq3A_1345 = arith.cmpi eq, %convert_element_type3A_1334, %eq3A_1344 : vector<16xi32>
    tpu.vector_store_idx %arg11[%add3A_1339], %shift_right_logical3A_1342 masked %eq3A_1345 : memref<1024xi32, #tpu.memory_space<vmem>>[vector<16xi32>], vector<16xi32>, vector<16xi1>
    %swap3A_1346 = arith.constant 30 : i32
    %swap3A_1347 = arith.index_cast %swap3A_1346 : i32 to index
    %swap3A_1348 = arith.constant 0 : index
    %swap3A_1349 = tpu.vector_load %arg10[%swap3A_1347, %swap3A_1348] {strides = array<i32>} : memref<64x16xi32, #tpu.memory_space<vmem>>, vector<16xi32>,
    tpu.vector_store %arg10[%swap3A_1347, %swap3A_1348], %add3A_1339 {strides = array<i32>} : memref<64x16xi32, #tpu.memory_space<vmem>>, vector<16xi32>,
    %get3A_1350 = arith.constant 480 : index
    %get3A_1351 = tpu.vector_load %arg8[%get3A_1350] {strides = array<i32>} : memref<1024xi32, #tpu.memory_space<vmem>>, vector<16xi32>,
    %swap3A_1352 = arith.constant 30 : i32
    %swap3A_1353 = arith.index_cast %swap3A_1352 : i32 to index
    %swap3A_1354 = arith.constant 0 : index
    %swap3A_1355 = tpu.vector_load %arg9[%swap3A_1353, %swap3A_1354] {strides = array<i32>} : memref<64x16xi32, #tpu.memory_space<vmem>>, vector<16xi32>,
    tpu.vector_store %arg9[%swap3A_1353, %swap3A_1354], %get3A_1351 {strides = array<i32>} : memref<64x16xi32, #tpu.memory_space<vmem>>, vector<16xi32>,
    %slice3A_1356 = vector.extract_strided_slice %get3A_1317 {offsets = [15], sizes = [1], strides = [1]} : vector<16xi32> to vector<1xi32>
    %squeeze3A_1357 = vector.extract %slice3A_1356[0] : i32 from vector<1xi32>
    %slice3A_1358 = vector.extract_strided_slice %add3A_1339 {offsets = [15], sizes = [1], strides = [1]} : vector<16xi32> to vector<1xi32>
    %squeeze3A_1359 = vector.extract %slice3A_1358[0] : i32 from vector<1xi32>
    %get3A_1360 = arith.constant 496 : index
    %get3A_1361 = tpu.vector_load %arg7[%get3A_1360] {strides = array<i32>} : memref<1024xi32, #tpu.memory_space<vmem>>, vector<16xi32>,
    %lt3A_1362 = arith.constant 0 : i32
    %lt3A_1363 = vector.broadcast %lt3A_1362 : i32 to vector<16xi32>
    %lt3A_1364 = arith.cmpi slt, %and3A_7, %lt3A_1363 : vector<16xi32>
    %add3A_1365 = arith.constant 16 : i32
    %add3A_1366 = vector.broadcast %add3A_1365 : i32 to vector<16xi32>
    %add3A_1367 = arith.addi %and3A_7, %add3A_1366 : vector<16xi32>
    %select_n3A_1368 = arith.select %lt3A_1364, %add3A_1367, %and3A_7 : vector<16xi1>, vector<16xi32>
    %broadcast_in_dim3A_1369 = vector.shape_cast %select_n3A_1368 : vector<16xi32> to vector<16x1xi32>
    %gather3A_1370 = vector.shape_cast %broadcast_in_dim3A_1369 : vector<16x1xi32> to vector<16xi32>
    %gather3A_1371 = tpu.dynamic_gather %get3A_1361[%gather3A_1370] in [0] : vector<16xi32>, vector<16xi32> -> vector<16xi32>
    %eq3A_1372 = arith.constant 0 : i32
    %eq3A_1373 = vector.broadcast %eq3A_1372 : i32 to vector<16xi32>
    %eq3A_1374 = arith.cmpi eq, %iota3A, %eq3A_1373 : vector<16xi32>
    %broadcast_in_dim3A_1375 = vector.broadcast %squeeze3A_1357 : i32 to vector<16xi32>
    %select_n3A_1376 = arith.select %eq3A_1374, %broadcast_in_dim3A_1375, %gather3A_1371 : vector<16xi1>, vector<16xi32>
    %ne3A_1377 = arith.cmpi ne, %get3A_1361, %select_n3A_1376 : vector<16xi32>
    %convert_element_type3A_1378 = arith.extui %ne3A_1377 : vector<16xi1> to vector<16xi32>
    %broadcast_in_dim3A_1379 = arith.constant true
    %broadcast_in_dim3A_1380 = vector.broadcast %broadcast_in_dim3A_1379 : i1 to vector<16xi1>
    %masked_cumsum3A_1381 = tpu.scan <sum>, %convert_element_type3A_1378 masked %broadcast_in_dim3A_1380 : vector<16xi32>, vector<16xi1> -> vector<16xi32>
    %add3A_1382 = vector.broadcast %squeeze3A_1359 : i32 to vector<16xi32>
    %add3A_1383 = arith.addi %add3A_1382, %masked_cumsum3A_1381 : vector<16xi32>
    %shift_right_logical3A_1384 = arith.constant 7 : i32
    %shift_right_logical3A_1385 = vector.broadcast %shift_right_logical3A_1384 : i32 to vector<16xi32>
    %shift_right_logical3A_1386 = arith.shrui %get3A_1361, %shift_right_logical3A_1385 : vector<16xi32>
    %eq3A_1387 = arith.constant 1 : i32
    %eq3A_1388 = vector.broadcast %eq3A_1387 : i32 to vector<16xi32>
    %eq3A_1389 = arith.cmpi eq, %convert_element_type3A_1378, %eq3A_1388 : vector<16xi32>
    tpu.vector_store_idx %arg11[%add3A_1383], %shift_right_logical3A_1386 masked %eq3A_1389 : memref<1024xi32, #tpu.memory_space<vmem>>[vector<16xi32>], vector<16xi32>, vector<16xi1>
    %swap3A_1390 = arith.constant 31 : i32
    %swap3A_1391 = arith.index_cast %swap3A_1390 : i32 to index
    %swap3A_1392 = arith.constant 0 : index
    %swap3A_1393 = tpu.vector_load %arg10[%swap3A_1391, %swap3A_1392] {strides = array<i32>} : memref<64x16xi32, #tpu.memory_space<vmem>>, vector<16xi32>,
    tpu.vector_store %arg10[%swap3A_1391, %swap3A_1392], %add3A_1383 {strides = array<i32>} : memref<64x16xi32, #tpu.memory_space<vmem>>, vector<16xi32>,
    %get3A_1394 = arith.constant 496 : index
    %get3A_1395 = tpu.vector_load %arg8[%get3A_1394] {strides = array<i32>} : memref<1024xi32, #tpu.memory_space<vmem>>, vector<16xi32>,
    %swap3A_1396 = arith.constant 31 : i32
    %swap3A_1397 = arith.index_cast %swap3A_1396 : i32 to index
    %swap3A_1398 = arith.constant 0 : index
    %swap3A_1399 = tpu.vector_load %arg9[%swap3A_1397, %swap3A_1398] {strides = array<i32>} : memref<64x16xi32, #tpu.memory_space<vmem>>, vector<16xi32>,
    tpu.vector_store %arg9[%swap3A_1397, %swap3A_1398], %get3A_1395 {strides = array<i32>} : memref<64x16xi32, #tpu.memory_space<vmem>>, vector<16xi32>,
    %slice3A_1400 = vector.extract_strided_slice %get3A_1361 {offsets = [15], sizes = [1], strides = [1]} : vector<16xi32> to vector<1xi32>
    %squeeze3A_1401 = vector.extract %slice3A_1400[0] : i32 from vector<1xi32>
    %slice3A_1402 = vector.extract_strided_slice %add3A_1383 {offsets = [15], sizes = [1], strides = [1]} : vector<16xi32> to vector<1xi32>
    %squeeze3A_1403 = vector.extract %slice3A_1402[0] : i32 from vector<1xi32>
    %get3A_1404 = arith.constant 512 : index
    %get3A_1405 = tpu.vector_load %arg7[%get3A_1404] {strides = array<i32>} : memref<1024xi32, #tpu.memory_space<vmem>>, vector<16xi32>,
    %lt3A_1406 = arith.constant 0 : i32
    %lt3A_1407 = vector.broadcast %lt3A_1406 : i32 to vector<16xi32>
    %lt3A_1408 = arith.cmpi slt, %and3A_7, %lt3A_1407 : vector<16xi32>
    %add3A_1409 = arith.constant 16 : i32
    %add3A_1410 = vector.broadcast %add3A_1409 : i32 to vector<16xi32>
    %add3A_1411 = arith.addi %and3A_7, %add3A_1410 : vector<16xi32>
    %select_n3A_1412 = arith.select %lt3A_1408, %add3A_1411, %and3A_7 : vector<16xi1>, vector<16xi32>
    %broadcast_in_dim3A_1413 = vector.shape_cast %select_n3A_1412 : vector<16xi32> to vector<16x1xi32>
    %gather3A_1414 = vector.shape_cast %broadcast_in_dim3A_1413 : vector<16x1xi32> to vector<16xi32>
    %gather3A_1415 = tpu.dynamic_gather %get3A_1405[%gather3A_1414] in [0] : vector<16xi32>, vector<16xi32> -> vector<16xi32>
    %eq3A_1416 = arith.constant 0 : i32
    %eq3A_1417 = vector.broadcast %eq3A_1416 : i32 to vector<16xi32>
    %eq3A_1418 = arith.cmpi eq, %iota3A, %eq3A_1417 : vector<16xi32>
    %broadcast_in_dim3A_1419 = vector.broadcast %squeeze3A_1401 : i32 to vector<16xi32>
    %select_n3A_1420 = arith.select %eq3A_1418, %broadcast_in_dim3A_1419, %gather3A_1415 : vector<16xi1>, vector<16xi32>
    %ne3A_1421 = arith.cmpi ne, %get3A_1405, %select_n3A_1420 : vector<16xi32>
    %convert_element_type3A_1422 = arith.extui %ne3A_1421 : vector<16xi1> to vector<16xi32>
    %broadcast_in_dim3A_1423 = arith.constant true
    %broadcast_in_dim3A_1424 = vector.broadcast %broadcast_in_dim3A_1423 : i1 to vector<16xi1>
    %masked_cumsum3A_1425 = tpu.scan <sum>, %convert_element_type3A_1422 masked %broadcast_in_dim3A_1424 : vector<16xi32>, vector<16xi1> -> vector<16xi32>
    %add3A_1426 = vector.broadcast %squeeze3A_1403 : i32 to vector<16xi32>
    %add3A_1427 = arith.addi %add3A_1426, %masked_cumsum3A_1425 : vector<16xi32>
    %shift_right_logical3A_1428 = arith.constant 7 : i32
    %shift_right_logical3A_1429 = vector.broadcast %shift_right_logical3A_1428 : i32 to vector<16xi32>
    %shift_right_logical3A_1430 = arith.shrui %get3A_1405, %shift_right_logical3A_1429 : vector<16xi32>
    %eq3A_1431 = arith.constant 1 : i32
    %eq3A_1432 = vector.broadcast %eq3A_1431 : i32 to vector<16xi32>
    %eq3A_1433 = arith.cmpi eq, %convert_element_type3A_1422, %eq3A_1432 : vector<16xi32>
    tpu.vector_store_idx %arg11[%add3A_1427], %shift_right_logical3A_1430 masked %eq3A_1433 : memref<1024xi32, #tpu.memory_space<vmem>>[vector<16xi32>], vector<16xi32>, vector<16xi1>
    %swap3A_1434 = arith.constant 32 : i32
    %swap3A_1435 = arith.index_cast %swap3A_1434 : i32 to index
    %swap3A_1436 = arith.constant 0 : index
    %swap3A_1437 = tpu.vector_load %arg10[%swap3A_1435, %swap3A_1436] {strides = array<i32>} : memref<64x16xi32, #tpu.memory_space<vmem>>, vector<16xi32>,
    tpu.vector_store %arg10[%swap3A_1435, %swap3A_1436], %add3A_1427 {strides = array<i32>} : memref<64x16xi32, #tpu.memory_space<vmem>>, vector<16xi32>,
    %get3A_1438 = arith.constant 512 : index
    %get3A_1439 = tpu.vector_load %arg8[%get3A_1438] {strides = array<i32>} : memref<1024xi32, #tpu.memory_space<vmem>>, vector<16xi32>,
    %swap3A_1440 = arith.constant 32 : i32
    %swap3A_1441 = arith.index_cast %swap3A_1440 : i32 to index
    %swap3A_1442 = arith.constant 0 : index
    %swap3A_1443 = tpu.vector_load %arg9[%swap3A_1441, %swap3A_1442] {strides = array<i32>} : memref<64x16xi32, #tpu.memory_space<vmem>>, vector<16xi32>,
    tpu.vector_store %arg9[%swap3A_1441, %swap3A_1442], %get3A_1439 {strides = array<i32>} : memref<64x16xi32, #tpu.memory_space<vmem>>, vector<16xi32>,
    %slice3A_1444 = vector.extract_strided_slice %get3A_1405 {offsets = [15], sizes = [1], strides = [1]} : vector<16xi32> to vector<1xi32>
    %squeeze3A_1445 = vector.extract %slice3A_1444[0] : i32 from vector<1xi32>
    %slice3A_1446 = vector.extract_strided_slice %add3A_1427 {offsets = [15], sizes = [1], strides = [1]} : vector<16xi32> to vector<1xi32>
    %squeeze3A_1447 = vector.extract %slice3A_1446[0] : i32 from vector<1xi32>
    %get3A_1448 = arith.constant 528 : index
    %get3A_1449 = tpu.vector_load %arg7[%get3A_1448] {strides = array<i32>} : memref<1024xi32, #tpu.memory_space<vmem>>, vector<16xi32>,
    %lt3A_1450 = arith.constant 0 : i32
    %lt3A_1451 = vector.broadcast %lt3A_1450 : i32 to vector<16xi32>
    %lt3A_1452 = arith.cmpi slt, %and3A_7, %lt3A_1451 : vector<16xi32>
    %add3A_1453 = arith.constant 16 : i32
    %add3A_1454 = vector.broadcast %add3A_1453 : i32 to vector<16xi32>
    %add3A_1455 = arith.addi %and3A_7, %add3A_1454 : vector<16xi32>
    %select_n3A_1456 = arith.select %lt3A_1452, %add3A_1455, %and3A_7 : vector<16xi1>, vector<16xi32>
    %broadcast_in_dim3A_1457 = vector.shape_cast %select_n3A_1456 : vector<16xi32> to vector<16x1xi32>
    %gather3A_1458 = vector.shape_cast %broadcast_in_dim3A_1457 : vector<16x1xi32> to vector<16xi32>
    %gather3A_1459 = tpu.dynamic_gather %get3A_1449[%gather3A_1458] in [0] : vector<16xi32>, vector<16xi32> -> vector<16xi32>
    %eq3A_1460 = arith.constant 0 : i32
    %eq3A_1461 = vector.broadcast %eq3A_1460 : i32 to vector<16xi32>
    %eq3A_1462 = arith.cmpi eq, %iota3A, %eq3A_1461 : vector<16xi32>
    %broadcast_in_dim3A_1463 = vector.broadcast %squeeze3A_1445 : i32 to vector<16xi32>
    %select_n3A_1464 = arith.select %eq3A_1462, %broadcast_in_dim3A_1463, %gather3A_1459 : vector<16xi1>, vector<16xi32>
    %ne3A_1465 = arith.cmpi ne, %get3A_1449, %select_n3A_1464 : vector<16xi32>
    %convert_element_type3A_1466 = arith.extui %ne3A_1465 : vector<16xi1> to vector<16xi32>
    %broadcast_in_dim3A_1467 = arith.constant true
    %broadcast_in_dim3A_1468 = vector.broadcast %broadcast_in_dim3A_1467 : i1 to vector<16xi1>
    %masked_cumsum3A_1469 = tpu.scan <sum>, %convert_element_type3A_1466 masked %broadcast_in_dim3A_1468 : vector<16xi32>, vector<16xi1> -> vector<16xi32>
    %add3A_1470 = vector.broadcast %squeeze3A_1447 : i32 to vector<16xi32>
    %add3A_1471 = arith.addi %add3A_1470, %masked_cumsum3A_1469 : vector<16xi32>
    %shift_right_logical3A_1472 = arith.constant 7 : i32
    %shift_right_logical3A_1473 = vector.broadcast %shift_right_logical3A_1472 : i32 to vector<16xi32>
    %shift_right_logical3A_1474 = arith.shrui %get3A_1449, %shift_right_logical3A_1473 : vector<16xi32>
    %eq3A_1475 = arith.constant 1 : i32
    %eq3A_1476 = vector.broadcast %eq3A_1475 : i32 to vector<16xi32>
    %eq3A_1477 = arith.cmpi eq, %convert_element_type3A_1466, %eq3A_1476 : vector<16xi32>
    tpu.vector_store_idx %arg11[%add3A_1471], %shift_right_logical3A_1474 masked %eq3A_1477 : memref<1024xi32, #tpu.memory_space<vmem>>[vector<16xi32>], vector<16xi32>, vector<16xi1>
    %swap3A_1478 = arith.constant 33 : i32
    %swap3A_1479 = arith.index_cast %swap3A_1478 : i32 to index
    %swap3A_1480 = arith.constant 0 : index
    %swap3A_1481 = tpu.vector_load %arg10[%swap3A_1479, %swap3A_1480] {strides = array<i32>} : memref<64x16xi32, #tpu.memory_space<vmem>>, vector<16xi32>,
    tpu.vector_store %arg10[%swap3A_1479, %swap3A_1480], %add3A_1471 {strides = array<i32>} : memref<64x16xi32, #tpu.memory_space<vmem>>, vector<16xi32>,
    %get3A_1482 = arith.constant 528 : index
    %get3A_1483 = tpu.vector_load %arg8[%get3A_1482] {strides = array<i32>} : memref<1024xi32, #tpu.memory_space<vmem>>, vector<16xi32>,
    %swap3A_1484 = arith.constant 33 : i32
    %swap3A_1485 = arith.index_cast %swap3A_1484 : i32 to index
    %swap3A_1486 = arith.constant 0 : index
    %swap3A_1487 = tpu.vector_load %arg9[%swap3A_1485, %swap3A_1486] {strides = array<i32>} : memref<64x16xi32, #tpu.memory_space<vmem>>, vector<16xi32>,
    tpu.vector_store %arg9[%swap3A_1485, %swap3A_1486], %get3A_1483 {strides = array<i32>} : memref<64x16xi32, #tpu.memory_space<vmem>>, vector<16xi32>,
    %slice3A_1488 = vector.extract_strided_slice %get3A_1449 {offsets = [15], sizes = [1], strides = [1]} : vector<16xi32> to vector<1xi32>
    %squeeze3A_1489 = vector.extract %slice3A_1488[0] : i32 from vector<1xi32>
    %slice3A_1490 = vector.extract_strided_slice %add3A_1471 {offsets = [15], sizes = [1], strides = [1]} : vector<16xi32> to vector<1xi32>
    %squeeze3A_1491 = vector.extract %slice3A_1490[0] : i32 from vector<1xi32>
    %get3A_1492 = arith.constant 544 : index
    %get3A_1493 = tpu.vector_load %arg7[%get3A_1492] {strides = array<i32>} : memref<1024xi32, #tpu.memory_space<vmem>>, vector<16xi32>,
    %lt3A_1494 = arith.constant 0 : i32
    %lt3A_1495 = vector.broadcast %lt3A_1494 : i32 to vector<16xi32>
    %lt3A_1496 = arith.cmpi slt, %and3A_7, %lt3A_1495 : vector<16xi32>
    %add3A_1497 = arith.constant 16 : i32
    %add3A_1498 = vector.broadcast %add3A_1497 : i32 to vector<16xi32>
    %add3A_1499 = arith.addi %and3A_7, %add3A_1498 : vector<16xi32>
    %select_n3A_1500 = arith.select %lt3A_1496, %add3A_1499, %and3A_7 : vector<16xi1>, vector<16xi32>
    %broadcast_in_dim3A_1501 = vector.shape_cast %select_n3A_1500 : vector<16xi32> to vector<16x1xi32>
    %gather3A_1502 = vector.shape_cast %broadcast_in_dim3A_1501 : vector<16x1xi32> to vector<16xi32>
    %gather3A_1503 = tpu.dynamic_gather %get3A_1493[%gather3A_1502] in [0] : vector<16xi32>, vector<16xi32> -> vector<16xi32>
    %eq3A_1504 = arith.constant 0 : i32
    %eq3A_1505 = vector.broadcast %eq3A_1504 : i32 to vector<16xi32>
    %eq3A_1506 = arith.cmpi eq, %iota3A, %eq3A_1505 : vector<16xi32>
    %broadcast_in_dim3A_1507 = vector.broadcast %squeeze3A_1489 : i32 to vector<16xi32>
    %select_n3A_1508 = arith.select %eq3A_1506, %broadcast_in_dim3A_1507, %gather3A_1503 : vector<16xi1>, vector<16xi32>
    %ne3A_1509 = arith.cmpi ne, %get3A_1493, %select_n3A_1508 : vector<16xi32>
    %convert_element_type3A_1510 = arith.extui %ne3A_1509 : vector<16xi1> to vector<16xi32>
    %broadcast_in_dim3A_1511 = arith.constant true
    %broadcast_in_dim3A_1512 = vector.broadcast %broadcast_in_dim3A_1511 : i1 to vector<16xi1>
    %masked_cumsum3A_1513 = tpu.scan <sum>, %convert_element_type3A_1510 masked %broadcast_in_dim3A_1512 : vector<16xi32>, vector<16xi1> -> vector<16xi32>
    %add3A_1514 = vector.broadcast %squeeze3A_1491 : i32 to vector<16xi32>
    %add3A_1515 = arith.addi %add3A_1514, %masked_cumsum3A_1513 : vector<16xi32>
    %shift_right_logical3A_1516 = arith.constant 7 : i32
    %shift_right_logical3A_1517 = vector.broadcast %shift_right_logical3A_1516 : i32 to vector<16xi32>
    %shift_right_logical3A_1518 = arith.shrui %get3A_1493, %shift_right_logical3A_1517 : vector<16xi32>
    %eq3A_1519 = arith.constant 1 : i32
    %eq3A_1520 = vector.broadcast %eq3A_1519 : i32 to vector<16xi32>
    %eq3A_1521 = arith.cmpi eq, %convert_element_type3A_1510, %eq3A_1520 : vector<16xi32>
    tpu.vector_store_idx %arg11[%add3A_1515], %shift_right_logical3A_1518 masked %eq3A_1521 : memref<1024xi32, #tpu.memory_space<vmem>>[vector<16xi32>], vector<16xi32>, vector<16xi1>
    %swap3A_1522 = arith.constant 34 : i32
    %swap3A_1523 = arith.index_cast %swap3A_1522 : i32 to index
    %swap3A_1524 = arith.constant 0 : index
    %swap3A_1525 = tpu.vector_load %arg10[%swap3A_1523, %swap3A_1524] {strides = array<i32>} : memref<64x16xi32, #tpu.memory_space<vmem>>, vector<16xi32>,
    tpu.vector_store %arg10[%swap3A_1523, %swap3A_1524], %add3A_1515 {strides = array<i32>} : memref<64x16xi32, #tpu.memory_space<vmem>>, vector<16xi32>,
    %get3A_1526 = arith.constant 544 : index
    %get3A_1527 = tpu.vector_load %arg8[%get3A_1526] {strides = array<i32>} : memref<1024xi32, #tpu.memory_space<vmem>>, vector<16xi32>,
    %swap3A_1528 = arith.constant 34 : i32
    %swap3A_1529 = arith.index_cast %swap3A_1528 : i32 to index
    %swap3A_1530 = arith.constant 0 : index
    %swap3A_1531 = tpu.vector_load %arg9[%swap3A_1529, %swap3A_1530] {strides = array<i32>} : memref<64x16xi32, #tpu.memory_space<vmem>>, vector<16xi32>,
    tpu.vector_store %arg9[%swap3A_1529, %swap3A_1530], %get3A_1527 {strides = array<i32>} : memref<64x16xi32, #tpu.memory_space<vmem>>, vector<16xi32>,
    %slice3A_1532 = vector.extract_strided_slice %get3A_1493 {offsets = [15], sizes = [1], strides = [1]} : vector<16xi32> to vector<1xi32>
    %squeeze3A_1533 = vector.extract %slice3A_1532[0] : i32 from vector<1xi32>
    %slice3A_1534 = vector.extract_strided_slice %add3A_1515 {offsets = [15], sizes = [1], strides = [1]} : vector<16xi32> to vector<1xi32>
    %squeeze3A_1535 = vector.extract %slice3A_1534[0] : i32 from vector<1xi32>
    %get3A_1536 = arith.constant 560 : index
    %get3A_1537 = tpu.vector_load %arg7[%get3A_1536] {strides = array<i32>} : memref<1024xi32, #tpu.memory_space<vmem>>, vector<16xi32>,
    %lt3A_1538 = arith.constant 0 : i32
    %lt3A_1539 = vector.broadcast %lt3A_1538 : i32 to vector<16xi32>
    %lt3A_1540 = arith.cmpi slt, %and3A_7, %lt3A_1539 : vector<16xi32>
    %add3A_1541 = arith.constant 16 : i32
    %add3A_1542 = vector.broadcast %add3A_1541 : i32 to vector<16xi32>
    %add3A_1543 = arith.addi %and3A_7, %add3A_1542 : vector<16xi32>
    %select_n3A_1544 = arith.select %lt3A_1540, %add3A_1543, %and3A_7 : vector<16xi1>, vector<16xi32>
    %broadcast_in_dim3A_1545 = vector.shape_cast %select_n3A_1544 : vector<16xi32> to vector<16x1xi32>
    %gather3A_1546 = vector.shape_cast %broadcast_in_dim3A_1545 : vector<16x1xi32> to vector<16xi32>
    %gather3A_1547 = tpu.dynamic_gather %get3A_1537[%gather3A_1546] in [0] : vector<16xi32>, vector<16xi32> -> vector<16xi32>
    %eq3A_1548 = arith.constant 0 : i32
    %eq3A_1549 = vector.broadcast %eq3A_1548 : i32 to vector<16xi32>
    %eq3A_1550 = arith.cmpi eq, %iota3A, %eq3A_1549 : vector<16xi32>
    %broadcast_in_dim3A_1551 = vector.broadcast %squeeze3A_1533 : i32 to vector<16xi32>
    %select_n3A_1552 = arith.select %eq3A_1550, %broadcast_in_dim3A_1551, %gather3A_1547 : vector<16xi1>, vector<16xi32>
    %ne3A_1553 = arith.cmpi ne, %get3A_1537, %select_n3A_1552 : vector<16xi32>
    %convert_element_type3A_1554 = arith.extui %ne3A_1553 : vector<16xi1> to vector<16xi32>
    %broadcast_in_dim3A_1555 = arith.constant true
    %broadcast_in_dim3A_1556 = vector.broadcast %broadcast_in_dim3A_1555 : i1 to vector<16xi1>
    %masked_cumsum3A_1557 = tpu.scan <sum>, %convert_element_type3A_1554 masked %broadcast_in_dim3A_1556 : vector<16xi32>, vector<16xi1> -> vector<16xi32>
    %add3A_1558 = vector.broadcast %squeeze3A_1535 : i32 to vector<16xi32>
    %add3A_1559 = arith.addi %add3A_1558, %masked_cumsum3A_1557 : vector<16xi32>
    %shift_right_logical3A_1560 = arith.constant 7 : i32
    %shift_right_logical3A_1561 = vector.broadcast %shift_right_logical3A_1560 : i32 to vector<16xi32>
    %shift_right_logical3A_1562 = arith.shrui %get3A_1537, %shift_right_logical3A_1561 : vector<16xi32>
    %eq3A_1563 = arith.constant 1 : i32
    %eq3A_1564 = vector.broadcast %eq3A_1563 : i32 to vector<16xi32>
    %eq3A_1565 = arith.cmpi eq, %convert_element_type3A_1554, %eq3A_1564 : vector<16xi32>
    tpu.vector_store_idx %arg11[%add3A_1559], %shift_right_logical3A_1562 masked %eq3A_1565 : memref<1024xi32, #tpu.memory_space<vmem>>[vector<16xi32>], vector<16xi32>, vector<16xi1>
    %swap3A_1566 = arith.constant 35 : i32
    %swap3A_1567 = arith.index_cast %swap3A_1566 : i32 to index
    %swap3A_1568 = arith.constant 0 : index
    %swap3A_1569 = tpu.vector_load %arg10[%swap3A_1567, %swap3A_1568] {strides = array<i32>} : memref<64x16xi32, #tpu.memory_space<vmem>>, vector<16xi32>,
    tpu.vector_store %arg10[%swap3A_1567, %swap3A_1568], %add3A_1559 {strides = array<i32>} : memref<64x16xi32, #tpu.memory_space<vmem>>, vector<16xi32>,
    %get3A_1570 = arith.constant 560 : index
    %get3A_1571 = tpu.vector_load %arg8[%get3A_1570] {strides = array<i32>} : memref<1024xi32, #tpu.memory_space<vmem>>, vector<16xi32>,
    %swap3A_1572 = arith.constant 35 : i32
    %swap3A_1573 = arith.index_cast %swap3A_1572 : i32 to index
    %swap3A_1574 = arith.constant 0 : index
    %swap3A_1575 = tpu.vector_load %arg9[%swap3A_1573, %swap3A_1574] {strides = array<i32>} : memref<64x16xi32, #tpu.memory_space<vmem>>, vector<16xi32>,
    tpu.vector_store %arg9[%swap3A_1573, %swap3A_1574], %get3A_1571 {strides = array<i32>} : memref<64x16xi32, #tpu.memory_space<vmem>>, vector<16xi32>,
    %slice3A_1576 = vector.extract_strided_slice %get3A_1537 {offsets = [15], sizes = [1], strides = [1]} : vector<16xi32> to vector<1xi32>
    %squeeze3A_1577 = vector.extract %slice3A_1576[0] : i32 from vector<1xi32>
    %slice3A_1578 = vector.extract_strided_slice %add3A_1559 {offsets = [15], sizes = [1], strides = [1]} : vector<16xi32> to vector<1xi32>
    %squeeze3A_1579 = vector.extract %slice3A_1578[0] : i32 from vector<1xi32>
    %get3A_1580 = arith.constant 576 : index
    %get3A_1581 = tpu.vector_load %arg7[%get3A_1580] {strides = array<i32>} : memref<1024xi32, #tpu.memory_space<vmem>>, vector<16xi32>,
    %lt3A_1582 = arith.constant 0 : i32
    %lt3A_1583 = vector.broadcast %lt3A_1582 : i32 to vector<16xi32>
    %lt3A_1584 = arith.cmpi slt, %and3A_7, %lt3A_1583 : vector<16xi32>
    %add3A_1585 = arith.constant 16 : i32
    %add3A_1586 = vector.broadcast %add3A_1585 : i32 to vector<16xi32>
    %add3A_1587 = arith.addi %and3A_7, %add3A_1586 : vector<16xi32>
    %select_n3A_1588 = arith.select %lt3A_1584, %add3A_1587, %and3A_7 : vector<16xi1>, vector<16xi32>
    %broadcast_in_dim3A_1589 = vector.shape_cast %select_n3A_1588 : vector<16xi32> to vector<16x1xi32>
    %gather3A_1590 = vector.shape_cast %broadcast_in_dim3A_1589 : vector<16x1xi32> to vector<16xi32>
    %gather3A_1591 = tpu.dynamic_gather %get3A_1581[%gather3A_1590] in [0] : vector<16xi32>, vector<16xi32> -> vector<16xi32>
    %eq3A_1592 = arith.constant 0 : i32
    %eq3A_1593 = vector.broadcast %eq3A_1592 : i32 to vector<16xi32>
    %eq3A_1594 = arith.cmpi eq, %iota3A, %eq3A_1593 : vector<16xi32>
    %broadcast_in_dim3A_1595 = vector.broadcast %squeeze3A_1577 : i32 to vector<16xi32>
    %select_n3A_1596 = arith.select %eq3A_1594, %broadcast_in_dim3A_1595, %gather3A_1591 : vector<16xi1>, vector<16xi32>
    %ne3A_1597 = arith.cmpi ne, %get3A_1581, %select_n3A_1596 : vector<16xi32>
    %convert_element_type3A_1598 = arith.extui %ne3A_1597 : vector<16xi1> to vector<16xi32>
    %broadcast_in_dim3A_1599 = arith.constant true
    %broadcast_in_dim3A_1600 = vector.broadcast %broadcast_in_dim3A_1599 : i1 to vector<16xi1>
    %masked_cumsum3A_1601 = tpu.scan <sum>, %convert_element_type3A_1598 masked %broadcast_in_dim3A_1600 : vector<16xi32>, vector<16xi1> -> vector<16xi32>
    %add3A_1602 = vector.broadcast %squeeze3A_1579 : i32 to vector<16xi32>
    %add3A_1603 = arith.addi %add3A_1602, %masked_cumsum3A_1601 : vector<16xi32>
    %shift_right_logical3A_1604 = arith.constant 7 : i32
    %shift_right_logical3A_1605 = vector.broadcast %shift_right_logical3A_1604 : i32 to vector<16xi32>
    %shift_right_logical3A_1606 = arith.shrui %get3A_1581, %shift_right_logical3A_1605 : vector<16xi32>
    %eq3A_1607 = arith.constant 1 : i32
    %eq3A_1608 = vector.broadcast %eq3A_1607 : i32 to vector<16xi32>
    %eq3A_1609 = arith.cmpi eq, %convert_element_type3A_1598, %eq3A_1608 : vector<16xi32>
    tpu.vector_store_idx %arg11[%add3A_1603], %shift_right_logical3A_1606 masked %eq3A_1609 : memref<1024xi32, #tpu.memory_space<vmem>>[vector<16xi32>], vector<16xi32>, vector<16xi1>
    %swap3A_1610 = arith.constant 36 : i32
    %swap3A_1611 = arith.index_cast %swap3A_1610 : i32 to index
    %swap3A_1612 = arith.constant 0 : index
    %swap3A_1613 = tpu.vector_load %arg10[%swap3A_1611, %swap3A_1612] {strides = array<i32>} : memref<64x16xi32, #tpu.memory_space<vmem>>, vector<16xi32>,
    tpu.vector_store %arg10[%swap3A_1611, %swap3A_1612], %add3A_1603 {strides = array<i32>} : memref<64x16xi32, #tpu.memory_space<vmem>>, vector<16xi32>,
    %get3A_1614 = arith.constant 576 : index
    %get3A_1615 = tpu.vector_load %arg8[%get3A_1614] {strides = array<i32>} : memref<1024xi32, #tpu.memory_space<vmem>>, vector<16xi32>,
    %swap3A_1616 = arith.constant 36 : i32
    %swap3A_1617 = arith.index_cast %swap3A_1616 : i32 to index
    %swap3A_1618 = arith.constant 0 : index
    %swap3A_1619 = tpu.vector_load %arg9[%swap3A_1617, %swap3A_1618] {strides = array<i32>} : memref<64x16xi32, #tpu.memory_space<vmem>>, vector<16xi32>,
    tpu.vector_store %arg9[%swap3A_1617, %swap3A_1618], %get3A_1615 {strides = array<i32>} : memref<64x16xi32, #tpu.memory_space<vmem>>, vector<16xi32>,
    %slice3A_1620 = vector.extract_strided_slice %get3A_1581 {offsets = [15], sizes = [1], strides = [1]} : vector<16xi32> to vector<1xi32>
    %squeeze3A_1621 = vector.extract %slice3A_1620[0] : i32 from vector<1xi32>
    %slice3A_1622 = vector.extract_strided_slice %add3A_1603 {offsets = [15], sizes = [1], strides = [1]} : vector<16xi32> to vector<1xi32>
    %squeeze3A_1623 = vector.extract %slice3A_1622[0] : i32 from vector<1xi32>
    %get3A_1624 = arith.constant 592 : index
    %get3A_1625 = tpu.vector_load %arg7[%get3A_1624] {strides = array<i32>} : memref<1024xi32, #tpu.memory_space<vmem>>, vector<16xi32>,
    %lt3A_1626 = arith.constant 0 : i32
    %lt3A_1627 = vector.broadcast %lt3A_1626 : i32 to vector<16xi32>
    %lt3A_1628 = arith.cmpi slt, %and3A_7, %lt3A_1627 : vector<16xi32>
    %add3A_1629 = arith.constant 16 : i32
    %add3A_1630 = vector.broadcast %add3A_1629 : i32 to vector<16xi32>
    %add3A_1631 = arith.addi %and3A_7, %add3A_1630 : vector<16xi32>
    %select_n3A_1632 = arith.select %lt3A_1628, %add3A_1631, %and3A_7 : vector<16xi1>, vector<16xi32>
    %broadcast_in_dim3A_1633 = vector.shape_cast %select_n3A_1632 : vector<16xi32> to vector<16x1xi32>
    %gather3A_1634 = vector.shape_cast %broadcast_in_dim3A_1633 : vector<16x1xi32> to vector<16xi32>
    %gather3A_1635 = tpu.dynamic_gather %get3A_1625[%gather3A_1634] in [0] : vector<16xi32>, vector<16xi32> -> vector<16xi32>
    %eq3A_1636 = arith.constant 0 : i32
    %eq3A_1637 = vector.broadcast %eq3A_1636 : i32 to vector<16xi32>
    %eq3A_1638 = arith.cmpi eq, %iota3A, %eq3A_1637 : vector<16xi32>
    %broadcast_in_dim3A_1639 = vector.broadcast %squeeze3A_1621 : i32 to vector<16xi32>
    %select_n3A_1640 = arith.select %eq3A_1638, %broadcast_in_dim3A_1639, %gather3A_1635 : vector<16xi1>, vector<16xi32>
    %ne3A_1641 = arith.cmpi ne, %get3A_1625, %select_n3A_1640 : vector<16xi32>
    %convert_element_type3A_1642 = arith.extui %ne3A_1641 : vector<16xi1> to vector<16xi32>
    %broadcast_in_dim3A_1643 = arith.constant true
    %broadcast_in_dim3A_1644 = vector.broadcast %broadcast_in_dim3A_1643 : i1 to vector<16xi1>
    %masked_cumsum3A_1645 = tpu.scan <sum>, %convert_element_type3A_1642 masked %broadcast_in_dim3A_1644 : vector<16xi32>, vector<16xi1> -> vector<16xi32>
    %add3A_1646 = vector.broadcast %squeeze3A_1623 : i32 to vector<16xi32>
    %add3A_1647 = arith.addi %add3A_1646, %masked_cumsum3A_1645 : vector<16xi32>
    %shift_right_logical3A_1648 = arith.constant 7 : i32
    %shift_right_logical3A_1649 = vector.broadcast %shift_right_logical3A_1648 : i32 to vector<16xi32>
    %shift_right_logical3A_1650 = arith.shrui %get3A_1625, %shift_right_logical3A_1649 : vector<16xi32>
    %eq3A_1651 = arith.constant 1 : i32
    %eq3A_1652 = vector.broadcast %eq3A_1651 : i32 to vector<16xi32>
    %eq3A_1653 = arith.cmpi eq, %convert_element_type3A_1642, %eq3A_1652 : vector<16xi32>
    tpu.vector_store_idx %arg11[%add3A_1647], %shift_right_logical3A_1650 masked %eq3A_1653 : memref<1024xi32, #tpu.memory_space<vmem>>[vector<16xi32>], vector<16xi32>, vector<16xi1>
    %swap3A_1654 = arith.constant 37 : i32
    %swap3A_1655 = arith.index_cast %swap3A_1654 : i32 to index
    %swap3A_1656 = arith.constant 0 : index
    %swap3A_1657 = tpu.vector_load %arg10[%swap3A_1655, %swap3A_1656] {strides = array<i32>} : memref<64x16xi32, #tpu.memory_space<vmem>>, vector<16xi32>,
    tpu.vector_store %arg10[%swap3A_1655, %swap3A_1656], %add3A_1647 {strides = array<i32>} : memref<64x16xi32, #tpu.memory_space<vmem>>, vector<16xi32>,
    %get3A_1658 = arith.constant 592 : index
    %get3A_1659 = tpu.vector_load %arg8[%get3A_1658] {strides = array<i32>} : memref<1024xi32, #tpu.memory_space<vmem>>, vector<16xi32>,
    %swap3A_1660 = arith.constant 37 : i32
    %swap3A_1661 = arith.index_cast %swap3A_1660 : i32 to index
    %swap3A_1662 = arith.constant 0 : index
    %swap3A_1663 = tpu.vector_load %arg9[%swap3A_1661, %swap3A_1662] {strides = array<i32>} : memref<64x16xi32, #tpu.memory_space<vmem>>, vector<16xi32>,
    tpu.vector_store %arg9[%swap3A_1661, %swap3A_1662], %get3A_1659 {strides = array<i32>} : memref<64x16xi32, #tpu.memory_space<vmem>>, vector<16xi32>,
    %slice3A_1664 = vector.extract_strided_slice %get3A_1625 {offsets = [15], sizes = [1], strides = [1]} : vector<16xi32> to vector<1xi32>
    %squeeze3A_1665 = vector.extract %slice3A_1664[0] : i32 from vector<1xi32>
    %slice3A_1666 = vector.extract_strided_slice %add3A_1647 {offsets = [15], sizes = [1], strides = [1]} : vector<16xi32> to vector<1xi32>
    %squeeze3A_1667 = vector.extract %slice3A_1666[0] : i32 from vector<1xi32>
    %get3A_1668 = arith.constant 608 : index
    %get3A_1669 = tpu.vector_load %arg7[%get3A_1668] {strides = array<i32>} : memref<1024xi32, #tpu.memory_space<vmem>>, vector<16xi32>,
    %lt3A_1670 = arith.constant 0 : i32
    %lt3A_1671 = vector.broadcast %lt3A_1670 : i32 to vector<16xi32>
    %lt3A_1672 = arith.cmpi slt, %and3A_7, %lt3A_1671 : vector<16xi32>
    %add3A_1673 = arith.constant 16 : i32
    %add3A_1674 = vector.broadcast %add3A_1673 : i32 to vector<16xi32>
    %add3A_1675 = arith.addi %and3A_7, %add3A_1674 : vector<16xi32>
    %select_n3A_1676 = arith.select %lt3A_1672, %add3A_1675, %and3A_7 : vector<16xi1>, vector<16xi32>
    %broadcast_in_dim3A_1677 = vector.shape_cast %select_n3A_1676 : vector<16xi32> to vector<16x1xi32>
    %gather3A_1678 = vector.shape_cast %broadcast_in_dim3A_1677 : vector<16x1xi32> to vector<16xi32>
    %gather3A_1679 = tpu.dynamic_gather %get3A_1669[%gather3A_1678] in [0] : vector<16xi32>, vector<16xi32> -> vector<16xi32>
    %eq3A_1680 = arith.constant 0 : i32
    %eq3A_1681 = vector.broadcast %eq3A_1680 : i32 to vector<16xi32>
    %eq3A_1682 = arith.cmpi eq, %iota3A, %eq3A_1681 : vector<16xi32>
    %broadcast_in_dim3A_1683 = vector.broadcast %squeeze3A_1665 : i32 to vector<16xi32>
    %select_n3A_1684 = arith.select %eq3A_1682, %broadcast_in_dim3A_1683, %gather3A_1679 : vector<16xi1>, vector<16xi32>
    %ne3A_1685 = arith.cmpi ne, %get3A_1669, %select_n3A_1684 : vector<16xi32>
    %convert_element_type3A_1686 = arith.extui %ne3A_1685 : vector<16xi1> to vector<16xi32>
    %broadcast_in_dim3A_1687 = arith.constant true
    %broadcast_in_dim3A_1688 = vector.broadcast %broadcast_in_dim3A_1687 : i1 to vector<16xi1>
    %masked_cumsum3A_1689 = tpu.scan <sum>, %convert_element_type3A_1686 masked %broadcast_in_dim3A_1688 : vector<16xi32>, vector<16xi1> -> vector<16xi32>
    %add3A_1690 = vector.broadcast %squeeze3A_1667 : i32 to vector<16xi32>
    %add3A_1691 = arith.addi %add3A_1690, %masked_cumsum3A_1689 : vector<16xi32>
    %shift_right_logical3A_1692 = arith.constant 7 : i32
    %shift_right_logical3A_1693 = vector.broadcast %shift_right_logical3A_1692 : i32 to vector<16xi32>
    %shift_right_logical3A_1694 = arith.shrui %get3A_1669, %shift_right_logical3A_1693 : vector<16xi32>
    %eq3A_1695 = arith.constant 1 : i32
    %eq3A_1696 = vector.broadcast %eq3A_1695 : i32 to vector<16xi32>
    %eq3A_1697 = arith.cmpi eq, %convert_element_type3A_1686, %eq3A_1696 : vector<16xi32>
    tpu.vector_store_idx %arg11[%add3A_1691], %shift_right_logical3A_1694 masked %eq3A_1697 : memref<1024xi32, #tpu.memory_space<vmem>>[vector<16xi32>], vector<16xi32>, vector<16xi1>
    %swap3A_1698 = arith.constant 38 : i32
    %swap3A_1699 = arith.index_cast %swap3A_1698 : i32 to index
    %swap3A_1700 = arith.constant 0 : index
    %swap3A_1701 = tpu.vector_load %arg10[%swap3A_1699, %swap3A_1700] {strides = array<i32>} : memref<64x16xi32, #tpu.memory_space<vmem>>, vector<16xi32>,
    tpu.vector_store %arg10[%swap3A_1699, %swap3A_1700], %add3A_1691 {strides = array<i32>} : memref<64x16xi32, #tpu.memory_space<vmem>>, vector<16xi32>,
    %get3A_1702 = arith.constant 608 : index
    %get3A_1703 = tpu.vector_load %arg8[%get3A_1702] {strides = array<i32>} : memref<1024xi32, #tpu.memory_space<vmem>>, vector<16xi32>,
    %swap3A_1704 = arith.constant 38 : i32
    %swap3A_1705 = arith.index_cast %swap3A_1704 : i32 to index
    %swap3A_1706 = arith.constant 0 : index
    %swap3A_1707 = tpu.vector_load %arg9[%swap3A_1705, %swap3A_1706] {strides = array<i32>} : memref<64x16xi32, #tpu.memory_space<vmem>>, vector<16xi32>,
    tpu.vector_store %arg9[%swap3A_1705, %swap3A_1706], %get3A_1703 {strides = array<i32>} : memref<64x16xi32, #tpu.memory_space<vmem>>, vector<16xi32>,
    %slice3A_1708 = vector.extract_strided_slice %get3A_1669 {offsets = [15], sizes = [1], strides = [1]} : vector<16xi32> to vector<1xi32>
    %squeeze3A_1709 = vector.extract %slice3A_1708[0] : i32 from vector<1xi32>
    %slice3A_1710 = vector.extract_strided_slice %add3A_1691 {offsets = [15], sizes = [1], strides = [1]} : vector<16xi32> to vector<1xi32>
    %squeeze3A_1711 = vector.extract %slice3A_1710[0] : i32 from vector<1xi32>
    %get3A_1712 = arith.constant 624 : index
    %get3A_1713 = tpu.vector_load %arg7[%get3A_1712] {strides = array<i32>} : memref<1024xi32, #tpu.memory_space<vmem>>, vector<16xi32>,
    %lt3A_1714 = arith.constant 0 : i32
    %lt3A_1715 = vector.broadcast %lt3A_1714 : i32 to vector<16xi32>
    %lt3A_1716 = arith.cmpi slt, %and3A_7, %lt3A_1715 : vector<16xi32>
    %add3A_1717 = arith.constant 16 : i32
    %add3A_1718 = vector.broadcast %add3A_1717 : i32 to vector<16xi32>
    %add3A_1719 = arith.addi %and3A_7, %add3A_1718 : vector<16xi32>
    %select_n3A_1720 = arith.select %lt3A_1716, %add3A_1719, %and3A_7 : vector<16xi1>, vector<16xi32>
    %broadcast_in_dim3A_1721 = vector.shape_cast %select_n3A_1720 : vector<16xi32> to vector<16x1xi32>
    %gather3A_1722 = vector.shape_cast %broadcast_in_dim3A_1721 : vector<16x1xi32> to vector<16xi32>
    %gather3A_1723 = tpu.dynamic_gather %get3A_1713[%gather3A_1722] in [0] : vector<16xi32>, vector<16xi32> -> vector<16xi32>
    %eq3A_1724 = arith.constant 0 : i32
    %eq3A_1725 = vector.broadcast %eq3A_1724 : i32 to vector<16xi32>
    %eq3A_1726 = arith.cmpi eq, %iota3A, %eq3A_1725 : vector<16xi32>
    %broadcast_in_dim3A_1727 = vector.broadcast %squeeze3A_1709 : i32 to vector<16xi32>
    %select_n3A_1728 = arith.select %eq3A_1726, %broadcast_in_dim3A_1727, %gather3A_1723 : vector<16xi1>, vector<16xi32>
    %ne3A_1729 = arith.cmpi ne, %get3A_1713, %select_n3A_1728 : vector<16xi32>
    %convert_element_type3A_1730 = arith.extui %ne3A_1729 : vector<16xi1> to vector<16xi32>
    %broadcast_in_dim3A_1731 = arith.constant true
    %broadcast_in_dim3A_1732 = vector.broadcast %broadcast_in_dim3A_1731 : i1 to vector<16xi1>
    %masked_cumsum3A_1733 = tpu.scan <sum>, %convert_element_type3A_1730 masked %broadcast_in_dim3A_1732 : vector<16xi32>, vector<16xi1> -> vector<16xi32>
    %add3A_1734 = vector.broadcast %squeeze3A_1711 : i32 to vector<16xi32>
    %add3A_1735 = arith.addi %add3A_1734, %masked_cumsum3A_1733 : vector<16xi32>
    %shift_right_logical3A_1736 = arith.constant 7 : i32
    %shift_right_logical3A_1737 = vector.broadcast %shift_right_logical3A_1736 : i32 to vector<16xi32>
    %shift_right_logical3A_1738 = arith.shrui %get3A_1713, %shift_right_logical3A_1737 : vector<16xi32>
    %eq3A_1739 = arith.constant 1 : i32
    %eq3A_1740 = vector.broadcast %eq3A_1739 : i32 to vector<16xi32>
    %eq3A_1741 = arith.cmpi eq, %convert_element_type3A_1730, %eq3A_1740 : vector<16xi32>
    tpu.vector_store_idx %arg11[%add3A_1735], %shift_right_logical3A_1738 masked %eq3A_1741 : memref<1024xi32, #tpu.memory_space<vmem>>[vector<16xi32>], vector<16xi32>, vector<16xi1>
    %swap3A_1742 = arith.constant 39 : i32
    %swap3A_1743 = arith.index_cast %swap3A_1742 : i32 to index
    %swap3A_1744 = arith.constant 0 : index
    %swap3A_1745 = tpu.vector_load %arg10[%swap3A_1743, %swap3A_1744] {strides = array<i32>} : memref<64x16xi32, #tpu.memory_space<vmem>>, vector<16xi32>,
    tpu.vector_store %arg10[%swap3A_1743, %swap3A_1744], %add3A_1735 {strides = array<i32>} : memref<64x16xi32, #tpu.memory_space<vmem>>, vector<16xi32>,
    %get3A_1746 = arith.constant 624 : index
    %get3A_1747 = tpu.vector_load %arg8[%get3A_1746] {strides = array<i32>} : memref<1024xi32, #tpu.memory_space<vmem>>, vector<16xi32>,
    %swap3A_1748 = arith.constant 39 : i32
    %swap3A_1749 = arith.index_cast %swap3A_1748 : i32 to index
    %swap3A_1750 = arith.constant 0 : index
    %swap3A_1751 = tpu.vector_load %arg9[%swap3A_1749, %swap3A_1750] {strides = array<i32>} : memref<64x16xi32, #tpu.memory_space<vmem>>, vector<16xi32>,
    tpu.vector_store %arg9[%swap3A_1749, %swap3A_1750], %get3A_1747 {strides = array<i32>} : memref<64x16xi32, #tpu.memory_space<vmem>>, vector<16xi32>,
    %slice3A_1752 = vector.extract_strided_slice %get3A_1713 {offsets = [15], sizes = [1], strides = [1]} : vector<16xi32> to vector<1xi32>
    %squeeze3A_1753 = vector.extract %slice3A_1752[0] : i32 from vector<1xi32>
    %slice3A_1754 = vector.extract_strided_slice %add3A_1735 {offsets = [15], sizes = [1], strides = [1]} : vector<16xi32> to vector<1xi32>
    %squeeze3A_1755 = vector.extract %slice3A_1754[0] : i32 from vector<1xi32>
    %get3A_1756 = arith.constant 640 : index
    %get3A_1757 = tpu.vector_load %arg7[%get3A_1756] {strides = array<i32>} : memref<1024xi32, #tpu.memory_space<vmem>>, vector<16xi32>,
    %lt3A_1758 = arith.constant 0 : i32
    %lt3A_1759 = vector.broadcast %lt3A_1758 : i32 to vector<16xi32>
    %lt3A_1760 = arith.cmpi slt, %and3A_7, %lt3A_1759 : vector<16xi32>
    %add3A_1761 = arith.constant 16 : i32
    %add3A_1762 = vector.broadcast %add3A_1761 : i32 to vector<16xi32>
    %add3A_1763 = arith.addi %and3A_7, %add3A_1762 : vector<16xi32>
    %select_n3A_1764 = arith.select %lt3A_1760, %add3A_1763, %and3A_7 : vector<16xi1>, vector<16xi32>
    %broadcast_in_dim3A_1765 = vector.shape_cast %select_n3A_1764 : vector<16xi32> to vector<16x1xi32>
    %gather3A_1766 = vector.shape_cast %broadcast_in_dim3A_1765 : vector<16x1xi32> to vector<16xi32>
    %gather3A_1767 = tpu.dynamic_gather %get3A_1757[%gather3A_1766] in [0] : vector<16xi32>, vector<16xi32> -> vector<16xi32>
    %eq3A_1768 = arith.constant 0 : i32
    %eq3A_1769 = vector.broadcast %eq3A_1768 : i32 to vector<16xi32>
    %eq3A_1770 = arith.cmpi eq, %iota3A, %eq3A_1769 : vector<16xi32>
    %broadcast_in_dim3A_1771 = vector.broadcast %squeeze3A_1753 : i32 to vector<16xi32>
    %select_n3A_1772 = arith.select %eq3A_1770, %broadcast_in_dim3A_1771, %gather3A_1767 : vector<16xi1>, vector<16xi32>
    %ne3A_1773 = arith.cmpi ne, %get3A_1757, %select_n3A_1772 : vector<16xi32>
    %convert_element_type3A_1774 = arith.extui %ne3A_1773 : vector<16xi1> to vector<16xi32>
    %broadcast_in_dim3A_1775 = arith.constant true
    %broadcast_in_dim3A_1776 = vector.broadcast %broadcast_in_dim3A_1775 : i1 to vector<16xi1>
    %masked_cumsum3A_1777 = tpu.scan <sum>, %convert_element_type3A_1774 masked %broadcast_in_dim3A_1776 : vector<16xi32>, vector<16xi1> -> vector<16xi32>
    %add3A_1778 = vector.broadcast %squeeze3A_1755 : i32 to vector<16xi32>
    %add3A_1779 = arith.addi %add3A_1778, %masked_cumsum3A_1777 : vector<16xi32>
    %shift_right_logical3A_1780 = arith.constant 7 : i32
    %shift_right_logical3A_1781 = vector.broadcast %shift_right_logical3A_1780 : i32 to vector<16xi32>
    %shift_right_logical3A_1782 = arith.shrui %get3A_1757, %shift_right_logical3A_1781 : vector<16xi32>
    %eq3A_1783 = arith.constant 1 : i32
    %eq3A_1784 = vector.broadcast %eq3A_1783 : i32 to vector<16xi32>
    %eq3A_1785 = arith.cmpi eq, %convert_element_type3A_1774, %eq3A_1784 : vector<16xi32>
    tpu.vector_store_idx %arg11[%add3A_1779], %shift_right_logical3A_1782 masked %eq3A_1785 : memref<1024xi32, #tpu.memory_space<vmem>>[vector<16xi32>], vector<16xi32>, vector<16xi1>
    %swap3A_1786 = arith.constant 40 : i32
    %swap3A_1787 = arith.index_cast %swap3A_1786 : i32 to index
    %swap3A_1788 = arith.constant 0 : index
    %swap3A_1789 = tpu.vector_load %arg10[%swap3A_1787, %swap3A_1788] {strides = array<i32>} : memref<64x16xi32, #tpu.memory_space<vmem>>, vector<16xi32>,
    tpu.vector_store %arg10[%swap3A_1787, %swap3A_1788], %add3A_1779 {strides = array<i32>} : memref<64x16xi32, #tpu.memory_space<vmem>>, vector<16xi32>,
    %get3A_1790 = arith.constant 640 : index
    %get3A_1791 = tpu.vector_load %arg8[%get3A_1790] {strides = array<i32>} : memref<1024xi32, #tpu.memory_space<vmem>>, vector<16xi32>,
    %swap3A_1792 = arith.constant 40 : i32
    %swap3A_1793 = arith.index_cast %swap3A_1792 : i32 to index
    %swap3A_1794 = arith.constant 0 : index
    %swap3A_1795 = tpu.vector_load %arg9[%swap3A_1793, %swap3A_1794] {strides = array<i32>} : memref<64x16xi32, #tpu.memory_space<vmem>>, vector<16xi32>,
    tpu.vector_store %arg9[%swap3A_1793, %swap3A_1794], %get3A_1791 {strides = array<i32>} : memref<64x16xi32, #tpu.memory_space<vmem>>, vector<16xi32>,
    %slice3A_1796 = vector.extract_strided_slice %get3A_1757 {offsets = [15], sizes = [1], strides = [1]} : vector<16xi32> to vector<1xi32>
    %squeeze3A_1797 = vector.extract %slice3A_1796[0] : i32 from vector<1xi32>
    %slice3A_1798 = vector.extract_strided_slice %add3A_1779 {offsets = [15], sizes = [1], strides = [1]} : vector<16xi32> to vector<1xi32>
    %squeeze3A_1799 = vector.extract %slice3A_1798[0] : i32 from vector<1xi32>
    %get3A_1800 = arith.constant 656 : index
    %get3A_1801 = tpu.vector_load %arg7[%get3A_1800] {strides = array<i32>} : memref<1024xi32, #tpu.memory_space<vmem>>, vector<16xi32>,
    %lt3A_1802 = arith.constant 0 : i32
    %lt3A_1803 = vector.broadcast %lt3A_1802 : i32 to vector<16xi32>
    %lt3A_1804 = arith.cmpi slt, %and3A_7, %lt3A_1803 : vector<16xi32>
    %add3A_1805 = arith.constant 16 : i32
    %add3A_1806 = vector.broadcast %add3A_1805 : i32 to vector<16xi32>
    %add3A_1807 = arith.addi %and3A_7, %add3A_1806 : vector<16xi32>
    %select_n3A_1808 = arith.select %lt3A_1804, %add3A_1807, %and3A_7 : vector<16xi1>, vector<16xi32>
    %broadcast_in_dim3A_1809 = vector.shape_cast %select_n3A_1808 : vector<16xi32> to vector<16x1xi32>
    %gather3A_1810 = vector.shape_cast %broadcast_in_dim3A_1809 : vector<16x1xi32> to vector<16xi32>
    %gather3A_1811 = tpu.dynamic_gather %get3A_1801[%gather3A_1810] in [0] : vector<16xi32>, vector<16xi32> -> vector<16xi32>
    %eq3A_1812 = arith.constant 0 : i32
    %eq3A_1813 = vector.broadcast %eq3A_1812 : i32 to vector<16xi32>
    %eq3A_1814 = arith.cmpi eq, %iota3A, %eq3A_1813 : vector<16xi32>
    %broadcast_in_dim3A_1815 = vector.broadcast %squeeze3A_1797 : i32 to vector<16xi32>
    %select_n3A_1816 = arith.select %eq3A_1814, %broadcast_in_dim3A_1815, %gather3A_1811 : vector<16xi1>, vector<16xi32>
    %ne3A_1817 = arith.cmpi ne, %get3A_1801, %select_n3A_1816 : vector<16xi32>
    %convert_element_type3A_1818 = arith.extui %ne3A_1817 : vector<16xi1> to vector<16xi32>
    %broadcast_in_dim3A_1819 = arith.constant true
    %broadcast_in_dim3A_1820 = vector.broadcast %broadcast_in_dim3A_1819 : i1 to vector<16xi1>
    %masked_cumsum3A_1821 = tpu.scan <sum>, %convert_element_type3A_1818 masked %broadcast_in_dim3A_1820 : vector<16xi32>, vector<16xi1> -> vector<16xi32>
    %add3A_1822 = vector.broadcast %squeeze3A_1799 : i32 to vector<16xi32>
    %add3A_1823 = arith.addi %add3A_1822, %masked_cumsum3A_1821 : vector<16xi32>
    %shift_right_logical3A_1824 = arith.constant 7 : i32
    %shift_right_logical3A_1825 = vector.broadcast %shift_right_logical3A_1824 : i32 to vector<16xi32>
    %shift_right_logical3A_1826 = arith.shrui %get3A_1801, %shift_right_logical3A_1825 : vector<16xi32>
    %eq3A_1827 = arith.constant 1 : i32
    %eq3A_1828 = vector.broadcast %eq3A_1827 : i32 to vector<16xi32>
    %eq3A_1829 = arith.cmpi eq, %convert_element_type3A_1818, %eq3A_1828 : vector<16xi32>
    tpu.vector_store_idx %arg11[%add3A_1823], %shift_right_logical3A_1826 masked %eq3A_1829 : memref<1024xi32, #tpu.memory_space<vmem>>[vector<16xi32>], vector<16xi32>, vector<16xi1>
    %swap3A_1830 = arith.constant 41 : i32
    %swap3A_1831 = arith.index_cast %swap3A_1830 : i32 to index
    %swap3A_1832 = arith.constant 0 : index
    %swap3A_1833 = tpu.vector_load %arg10[%swap3A_1831, %swap3A_1832] {strides = array<i32>} : memref<64x16xi32, #tpu.memory_space<vmem>>, vector<16xi32>,
    tpu.vector_store %arg10[%swap3A_1831, %swap3A_1832], %add3A_1823 {strides = array<i32>} : memref<64x16xi32, #tpu.memory_space<vmem>>, vector<16xi32>,
    %get3A_1834 = arith.constant 656 : index
    %get3A_1835 = tpu.vector_load %arg8[%get3A_1834] {strides = array<i32>} : memref<1024xi32, #tpu.memory_space<vmem>>, vector<16xi32>,
    %swap3A_1836 = arith.constant 41 : i32
    %swap3A_1837 = arith.index_cast %swap3A_1836 : i32 to index
    %swap3A_1838 = arith.constant 0 : index
    %swap3A_1839 = tpu.vector_load %arg9[%swap3A_1837, %swap3A_1838] {strides = array<i32>} : memref<64x16xi32, #tpu.memory_space<vmem>>, vector<16xi32>,
    tpu.vector_store %arg9[%swap3A_1837, %swap3A_1838], %get3A_1835 {strides = array<i32>} : memref<64x16xi32, #tpu.memory_space<vmem>>, vector<16xi32>,
    %slice3A_1840 = vector.extract_strided_slice %get3A_1801 {offsets = [15], sizes = [1], strides = [1]} : vector<16xi32> to vector<1xi32>
    %squeeze3A_1841 = vector.extract %slice3A_1840[0] : i32 from vector<1xi32>
    %slice3A_1842 = vector.extract_strided_slice %add3A_1823 {offsets = [15], sizes = [1], strides = [1]} : vector<16xi32> to vector<1xi32>
    %squeeze3A_1843 = vector.extract %slice3A_1842[0] : i32 from vector<1xi32>
    %get3A_1844 = arith.constant 672 : index
    %get3A_1845 = tpu.vector_load %arg7[%get3A_1844] {strides = array<i32>} : memref<1024xi32, #tpu.memory_space<vmem>>, vector<16xi32>,
    %lt3A_1846 = arith.constant 0 : i32
    %lt3A_1847 = vector.broadcast %lt3A_1846 : i32 to vector<16xi32>
    %lt3A_1848 = arith.cmpi slt, %and3A_7, %lt3A_1847 : vector<16xi32>
    %add3A_1849 = arith.constant 16 : i32
    %add3A_1850 = vector.broadcast %add3A_1849 : i32 to vector<16xi32>
    %add3A_1851 = arith.addi %and3A_7, %add3A_1850 : vector<16xi32>
    %select_n3A_1852 = arith.select %lt3A_1848, %add3A_1851, %and3A_7 : vector<16xi1>, vector<16xi32>
    %broadcast_in_dim3A_1853 = vector.shape_cast %select_n3A_1852 : vector<16xi32> to vector<16x1xi32>
    %gather3A_1854 = vector.shape_cast %broadcast_in_dim3A_1853 : vector<16x1xi32> to vector<16xi32>
    %gather3A_1855 = tpu.dynamic_gather %get3A_1845[%gather3A_1854] in [0] : vector<16xi32>, vector<16xi32> -> vector<16xi32>
    %eq3A_1856 = arith.constant 0 : i32
    %eq3A_1857 = vector.broadcast %eq3A_1856 : i32 to vector<16xi32>
    %eq3A_1858 = arith.cmpi eq, %iota3A, %eq3A_1857 : vector<16xi32>
    %broadcast_in_dim3A_1859 = vector.broadcast %squeeze3A_1841 : i32 to vector<16xi32>
    %select_n3A_1860 = arith.select %eq3A_1858, %broadcast_in_dim3A_1859, %gather3A_1855 : vector<16xi1>, vector<16xi32>
    %ne3A_1861 = arith.cmpi ne, %get3A_1845, %select_n3A_1860 : vector<16xi32>
    %convert_element_type3A_1862 = arith.extui %ne3A_1861 : vector<16xi1> to vector<16xi32>
    %broadcast_in_dim3A_1863 = arith.constant true
    %broadcast_in_dim3A_1864 = vector.broadcast %broadcast_in_dim3A_1863 : i1 to vector<16xi1>
    %masked_cumsum3A_1865 = tpu.scan <sum>, %convert_element_type3A_1862 masked %broadcast_in_dim3A_1864 : vector<16xi32>, vector<16xi1> -> vector<16xi32>
    %add3A_1866 = vector.broadcast %squeeze3A_1843 : i32 to vector<16xi32>
    %add3A_1867 = arith.addi %add3A_1866, %masked_cumsum3A_1865 : vector<16xi32>
    %shift_right_logical3A_1868 = arith.constant 7 : i32
    %shift_right_logical3A_1869 = vector.broadcast %shift_right_logical3A_1868 : i32 to vector<16xi32>
    %shift_right_logical3A_1870 = arith.shrui %get3A_1845, %shift_right_logical3A_1869 : vector<16xi32>
    %eq3A_1871 = arith.constant 1 : i32
    %eq3A_1872 = vector.broadcast %eq3A_1871 : i32 to vector<16xi32>
    %eq3A_1873 = arith.cmpi eq, %convert_element_type3A_1862, %eq3A_1872 : vector<16xi32>
    tpu.vector_store_idx %arg11[%add3A_1867], %shift_right_logical3A_1870 masked %eq3A_1873 : memref<1024xi32, #tpu.memory_space<vmem>>[vector<16xi32>], vector<16xi32>, vector<16xi1>
    %swap3A_1874 = arith.constant 42 : i32
    %swap3A_1875 = arith.index_cast %swap3A_1874 : i32 to index
    %swap3A_1876 = arith.constant 0 : index
    %swap3A_1877 = tpu.vector_load %arg10[%swap3A_1875, %swap3A_1876] {strides = array<i32>} : memref<64x16xi32, #tpu.memory_space<vmem>>, vector<16xi32>,
    tpu.vector_store %arg10[%swap3A_1875, %swap3A_1876], %add3A_1867 {strides = array<i32>} : memref<64x16xi32, #tpu.memory_space<vmem>>, vector<16xi32>,
    %get3A_1878 = arith.constant 672 : index
    %get3A_1879 = tpu.vector_load %arg8[%get3A_1878] {strides = array<i32>} : memref<1024xi32, #tpu.memory_space<vmem>>, vector<16xi32>,
    %swap3A_1880 = arith.constant 42 : i32
    %swap3A_1881 = arith.index_cast %swap3A_1880 : i32 to index
    %swap3A_1882 = arith.constant 0 : index
    %swap3A_1883 = tpu.vector_load %arg9[%swap3A_1881, %swap3A_1882] {strides = array<i32>} : memref<64x16xi32, #tpu.memory_space<vmem>>, vector<16xi32>,
    tpu.vector_store %arg9[%swap3A_1881, %swap3A_1882], %get3A_1879 {strides = array<i32>} : memref<64x16xi32, #tpu.memory_space<vmem>>, vector<16xi32>,
    %slice3A_1884 = vector.extract_strided_slice %get3A_1845 {offsets = [15], sizes = [1], strides = [1]} : vector<16xi32> to vector<1xi32>
    %squeeze3A_1885 = vector.extract %slice3A_1884[0] : i32 from vector<1xi32>
    %slice3A_1886 = vector.extract_strided_slice %add3A_1867 {offsets = [15], sizes = [1], strides = [1]} : vector<16xi32> to vector<1xi32>
    %squeeze3A_1887 = vector.extract %slice3A_1886[0] : i32 from vector<1xi32>
    %get3A_1888 = arith.constant 688 : index
    %get3A_1889 = tpu.vector_load %arg7[%get3A_1888] {strides = array<i32>} : memref<1024xi32, #tpu.memory_space<vmem>>, vector<16xi32>,
    %lt3A_1890 = arith.constant 0 : i32
    %lt3A_1891 = vector.broadcast %lt3A_1890 : i32 to vector<16xi32>
    %lt3A_1892 = arith.cmpi slt, %and3A_7, %lt3A_1891 : vector<16xi32>
    %add3A_1893 = arith.constant 16 : i32
    %add3A_1894 = vector.broadcast %add3A_1893 : i32 to vector<16xi32>
    %add3A_1895 = arith.addi %and3A_7, %add3A_1894 : vector<16xi32>
    %select_n3A_1896 = arith.select %lt3A_1892, %add3A_1895, %and3A_7 : vector<16xi1>, vector<16xi32>
    %broadcast_in_dim3A_1897 = vector.shape_cast %select_n3A_1896 : vector<16xi32> to vector<16x1xi32>
    %gather3A_1898 = vector.shape_cast %broadcast_in_dim3A_1897 : vector<16x1xi32> to vector<16xi32>
    %gather3A_1899 = tpu.dynamic_gather %get3A_1889[%gather3A_1898] in [0] : vector<16xi32>, vector<16xi32> -> vector<16xi32>
    %eq3A_1900 = arith.constant 0 : i32
    %eq3A_1901 = vector.broadcast %eq3A_1900 : i32 to vector<16xi32>
    %eq3A_1902 = arith.cmpi eq, %iota3A, %eq3A_1901 : vector<16xi32>
    %broadcast_in_dim3A_1903 = vector.broadcast %squeeze3A_1885 : i32 to vector<16xi32>
    %select_n3A_1904 = arith.select %eq3A_1902, %broadcast_in_dim3A_1903, %gather3A_1899 : vector<16xi1>, vector<16xi32>
    %ne3A_1905 = arith.cmpi ne, %get3A_1889, %select_n3A_1904 : vector<16xi32>
    %convert_element_type3A_1906 = arith.extui %ne3A_1905 : vector<16xi1> to vector<16xi32>
    %broadcast_in_dim3A_1907 = arith.constant true
    %broadcast_in_dim3A_1908 = vector.broadcast %broadcast_in_dim3A_1907 : i1 to vector<16xi1>
    %masked_cumsum3A_1909 = tpu.scan <sum>, %convert_element_type3A_1906 masked %broadcast_in_dim3A_1908 : vector<16xi32>, vector<16xi1> -> vector<16xi32>
    %add3A_1910 = vector.broadcast %squeeze3A_1887 : i32 to vector<16xi32>
    %add3A_1911 = arith.addi %add3A_1910, %masked_cumsum3A_1909 : vector<16xi32>
    %shift_right_logical3A_1912 = arith.constant 7 : i32
    %shift_right_logical3A_1913 = vector.broadcast %shift_right_logical3A_1912 : i32 to vector<16xi32>
    %shift_right_logical3A_1914 = arith.shrui %get3A_1889, %shift_right_logical3A_1913 : vector<16xi32>
    %eq3A_1915 = arith.constant 1 : i32
    %eq3A_1916 = vector.broadcast %eq3A_1915 : i32 to vector<16xi32>
    %eq3A_1917 = arith.cmpi eq, %convert_element_type3A_1906, %eq3A_1916 : vector<16xi32>
    tpu.vector_store_idx %arg11[%add3A_1911], %shift_right_logical3A_1914 masked %eq3A_1917 : memref<1024xi32, #tpu.memory_space<vmem>>[vector<16xi32>], vector<16xi32>, vector<16xi1>
    %swap3A_1918 = arith.constant 43 : i32
    %swap3A_1919 = arith.index_cast %swap3A_1918 : i32 to index
    %swap3A_1920 = arith.constant 0 : index
    %swap3A_1921 = tpu.vector_load %arg10[%swap3A_1919, %swap3A_1920] {strides = array<i32>} : memref<64x16xi32, #tpu.memory_space<vmem>>, vector<16xi32>,
    tpu.vector_store %arg10[%swap3A_1919, %swap3A_1920], %add3A_1911 {strides = array<i32>} : memref<64x16xi32, #tpu.memory_space<vmem>>, vector<16xi32>,
    %get3A_1922 = arith.constant 688 : index
    %get3A_1923 = tpu.vector_load %arg8[%get3A_1922] {strides = array<i32>} : memref<1024xi32, #tpu.memory_space<vmem>>, vector<16xi32>,
    %swap3A_1924 = arith.constant 43 : i32
    %swap3A_1925 = arith.index_cast %swap3A_1924 : i32 to index
    %swap3A_1926 = arith.constant 0 : index
    %swap3A_1927 = tpu.vector_load %arg9[%swap3A_1925, %swap3A_1926] {strides = array<i32>} : memref<64x16xi32, #tpu.memory_space<vmem>>, vector<16xi32>,
    tpu.vector_store %arg9[%swap3A_1925, %swap3A_1926], %get3A_1923 {strides = array<i32>} : memref<64x16xi32, #tpu.memory_space<vmem>>, vector<16xi32>,
    %slice3A_1928 = vector.extract_strided_slice %get3A_1889 {offsets = [15], sizes = [1], strides = [1]} : vector<16xi32> to vector<1xi32>
    %squeeze3A_1929 = vector.extract %slice3A_1928[0] : i32 from vector<1xi32>
    %slice3A_1930 = vector.extract_strided_slice %add3A_1911 {offsets = [15], sizes = [1], strides = [1]} : vector<16xi32> to vector<1xi32>
    %squeeze3A_1931 = vector.extract %slice3A_1930[0] : i32 from vector<1xi32>
    %get3A_1932 = arith.constant 704 : index
    %get3A_1933 = tpu.vector_load %arg7[%get3A_1932] {strides = array<i32>} : memref<1024xi32, #tpu.memory_space<vmem>>, vector<16xi32>,
    %lt3A_1934 = arith.constant 0 : i32
    %lt3A_1935 = vector.broadcast %lt3A_1934 : i32 to vector<16xi32>
    %lt3A_1936 = arith.cmpi slt, %and3A_7, %lt3A_1935 : vector<16xi32>
    %add3A_1937 = arith.constant 16 : i32
    %add3A_1938 = vector.broadcast %add3A_1937 : i32 to vector<16xi32>
    %add3A_1939 = arith.addi %and3A_7, %add3A_1938 : vector<16xi32>
    %select_n3A_1940 = arith.select %lt3A_1936, %add3A_1939, %and3A_7 : vector<16xi1>, vector<16xi32>
    %broadcast_in_dim3A_1941 = vector.shape_cast %select_n3A_1940 : vector<16xi32> to vector<16x1xi32>
    %gather3A_1942 = vector.shape_cast %broadcast_in_dim3A_1941 : vector<16x1xi32> to vector<16xi32>
    %gather3A_1943 = tpu.dynamic_gather %get3A_1933[%gather3A_1942] in [0] : vector<16xi32>, vector<16xi32> -> vector<16xi32>
    %eq3A_1944 = arith.constant 0 : i32
    %eq3A_1945 = vector.broadcast %eq3A_1944 : i32 to vector<16xi32>
    %eq3A_1946 = arith.cmpi eq, %iota3A, %eq3A_1945 : vector<16xi32>
    %broadcast_in_dim3A_1947 = vector.broadcast %squeeze3A_1929 : i32 to vector<16xi32>
    %select_n3A_1948 = arith.select %eq3A_1946, %broadcast_in_dim3A_1947, %gather3A_1943 : vector<16xi1>, vector<16xi32>
    %ne3A_1949 = arith.cmpi ne, %get3A_1933, %select_n3A_1948 : vector<16xi32>
    %convert_element_type3A_1950 = arith.extui %ne3A_1949 : vector<16xi1> to vector<16xi32>
    %broadcast_in_dim3A_1951 = arith.constant true
    %broadcast_in_dim3A_1952 = vector.broadcast %broadcast_in_dim3A_1951 : i1 to vector<16xi1>
    %masked_cumsum3A_1953 = tpu.scan <sum>, %convert_element_type3A_1950 masked %broadcast_in_dim3A_1952 : vector<16xi32>, vector<16xi1> -> vector<16xi32>
    %add3A_1954 = vector.broadcast %squeeze3A_1931 : i32 to vector<16xi32>
    %add3A_1955 = arith.addi %add3A_1954, %masked_cumsum3A_1953 : vector<16xi32>
    %shift_right_logical3A_1956 = arith.constant 7 : i32
    %shift_right_logical3A_1957 = vector.broadcast %shift_right_logical3A_1956 : i32 to vector<16xi32>
    %shift_right_logical3A_1958 = arith.shrui %get3A_1933, %shift_right_logical3A_1957 : vector<16xi32>
    %eq3A_1959 = arith.constant 1 : i32
    %eq3A_1960 = vector.broadcast %eq3A_1959 : i32 to vector<16xi32>
    %eq3A_1961 = arith.cmpi eq, %convert_element_type3A_1950, %eq3A_1960 : vector<16xi32>
    tpu.vector_store_idx %arg11[%add3A_1955], %shift_right_logical3A_1958 masked %eq3A_1961 : memref<1024xi32, #tpu.memory_space<vmem>>[vector<16xi32>], vector<16xi32>, vector<16xi1>
    %swap3A_1962 = arith.constant 44 : i32
    %swap3A_1963 = arith.index_cast %swap3A_1962 : i32 to index
    %swap3A_1964 = arith.constant 0 : index
    %swap3A_1965 = tpu.vector_load %arg10[%swap3A_1963, %swap3A_1964] {strides = array<i32>} : memref<64x16xi32, #tpu.memory_space<vmem>>, vector<16xi32>,
    tpu.vector_store %arg10[%swap3A_1963, %swap3A_1964], %add3A_1955 {strides = array<i32>} : memref<64x16xi32, #tpu.memory_space<vmem>>, vector<16xi32>,
    %get3A_1966 = arith.constant 704 : index
    %get3A_1967 = tpu.vector_load %arg8[%get3A_1966] {strides = array<i32>} : memref<1024xi32, #tpu.memory_space<vmem>>, vector<16xi32>,
    %swap3A_1968 = arith.constant 44 : i32
    %swap3A_1969 = arith.index_cast %swap3A_1968 : i32 to index
    %swap3A_1970 = arith.constant 0 : index
    %swap3A_1971 = tpu.vector_load %arg9[%swap3A_1969, %swap3A_1970] {strides = array<i32>} : memref<64x16xi32, #tpu.memory_space<vmem>>, vector<16xi32>,
    tpu.vector_store %arg9[%swap3A_1969, %swap3A_1970], %get3A_1967 {strides = array<i32>} : memref<64x16xi32, #tpu.memory_space<vmem>>, vector<16xi32>,
    %slice3A_1972 = vector.extract_strided_slice %get3A_1933 {offsets = [15], sizes = [1], strides = [1]} : vector<16xi32> to vector<1xi32>
    %squeeze3A_1973 = vector.extract %slice3A_1972[0] : i32 from vector<1xi32>
    %slice3A_1974 = vector.extract_strided_slice %add3A_1955 {offsets = [15], sizes = [1], strides = [1]} : vector<16xi32> to vector<1xi32>
    %squeeze3A_1975 = vector.extract %slice3A_1974[0] : i32 from vector<1xi32>
    %get3A_1976 = arith.constant 720 : index
    %get3A_1977 = tpu.vector_load %arg7[%get3A_1976] {strides = array<i32>} : memref<1024xi32, #tpu.memory_space<vmem>>, vector<16xi32>,
    %lt3A_1978 = arith.constant 0 : i32
    %lt3A_1979 = vector.broadcast %lt3A_1978 : i32 to vector<16xi32>
    %lt3A_1980 = arith.cmpi slt, %and3A_7, %lt3A_1979 : vector<16xi32>
    %add3A_1981 = arith.constant 16 : i32
    %add3A_1982 = vector.broadcast %add3A_1981 : i32 to vector<16xi32>
    %add3A_1983 = arith.addi %and3A_7, %add3A_1982 : vector<16xi32>
    %select_n3A_1984 = arith.select %lt3A_1980, %add3A_1983, %and3A_7 : vector<16xi1>, vector<16xi32>
    %broadcast_in_dim3A_1985 = vector.shape_cast %select_n3A_1984 : vector<16xi32> to vector<16x1xi32>
    %gather3A_1986 = vector.shape_cast %broadcast_in_dim3A_1985 : vector<16x1xi32> to vector<16xi32>
    %gather3A_1987 = tpu.dynamic_gather %get3A_1977[%gather3A_1986] in [0] : vector<16xi32>, vector<16xi32> -> vector<16xi32>
    %eq3A_1988 = arith.constant 0 : i32
    %eq3A_1989 = vector.broadcast %eq3A_1988 : i32 to vector<16xi32>
    %eq3A_1990 = arith.cmpi eq, %iota3A, %eq3A_1989 : vector<16xi32>
    %broadcast_in_dim3A_1991 = vector.broadcast %squeeze3A_1973 : i32 to vector<16xi32>
    %select_n3A_1992 = arith.select %eq3A_1990, %broadcast_in_dim3A_1991, %gather3A_1987 : vector<16xi1>, vector<16xi32>
    %ne3A_1993 = arith.cmpi ne, %get3A_1977, %select_n3A_1992 : vector<16xi32>
    %convert_element_type3A_1994 = arith.extui %ne3A_1993 : vector<16xi1> to vector<16xi32>
    %broadcast_in_dim3A_1995 = arith.constant true
    %broadcast_in_dim3A_1996 = vector.broadcast %broadcast_in_dim3A_1995 : i1 to vector<16xi1>
    %masked_cumsum3A_1997 = tpu.scan <sum>, %convert_element_type3A_1994 masked %broadcast_in_dim3A_1996 : vector<16xi32>, vector<16xi1> -> vector<16xi32>
    %add3A_1998 = vector.broadcast %squeeze3A_1975 : i32 to vector<16xi32>
    %add3A_1999 = arith.addi %add3A_1998, %masked_cumsum3A_1997 : vector<16xi32>
    %shift_right_logical3A_2000 = arith.constant 7 : i32
    %shift_right_logical3A_2001 = vector.broadcast %shift_right_logical3A_2000 : i32 to vector<16xi32>
    %shift_right_logical3A_2002 = arith.shrui %get3A_1977, %shift_right_logical3A_2001 : vector<16xi32>
    %eq3A_2003 = arith.constant 1 : i32
    %eq3A_2004 = vector.broadcast %eq3A_2003 : i32 to vector<16xi32>
    %eq3A_2005 = arith.cmpi eq, %convert_element_type3A_1994, %eq3A_2004 : vector<16xi32>
    tpu.vector_store_idx %arg11[%add3A_1999], %shift_right_logical3A_2002 masked %eq3A_2005 : memref<1024xi32, #tpu.memory_space<vmem>>[vector<16xi32>], vector<16xi32>, vector<16xi1>
    %swap3A_2006 = arith.constant 45 : i32
    %swap3A_2007 = arith.index_cast %swap3A_2006 : i32 to index
    %swap3A_2008 = arith.constant 0 : index
    %swap3A_2009 = tpu.vector_load %arg10[%swap3A_2007, %swap3A_2008] {strides = array<i32>} : memref<64x16xi32, #tpu.memory_space<vmem>>, vector<16xi32>,
    tpu.vector_store %arg10[%swap3A_2007, %swap3A_2008], %add3A_1999 {strides = array<i32>} : memref<64x16xi32, #tpu.memory_space<vmem>>, vector<16xi32>,
    %get3A_2010 = arith.constant 720 : index
    %get3A_2011 = tpu.vector_load %arg8[%get3A_2010] {strides = array<i32>} : memref<1024xi32, #tpu.memory_space<vmem>>, vector<16xi32>,
    %swap3A_2012 = arith.constant 45 : i32
    %swap3A_2013 = arith.index_cast %swap3A_2012 : i32 to index
    %swap3A_2014 = arith.constant 0 : index
    %swap3A_2015 = tpu.vector_load %arg9[%swap3A_2013, %swap3A_2014] {strides = array<i32>} : memref<64x16xi32, #tpu.memory_space<vmem>>, vector<16xi32>,
    tpu.vector_store %arg9[%swap3A_2013, %swap3A_2014], %get3A_2011 {strides = array<i32>} : memref<64x16xi32, #tpu.memory_space<vmem>>, vector<16xi32>,
    %slice3A_2016 = vector.extract_strided_slice %get3A_1977 {offsets = [15], sizes = [1], strides = [1]} : vector<16xi32> to vector<1xi32>
    %squeeze3A_2017 = vector.extract %slice3A_2016[0] : i32 from vector<1xi32>
    %slice3A_2018 = vector.extract_strided_slice %add3A_1999 {offsets = [15], sizes = [1], strides = [1]} : vector<16xi32> to vector<1xi32>
    %squeeze3A_2019 = vector.extract %slice3A_2018[0] : i32 from vector<1xi32>
    %get3A_2020 = arith.constant 736 : index
    %get3A_2021 = tpu.vector_load %arg7[%get3A_2020] {strides = array<i32>} : memref<1024xi32, #tpu.memory_space<vmem>>, vector<16xi32>,
    %lt3A_2022 = arith.constant 0 : i32
    %lt3A_2023 = vector.broadcast %lt3A_2022 : i32 to vector<16xi32>
    %lt3A_2024 = arith.cmpi slt, %and3A_7, %lt3A_2023 : vector<16xi32>
    %add3A_2025 = arith.constant 16 : i32
    %add3A_2026 = vector.broadcast %add3A_2025 : i32 to vector<16xi32>
    %add3A_2027 = arith.addi %and3A_7, %add3A_2026 : vector<16xi32>
    %select_n3A_2028 = arith.select %lt3A_2024, %add3A_2027, %and3A_7 : vector<16xi1>, vector<16xi32>
    %broadcast_in_dim3A_2029 = vector.shape_cast %select_n3A_2028 : vector<16xi32> to vector<16x1xi32>
    %gather3A_2030 = vector.shape_cast %broadcast_in_dim3A_2029 : vector<16x1xi32> to vector<16xi32>
    %gather3A_2031 = tpu.dynamic_gather %get3A_2021[%gather3A_2030] in [0] : vector<16xi32>, vector<16xi32> -> vector<16xi32>
    %eq3A_2032 = arith.constant 0 : i32
    %eq3A_2033 = vector.broadcast %eq3A_2032 : i32 to vector<16xi32>
    %eq3A_2034 = arith.cmpi eq, %iota3A, %eq3A_2033 : vector<16xi32>
    %broadcast_in_dim3A_2035 = vector.broadcast %squeeze3A_2017 : i32 to vector<16xi32>
    %select_n3A_2036 = arith.select %eq3A_2034, %broadcast_in_dim3A_2035, %gather3A_2031 : vector<16xi1>, vector<16xi32>
    %ne3A_2037 = arith.cmpi ne, %get3A_2021, %select_n3A_2036 : vector<16xi32>
    %convert_element_type3A_2038 = arith.extui %ne3A_2037 : vector<16xi1> to vector<16xi32>
    %broadcast_in_dim3A_2039 = arith.constant true
    %broadcast_in_dim3A_2040 = vector.broadcast %broadcast_in_dim3A_2039 : i1 to vector<16xi1>
    %masked_cumsum3A_2041 = tpu.scan <sum>, %convert_element_type3A_2038 masked %broadcast_in_dim3A_2040 : vector<16xi32>, vector<16xi1> -> vector<16xi32>
    %add3A_2042 = vector.broadcast %squeeze3A_2019 : i32 to vector<16xi32>
    %add3A_2043 = arith.addi %add3A_2042, %masked_cumsum3A_2041 : vector<16xi32>
    %shift_right_logical3A_2044 = arith.constant 7 : i32
    %shift_right_logical3A_2045 = vector.broadcast %shift_right_logical3A_2044 : i32 to vector<16xi32>
    %shift_right_logical3A_2046 = arith.shrui %get3A_2021, %shift_right_logical3A_2045 : vector<16xi32>
    %eq3A_2047 = arith.constant 1 : i32
    %eq3A_2048 = vector.broadcast %eq3A_2047 : i32 to vector<16xi32>
    %eq3A_2049 = arith.cmpi eq, %convert_element_type3A_2038, %eq3A_2048 : vector<16xi32>
    tpu.vector_store_idx %arg11[%add3A_2043], %shift_right_logical3A_2046 masked %eq3A_2049 : memref<1024xi32, #tpu.memory_space<vmem>>[vector<16xi32>], vector<16xi32>, vector<16xi1>
    %swap3A_2050 = arith.constant 46 : i32
    %swap3A_2051 = arith.index_cast %swap3A_2050 : i32 to index
    %swap3A_2052 = arith.constant 0 : index
    %swap3A_2053 = tpu.vector_load %arg10[%swap3A_2051, %swap3A_2052] {strides = array<i32>} : memref<64x16xi32, #tpu.memory_space<vmem>>, vector<16xi32>,
    tpu.vector_store %arg10[%swap3A_2051, %swap3A_2052], %add3A_2043 {strides = array<i32>} : memref<64x16xi32, #tpu.memory_space<vmem>>, vector<16xi32>,
    %get3A_2054 = arith.constant 736 : index
    %get3A_2055 = tpu.vector_load %arg8[%get3A_2054] {strides = array<i32>} : memref<1024xi32, #tpu.memory_space<vmem>>, vector<16xi32>,
    %swap3A_2056 = arith.constant 46 : i32
    %swap3A_2057 = arith.index_cast %swap3A_2056 : i32 to index
    %swap3A_2058 = arith.constant 0 : index
    %swap3A_2059 = tpu.vector_load %arg9[%swap3A_2057, %swap3A_2058] {strides = array<i32>} : memref<64x16xi32, #tpu.memory_space<vmem>>, vector<16xi32>,
    tpu.vector_store %arg9[%swap3A_2057, %swap3A_2058], %get3A_2055 {strides = array<i32>} : memref<64x16xi32, #tpu.memory_space<vmem>>, vector<16xi32>,
    %slice3A_2060 = vector.extract_strided_slice %get3A_2021 {offsets = [15], sizes = [1], strides = [1]} : vector<16xi32> to vector<1xi32>
    %squeeze3A_2061 = vector.extract %slice3A_2060[0] : i32 from vector<1xi32>
    %slice3A_2062 = vector.extract_strided_slice %add3A_2043 {offsets = [15], sizes = [1], strides = [1]} : vector<16xi32> to vector<1xi32>
    %squeeze3A_2063 = vector.extract %slice3A_2062[0] : i32 from vector<1xi32>
    %get3A_2064 = arith.constant 752 : index
    %get3A_2065 = tpu.vector_load %arg7[%get3A_2064] {strides = array<i32>} : memref<1024xi32, #tpu.memory_space<vmem>>, vector<16xi32>,
    %lt3A_2066 = arith.constant 0 : i32
    %lt3A_2067 = vector.broadcast %lt3A_2066 : i32 to vector<16xi32>
    %lt3A_2068 = arith.cmpi slt, %and3A_7, %lt3A_2067 : vector<16xi32>
    %add3A_2069 = arith.constant 16 : i32
    %add3A_2070 = vector.broadcast %add3A_2069 : i32 to vector<16xi32>
    %add3A_2071 = arith.addi %and3A_7, %add3A_2070 : vector<16xi32>
    %select_n3A_2072 = arith.select %lt3A_2068, %add3A_2071, %and3A_7 : vector<16xi1>, vector<16xi32>
    %broadcast_in_dim3A_2073 = vector.shape_cast %select_n3A_2072 : vector<16xi32> to vector<16x1xi32>
    %gather3A_2074 = vector.shape_cast %broadcast_in_dim3A_2073 : vector<16x1xi32> to vector<16xi32>
    %gather3A_2075 = tpu.dynamic_gather %get3A_2065[%gather3A_2074] in [0] : vector<16xi32>, vector<16xi32> -> vector<16xi32>
    %eq3A_2076 = arith.constant 0 : i32
    %eq3A_2077 = vector.broadcast %eq3A_2076 : i32 to vector<16xi32>
    %eq3A_2078 = arith.cmpi eq, %iota3A, %eq3A_2077 : vector<16xi32>
    %broadcast_in_dim3A_2079 = vector.broadcast %squeeze3A_2061 : i32 to vector<16xi32>
    %select_n3A_2080 = arith.select %eq3A_2078, %broadcast_in_dim3A_2079, %gather3A_2075 : vector<16xi1>, vector<16xi32>
    %ne3A_2081 = arith.cmpi ne, %get3A_2065, %select_n3A_2080 : vector<16xi32>
    %convert_element_type3A_2082 = arith.extui %ne3A_2081 : vector<16xi1> to vector<16xi32>
    %broadcast_in_dim3A_2083 = arith.constant true
    %broadcast_in_dim3A_2084 = vector.broadcast %broadcast_in_dim3A_2083 : i1 to vector<16xi1>
    %masked_cumsum3A_2085 = tpu.scan <sum>, %convert_element_type3A_2082 masked %broadcast_in_dim3A_2084 : vector<16xi32>, vector<16xi1> -> vector<16xi32>
    %add3A_2086 = vector.broadcast %squeeze3A_2063 : i32 to vector<16xi32>
    %add3A_2087 = arith.addi %add3A_2086, %masked_cumsum3A_2085 : vector<16xi32>
    %shift_right_logical3A_2088 = arith.constant 7 : i32
    %shift_right_logical3A_2089 = vector.broadcast %shift_right_logical3A_2088 : i32 to vector<16xi32>
    %shift_right_logical3A_2090 = arith.shrui %get3A_2065, %shift_right_logical3A_2089 : vector<16xi32>
    %eq3A_2091 = arith.constant 1 : i32
    %eq3A_2092 = vector.broadcast %eq3A_2091 : i32 to vector<16xi32>
    %eq3A_2093 = arith.cmpi eq, %convert_element_type3A_2082, %eq3A_2092 : vector<16xi32>
    tpu.vector_store_idx %arg11[%add3A_2087], %shift_right_logical3A_2090 masked %eq3A_2093 : memref<1024xi32, #tpu.memory_space<vmem>>[vector<16xi32>], vector<16xi32>, vector<16xi1>
    %swap3A_2094 = arith.constant 47 : i32
    %swap3A_2095 = arith.index_cast %swap3A_2094 : i32 to index
    %swap3A_2096 = arith.constant 0 : index
    %swap3A_2097 = tpu.vector_load %arg10[%swap3A_2095, %swap3A_2096] {strides = array<i32>} : memref<64x16xi32, #tpu.memory_space<vmem>>, vector<16xi32>,
    tpu.vector_store %arg10[%swap3A_2095, %swap3A_2096], %add3A_2087 {strides = array<i32>} : memref<64x16xi32, #tpu.memory_space<vmem>>, vector<16xi32>,
    %get3A_2098 = arith.constant 752 : index
    %get3A_2099 = tpu.vector_load %arg8[%get3A_2098] {strides = array<i32>} : memref<1024xi32, #tpu.memory_space<vmem>>, vector<16xi32>,
    %swap3A_2100 = arith.constant 47 : i32
    %swap3A_2101 = arith.index_cast %swap3A_2100 : i32 to index
    %swap3A_2102 = arith.constant 0 : index
    %swap3A_2103 = tpu.vector_load %arg9[%swap3A_2101, %swap3A_2102] {strides = array<i32>} : memref<64x16xi32, #tpu.memory_space<vmem>>, vector<16xi32>,
    tpu.vector_store %arg9[%swap3A_2101, %swap3A_2102], %get3A_2099 {strides = array<i32>} : memref<64x16xi32, #tpu.memory_space<vmem>>, vector<16xi32>,
    %slice3A_2104 = vector.extract_strided_slice %get3A_2065 {offsets = [15], sizes = [1], strides = [1]} : vector<16xi32> to vector<1xi32>
    %squeeze3A_2105 = vector.extract %slice3A_2104[0] : i32 from vector<1xi32>
    %slice3A_2106 = vector.extract_strided_slice %add3A_2087 {offsets = [15], sizes = [1], strides = [1]} : vector<16xi32> to vector<1xi32>
    %squeeze3A_2107 = vector.extract %slice3A_2106[0] : i32 from vector<1xi32>
    %get3A_2108 = arith.constant 768 : index
    %get3A_2109 = tpu.vector_load %arg7[%get3A_2108] {strides = array<i32>} : memref<1024xi32, #tpu.memory_space<vmem>>, vector<16xi32>,
    %lt3A_2110 = arith.constant 0 : i32
    %lt3A_2111 = vector.broadcast %lt3A_2110 : i32 to vector<16xi32>
    %lt3A_2112 = arith.cmpi slt, %and3A_7, %lt3A_2111 : vector<16xi32>
    %add3A_2113 = arith.constant 16 : i32
    %add3A_2114 = vector.broadcast %add3A_2113 : i32 to vector<16xi32>
    %add3A_2115 = arith.addi %and3A_7, %add3A_2114 : vector<16xi32>
    %select_n3A_2116 = arith.select %lt3A_2112, %add3A_2115, %and3A_7 : vector<16xi1>, vector<16xi32>
    %broadcast_in_dim3A_2117 = vector.shape_cast %select_n3A_2116 : vector<16xi32> to vector<16x1xi32>
    %gather3A_2118 = vector.shape_cast %broadcast_in_dim3A_2117 : vector<16x1xi32> to vector<16xi32>
    %gather3A_2119 = tpu.dynamic_gather %get3A_2109[%gather3A_2118] in [0] : vector<16xi32>, vector<16xi32> -> vector<16xi32>
    %eq3A_2120 = arith.constant 0 : i32
    %eq3A_2121 = vector.broadcast %eq3A_2120 : i32 to vector<16xi32>
    %eq3A_2122 = arith.cmpi eq, %iota3A, %eq3A_2121 : vector<16xi32>
    %broadcast_in_dim3A_2123 = vector.broadcast %squeeze3A_2105 : i32 to vector<16xi32>
    %select_n3A_2124 = arith.select %eq3A_2122, %broadcast_in_dim3A_2123, %gather3A_2119 : vector<16xi1>, vector<16xi32>
    %ne3A_2125 = arith.cmpi ne, %get3A_2109, %select_n3A_2124 : vector<16xi32>
    %convert_element_type3A_2126 = arith.extui %ne3A_2125 : vector<16xi1> to vector<16xi32>
    %broadcast_in_dim3A_2127 = arith.constant true
    %broadcast_in_dim3A_2128 = vector.broadcast %broadcast_in_dim3A_2127 : i1 to vector<16xi1>
    %masked_cumsum3A_2129 = tpu.scan <sum>, %convert_element_type3A_2126 masked %broadcast_in_dim3A_2128 : vector<16xi32>, vector<16xi1> -> vector<16xi32>
    %add3A_2130 = vector.broadcast %squeeze3A_2107 : i32 to vector<16xi32>
    %add3A_2131 = arith.addi %add3A_2130, %masked_cumsum3A_2129 : vector<16xi32>
    %shift_right_logical3A_2132 = arith.constant 7 : i32
    %shift_right_logical3A_2133 = vector.broadcast %shift_right_logical3A_2132 : i32 to vector<16xi32>
    %shift_right_logical3A_2134 = arith.shrui %get3A_2109, %shift_right_logical3A_2133 : vector<16xi32>
    %eq3A_2135 = arith.constant 1 : i32
    %eq3A_2136 = vector.broadcast %eq3A_2135 : i32 to vector<16xi32>
    %eq3A_2137 = arith.cmpi eq, %convert_element_type3A_2126, %eq3A_2136 : vector<16xi32>
    tpu.vector_store_idx %arg11[%add3A_2131], %shift_right_logical3A_2134 masked %eq3A_2137 : memref<1024xi32, #tpu.memory_space<vmem>>[vector<16xi32>], vector<16xi32>, vector<16xi1>
    %swap3A_2138 = arith.constant 48 : i32
    %swap3A_2139 = arith.index_cast %swap3A_2138 : i32 to index
    %swap3A_2140 = arith.constant 0 : index
    %swap3A_2141 = tpu.vector_load %arg10[%swap3A_2139, %swap3A_2140] {strides = array<i32>} : memref<64x16xi32, #tpu.memory_space<vmem>>, vector<16xi32>,
    tpu.vector_store %arg10[%swap3A_2139, %swap3A_2140], %add3A_2131 {strides = array<i32>} : memref<64x16xi32, #tpu.memory_space<vmem>>, vector<16xi32>,
    %get3A_2142 = arith.constant 768 : index
    %get3A_2143 = tpu.vector_load %arg8[%get3A_2142] {strides = array<i32>} : memref<1024xi32, #tpu.memory_space<vmem>>, vector<16xi32>,
    %swap3A_2144 = arith.constant 48 : i32
    %swap3A_2145 = arith.index_cast %swap3A_2144 : i32 to index
    %swap3A_2146 = arith.constant 0 : index
    %swap3A_2147 = tpu.vector_load %arg9[%swap3A_2145, %swap3A_2146] {strides = array<i32>} : memref<64x16xi32, #tpu.memory_space<vmem>>, vector<16xi32>,
    tpu.vector_store %arg9[%swap3A_2145, %swap3A_2146], %get3A_2143 {strides = array<i32>} : memref<64x16xi32, #tpu.memory_space<vmem>>, vector<16xi32>,
    %slice3A_2148 = vector.extract_strided_slice %get3A_2109 {offsets = [15], sizes = [1], strides = [1]} : vector<16xi32> to vector<1xi32>
    %squeeze3A_2149 = vector.extract %slice3A_2148[0] : i32 from vector<1xi32>
    %slice3A_2150 = vector.extract_strided_slice %add3A_2131 {offsets = [15], sizes = [1], strides = [1]} : vector<16xi32> to vector<1xi32>
    %squeeze3A_2151 = vector.extract %slice3A_2150[0] : i32 from vector<1xi32>
    %get3A_2152 = arith.constant 784 : index
    %get3A_2153 = tpu.vector_load %arg7[%get3A_2152] {strides = array<i32>} : memref<1024xi32, #tpu.memory_space<vmem>>, vector<16xi32>,
    %lt3A_2154 = arith.constant 0 : i32
    %lt3A_2155 = vector.broadcast %lt3A_2154 : i32 to vector<16xi32>
    %lt3A_2156 = arith.cmpi slt, %and3A_7, %lt3A_2155 : vector<16xi32>
    %add3A_2157 = arith.constant 16 : i32
    %add3A_2158 = vector.broadcast %add3A_2157 : i32 to vector<16xi32>
    %add3A_2159 = arith.addi %and3A_7, %add3A_2158 : vector<16xi32>
    %select_n3A_2160 = arith.select %lt3A_2156, %add3A_2159, %and3A_7 : vector<16xi1>, vector<16xi32>
    %broadcast_in_dim3A_2161 = vector.shape_cast %select_n3A_2160 : vector<16xi32> to vector<16x1xi32>
    %gather3A_2162 = vector.shape_cast %broadcast_in_dim3A_2161 : vector<16x1xi32> to vector<16xi32>
    %gather3A_2163 = tpu.dynamic_gather %get3A_2153[%gather3A_2162] in [0] : vector<16xi32>, vector<16xi32> -> vector<16xi32>
    %eq3A_2164 = arith.constant 0 : i32
    %eq3A_2165 = vector.broadcast %eq3A_2164 : i32 to vector<16xi32>
    %eq3A_2166 = arith.cmpi eq, %iota3A, %eq3A_2165 : vector<16xi32>
    %broadcast_in_dim3A_2167 = vector.broadcast %squeeze3A_2149 : i32 to vector<16xi32>
    %select_n3A_2168 = arith.select %eq3A_2166, %broadcast_in_dim3A_2167, %gather3A_2163 : vector<16xi1>, vector<16xi32>
    %ne3A_2169 = arith.cmpi ne, %get3A_2153, %select_n3A_2168 : vector<16xi32>
    %convert_element_type3A_2170 = arith.extui %ne3A_2169 : vector<16xi1> to vector<16xi32>
    %broadcast_in_dim3A_2171 = arith.constant true
    %broadcast_in_dim3A_2172 = vector.broadcast %broadcast_in_dim3A_2171 : i1 to vector<16xi1>
    %masked_cumsum3A_2173 = tpu.scan <sum>, %convert_element_type3A_2170 masked %broadcast_in_dim3A_2172 : vector<16xi32>, vector<16xi1> -> vector<16xi32>
    %add3A_2174 = vector.broadcast %squeeze3A_2151 : i32 to vector<16xi32>
    %add3A_2175 = arith.addi %add3A_2174, %masked_cumsum3A_2173 : vector<16xi32>
    %shift_right_logical3A_2176 = arith.constant 7 : i32
    %shift_right_logical3A_2177 = vector.broadcast %shift_right_logical3A_2176 : i32 to vector<16xi32>
    %shift_right_logical3A_2178 = arith.shrui %get3A_2153, %shift_right_logical3A_2177 : vector<16xi32>
    %eq3A_2179 = arith.constant 1 : i32
    %eq3A_2180 = vector.broadcast %eq3A_2179 : i32 to vector<16xi32>
    %eq3A_2181 = arith.cmpi eq, %convert_element_type3A_2170, %eq3A_2180 : vector<16xi32>
    tpu.vector_store_idx %arg11[%add3A_2175], %shift_right_logical3A_2178 masked %eq3A_2181 : memref<1024xi32, #tpu.memory_space<vmem>>[vector<16xi32>], vector<16xi32>, vector<16xi1>
    %swap3A_2182 = arith.constant 49 : i32
    %swap3A_2183 = arith.index_cast %swap3A_2182 : i32 to index
    %swap3A_2184 = arith.constant 0 : index
    %swap3A_2185 = tpu.vector_load %arg10[%swap3A_2183, %swap3A_2184] {strides = array<i32>} : memref<64x16xi32, #tpu.memory_space<vmem>>, vector<16xi32>,
    tpu.vector_store %arg10[%swap3A_2183, %swap3A_2184], %add3A_2175 {strides = array<i32>} : memref<64x16xi32, #tpu.memory_space<vmem>>, vector<16xi32>,
    %get3A_2186 = arith.constant 784 : index
    %get3A_2187 = tpu.vector_load %arg8[%get3A_2186] {strides = array<i32>} : memref<1024xi32, #tpu.memory_space<vmem>>, vector<16xi32>,
    %swap3A_2188 = arith.constant 49 : i32
    %swap3A_2189 = arith.index_cast %swap3A_2188 : i32 to index
    %swap3A_2190 = arith.constant 0 : index
    %swap3A_2191 = tpu.vector_load %arg9[%swap3A_2189, %swap3A_2190] {strides = array<i32>} : memref<64x16xi32, #tpu.memory_space<vmem>>, vector<16xi32>,
    tpu.vector_store %arg9[%swap3A_2189, %swap3A_2190], %get3A_2187 {strides = array<i32>} : memref<64x16xi32, #tpu.memory_space<vmem>>, vector<16xi32>,
    %slice3A_2192 = vector.extract_strided_slice %get3A_2153 {offsets = [15], sizes = [1], strides = [1]} : vector<16xi32> to vector<1xi32>
    %squeeze3A_2193 = vector.extract %slice3A_2192[0] : i32 from vector<1xi32>
    %slice3A_2194 = vector.extract_strided_slice %add3A_2175 {offsets = [15], sizes = [1], strides = [1]} : vector<16xi32> to vector<1xi32>
    %squeeze3A_2195 = vector.extract %slice3A_2194[0] : i32 from vector<1xi32>
    %get3A_2196 = arith.constant 800 : index
    %get3A_2197 = tpu.vector_load %arg7[%get3A_2196] {strides = array<i32>} : memref<1024xi32, #tpu.memory_space<vmem>>, vector<16xi32>,
    %lt3A_2198 = arith.constant 0 : i32
    %lt3A_2199 = vector.broadcast %lt3A_2198 : i32 to vector<16xi32>
    %lt3A_2200 = arith.cmpi slt, %and3A_7, %lt3A_2199 : vector<16xi32>
    %add3A_2201 = arith.constant 16 : i32
    %add3A_2202 = vector.broadcast %add3A_2201 : i32 to vector<16xi32>
    %add3A_2203 = arith.addi %and3A_7, %add3A_2202 : vector<16xi32>
    %select_n3A_2204 = arith.select %lt3A_2200, %add3A_2203, %and3A_7 : vector<16xi1>, vector<16xi32>
    %broadcast_in_dim3A_2205 = vector.shape_cast %select_n3A_2204 : vector<16xi32> to vector<16x1xi32>
    %gather3A_2206 = vector.shape_cast %broadcast_in_dim3A_2205 : vector<16x1xi32> to vector<16xi32>
    %gather3A_2207 = tpu.dynamic_gather %get3A_2197[%gather3A_2206] in [0] : vector<16xi32>, vector<16xi32> -> vector<16xi32>
    %eq3A_2208 = arith.constant 0 : i32
    %eq3A_2209 = vector.broadcast %eq3A_2208 : i32 to vector<16xi32>
    %eq3A_2210 = arith.cmpi eq, %iota3A, %eq3A_2209 : vector<16xi32>
    %broadcast_in_dim3A_2211 = vector.broadcast %squeeze3A_2193 : i32 to vector<16xi32>
    %select_n3A_2212 = arith.select %eq3A_2210, %broadcast_in_dim3A_2211, %gather3A_2207 : vector<16xi1>, vector<16xi32>
    %ne3A_2213 = arith.cmpi ne, %get3A_2197, %select_n3A_2212 : vector<16xi32>
    %convert_element_type3A_2214 = arith.extui %ne3A_2213 : vector<16xi1> to vector<16xi32>
    %broadcast_in_dim3A_2215 = arith.constant true
    %broadcast_in_dim3A_2216 = vector.broadcast %broadcast_in_dim3A_2215 : i1 to vector<16xi1>
    %masked_cumsum3A_2217 = tpu.scan <sum>, %convert_element_type3A_2214 masked %broadcast_in_dim3A_2216 : vector<16xi32>, vector<16xi1> -> vector<16xi32>
    %add3A_2218 = vector.broadcast %squeeze3A_2195 : i32 to vector<16xi32>
    %add3A_2219 = arith.addi %add3A_2218, %masked_cumsum3A_2217 : vector<16xi32>
    %shift_right_logical3A_2220 = arith.constant 7 : i32
    %shift_right_logical3A_2221 = vector.broadcast %shift_right_logical3A_2220 : i32 to vector<16xi32>
    %shift_right_logical3A_2222 = arith.shrui %get3A_2197, %shift_right_logical3A_2221 : vector<16xi32>
    %eq3A_2223 = arith.constant 1 : i32
    %eq3A_2224 = vector.broadcast %eq3A_2223 : i32 to vector<16xi32>
    %eq3A_2225 = arith.cmpi eq, %convert_element_type3A_2214, %eq3A_2224 : vector<16xi32>
    tpu.vector_store_idx %arg11[%add3A_2219], %shift_right_logical3A_2222 masked %eq3A_2225 : memref<1024xi32, #tpu.memory_space<vmem>>[vector<16xi32>], vector<16xi32>, vector<16xi1>
    %swap3A_2226 = arith.constant 50 : i32
    %swap3A_2227 = arith.index_cast %swap3A_2226 : i32 to index
    %swap3A_2228 = arith.constant 0 : index
    %swap3A_2229 = tpu.vector_load %arg10[%swap3A_2227, %swap3A_2228] {strides = array<i32>} : memref<64x16xi32, #tpu.memory_space<vmem>>, vector<16xi32>,
    tpu.vector_store %arg10[%swap3A_2227, %swap3A_2228], %add3A_2219 {strides = array<i32>} : memref<64x16xi32, #tpu.memory_space<vmem>>, vector<16xi32>,
    %get3A_2230 = arith.constant 800 : index
    %get3A_2231 = tpu.vector_load %arg8[%get3A_2230] {strides = array<i32>} : memref<1024xi32, #tpu.memory_space<vmem>>, vector<16xi32>,
    %swap3A_2232 = arith.constant 50 : i32
    %swap3A_2233 = arith.index_cast %swap3A_2232 : i32 to index
    %swap3A_2234 = arith.constant 0 : index
    %swap3A_2235 = tpu.vector_load %arg9[%swap3A_2233, %swap3A_2234] {strides = array<i32>} : memref<64x16xi32, #tpu.memory_space<vmem>>, vector<16xi32>,
    tpu.vector_store %arg9[%swap3A_2233, %swap3A_2234], %get3A_2231 {strides = array<i32>} : memref<64x16xi32, #tpu.memory_space<vmem>>, vector<16xi32>,
    %slice3A_2236 = vector.extract_strided_slice %get3A_2197 {offsets = [15], sizes = [1], strides = [1]} : vector<16xi32> to vector<1xi32>
    %squeeze3A_2237 = vector.extract %slice3A_2236[0] : i32 from vector<1xi32>
    %slice3A_2238 = vector.extract_strided_slice %add3A_2219 {offsets = [15], sizes = [1], strides = [1]} : vector<16xi32> to vector<1xi32>
    %squeeze3A_2239 = vector.extract %slice3A_2238[0] : i32 from vector<1xi32>
    %get3A_2240 = arith.constant 816 : index
    %get3A_2241 = tpu.vector_load %arg7[%get3A_2240] {strides = array<i32>} : memref<1024xi32, #tpu.memory_space<vmem>>, vector<16xi32>,
    %lt3A_2242 = arith.constant 0 : i32
    %lt3A_2243 = vector.broadcast %lt3A_2242 : i32 to vector<16xi32>
    %lt3A_2244 = arith.cmpi slt, %and3A_7, %lt3A_2243 : vector<16xi32>
    %add3A_2245 = arith.constant 16 : i32
    %add3A_2246 = vector.broadcast %add3A_2245 : i32 to vector<16xi32>
    %add3A_2247 = arith.addi %and3A_7, %add3A_2246 : vector<16xi32>
    %select_n3A_2248 = arith.select %lt3A_2244, %add3A_2247, %and3A_7 : vector<16xi1>, vector<16xi32>
    %broadcast_in_dim3A_2249 = vector.shape_cast %select_n3A_2248 : vector<16xi32> to vector<16x1xi32>
    %gather3A_2250 = vector.shape_cast %broadcast_in_dim3A_2249 : vector<16x1xi32> to vector<16xi32>
    %gather3A_2251 = tpu.dynamic_gather %get3A_2241[%gather3A_2250] in [0] : vector<16xi32>, vector<16xi32> -> vector<16xi32>
    %eq3A_2252 = arith.constant 0 : i32
    %eq3A_2253 = vector.broadcast %eq3A_2252 : i32 to vector<16xi32>
    %eq3A_2254 = arith.cmpi eq, %iota3A, %eq3A_2253 : vector<16xi32>
    %broadcast_in_dim3A_2255 = vector.broadcast %squeeze3A_2237 : i32 to vector<16xi32>
    %select_n3A_2256 = arith.select %eq3A_2254, %broadcast_in_dim3A_2255, %gather3A_2251 : vector<16xi1>, vector<16xi32>
    %ne3A_2257 = arith.cmpi ne, %get3A_2241, %select_n3A_2256 : vector<16xi32>
    %convert_element_type3A_2258 = arith.extui %ne3A_2257 : vector<16xi1> to vector<16xi32>
    %broadcast_in_dim3A_2259 = arith.constant true
    %broadcast_in_dim3A_2260 = vector.broadcast %broadcast_in_dim3A_2259 : i1 to vector<16xi1>
    %masked_cumsum3A_2261 = tpu.scan <sum>, %convert_element_type3A_2258 masked %broadcast_in_dim3A_2260 : vector<16xi32>, vector<16xi1> -> vector<16xi32>
    %add3A_2262 = vector.broadcast %squeeze3A_2239 : i32 to vector<16xi32>
    %add3A_2263 = arith.addi %add3A_2262, %masked_cumsum3A_2261 : vector<16xi32>
    %shift_right_logical3A_2264 = arith.constant 7 : i32
    %shift_right_logical3A_2265 = vector.broadcast %shift_right_logical3A_2264 : i32 to vector<16xi32>
    %shift_right_logical3A_2266 = arith.shrui %get3A_2241, %shift_right_logical3A_2265 : vector<16xi32>
    %eq3A_2267 = arith.constant 1 : i32
    %eq3A_2268 = vector.broadcast %eq3A_2267 : i32 to vector<16xi32>
    %eq3A_2269 = arith.cmpi eq, %convert_element_type3A_2258, %eq3A_2268 : vector<16xi32>
    tpu.vector_store_idx %arg11[%add3A_2263], %shift_right_logical3A_2266 masked %eq3A_2269 : memref<1024xi32, #tpu.memory_space<vmem>>[vector<16xi32>], vector<16xi32>, vector<16xi1>
    %swap3A_2270 = arith.constant 51 : i32
    %swap3A_2271 = arith.index_cast %swap3A_2270 : i32 to index
    %swap3A_2272 = arith.constant 0 : index
    %swap3A_2273 = tpu.vector_load %arg10[%swap3A_2271, %swap3A_2272] {strides = array<i32>} : memref<64x16xi32, #tpu.memory_space<vmem>>, vector<16xi32>,
    tpu.vector_store %arg10[%swap3A_2271, %swap3A_2272], %add3A_2263 {strides = array<i32>} : memref<64x16xi32, #tpu.memory_space<vmem>>, vector<16xi32>,
    %get3A_2274 = arith.constant 816 : index
    %get3A_2275 = tpu.vector_load %arg8[%get3A_2274] {strides = array<i32>} : memref<1024xi32, #tpu.memory_space<vmem>>, vector<16xi32>,
    %swap3A_2276 = arith.constant 51 : i32
    %swap3A_2277 = arith.index_cast %swap3A_2276 : i32 to index
    %swap3A_2278 = arith.constant 0 : index
    %swap3A_2279 = tpu.vector_load %arg9[%swap3A_2277, %swap3A_2278] {strides = array<i32>} : memref<64x16xi32, #tpu.memory_space<vmem>>, vector<16xi32>,
    tpu.vector_store %arg9[%swap3A_2277, %swap3A_2278], %get3A_2275 {strides = array<i32>} : memref<64x16xi32, #tpu.memory_space<vmem>>, vector<16xi32>,
    %slice3A_2280 = vector.extract_strided_slice %get3A_2241 {offsets = [15], sizes = [1], strides = [1]} : vector<16xi32> to vector<1xi32>
    %squeeze3A_2281 = vector.extract %slice3A_2280[0] : i32 from vector<1xi32>
    %slice3A_2282 = vector.extract_strided_slice %add3A_2263 {offsets = [15], sizes = [1], strides = [1]} : vector<16xi32> to vector<1xi32>
    %squeeze3A_2283 = vector.extract %slice3A_2282[0] : i32 from vector<1xi32>
    %get3A_2284 = arith.constant 832 : index
    %get3A_2285 = tpu.vector_load %arg7[%get3A_2284] {strides = array<i32>} : memref<1024xi32, #tpu.memory_space<vmem>>, vector<16xi32>,
    %lt3A_2286 = arith.constant 0 : i32
    %lt3A_2287 = vector.broadcast %lt3A_2286 : i32 to vector<16xi32>
    %lt3A_2288 = arith.cmpi slt, %and3A_7, %lt3A_2287 : vector<16xi32>
    %add3A_2289 = arith.constant 16 : i32
    %add3A_2290 = vector.broadcast %add3A_2289 : i32 to vector<16xi32>
    %add3A_2291 = arith.addi %and3A_7, %add3A_2290 : vector<16xi32>
    %select_n3A_2292 = arith.select %lt3A_2288, %add3A_2291, %and3A_7 : vector<16xi1>, vector<16xi32>
    %broadcast_in_dim3A_2293 = vector.shape_cast %select_n3A_2292 : vector<16xi32> to vector<16x1xi32>
    %gather3A_2294 = vector.shape_cast %broadcast_in_dim3A_2293 : vector<16x1xi32> to vector<16xi32>
    %gather3A_2295 = tpu.dynamic_gather %get3A_2285[%gather3A_2294] in [0] : vector<16xi32>, vector<16xi32> -> vector<16xi32>
    %eq3A_2296 = arith.constant 0 : i32
    %eq3A_2297 = vector.broadcast %eq3A_2296 : i32 to vector<16xi32>
    %eq3A_2298 = arith.cmpi eq, %iota3A, %eq3A_2297 : vector<16xi32>
    %broadcast_in_dim3A_2299 = vector.broadcast %squeeze3A_2281 : i32 to vector<16xi32>
    %select_n3A_2300 = arith.select %eq3A_2298, %broadcast_in_dim3A_2299, %gather3A_2295 : vector<16xi1>, vector<16xi32>
    %ne3A_2301 = arith.cmpi ne, %get3A_2285, %select_n3A_2300 : vector<16xi32>
    %convert_element_type3A_2302 = arith.extui %ne3A_2301 : vector<16xi1> to vector<16xi32>
    %broadcast_in_dim3A_2303 = arith.constant true
    %broadcast_in_dim3A_2304 = vector.broadcast %broadcast_in_dim3A_2303 : i1 to vector<16xi1>
    %masked_cumsum3A_2305 = tpu.scan <sum>, %convert_element_type3A_2302 masked %broadcast_in_dim3A_2304 : vector<16xi32>, vector<16xi1> -> vector<16xi32>
    %add3A_2306 = vector.broadcast %squeeze3A_2283 : i32 to vector<16xi32>
    %add3A_2307 = arith.addi %add3A_2306, %masked_cumsum3A_2305 : vector<16xi32>
    %shift_right_logical3A_2308 = arith.constant 7 : i32
    %shift_right_logical3A_2309 = vector.broadcast %shift_right_logical3A_2308 : i32 to vector<16xi32>
    %shift_right_logical3A_2310 = arith.shrui %get3A_2285, %shift_right_logical3A_2309 : vector<16xi32>
    %eq3A_2311 = arith.constant 1 : i32
    %eq3A_2312 = vector.broadcast %eq3A_2311 : i32 to vector<16xi32>
    %eq3A_2313 = arith.cmpi eq, %convert_element_type3A_2302, %eq3A_2312 : vector<16xi32>
    tpu.vector_store_idx %arg11[%add3A_2307], %shift_right_logical3A_2310 masked %eq3A_2313 : memref<1024xi32, #tpu.memory_space<vmem>>[vector<16xi32>], vector<16xi32>, vector<16xi1>
    %swap3A_2314 = arith.constant 52 : i32
    %swap3A_2315 = arith.index_cast %swap3A_2314 : i32 to index
    %swap3A_2316 = arith.constant 0 : index
    %swap3A_2317 = tpu.vector_load %arg10[%swap3A_2315, %swap3A_2316] {strides = array<i32>} : memref<64x16xi32, #tpu.memory_space<vmem>>, vector<16xi32>,
    tpu.vector_store %arg10[%swap3A_2315, %swap3A_2316], %add3A_2307 {strides = array<i32>} : memref<64x16xi32, #tpu.memory_space<vmem>>, vector<16xi32>,
    %get3A_2318 = arith.constant 832 : index
    %get3A_2319 = tpu.vector_load %arg8[%get3A_2318] {strides = array<i32>} : memref<1024xi32, #tpu.memory_space<vmem>>, vector<16xi32>,
    %swap3A_2320 = arith.constant 52 : i32
    %swap3A_2321 = arith.index_cast %swap3A_2320 : i32 to index
    %swap3A_2322 = arith.constant 0 : index
    %swap3A_2323 = tpu.vector_load %arg9[%swap3A_2321, %swap3A_2322] {strides = array<i32>} : memref<64x16xi32, #tpu.memory_space<vmem>>, vector<16xi32>,
    tpu.vector_store %arg9[%swap3A_2321, %swap3A_2322], %get3A_2319 {strides = array<i32>} : memref<64x16xi32, #tpu.memory_space<vmem>>, vector<16xi32>,
    %slice3A_2324 = vector.extract_strided_slice %get3A_2285 {offsets = [15], sizes = [1], strides = [1]} : vector<16xi32> to vector<1xi32>
    %squeeze3A_2325 = vector.extract %slice3A_2324[0] : i32 from vector<1xi32>
    %slice3A_2326 = vector.extract_strided_slice %add3A_2307 {offsets = [15], sizes = [1], strides = [1]} : vector<16xi32> to vector<1xi32>
    %squeeze3A_2327 = vector.extract %slice3A_2326[0] : i32 from vector<1xi32>
    %get3A_2328 = arith.constant 848 : index
    %get3A_2329 = tpu.vector_load %arg7[%get3A_2328] {strides = array<i32>} : memref<1024xi32, #tpu.memory_space<vmem>>, vector<16xi32>,
    %lt3A_2330 = arith.constant 0 : i32
    %lt3A_2331 = vector.broadcast %lt3A_2330 : i32 to vector<16xi32>
    %lt3A_2332 = arith.cmpi slt, %and3A_7, %lt3A_2331 : vector<16xi32>
    %add3A_2333 = arith.constant 16 : i32
    %add3A_2334 = vector.broadcast %add3A_2333 : i32 to vector<16xi32>
    %add3A_2335 = arith.addi %and3A_7, %add3A_2334 : vector<16xi32>
    %select_n3A_2336 = arith.select %lt3A_2332, %add3A_2335, %and3A_7 : vector<16xi1>, vector<16xi32>
    %broadcast_in_dim3A_2337 = vector.shape_cast %select_n3A_2336 : vector<16xi32> to vector<16x1xi32>
    %gather3A_2338 = vector.shape_cast %broadcast_in_dim3A_2337 : vector<16x1xi32> to vector<16xi32>
    %gather3A_2339 = tpu.dynamic_gather %get3A_2329[%gather3A_2338] in [0] : vector<16xi32>, vector<16xi32> -> vector<16xi32>
    %eq3A_2340 = arith.constant 0 : i32
    %eq3A_2341 = vector.broadcast %eq3A_2340 : i32 to vector<16xi32>
    %eq3A_2342 = arith.cmpi eq, %iota3A, %eq3A_2341 : vector<16xi32>
    %broadcast_in_dim3A_2343 = vector.broadcast %squeeze3A_2325 : i32 to vector<16xi32>
    %select_n3A_2344 = arith.select %eq3A_2342, %broadcast_in_dim3A_2343, %gather3A_2339 : vector<16xi1>, vector<16xi32>
    %ne3A_2345 = arith.cmpi ne, %get3A_2329, %select_n3A_2344 : vector<16xi32>
    %convert_element_type3A_2346 = arith.extui %ne3A_2345 : vector<16xi1> to vector<16xi32>
    %broadcast_in_dim3A_2347 = arith.constant true
    %broadcast_in_dim3A_2348 = vector.broadcast %broadcast_in_dim3A_2347 : i1 to vector<16xi1>
    %masked_cumsum3A_2349 = tpu.scan <sum>, %convert_element_type3A_2346 masked %broadcast_in_dim3A_2348 : vector<16xi32>, vector<16xi1> -> vector<16xi32>
    %add3A_2350 = vector.broadcast %squeeze3A_2327 : i32 to vector<16xi32>
    %add3A_2351 = arith.addi %add3A_2350, %masked_cumsum3A_2349 : vector<16xi32>
    %shift_right_logical3A_2352 = arith.constant 7 : i32
    %shift_right_logical3A_2353 = vector.broadcast %shift_right_logical3A_2352 : i32 to vector<16xi32>
    %shift_right_logical3A_2354 = arith.shrui %get3A_2329, %shift_right_logical3A_2353 : vector<16xi32>
    %eq3A_2355 = arith.constant 1 : i32
    %eq3A_2356 = vector.broadcast %eq3A_2355 : i32 to vector<16xi32>
    %eq3A_2357 = arith.cmpi eq, %convert_element_type3A_2346, %eq3A_2356 : vector<16xi32>
    tpu.vector_store_idx %arg11[%add3A_2351], %shift_right_logical3A_2354 masked %eq3A_2357 : memref<1024xi32, #tpu.memory_space<vmem>>[vector<16xi32>], vector<16xi32>, vector<16xi1>
    %swap3A_2358 = arith.constant 53 : i32
    %swap3A_2359 = arith.index_cast %swap3A_2358 : i32 to index
    %swap3A_2360 = arith.constant 0 : index
    %swap3A_2361 = tpu.vector_load %arg10[%swap3A_2359, %swap3A_2360] {strides = array<i32>} : memref<64x16xi32, #tpu.memory_space<vmem>>, vector<16xi32>,
    tpu.vector_store %arg10[%swap3A_2359, %swap3A_2360], %add3A_2351 {strides = array<i32>} : memref<64x16xi32, #tpu.memory_space<vmem>>, vector<16xi32>,
    %get3A_2362 = arith.constant 848 : index
    %get3A_2363 = tpu.vector_load %arg8[%get3A_2362] {strides = array<i32>} : memref<1024xi32, #tpu.memory_space<vmem>>, vector<16xi32>,
    %swap3A_2364 = arith.constant 53 : i32
    %swap3A_2365 = arith.index_cast %swap3A_2364 : i32 to index
    %swap3A_2366 = arith.constant 0 : index
    %swap3A_2367 = tpu.vector_load %arg9[%swap3A_2365, %swap3A_2366] {strides = array<i32>} : memref<64x16xi32, #tpu.memory_space<vmem>>, vector<16xi32>,
    tpu.vector_store %arg9[%swap3A_2365, %swap3A_2366], %get3A_2363 {strides = array<i32>} : memref<64x16xi32, #tpu.memory_space<vmem>>, vector<16xi32>,
    %slice3A_2368 = vector.extract_strided_slice %get3A_2329 {offsets = [15], sizes = [1], strides = [1]} : vector<16xi32> to vector<1xi32>
    %squeeze3A_2369 = vector.extract %slice3A_2368[0] : i32 from vector<1xi32>
    %slice3A_2370 = vector.extract_strided_slice %add3A_2351 {offsets = [15], sizes = [1], strides = [1]} : vector<16xi32> to vector<1xi32>
    %squeeze3A_2371 = vector.extract %slice3A_2370[0] : i32 from vector<1xi32>
    %get3A_2372 = arith.constant 864 : index
    %get3A_2373 = tpu.vector_load %arg7[%get3A_2372] {strides = array<i32>} : memref<1024xi32, #tpu.memory_space<vmem>>, vector<16xi32>,
    %lt3A_2374 = arith.constant 0 : i32
    %lt3A_2375 = vector.broadcast %lt3A_2374 : i32 to vector<16xi32>
    %lt3A_2376 = arith.cmpi slt, %and3A_7, %lt3A_2375 : vector<16xi32>
    %add3A_2377 = arith.constant 16 : i32
    %add3A_2378 = vector.broadcast %add3A_2377 : i32 to vector<16xi32>
    %add3A_2379 = arith.addi %and3A_7, %add3A_2378 : vector<16xi32>
    %select_n3A_2380 = arith.select %lt3A_2376, %add3A_2379, %and3A_7 : vector<16xi1>, vector<16xi32>
    %broadcast_in_dim3A_2381 = vector.shape_cast %select_n3A_2380 : vector<16xi32> to vector<16x1xi32>
    %gather3A_2382 = vector.shape_cast %broadcast_in_dim3A_2381 : vector<16x1xi32> to vector<16xi32>
    %gather3A_2383 = tpu.dynamic_gather %get3A_2373[%gather3A_2382] in [0] : vector<16xi32>, vector<16xi32> -> vector<16xi32>
    %eq3A_2384 = arith.constant 0 : i32
    %eq3A_2385 = vector.broadcast %eq3A_2384 : i32 to vector<16xi32>
    %eq3A_2386 = arith.cmpi eq, %iota3A, %eq3A_2385 : vector<16xi32>
    %broadcast_in_dim3A_2387 = vector.broadcast %squeeze3A_2369 : i32 to vector<16xi32>
    %select_n3A_2388 = arith.select %eq3A_2386, %broadcast_in_dim3A_2387, %gather3A_2383 : vector<16xi1>, vector<16xi32>
    %ne3A_2389 = arith.cmpi ne, %get3A_2373, %select_n3A_2388 : vector<16xi32>
    %convert_element_type3A_2390 = arith.extui %ne3A_2389 : vector<16xi1> to vector<16xi32>
    %broadcast_in_dim3A_2391 = arith.constant true
    %broadcast_in_dim3A_2392 = vector.broadcast %broadcast_in_dim3A_2391 : i1 to vector<16xi1>
    %masked_cumsum3A_2393 = tpu.scan <sum>, %convert_element_type3A_2390 masked %broadcast_in_dim3A_2392 : vector<16xi32>, vector<16xi1> -> vector<16xi32>
    %add3A_2394 = vector.broadcast %squeeze3A_2371 : i32 to vector<16xi32>
    %add3A_2395 = arith.addi %add3A_2394, %masked_cumsum3A_2393 : vector<16xi32>
    %shift_right_logical3A_2396 = arith.constant 7 : i32
    %shift_right_logical3A_2397 = vector.broadcast %shift_right_logical3A_2396 : i32 to vector<16xi32>
    %shift_right_logical3A_2398 = arith.shrui %get3A_2373, %shift_right_logical3A_2397 : vector<16xi32>
    %eq3A_2399 = arith.constant 1 : i32
    %eq3A_2400 = vector.broadcast %eq3A_2399 : i32 to vector<16xi32>
    %eq3A_2401 = arith.cmpi eq, %convert_element_type3A_2390, %eq3A_2400 : vector<16xi32>
    tpu.vector_store_idx %arg11[%add3A_2395], %shift_right_logical3A_2398 masked %eq3A_2401 : memref<1024xi32, #tpu.memory_space<vmem>>[vector<16xi32>], vector<16xi32>, vector<16xi1>
    %swap3A_2402 = arith.constant 54 : i32
    %swap3A_2403 = arith.index_cast %swap3A_2402 : i32 to index
    %swap3A_2404 = arith.constant 0 : index
    %swap3A_2405 = tpu.vector_load %arg10[%swap3A_2403, %swap3A_2404] {strides = array<i32>} : memref<64x16xi32, #tpu.memory_space<vmem>>, vector<16xi32>,
    tpu.vector_store %arg10[%swap3A_2403, %swap3A_2404], %add3A_2395 {strides = array<i32>} : memref<64x16xi32, #tpu.memory_space<vmem>>, vector<16xi32>,
    %get3A_2406 = arith.constant 864 : index
    %get3A_2407 = tpu.vector_load %arg8[%get3A_2406] {strides = array<i32>} : memref<1024xi32, #tpu.memory_space<vmem>>, vector<16xi32>,
    %swap3A_2408 = arith.constant 54 : i32
    %swap3A_2409 = arith.index_cast %swap3A_2408 : i32 to index
    %swap3A_2410 = arith.constant 0 : index
    %swap3A_2411 = tpu.vector_load %arg9[%swap3A_2409, %swap3A_2410] {strides = array<i32>} : memref<64x16xi32, #tpu.memory_space<vmem>>, vector<16xi32>,
    tpu.vector_store %arg9[%swap3A_2409, %swap3A_2410], %get3A_2407 {strides = array<i32>} : memref<64x16xi32, #tpu.memory_space<vmem>>, vector<16xi32>,
    %slice3A_2412 = vector.extract_strided_slice %get3A_2373 {offsets = [15], sizes = [1], strides = [1]} : vector<16xi32> to vector<1xi32>
    %squeeze3A_2413 = vector.extract %slice3A_2412[0] : i32 from vector<1xi32>
    %slice3A_2414 = vector.extract_strided_slice %add3A_2395 {offsets = [15], sizes = [1], strides = [1]} : vector<16xi32> to vector<1xi32>
    %squeeze3A_2415 = vector.extract %slice3A_2414[0] : i32 from vector<1xi32>
    %get3A_2416 = arith.constant 880 : index
    %get3A_2417 = tpu.vector_load %arg7[%get3A_2416] {strides = array<i32>} : memref<1024xi32, #tpu.memory_space<vmem>>, vector<16xi32>,
    %lt3A_2418 = arith.constant 0 : i32
    %lt3A_2419 = vector.broadcast %lt3A_2418 : i32 to vector<16xi32>
    %lt3A_2420 = arith.cmpi slt, %and3A_7, %lt3A_2419 : vector<16xi32>
    %add3A_2421 = arith.constant 16 : i32
    %add3A_2422 = vector.broadcast %add3A_2421 : i32 to vector<16xi32>
    %add3A_2423 = arith.addi %and3A_7, %add3A_2422 : vector<16xi32>
    %select_n3A_2424 = arith.select %lt3A_2420, %add3A_2423, %and3A_7 : vector<16xi1>, vector<16xi32>
    %broadcast_in_dim3A_2425 = vector.shape_cast %select_n3A_2424 : vector<16xi32> to vector<16x1xi32>
    %gather3A_2426 = vector.shape_cast %broadcast_in_dim3A_2425 : vector<16x1xi32> to vector<16xi32>
    %gather3A_2427 = tpu.dynamic_gather %get3A_2417[%gather3A_2426] in [0] : vector<16xi32>, vector<16xi32> -> vector<16xi32>
    %eq3A_2428 = arith.constant 0 : i32
    %eq3A_2429 = vector.broadcast %eq3A_2428 : i32 to vector<16xi32>
    %eq3A_2430 = arith.cmpi eq, %iota3A, %eq3A_2429 : vector<16xi32>
    %broadcast_in_dim3A_2431 = vector.broadcast %squeeze3A_2413 : i32 to vector<16xi32>
    %select_n3A_2432 = arith.select %eq3A_2430, %broadcast_in_dim3A_2431, %gather3A_2427 : vector<16xi1>, vector<16xi32>
    %ne3A_2433 = arith.cmpi ne, %get3A_2417, %select_n3A_2432 : vector<16xi32>
    %convert_element_type3A_2434 = arith.extui %ne3A_2433 : vector<16xi1> to vector<16xi32>
    %broadcast_in_dim3A_2435 = arith.constant true
    %broadcast_in_dim3A_2436 = vector.broadcast %broadcast_in_dim3A_2435 : i1 to vector<16xi1>
    %masked_cumsum3A_2437 = tpu.scan <sum>, %convert_element_type3A_2434 masked %broadcast_in_dim3A_2436 : vector<16xi32>, vector<16xi1> -> vector<16xi32>
    %add3A_2438 = vector.broadcast %squeeze3A_2415 : i32 to vector<16xi32>
    %add3A_2439 = arith.addi %add3A_2438, %masked_cumsum3A_2437 : vector<16xi32>
    %shift_right_logical3A_2440 = arith.constant 7 : i32
    %shift_right_logical3A_2441 = vector.broadcast %shift_right_logical3A_2440 : i32 to vector<16xi32>
    %shift_right_logical3A_2442 = arith.shrui %get3A_2417, %shift_right_logical3A_2441 : vector<16xi32>
    %eq3A_2443 = arith.constant 1 : i32
    %eq3A_2444 = vector.broadcast %eq3A_2443 : i32 to vector<16xi32>
    %eq3A_2445 = arith.cmpi eq, %convert_element_type3A_2434, %eq3A_2444 : vector<16xi32>
    tpu.vector_store_idx %arg11[%add3A_2439], %shift_right_logical3A_2442 masked %eq3A_2445 : memref<1024xi32, #tpu.memory_space<vmem>>[vector<16xi32>], vector<16xi32>, vector<16xi1>
    %swap3A_2446 = arith.constant 55 : i32
    %swap3A_2447 = arith.index_cast %swap3A_2446 : i32 to index
    %swap3A_2448 = arith.constant 0 : index
    %swap3A_2449 = tpu.vector_load %arg10[%swap3A_2447, %swap3A_2448] {strides = array<i32>} : memref<64x16xi32, #tpu.memory_space<vmem>>, vector<16xi32>,
    tpu.vector_store %arg10[%swap3A_2447, %swap3A_2448], %add3A_2439 {strides = array<i32>} : memref<64x16xi32, #tpu.memory_space<vmem>>, vector<16xi32>,
    %get3A_2450 = arith.constant 880 : index
    %get3A_2451 = tpu.vector_load %arg8[%get3A_2450] {strides = array<i32>} : memref<1024xi32, #tpu.memory_space<vmem>>, vector<16xi32>,
    %swap3A_2452 = arith.constant 55 : i32
    %swap3A_2453 = arith.index_cast %swap3A_2452 : i32 to index
    %swap3A_2454 = arith.constant 0 : index
    %swap3A_2455 = tpu.vector_load %arg9[%swap3A_2453, %swap3A_2454] {strides = array<i32>} : memref<64x16xi32, #tpu.memory_space<vmem>>, vector<16xi32>,
    tpu.vector_store %arg9[%swap3A_2453, %swap3A_2454], %get3A_2451 {strides = array<i32>} : memref<64x16xi32, #tpu.memory_space<vmem>>, vector<16xi32>,
    %slice3A_2456 = vector.extract_strided_slice %get3A_2417 {offsets = [15], sizes = [1], strides = [1]} : vector<16xi32> to vector<1xi32>
    %squeeze3A_2457 = vector.extract %slice3A_2456[0] : i32 from vector<1xi32>
    %slice3A_2458 = vector.extract_strided_slice %add3A_2439 {offsets = [15], sizes = [1], strides = [1]} : vector<16xi32> to vector<1xi32>
    %squeeze3A_2459 = vector.extract %slice3A_2458[0] : i32 from vector<1xi32>
    %get3A_2460 = arith.constant 896 : index
    %get3A_2461 = tpu.vector_load %arg7[%get3A_2460] {strides = array<i32>} : memref<1024xi32, #tpu.memory_space<vmem>>, vector<16xi32>,
    %lt3A_2462 = arith.constant 0 : i32
    %lt3A_2463 = vector.broadcast %lt3A_2462 : i32 to vector<16xi32>
    %lt3A_2464 = arith.cmpi slt, %and3A_7, %lt3A_2463 : vector<16xi32>
    %add3A_2465 = arith.constant 16 : i32
    %add3A_2466 = vector.broadcast %add3A_2465 : i32 to vector<16xi32>
    %add3A_2467 = arith.addi %and3A_7, %add3A_2466 : vector<16xi32>
    %select_n3A_2468 = arith.select %lt3A_2464, %add3A_2467, %and3A_7 : vector<16xi1>, vector<16xi32>
    %broadcast_in_dim3A_2469 = vector.shape_cast %select_n3A_2468 : vector<16xi32> to vector<16x1xi32>
    %gather3A_2470 = vector.shape_cast %broadcast_in_dim3A_2469 : vector<16x1xi32> to vector<16xi32>
    %gather3A_2471 = tpu.dynamic_gather %get3A_2461[%gather3A_2470] in [0] : vector<16xi32>, vector<16xi32> -> vector<16xi32>
    %eq3A_2472 = arith.constant 0 : i32
    %eq3A_2473 = vector.broadcast %eq3A_2472 : i32 to vector<16xi32>
    %eq3A_2474 = arith.cmpi eq, %iota3A, %eq3A_2473 : vector<16xi32>
    %broadcast_in_dim3A_2475 = vector.broadcast %squeeze3A_2457 : i32 to vector<16xi32>
    %select_n3A_2476 = arith.select %eq3A_2474, %broadcast_in_dim3A_2475, %gather3A_2471 : vector<16xi1>, vector<16xi32>
    %ne3A_2477 = arith.cmpi ne, %get3A_2461, %select_n3A_2476 : vector<16xi32>
    %convert_element_type3A_2478 = arith.extui %ne3A_2477 : vector<16xi1> to vector<16xi32>
    %broadcast_in_dim3A_2479 = arith.constant true
    %broadcast_in_dim3A_2480 = vector.broadcast %broadcast_in_dim3A_2479 : i1 to vector<16xi1>
    %masked_cumsum3A_2481 = tpu.scan <sum>, %convert_element_type3A_2478 masked %broadcast_in_dim3A_2480 : vector<16xi32>, vector<16xi1> -> vector<16xi32>
    %add3A_2482 = vector.broadcast %squeeze3A_2459 : i32 to vector<16xi32>
    %add3A_2483 = arith.addi %add3A_2482, %masked_cumsum3A_2481 : vector<16xi32>
    %shift_right_logical3A_2484 = arith.constant 7 : i32
    %shift_right_logical3A_2485 = vector.broadcast %shift_right_logical3A_2484 : i32 to vector<16xi32>
    %shift_right_logical3A_2486 = arith.shrui %get3A_2461, %shift_right_logical3A_2485 : vector<16xi32>
    %eq3A_2487 = arith.constant 1 : i32
    %eq3A_2488 = vector.broadcast %eq3A_2487 : i32 to vector<16xi32>
    %eq3A_2489 = arith.cmpi eq, %convert_element_type3A_2478, %eq3A_2488 : vector<16xi32>
    tpu.vector_store_idx %arg11[%add3A_2483], %shift_right_logical3A_2486 masked %eq3A_2489 : memref<1024xi32, #tpu.memory_space<vmem>>[vector<16xi32>], vector<16xi32>, vector<16xi1>
    %swap3A_2490 = arith.constant 56 : i32
    %swap3A_2491 = arith.index_cast %swap3A_2490 : i32 to index
    %swap3A_2492 = arith.constant 0 : index
    %swap3A_2493 = tpu.vector_load %arg10[%swap3A_2491, %swap3A_2492] {strides = array<i32>} : memref<64x16xi32, #tpu.memory_space<vmem>>, vector<16xi32>,
    tpu.vector_store %arg10[%swap3A_2491, %swap3A_2492], %add3A_2483 {strides = array<i32>} : memref<64x16xi32, #tpu.memory_space<vmem>>, vector<16xi32>,
    %get3A_2494 = arith.constant 896 : index
    %get3A_2495 = tpu.vector_load %arg8[%get3A_2494] {strides = array<i32>} : memref<1024xi32, #tpu.memory_space<vmem>>, vector<16xi32>,
    %swap3A_2496 = arith.constant 56 : i32
    %swap3A_2497 = arith.index_cast %swap3A_2496 : i32 to index
    %swap3A_2498 = arith.constant 0 : index
    %swap3A_2499 = tpu.vector_load %arg9[%swap3A_2497, %swap3A_2498] {strides = array<i32>} : memref<64x16xi32, #tpu.memory_space<vmem>>, vector<16xi32>,
    tpu.vector_store %arg9[%swap3A_2497, %swap3A_2498], %get3A_2495 {strides = array<i32>} : memref<64x16xi32, #tpu.memory_space<vmem>>, vector<16xi32>,
    %slice3A_2500 = vector.extract_strided_slice %get3A_2461 {offsets = [15], sizes = [1], strides = [1]} : vector<16xi32> to vector<1xi32>
    %squeeze3A_2501 = vector.extract %slice3A_2500[0] : i32 from vector<1xi32>
    %slice3A_2502 = vector.extract_strided_slice %add3A_2483 {offsets = [15], sizes = [1], strides = [1]} : vector<16xi32> to vector<1xi32>
    %squeeze3A_2503 = vector.extract %slice3A_2502[0] : i32 from vector<1xi32>
    %get3A_2504 = arith.constant 912 : index
    %get3A_2505 = tpu.vector_load %arg7[%get3A_2504] {strides = array<i32>} : memref<1024xi32, #tpu.memory_space<vmem>>, vector<16xi32>,
    %lt3A_2506 = arith.constant 0 : i32
    %lt3A_2507 = vector.broadcast %lt3A_2506 : i32 to vector<16xi32>
    %lt3A_2508 = arith.cmpi slt, %and3A_7, %lt3A_2507 : vector<16xi32>
    %add3A_2509 = arith.constant 16 : i32
    %add3A_2510 = vector.broadcast %add3A_2509 : i32 to vector<16xi32>
    %add3A_2511 = arith.addi %and3A_7, %add3A_2510 : vector<16xi32>
    %select_n3A_2512 = arith.select %lt3A_2508, %add3A_2511, %and3A_7 : vector<16xi1>, vector<16xi32>
    %broadcast_in_dim3A_2513 = vector.shape_cast %select_n3A_2512 : vector<16xi32> to vector<16x1xi32>
    %gather3A_2514 = vector.shape_cast %broadcast_in_dim3A_2513 : vector<16x1xi32> to vector<16xi32>
    %gather3A_2515 = tpu.dynamic_gather %get3A_2505[%gather3A_2514] in [0] : vector<16xi32>, vector<16xi32> -> vector<16xi32>
    %eq3A_2516 = arith.constant 0 : i32
    %eq3A_2517 = vector.broadcast %eq3A_2516 : i32 to vector<16xi32>
    %eq3A_2518 = arith.cmpi eq, %iota3A, %eq3A_2517 : vector<16xi32>
    %broadcast_in_dim3A_2519 = vector.broadcast %squeeze3A_2501 : i32 to vector<16xi32>
    %select_n3A_2520 = arith.select %eq3A_2518, %broadcast_in_dim3A_2519, %gather3A_2515 : vector<16xi1>, vector<16xi32>
    %ne3A_2521 = arith.cmpi ne, %get3A_2505, %select_n3A_2520 : vector<16xi32>
    %convert_element_type3A_2522 = arith.extui %ne3A_2521 : vector<16xi1> to vector<16xi32>
    %broadcast_in_dim3A_2523 = arith.constant true
    %broadcast_in_dim3A_2524 = vector.broadcast %broadcast_in_dim3A_2523 : i1 to vector<16xi1>
    %masked_cumsum3A_2525 = tpu.scan <sum>, %convert_element_type3A_2522 masked %broadcast_in_dim3A_2524 : vector<16xi32>, vector<16xi1> -> vector<16xi32>
    %add3A_2526 = vector.broadcast %squeeze3A_2503 : i32 to vector<16xi32>
    %add3A_2527 = arith.addi %add3A_2526, %masked_cumsum3A_2525 : vector<16xi32>
    %shift_right_logical3A_2528 = arith.constant 7 : i32
    %shift_right_logical3A_2529 = vector.broadcast %shift_right_logical3A_2528 : i32 to vector<16xi32>
    %shift_right_logical3A_2530 = arith.shrui %get3A_2505, %shift_right_logical3A_2529 : vector<16xi32>
    %eq3A_2531 = arith.constant 1 : i32
    %eq3A_2532 = vector.broadcast %eq3A_2531 : i32 to vector<16xi32>
    %eq3A_2533 = arith.cmpi eq, %convert_element_type3A_2522, %eq3A_2532 : vector<16xi32>
    tpu.vector_store_idx %arg11[%add3A_2527], %shift_right_logical3A_2530 masked %eq3A_2533 : memref<1024xi32, #tpu.memory_space<vmem>>[vector<16xi32>], vector<16xi32>, vector<16xi1>
    %swap3A_2534 = arith.constant 57 : i32
    %swap3A_2535 = arith.index_cast %swap3A_2534 : i32 to index
    %swap3A_2536 = arith.constant 0 : index
    %swap3A_2537 = tpu.vector_load %arg10[%swap3A_2535, %swap3A_2536] {strides = array<i32>} : memref<64x16xi32, #tpu.memory_space<vmem>>, vector<16xi32>,
    tpu.vector_store %arg10[%swap3A_2535, %swap3A_2536], %add3A_2527 {strides = array<i32>} : memref<64x16xi32, #tpu.memory_space<vmem>>, vector<16xi32>,
    %get3A_2538 = arith.constant 912 : index
    %get3A_2539 = tpu.vector_load %arg8[%get3A_2538] {strides = array<i32>} : memref<1024xi32, #tpu.memory_space<vmem>>, vector<16xi32>,
    %swap3A_2540 = arith.constant 57 : i32
    %swap3A_2541 = arith.index_cast %swap3A_2540 : i32 to index
    %swap3A_2542 = arith.constant 0 : index
    %swap3A_2543 = tpu.vector_load %arg9[%swap3A_2541, %swap3A_2542] {strides = array<i32>} : memref<64x16xi32, #tpu.memory_space<vmem>>, vector<16xi32>,
    tpu.vector_store %arg9[%swap3A_2541, %swap3A_2542], %get3A_2539 {strides = array<i32>} : memref<64x16xi32, #tpu.memory_space<vmem>>, vector<16xi32>,
    %slice3A_2544 = vector.extract_strided_slice %get3A_2505 {offsets = [15], sizes = [1], strides = [1]} : vector<16xi32> to vector<1xi32>
    %squeeze3A_2545 = vector.extract %slice3A_2544[0] : i32 from vector<1xi32>
    %slice3A_2546 = vector.extract_strided_slice %add3A_2527 {offsets = [15], sizes = [1], strides = [1]} : vector<16xi32> to vector<1xi32>
    %squeeze3A_2547 = vector.extract %slice3A_2546[0] : i32 from vector<1xi32>
    %get3A_2548 = arith.constant 928 : index
    %get3A_2549 = tpu.vector_load %arg7[%get3A_2548] {strides = array<i32>} : memref<1024xi32, #tpu.memory_space<vmem>>, vector<16xi32>,
    %lt3A_2550 = arith.constant 0 : i32
    %lt3A_2551 = vector.broadcast %lt3A_2550 : i32 to vector<16xi32>
    %lt3A_2552 = arith.cmpi slt, %and3A_7, %lt3A_2551 : vector<16xi32>
    %add3A_2553 = arith.constant 16 : i32
    %add3A_2554 = vector.broadcast %add3A_2553 : i32 to vector<16xi32>
    %add3A_2555 = arith.addi %and3A_7, %add3A_2554 : vector<16xi32>
    %select_n3A_2556 = arith.select %lt3A_2552, %add3A_2555, %and3A_7 : vector<16xi1>, vector<16xi32>
    %broadcast_in_dim3A_2557 = vector.shape_cast %select_n3A_2556 : vector<16xi32> to vector<16x1xi32>
    %gather3A_2558 = vector.shape_cast %broadcast_in_dim3A_2557 : vector<16x1xi32> to vector<16xi32>
    %gather3A_2559 = tpu.dynamic_gather %get3A_2549[%gather3A_2558] in [0] : vector<16xi32>, vector<16xi32> -> vector<16xi32>
    %eq3A_2560 = arith.constant 0 : i32
    %eq3A_2561 = vector.broadcast %eq3A_2560 : i32 to vector<16xi32>
    %eq3A_2562 = arith.cmpi eq, %iota3A, %eq3A_2561 : vector<16xi32>
    %broadcast_in_dim3A_2563 = vector.broadcast %squeeze3A_2545 : i32 to vector<16xi32>
    %select_n3A_2564 = arith.select %eq3A_2562, %broadcast_in_dim3A_2563, %gather3A_2559 : vector<16xi1>, vector<16xi32>
    %ne3A_2565 = arith.cmpi ne, %get3A_2549, %select_n3A_2564 : vector<16xi32>
    %convert_element_type3A_2566 = arith.extui %ne3A_2565 : vector<16xi1> to vector<16xi32>
    %broadcast_in_dim3A_2567 = arith.constant true
    %broadcast_in_dim3A_2568 = vector.broadcast %broadcast_in_dim3A_2567 : i1 to vector<16xi1>
    %masked_cumsum3A_2569 = tpu.scan <sum>, %convert_element_type3A_2566 masked %broadcast_in_dim3A_2568 : vector<16xi32>, vector<16xi1> -> vector<16xi32>
    %add3A_2570 = vector.broadcast %squeeze3A_2547 : i32 to vector<16xi32>
    %add3A_2571 = arith.addi %add3A_2570, %masked_cumsum3A_2569 : vector<16xi32>
    %shift_right_logical3A_2572 = arith.constant 7 : i32
    %shift_right_logical3A_2573 = vector.broadcast %shift_right_logical3A_2572 : i32 to vector<16xi32>
    %shift_right_logical3A_2574 = arith.shrui %get3A_2549, %shift_right_logical3A_2573 : vector<16xi32>
    %eq3A_2575 = arith.constant 1 : i32
    %eq3A_2576 = vector.broadcast %eq3A_2575 : i32 to vector<16xi32>
    %eq3A_2577 = arith.cmpi eq, %convert_element_type3A_2566, %eq3A_2576 : vector<16xi32>
    tpu.vector_store_idx %arg11[%add3A_2571], %shift_right_logical3A_2574 masked %eq3A_2577 : memref<1024xi32, #tpu.memory_space<vmem>>[vector<16xi32>], vector<16xi32>, vector<16xi1>
    %swap3A_2578 = arith.constant 58 : i32
    %swap3A_2579 = arith.index_cast %swap3A_2578 : i32 to index
    %swap3A_2580 = arith.constant 0 : index
    %swap3A_2581 = tpu.vector_load %arg10[%swap3A_2579, %swap3A_2580] {strides = array<i32>} : memref<64x16xi32, #tpu.memory_space<vmem>>, vector<16xi32>,
    tpu.vector_store %arg10[%swap3A_2579, %swap3A_2580], %add3A_2571 {strides = array<i32>} : memref<64x16xi32, #tpu.memory_space<vmem>>, vector<16xi32>,
    %get3A_2582 = arith.constant 928 : index
    %get3A_2583 = tpu.vector_load %arg8[%get3A_2582] {strides = array<i32>} : memref<1024xi32, #tpu.memory_space<vmem>>, vector<16xi32>,
    %swap3A_2584 = arith.constant 58 : i32
    %swap3A_2585 = arith.index_cast %swap3A_2584 : i32 to index
    %swap3A_2586 = arith.constant 0 : index
    %swap3A_2587 = tpu.vector_load %arg9[%swap3A_2585, %swap3A_2586] {strides = array<i32>} : memref<64x16xi32, #tpu.memory_space<vmem>>, vector<16xi32>,
    tpu.vector_store %arg9[%swap3A_2585, %swap3A_2586], %get3A_2583 {strides = array<i32>} : memref<64x16xi32, #tpu.memory_space<vmem>>, vector<16xi32>,
    %slice3A_2588 = vector.extract_strided_slice %get3A_2549 {offsets = [15], sizes = [1], strides = [1]} : vector<16xi32> to vector<1xi32>
    %squeeze3A_2589 = vector.extract %slice3A_2588[0] : i32 from vector<1xi32>
    %slice3A_2590 = vector.extract_strided_slice %add3A_2571 {offsets = [15], sizes = [1], strides = [1]} : vector<16xi32> to vector<1xi32>
    %squeeze3A_2591 = vector.extract %slice3A_2590[0] : i32 from vector<1xi32>
    %get3A_2592 = arith.constant 944 : index
    %get3A_2593 = tpu.vector_load %arg7[%get3A_2592] {strides = array<i32>} : memref<1024xi32, #tpu.memory_space<vmem>>, vector<16xi32>,
    %lt3A_2594 = arith.constant 0 : i32
    %lt3A_2595 = vector.broadcast %lt3A_2594 : i32 to vector<16xi32>
    %lt3A_2596 = arith.cmpi slt, %and3A_7, %lt3A_2595 : vector<16xi32>
    %add3A_2597 = arith.constant 16 : i32
    %add3A_2598 = vector.broadcast %add3A_2597 : i32 to vector<16xi32>
    %add3A_2599 = arith.addi %and3A_7, %add3A_2598 : vector<16xi32>
    %select_n3A_2600 = arith.select %lt3A_2596, %add3A_2599, %and3A_7 : vector<16xi1>, vector<16xi32>
    %broadcast_in_dim3A_2601 = vector.shape_cast %select_n3A_2600 : vector<16xi32> to vector<16x1xi32>
    %gather3A_2602 = vector.shape_cast %broadcast_in_dim3A_2601 : vector<16x1xi32> to vector<16xi32>
    %gather3A_2603 = tpu.dynamic_gather %get3A_2593[%gather3A_2602] in [0] : vector<16xi32>, vector<16xi32> -> vector<16xi32>
    %eq3A_2604 = arith.constant 0 : i32
    %eq3A_2605 = vector.broadcast %eq3A_2604 : i32 to vector<16xi32>
    %eq3A_2606 = arith.cmpi eq, %iota3A, %eq3A_2605 : vector<16xi32>
    %broadcast_in_dim3A_2607 = vector.broadcast %squeeze3A_2589 : i32 to vector<16xi32>
    %select_n3A_2608 = arith.select %eq3A_2606, %broadcast_in_dim3A_2607, %gather3A_2603 : vector<16xi1>, vector<16xi32>
    %ne3A_2609 = arith.cmpi ne, %get3A_2593, %select_n3A_2608 : vector<16xi32>
    %convert_element_type3A_2610 = arith.extui %ne3A_2609 : vector<16xi1> to vector<16xi32>
    %broadcast_in_dim3A_2611 = arith.constant true
    %broadcast_in_dim3A_2612 = vector.broadcast %broadcast_in_dim3A_2611 : i1 to vector<16xi1>
    %masked_cumsum3A_2613 = tpu.scan <sum>, %convert_element_type3A_2610 masked %broadcast_in_dim3A_2612 : vector<16xi32>, vector<16xi1> -> vector<16xi32>
    %add3A_2614 = vector.broadcast %squeeze3A_2591 : i32 to vector<16xi32>
    %add3A_2615 = arith.addi %add3A_2614, %masked_cumsum3A_2613 : vector<16xi32>
    %shift_right_logical3A_2616 = arith.constant 7 : i32
    %shift_right_logical3A_2617 = vector.broadcast %shift_right_logical3A_2616 : i32 to vector<16xi32>
    %shift_right_logical3A_2618 = arith.shrui %get3A_2593, %shift_right_logical3A_2617 : vector<16xi32>
    %eq3A_2619 = arith.constant 1 : i32
    %eq3A_2620 = vector.broadcast %eq3A_2619 : i32 to vector<16xi32>
    %eq3A_2621 = arith.cmpi eq, %convert_element_type3A_2610, %eq3A_2620 : vector<16xi32>
    tpu.vector_store_idx %arg11[%add3A_2615], %shift_right_logical3A_2618 masked %eq3A_2621 : memref<1024xi32, #tpu.memory_space<vmem>>[vector<16xi32>], vector<16xi32>, vector<16xi1>
    %swap3A_2622 = arith.constant 59 : i32
    %swap3A_2623 = arith.index_cast %swap3A_2622 : i32 to index
    %swap3A_2624 = arith.constant 0 : index
    %swap3A_2625 = tpu.vector_load %arg10[%swap3A_2623, %swap3A_2624] {strides = array<i32>} : memref<64x16xi32, #tpu.memory_space<vmem>>, vector<16xi32>,
    tpu.vector_store %arg10[%swap3A_2623, %swap3A_2624], %add3A_2615 {strides = array<i32>} : memref<64x16xi32, #tpu.memory_space<vmem>>, vector<16xi32>,
    %get3A_2626 = arith.constant 944 : index
    %get3A_2627 = tpu.vector_load %arg8[%get3A_2626] {strides = array<i32>} : memref<1024xi32, #tpu.memory_space<vmem>>, vector<16xi32>,
    %swap3A_2628 = arith.constant 59 : i32
    %swap3A_2629 = arith.index_cast %swap3A_2628 : i32 to index
    %swap3A_2630 = arith.constant 0 : index
    %swap3A_2631 = tpu.vector_load %arg9[%swap3A_2629, %swap3A_2630] {strides = array<i32>} : memref<64x16xi32, #tpu.memory_space<vmem>>, vector<16xi32>,
    tpu.vector_store %arg9[%swap3A_2629, %swap3A_2630], %get3A_2627 {strides = array<i32>} : memref<64x16xi32, #tpu.memory_space<vmem>>, vector<16xi32>,
    %slice3A_2632 = vector.extract_strided_slice %get3A_2593 {offsets = [15], sizes = [1], strides = [1]} : vector<16xi32> to vector<1xi32>
    %squeeze3A_2633 = vector.extract %slice3A_2632[0] : i32 from vector<1xi32>
    %slice3A_2634 = vector.extract_strided_slice %add3A_2615 {offsets = [15], sizes = [1], strides = [1]} : vector<16xi32> to vector<1xi32>
    %squeeze3A_2635 = vector.extract %slice3A_2634[0] : i32 from vector<1xi32>
    %get3A_2636 = arith.constant 960 : index
    %get3A_2637 = tpu.vector_load %arg7[%get3A_2636] {strides = array<i32>} : memref<1024xi32, #tpu.memory_space<vmem>>, vector<16xi32>,
    %lt3A_2638 = arith.constant 0 : i32
    %lt3A_2639 = vector.broadcast %lt3A_2638 : i32 to vector<16xi32>
    %lt3A_2640 = arith.cmpi slt, %and3A_7, %lt3A_2639 : vector<16xi32>
    %add3A_2641 = arith.constant 16 : i32
    %add3A_2642 = vector.broadcast %add3A_2641 : i32 to vector<16xi32>
    %add3A_2643 = arith.addi %and3A_7, %add3A_2642 : vector<16xi32>
    %select_n3A_2644 = arith.select %lt3A_2640, %add3A_2643, %and3A_7 : vector<16xi1>, vector<16xi32>
    %broadcast_in_dim3A_2645 = vector.shape_cast %select_n3A_2644 : vector<16xi32> to vector<16x1xi32>
    %gather3A_2646 = vector.shape_cast %broadcast_in_dim3A_2645 : vector<16x1xi32> to vector<16xi32>
    %gather3A_2647 = tpu.dynamic_gather %get3A_2637[%gather3A_2646] in [0] : vector<16xi32>, vector<16xi32> -> vector<16xi32>
    %eq3A_2648 = arith.constant 0 : i32
    %eq3A_2649 = vector.broadcast %eq3A_2648 : i32 to vector<16xi32>
    %eq3A_2650 = arith.cmpi eq, %iota3A, %eq3A_2649 : vector<16xi32>
    %broadcast_in_dim3A_2651 = vector.broadcast %squeeze3A_2633 : i32 to vector<16xi32>
    %select_n3A_2652 = arith.select %eq3A_2650, %broadcast_in_dim3A_2651, %gather3A_2647 : vector<16xi1>, vector<16xi32>
    %ne3A_2653 = arith.cmpi ne, %get3A_2637, %select_n3A_2652 : vector<16xi32>
    %convert_element_type3A_2654 = arith.extui %ne3A_2653 : vector<16xi1> to vector<16xi32>
    %broadcast_in_dim3A_2655 = arith.constant true
    %broadcast_in_dim3A_2656 = vector.broadcast %broadcast_in_dim3A_2655 : i1 to vector<16xi1>
    %masked_cumsum3A_2657 = tpu.scan <sum>, %convert_element_type3A_2654 masked %broadcast_in_dim3A_2656 : vector<16xi32>, vector<16xi1> -> vector<16xi32>
    %add3A_2658 = vector.broadcast %squeeze3A_2635 : i32 to vector<16xi32>
    %add3A_2659 = arith.addi %add3A_2658, %masked_cumsum3A_2657 : vector<16xi32>
    %shift_right_logical3A_2660 = arith.constant 7 : i32
    %shift_right_logical3A_2661 = vector.broadcast %shift_right_logical3A_2660 : i32 to vector<16xi32>
    %shift_right_logical3A_2662 = arith.shrui %get3A_2637, %shift_right_logical3A_2661 : vector<16xi32>
    %eq3A_2663 = arith.constant 1 : i32
    %eq3A_2664 = vector.broadcast %eq3A_2663 : i32 to vector<16xi32>
    %eq3A_2665 = arith.cmpi eq, %convert_element_type3A_2654, %eq3A_2664 : vector<16xi32>
    tpu.vector_store_idx %arg11[%add3A_2659], %shift_right_logical3A_2662 masked %eq3A_2665 : memref<1024xi32, #tpu.memory_space<vmem>>[vector<16xi32>], vector<16xi32>, vector<16xi1>
    %swap3A_2666 = arith.constant 60 : i32
    %swap3A_2667 = arith.index_cast %swap3A_2666 : i32 to index
    %swap3A_2668 = arith.constant 0 : index
    %swap3A_2669 = tpu.vector_load %arg10[%swap3A_2667, %swap3A_2668] {strides = array<i32>} : memref<64x16xi32, #tpu.memory_space<vmem>>, vector<16xi32>,
    tpu.vector_store %arg10[%swap3A_2667, %swap3A_2668], %add3A_2659 {strides = array<i32>} : memref<64x16xi32, #tpu.memory_space<vmem>>, vector<16xi32>,
    %get3A_2670 = arith.constant 960 : index
    %get3A_2671 = tpu.vector_load %arg8[%get3A_2670] {strides = array<i32>} : memref<1024xi32, #tpu.memory_space<vmem>>, vector<16xi32>,
    %swap3A_2672 = arith.constant 60 : i32
    %swap3A_2673 = arith.index_cast %swap3A_2672 : i32 to index
    %swap3A_2674 = arith.constant 0 : index
    %swap3A_2675 = tpu.vector_load %arg9[%swap3A_2673, %swap3A_2674] {strides = array<i32>} : memref<64x16xi32, #tpu.memory_space<vmem>>, vector<16xi32>,
    tpu.vector_store %arg9[%swap3A_2673, %swap3A_2674], %get3A_2671 {strides = array<i32>} : memref<64x16xi32, #tpu.memory_space<vmem>>, vector<16xi32>,
    %slice3A_2676 = vector.extract_strided_slice %get3A_2637 {offsets = [15], sizes = [1], strides = [1]} : vector<16xi32> to vector<1xi32>
    %squeeze3A_2677 = vector.extract %slice3A_2676[0] : i32 from vector<1xi32>
    %slice3A_2678 = vector.extract_strided_slice %add3A_2659 {offsets = [15], sizes = [1], strides = [1]} : vector<16xi32> to vector<1xi32>
    %squeeze3A_2679 = vector.extract %slice3A_2678[0] : i32 from vector<1xi32>
    %get3A_2680 = arith.constant 976 : index
    %get3A_2681 = tpu.vector_load %arg7[%get3A_2680] {strides = array<i32>} : memref<1024xi32, #tpu.memory_space<vmem>>, vector<16xi32>,
    %lt3A_2682 = arith.constant 0 : i32
    %lt3A_2683 = vector.broadcast %lt3A_2682 : i32 to vector<16xi32>
    %lt3A_2684 = arith.cmpi slt, %and3A_7, %lt3A_2683 : vector<16xi32>
    %add3A_2685 = arith.constant 16 : i32
    %add3A_2686 = vector.broadcast %add3A_2685 : i32 to vector<16xi32>
    %add3A_2687 = arith.addi %and3A_7, %add3A_2686 : vector<16xi32>
    %select_n3A_2688 = arith.select %lt3A_2684, %add3A_2687, %and3A_7 : vector<16xi1>, vector<16xi32>
    %broadcast_in_dim3A_2689 = vector.shape_cast %select_n3A_2688 : vector<16xi32> to vector<16x1xi32>
    %gather3A_2690 = vector.shape_cast %broadcast_in_dim3A_2689 : vector<16x1xi32> to vector<16xi32>
    %gather3A_2691 = tpu.dynamic_gather %get3A_2681[%gather3A_2690] in [0] : vector<16xi32>, vector<16xi32> -> vector<16xi32>
    %eq3A_2692 = arith.constant 0 : i32
    %eq3A_2693 = vector.broadcast %eq3A_2692 : i32 to vector<16xi32>
    %eq3A_2694 = arith.cmpi eq, %iota3A, %eq3A_2693 : vector<16xi32>
    %broadcast_in_dim3A_2695 = vector.broadcast %squeeze3A_2677 : i32 to vector<16xi32>
    %select_n3A_2696 = arith.select %eq3A_2694, %broadcast_in_dim3A_2695, %gather3A_2691 : vector<16xi1>, vector<16xi32>
    %ne3A_2697 = arith.cmpi ne, %get3A_2681, %select_n3A_2696 : vector<16xi32>
    %convert_element_type3A_2698 = arith.extui %ne3A_2697 : vector<16xi1> to vector<16xi32>
    %broadcast_in_dim3A_2699 = arith.constant true
    %broadcast_in_dim3A_2700 = vector.broadcast %broadcast_in_dim3A_2699 : i1 to vector<16xi1>
    %masked_cumsum3A_2701 = tpu.scan <sum>, %convert_element_type3A_2698 masked %broadcast_in_dim3A_2700 : vector<16xi32>, vector<16xi1> -> vector<16xi32>
    %add3A_2702 = vector.broadcast %squeeze3A_2679 : i32 to vector<16xi32>
    %add3A_2703 = arith.addi %add3A_2702, %masked_cumsum3A_2701 : vector<16xi32>
    %shift_right_logical3A_2704 = arith.constant 7 : i32
    %shift_right_logical3A_2705 = vector.broadcast %shift_right_logical3A_2704 : i32 to vector<16xi32>
    %shift_right_logical3A_2706 = arith.shrui %get3A_2681, %shift_right_logical3A_2705 : vector<16xi32>
    %eq3A_2707 = arith.constant 1 : i32
    %eq3A_2708 = vector.broadcast %eq3A_2707 : i32 to vector<16xi32>
    %eq3A_2709 = arith.cmpi eq, %convert_element_type3A_2698, %eq3A_2708 : vector<16xi32>
    tpu.vector_store_idx %arg11[%add3A_2703], %shift_right_logical3A_2706 masked %eq3A_2709 : memref<1024xi32, #tpu.memory_space<vmem>>[vector<16xi32>], vector<16xi32>, vector<16xi1>
    %swap3A_2710 = arith.constant 61 : i32
    %swap3A_2711 = arith.index_cast %swap3A_2710 : i32 to index
    %swap3A_2712 = arith.constant 0 : index
    %swap3A_2713 = tpu.vector_load %arg10[%swap3A_2711, %swap3A_2712] {strides = array<i32>} : memref<64x16xi32, #tpu.memory_space<vmem>>, vector<16xi32>,
    tpu.vector_store %arg10[%swap3A_2711, %swap3A_2712], %add3A_2703 {strides = array<i32>} : memref<64x16xi32, #tpu.memory_space<vmem>>, vector<16xi32>,
    %get3A_2714 = arith.constant 976 : index
    %get3A_2715 = tpu.vector_load %arg8[%get3A_2714] {strides = array<i32>} : memref<1024xi32, #tpu.memory_space<vmem>>, vector<16xi32>,
    %swap3A_2716 = arith.constant 61 : i32
    %swap3A_2717 = arith.index_cast %swap3A_2716 : i32 to index
    %swap3A_2718 = arith.constant 0 : index
    %swap3A_2719 = tpu.vector_load %arg9[%swap3A_2717, %swap3A_2718] {strides = array<i32>} : memref<64x16xi32, #tpu.memory_space<vmem>>, vector<16xi32>,
    tpu.vector_store %arg9[%swap3A_2717, %swap3A_2718], %get3A_2715 {strides = array<i32>} : memref<64x16xi32, #tpu.memory_space<vmem>>, vector<16xi32>,
    %slice3A_2720 = vector.extract_strided_slice %get3A_2681 {offsets = [15], sizes = [1], strides = [1]} : vector<16xi32> to vector<1xi32>
    %squeeze3A_2721 = vector.extract %slice3A_2720[0] : i32 from vector<1xi32>
    %slice3A_2722 = vector.extract_strided_slice %add3A_2703 {offsets = [15], sizes = [1], strides = [1]} : vector<16xi32> to vector<1xi32>
    %squeeze3A_2723 = vector.extract %slice3A_2722[0] : i32 from vector<1xi32>
    %get3A_2724 = arith.constant 992 : index
    %get3A_2725 = tpu.vector_load %arg7[%get3A_2724] {strides = array<i32>} : memref<1024xi32, #tpu.memory_space<vmem>>, vector<16xi32>,
    %lt3A_2726 = arith.constant 0 : i32
    %lt3A_2727 = vector.broadcast %lt3A_2726 : i32 to vector<16xi32>
    %lt3A_2728 = arith.cmpi slt, %and3A_7, %lt3A_2727 : vector<16xi32>
    %add3A_2729 = arith.constant 16 : i32
    %add3A_2730 = vector.broadcast %add3A_2729 : i32 to vector<16xi32>
    %add3A_2731 = arith.addi %and3A_7, %add3A_2730 : vector<16xi32>
    %select_n3A_2732 = arith.select %lt3A_2728, %add3A_2731, %and3A_7 : vector<16xi1>, vector<16xi32>
    %broadcast_in_dim3A_2733 = vector.shape_cast %select_n3A_2732 : vector<16xi32> to vector<16x1xi32>
    %gather3A_2734 = vector.shape_cast %broadcast_in_dim3A_2733 : vector<16x1xi32> to vector<16xi32>
    %gather3A_2735 = tpu.dynamic_gather %get3A_2725[%gather3A_2734] in [0] : vector<16xi32>, vector<16xi32> -> vector<16xi32>
    %eq3A_2736 = arith.constant 0 : i32
    %eq3A_2737 = vector.broadcast %eq3A_2736 : i32 to vector<16xi32>
    %eq3A_2738 = arith.cmpi eq, %iota3A, %eq3A_2737 : vector<16xi32>
    %broadcast_in_dim3A_2739 = vector.broadcast %squeeze3A_2721 : i32 to vector<16xi32>
    %select_n3A_2740 = arith.select %eq3A_2738, %broadcast_in_dim3A_2739, %gather3A_2735 : vector<16xi1>, vector<16xi32>
    %ne3A_2741 = arith.cmpi ne, %get3A_2725, %select_n3A_2740 : vector<16xi32>
    %convert_element_type3A_2742 = arith.extui %ne3A_2741 : vector<16xi1> to vector<16xi32>
    %broadcast_in_dim3A_2743 = arith.constant true
    %broadcast_in_dim3A_2744 = vector.broadcast %broadcast_in_dim3A_2743 : i1 to vector<16xi1>
    %masked_cumsum3A_2745 = tpu.scan <sum>, %convert_element_type3A_2742 masked %broadcast_in_dim3A_2744 : vector<16xi32>, vector<16xi1> -> vector<16xi32>
    %add3A_2746 = vector.broadcast %squeeze3A_2723 : i32 to vector<16xi32>
    %add3A_2747 = arith.addi %add3A_2746, %masked_cumsum3A_2745 : vector<16xi32>
    %shift_right_logical3A_2748 = arith.constant 7 : i32
    %shift_right_logical3A_2749 = vector.broadcast %shift_right_logical3A_2748 : i32 to vector<16xi32>
    %shift_right_logical3A_2750 = arith.shrui %get3A_2725, %shift_right_logical3A_2749 : vector<16xi32>
    %eq3A_2751 = arith.constant 1 : i32
    %eq3A_2752 = vector.broadcast %eq3A_2751 : i32 to vector<16xi32>
    %eq3A_2753 = arith.cmpi eq, %convert_element_type3A_2742, %eq3A_2752 : vector<16xi32>
    tpu.vector_store_idx %arg11[%add3A_2747], %shift_right_logical3A_2750 masked %eq3A_2753 : memref<1024xi32, #tpu.memory_space<vmem>>[vector<16xi32>], vector<16xi32>, vector<16xi1>
    %swap3A_2754 = arith.constant 62 : i32
    %swap3A_2755 = arith.index_cast %swap3A_2754 : i32 to index
    %swap3A_2756 = arith.constant 0 : index
    %swap3A_2757 = tpu.vector_load %arg10[%swap3A_2755, %swap3A_2756] {strides = array<i32>} : memref<64x16xi32, #tpu.memory_space<vmem>>, vector<16xi32>,
    tpu.vector_store %arg10[%swap3A_2755, %swap3A_2756], %add3A_2747 {strides = array<i32>} : memref<64x16xi32, #tpu.memory_space<vmem>>, vector<16xi32>,
    %get3A_2758 = arith.constant 992 : index
    %get3A_2759 = tpu.vector_load %arg8[%get3A_2758] {strides = array<i32>} : memref<1024xi32, #tpu.memory_space<vmem>>, vector<16xi32>,
    %swap3A_2760 = arith.constant 62 : i32
    %swap3A_2761 = arith.index_cast %swap3A_2760 : i32 to index
    %swap3A_2762 = arith.constant 0 : index
    %swap3A_2763 = tpu.vector_load %arg9[%swap3A_2761, %swap3A_2762] {strides = array<i32>} : memref<64x16xi32, #tpu.memory_space<vmem>>, vector<16xi32>,
    tpu.vector_store %arg9[%swap3A_2761, %swap3A_2762], %get3A_2759 {strides = array<i32>} : memref<64x16xi32, #tpu.memory_space<vmem>>, vector<16xi32>,
    %slice3A_2764 = vector.extract_strided_slice %get3A_2725 {offsets = [15], sizes = [1], strides = [1]} : vector<16xi32> to vector<1xi32>
    %squeeze3A_2765 = vector.extract %slice3A_2764[0] : i32 from vector<1xi32>
    %slice3A_2766 = vector.extract_strided_slice %add3A_2747 {offsets = [15], sizes = [1], strides = [1]} : vector<16xi32> to vector<1xi32>
    %squeeze3A_2767 = vector.extract %slice3A_2766[0] : i32 from vector<1xi32>
    %get3A_2768 = arith.constant 1008 : index
    %get3A_2769 = tpu.vector_load %arg7[%get3A_2768] {strides = array<i32>} : memref<1024xi32, #tpu.memory_space<vmem>>, vector<16xi32>,
    %lt3A_2770 = arith.constant 0 : i32
    %lt3A_2771 = vector.broadcast %lt3A_2770 : i32 to vector<16xi32>
    %lt3A_2772 = arith.cmpi slt, %and3A_7, %lt3A_2771 : vector<16xi32>
    %add3A_2773 = arith.constant 16 : i32
    %add3A_2774 = vector.broadcast %add3A_2773 : i32 to vector<16xi32>
    %add3A_2775 = arith.addi %and3A_7, %add3A_2774 : vector<16xi32>
    %select_n3A_2776 = arith.select %lt3A_2772, %add3A_2775, %and3A_7 : vector<16xi1>, vector<16xi32>
    %broadcast_in_dim3A_2777 = vector.shape_cast %select_n3A_2776 : vector<16xi32> to vector<16x1xi32>
    %gather3A_2778 = vector.shape_cast %broadcast_in_dim3A_2777 : vector<16x1xi32> to vector<16xi32>
    %gather3A_2779 = tpu.dynamic_gather %get3A_2769[%gather3A_2778] in [0] : vector<16xi32>, vector<16xi32> -> vector<16xi32>
    %eq3A_2780 = arith.constant 0 : i32
    %eq3A_2781 = vector.broadcast %eq3A_2780 : i32 to vector<16xi32>
    %eq3A_2782 = arith.cmpi eq, %iota3A, %eq3A_2781 : vector<16xi32>
    %broadcast_in_dim3A_2783 = vector.broadcast %squeeze3A_2765 : i32 to vector<16xi32>
    %select_n3A_2784 = arith.select %eq3A_2782, %broadcast_in_dim3A_2783, %gather3A_2779 : vector<16xi1>, vector<16xi32>
    %ne3A_2785 = arith.cmpi ne, %get3A_2769, %select_n3A_2784 : vector<16xi32>
    %convert_element_type3A_2786 = arith.extui %ne3A_2785 : vector<16xi1> to vector<16xi32>
    %broadcast_in_dim3A_2787 = arith.constant true
    %broadcast_in_dim3A_2788 = vector.broadcast %broadcast_in_dim3A_2787 : i1 to vector<16xi1>
    %masked_cumsum3A_2789 = tpu.scan <sum>, %convert_element_type3A_2786 masked %broadcast_in_dim3A_2788 : vector<16xi32>, vector<16xi1> -> vector<16xi32>
    %add3A_2790 = vector.broadcast %squeeze3A_2767 : i32 to vector<16xi32>
    %add3A_2791 = arith.addi %add3A_2790, %masked_cumsum3A_2789 : vector<16xi32>
    %shift_right_logical3A_2792 = arith.constant 7 : i32
    %shift_right_logical3A_2793 = vector.broadcast %shift_right_logical3A_2792 : i32 to vector<16xi32>
    %shift_right_logical3A_2794 = arith.shrui %get3A_2769, %shift_right_logical3A_2793 : vector<16xi32>
    %eq3A_2795 = arith.constant 1 : i32
    %eq3A_2796 = vector.broadcast %eq3A_2795 : i32 to vector<16xi32>
    %eq3A_2797 = arith.cmpi eq, %convert_element_type3A_2786, %eq3A_2796 : vector<16xi32>
    tpu.vector_store_idx %arg11[%add3A_2791], %shift_right_logical3A_2794 masked %eq3A_2797 : memref<1024xi32, #tpu.memory_space<vmem>>[vector<16xi32>], vector<16xi32>, vector<16xi1>
    %swap3A_2798 = arith.constant 63 : i32
    %swap3A_2799 = arith.index_cast %swap3A_2798 : i32 to index
    %swap3A_2800 = arith.constant 0 : index
    %swap3A_2801 = tpu.vector_load %arg10[%swap3A_2799, %swap3A_2800] {strides = array<i32>} : memref<64x16xi32, #tpu.memory_space<vmem>>, vector<16xi32>,
    tpu.vector_store %arg10[%swap3A_2799, %swap3A_2800], %add3A_2791 {strides = array<i32>} : memref<64x16xi32, #tpu.memory_space<vmem>>, vector<16xi32>,
    %get3A_2802 = arith.constant 1008 : index
    %get3A_2803 = tpu.vector_load %arg8[%get3A_2802] {strides = array<i32>} : memref<1024xi32, #tpu.memory_space<vmem>>, vector<16xi32>,
    %swap3A_2804 = arith.constant 63 : i32
    %swap3A_2805 = arith.index_cast %swap3A_2804 : i32 to index
    %swap3A_2806 = arith.constant 0 : index
    %swap3A_2807 = tpu.vector_load %arg9[%swap3A_2805, %swap3A_2806] {strides = array<i32>} : memref<64x16xi32, #tpu.memory_space<vmem>>, vector<16xi32>,
    tpu.vector_store %arg9[%swap3A_2805, %swap3A_2806], %get3A_2803 {strides = array<i32>} : memref<64x16xi32, #tpu.memory_space<vmem>>, vector<16xi32>,
    %slice3A_2808 = vector.extract_strided_slice %get3A_2769 {offsets = [15], sizes = [1], strides = [1]} : vector<16xi32> to vector<1xi32>
    %squeeze3A_2809 = vector.extract %slice3A_2808[0] : i32 from vector<1xi32>
    %slice3A_2810 = vector.extract_strided_slice %add3A_2791 {offsets = [15], sizes = [1], strides = [1]} : vector<16xi32> to vector<1xi32>
    %squeeze3A_2811 = vector.extract %slice3A_2810[0] : i32 from vector<1xi32>
    %add3A_2812 = arith.constant 1 : i32
    %add3A_2813 = arith.addi %squeeze3A_2811, %add3A_2812 : i32
    %shift_right_logical3A_2814 = arith.constant 3 : i32
    %shift_right_logical3A_2815 = vector.broadcast %shift_right_logical3A_2814 : i32 to vector<16xi32>
    %shift_right_logical3A_2816 = arith.shrui %iota3A, %shift_right_logical3A_2815 : vector<16xi32>
    %and3A_2817 = arith.constant 7 : i32
    %and3A_2818 = vector.broadcast %and3A_2817 : i32 to vector<16xi32>
    %and3A_2819 = arith.andi %iota3A, %and3A_2818 : vector<16xi32>
    %scan3A = arith.constant 0 : i32
    %scan3A_2820 = arith.constant 0 : i32
    %scan3A_2821 = arith.constant 0 : i32
    %scan3A_2822 = arith.constant 1024 : i32
    %scan3A_2823 = arith.addi %scan3A_2821, %scan3A_2822 : i32
    %scan3A_2824 = arith.constant 1 : i32
    %scan3A_2825:2 = scf.for %scan3A_2850 = %scan3A_2821 to %scan3A_2823 step %scan3A_2824 iter_args(%scan3A_2851 = %scan3A, %scan3A_2852 = %scan3A_2820) -> (i32, i32)  : i32 {
      %shift_right_logical3A_2853 = arith.constant 4 : i32
      %shift_right_logical3A_2854 = arith.shrui %scan3A_2850, %shift_right_logical3A_2853 : i32
      %and3A_2855 = arith.constant 15 : i32
      %and3A_2856 = arith.andi %scan3A_2850, %and3A_2855 : i32
      %broadcast_in_dim3A_2857 = arith.constant 0 : i32
      %broadcast_in_dim3A_2858 = vector.broadcast %broadcast_in_dim3A_2857 : i32 to vector<16xi32>
      %add3A_2859 = vector.broadcast %and3A_2856 : i32 to vector<16xi32>
      %add3A_2860 = arith.addi %broadcast_in_dim3A_2858, %add3A_2859 : vector<16xi32>
      %sub3A = arith.subi %scan3A_2850, %and3A_2856 : i32
      %multiple_of3A = tpu.assume_multiple %sub3A, 16 : i32
      %get3A_2861 = arith.index_cast %multiple_of3A : i32 to index
      %get3A_2862 = tpu.vector_load %arg7[%get3A_2861] {strides = array<i32>} : memref<1024xi32, #tpu.memory_space<vmem>>, vector<16xi32>,
      %lt3A_2863 = arith.constant 0 : i32
      %lt3A_2864 = vector.broadcast %lt3A_2863 : i32 to vector<16xi32>
      %lt3A_2865 = arith.cmpi slt, %add3A_2860, %lt3A_2864 : vector<16xi32>
      %add3A_2866 = arith.constant 16 : i32
      %add3A_2867 = vector.broadcast %add3A_2866 : i32 to vector<16xi32>
      %add3A_2868 = arith.addi %add3A_2860, %add3A_2867 : vector<16xi32>
      %select_n3A_2869 = arith.select %lt3A_2865, %add3A_2868, %add3A_2860 : vector<16xi1>, vector<16xi32>
      %broadcast_in_dim3A_2870 = vector.shape_cast %select_n3A_2869 : vector<16xi32> to vector<16x1xi32>
      %gather3A_2871 = vector.shape_cast %broadcast_in_dim3A_2870 : vector<16x1xi32> to vector<16xi32>
      %gather3A_2872 = tpu.dynamic_gather %get3A_2862[%gather3A_2871] in [0] : vector<16xi32>, vector<16xi32> -> vector<16xi32>
      %and3A_2873 = arith.constant 127 : i32
      %and3A_2874 = vector.broadcast %and3A_2873 : i32 to vector<16xi32>
      %and3A_2875 = arith.andi %gather3A_2872, %and3A_2874 : vector<16xi32>
      %get3A_2876 = arith.index_cast %shift_right_logical3A_2854 : i32 to index
      %get3A_2877 = arith.constant 0 : index
      %get3A_2878 = tpu.vector_load %arg10[%get3A_2876, %get3A_2877] {strides = array<i32>} : memref<64x16xi32, #tpu.memory_space<vmem>>, vector<16xi32>,
      %lt3A_2879 = arith.constant 0 : i32
      %lt3A_2880 = vector.broadcast %lt3A_2879 : i32 to vector<16xi32>
      %lt3A_2881 = arith.cmpi slt, %add3A_2860, %lt3A_2880 : vector<16xi32>
      %add3A_2882 = arith.constant 16 : i32
      %add3A_2883 = vector.broadcast %add3A_2882 : i32 to vector<16xi32>
      %add3A_2884 = arith.addi %add3A_2860, %add3A_2883 : vector<16xi32>
      %select_n3A_2885 = arith.select %lt3A_2881, %add3A_2884, %add3A_2860 : vector<16xi1>, vector<16xi32>
      %broadcast_in_dim3A_2886 = vector.shape_cast %select_n3A_2885 : vector<16xi32> to vector<16x1xi32>
      %gather3A_2887 = vector.shape_cast %broadcast_in_dim3A_2886 : vector<16x1xi32> to vector<16xi32>
      %gather3A_2888 = tpu.dynamic_gather %get3A_2878[%gather3A_2887] in [0] : vector<16xi32>, vector<16xi32> -> vector<16xi32>
      %slice3A_2889 = vector.extract_strided_slice %gather3A_2888 {offsets = [0], sizes = [1], strides = [1]} : vector<16xi32> to vector<1xi32>
      %squeeze3A_2890 = vector.extract %slice3A_2889[0] : i32 from vector<1xi32>
      %and3A_2891 = arith.constant 7 : i32
      %and3A_2892 = vector.broadcast %and3A_2891 : i32 to vector<16xi32>
      %and3A_2893 = arith.andi %gather3A_2888, %and3A_2892 : vector<16xi32>
      %add3A_2894 = arith.constant 7 : i32
      %add3A_2895 = arith.addi %squeeze3A_2890, %add3A_2894 : i32
      %sub3A_2896 = arith.constant 1 : i32
      %sub3A_2897 = arith.subi %add3A_2813, %sub3A_2896 : i32
      %min3A = arith.minsi %add3A_2895, %sub3A_2897 : i32
      %add3A_2898 = arith.constant 1 : i32
      %add3A_2899 = arith.addi %min3A, %add3A_2898 : i32
      %while3A = arith.constant 0 : i32
      %while3A_2900 = arith.subi %add3A_2899, %scan3A_2851 : i32
      %while3A_2901 = arith.addi %scan3A_2851, %while3A_2900 : i32
      %while3A_2902 = arith.constant 1 : i32
      %while3A_2903 = arith.divsi %while3A_2900, %while3A_2902 : i32
      %while3A_2904 = arith.muli %while3A_2903, %while3A_2902 : i32
      %while3A_2905 = arith.addi %scan3A_2851, %while3A_2904 : i32
      %while3A_2906 = arith.constant 1 : i32
      scf.for %while3A_2965 = %scan3A_2851 to %while3A_2905 step %while3A_2906  : i32 {
        %and3A_2966 = arith.constant 15 : i32
        %and3A_2967 = arith.andi %while3A_2965, %and3A_2966 : i32
        %broadcast_in_dim3A_2968 = arith.constant 0 : i32
        %broadcast_in_dim3A_2969 = vector.broadcast %broadcast_in_dim3A_2968 : i32 to vector<16xi32>
        %add3A_2970 = vector.broadcast %and3A_2967 : i32 to vector<16xi32>
        %add3A_2971 = arith.addi %broadcast_in_dim3A_2969, %add3A_2970 : vector<16xi32>
        %sub3A_2972 = arith.subi %while3A_2965, %and3A_2967 : i32
        %multiple_of3A_2973 = tpu.assume_multiple %sub3A_2972, 16 : i32
        %get3A_2974 = arith.index_cast %multiple_of3A_2973 : i32 to index
        %get3A_2975 = tpu.vector_load %arg11[%get3A_2974] {strides = array<i32>} : memref<1024xi32, #tpu.memory_space<vmem>>, vector<16xi32>,
        %lt3A_2976 = arith.constant 0 : i32
        %lt3A_2977 = vector.broadcast %lt3A_2976 : i32 to vector<16xi32>
        %lt3A_2978 = arith.cmpi slt, %add3A_2971, %lt3A_2977 : vector<16xi32>
        %add3A_2979 = arith.constant 16 : i32
        %add3A_2980 = vector.broadcast %add3A_2979 : i32 to vector<16xi32>
        %add3A_2981 = arith.addi %add3A_2971, %add3A_2980 : vector<16xi32>
        %select_n3A_2982 = arith.select %lt3A_2978, %add3A_2981, %add3A_2971 : vector<16xi1>, vector<16xi32>
        %broadcast_in_dim3A_2983 = vector.shape_cast %select_n3A_2982 : vector<16xi32> to vector<16x1xi32>
        %gather3A_2984 = vector.shape_cast %broadcast_in_dim3A_2983 : vector<16x1xi32> to vector<16xi32>
        %gather3A_2985 = tpu.dynamic_gather %get3A_2975[%gather3A_2984] in [0] : vector<16xi32>, vector<16xi32> -> vector<16xi32>
        %slice3A_2986 = vector.extract_strided_slice %gather3A_2985 {offsets = [0], sizes = [1], strides = [1]} : vector<16xi32> to vector<1xi32>
        %squeeze3A_2987 = vector.extract %slice3A_2986[0] : i32 from vector<1xi32>
        %and3A_2988 = arith.constant 8191 : i32
        %and3A_2989 = arith.andi %squeeze3A_2987, %and3A_2988 : i32
        %shift_left3A = arith.constant 7 : i32
        %shift_left3A_2990 = arith.shli %and3A_2989, %shift_left3A : i32
        %multiple_of3A_2991 = tpu.assume_multiple %shift_left3A_2990, 128 : i32
        %and3A_2992 = arith.constant 7 : i32
        %and3A_2993 = arith.andi %while3A_2965, %and3A_2992 : i32
        %lt3A_2994 = arith.constant 8192 : i32
        %lt3A_2995 = arith.cmpi slt, %squeeze3A_2987, %lt3A_2994 : i32
        %convert_element_type3A_2996 = arith.extui %lt3A_2995 : i1 to i32
        %cond3A_2997 = arith.constant 0 : i32
        %cond3A_2998 = arith.cmpi ne, %convert_element_type3A_2996, %cond3A_2997 : i32
        scf.if %cond3A_2998 {
          %dma_start3A = arith.constant 0 : i32
          %dma_start3A_3003 = arith.constant 0 : i32
          %dma_start3A_3004 = arith.constant 0 : i32
          %dma_start3A_3005 = arith.constant 0 : i32
          %dma_start3A_3006 = tpu.memref_slice %arg12[%and3A_2993, %dma_start3A_3003, %dma_start3A_3004, %dma_start3A_3005] : memref<8x8x8x128xf32, #tpu.memory_space<vmem>> -> memref<1x1x8x128xf32, #tpu.memory_space<vmem>>
          %dma_start3A_3007 = tpu.memref_squeeze %dma_start3A_3006 : memref<1x1x8x128xf32, #tpu.memory_space<vmem>> -> memref<8x128xf32, #tpu.memory_space<vmem>>
          %dma_start3A_3008 = arith.constant 0 : i32
          %dma_start3A_3009 = tpu.memref_slice %arg4[%dma_start3A, %dma_start3A_3008, %multiple_of3A_2991] : memref<8x8x1000000xf32, #tpu.memory_space<hbm>> -> memref<1x8x128xf32, #tpu.memory_space<hbm>>
          %dma_start3A_3010 = tpu.memref_squeeze %dma_start3A_3009 : memref<1x8x128xf32, #tpu.memory_space<hbm>> -> memref<8x128xf32, #tpu.memory_space<hbm>>
          %dma_start3A_3011 = arith.constant 0 : i32
          %dma_start3A_3012 = arith.constant 0 : i32
          %dma_start3A_3013 = tpu.memref_slice %arg12[%and3A_2993, %dma_start3A_3003, %dma_start3A_3011, %dma_start3A_3012] : memref<8x8x8x128xf32, #tpu.memory_space<vmem>> -> memref<1x1x8x128xf32, #tpu.memory_space<vmem>>
          %dma_start3A_3014 = tpu.memref_squeeze %dma_start3A_3013 : memref<1x1x8x128xf32, #tpu.memory_space<vmem>> -> memref<8x128xf32, #tpu.memory_space<vmem>>
          %dma_start3A_3015 = arith.constant 0 : i32
          %dma_start3A_3016 = tpu.memref_slice %arg4[%dma_start3A, %dma_start3A_3015, %multiple_of3A_2991] : memref<8x8x1000000xf32, #tpu.memory_space<hbm>> -> memref<1x8x128xf32, #tpu.memory_space<hbm>>
          %dma_start3A_3017 = tpu.memref_squeeze %dma_start3A_3016 : memref<1x8x128xf32, #tpu.memory_space<hbm>> -> memref<8x128xf32, #tpu.memory_space<hbm>>
          tpu.enqueue_dma source(%dma_start3A_3017 : memref<8x128xf32, #tpu.memory_space<hbm>>) target(%dma_start3A_3014 : memref<8x128xf32, #tpu.memory_space<vmem>>) target_semaphore(%arg14 : memref<!tpu.dma_semaphore, #tpu.memory_space<semaphore_mem>>)
          %dma_start3A_3018 = arith.constant 1 : i32
          %dma_start3A_3019 = arith.constant 1 : i32
          %dma_start3A_3020 = arith.constant 0 : i32
          %dma_start3A_3021 = arith.constant 0 : i32
          %dma_start3A_3022 = tpu.memref_slice %arg12[%and3A_2993, %dma_start3A_3019, %dma_start3A_3020, %dma_start3A_3021] : memref<8x8x8x128xf32, #tpu.memory_space<vmem>> -> memref<1x1x8x128xf32, #tpu.memory_space<vmem>>
          %dma_start3A_3023 = tpu.memref_squeeze %dma_start3A_3022 : memref<1x1x8x128xf32, #tpu.memory_space<vmem>> -> memref<8x128xf32, #tpu.memory_space<vmem>>
          %dma_start3A_3024 = arith.constant 0 : i32
          %dma_start3A_3025 = tpu.memref_slice %arg4[%dma_start3A_3018, %dma_start3A_3024, %multiple_of3A_2991] : memref<8x8x1000000xf32, #tpu.memory_space<hbm>> -> memref<1x8x128xf32, #tpu.memory_space<hbm>>
          %dma_start3A_3026 = tpu.memref_squeeze %dma_start3A_3025 : memref<1x8x128xf32, #tpu.memory_space<hbm>> -> memref<8x128xf32, #tpu.memory_space<hbm>>
          %dma_start3A_3027 = arith.constant 0 : i32
          %dma_start3A_3028 = arith.constant 0 : i32
          %dma_start3A_3029 = tpu.memref_slice %arg12[%and3A_2993, %dma_start3A_3019, %dma_start3A_3027, %dma_start3A_3028] : memref<8x8x8x128xf32, #tpu.memory_space<vmem>> -> memref<1x1x8x128xf32, #tpu.memory_space<vmem>>
          %dma_start3A_3030 = tpu.memref_squeeze %dma_start3A_3029 : memref<1x1x8x128xf32, #tpu.memory_space<vmem>> -> memref<8x128xf32, #tpu.memory_space<vmem>>
          %dma_start3A_3031 = arith.constant 0 : i32
          %dma_start3A_3032 = tpu.memref_slice %arg4[%dma_start3A_3018, %dma_start3A_3031, %multiple_of3A_2991] : memref<8x8x1000000xf32, #tpu.memory_space<hbm>> -> memref<1x8x128xf32, #tpu.memory_space<hbm>>
          %dma_start3A_3033 = tpu.memref_squeeze %dma_start3A_3032 : memref<1x8x128xf32, #tpu.memory_space<hbm>> -> memref<8x128xf32, #tpu.memory_space<hbm>>
          tpu.enqueue_dma source(%dma_start3A_3033 : memref<8x128xf32, #tpu.memory_space<hbm>>) target(%dma_start3A_3030 : memref<8x128xf32, #tpu.memory_space<vmem>>) target_semaphore(%arg14 : memref<!tpu.dma_semaphore, #tpu.memory_space<semaphore_mem>>)
          %dma_start3A_3034 = arith.constant 2 : i32
          %dma_start3A_3035 = arith.constant 2 : i32
          %dma_start3A_3036 = arith.constant 0 : i32
          %dma_start3A_3037 = arith.constant 0 : i32
          %dma_start3A_3038 = tpu.memref_slice %arg12[%and3A_2993, %dma_start3A_3035, %dma_start3A_3036, %dma_start3A_3037] : memref<8x8x8x128xf32, #tpu.memory_space<vmem>> -> memref<1x1x8x128xf32, #tpu.memory_space<vmem>>
          %dma_start3A_3039 = tpu.memref_squeeze %dma_start3A_3038 : memref<1x1x8x128xf32, #tpu.memory_space<vmem>> -> memref<8x128xf32, #tpu.memory_space<vmem>>
          %dma_start3A_3040 = arith.constant 0 : i32
          %dma_start3A_3041 = tpu.memref_slice %arg4[%dma_start3A_3034, %dma_start3A_3040, %multiple_of3A_2991] : memref<8x8x1000000xf32, #tpu.memory_space<hbm>> -> memref<1x8x128xf32, #tpu.memory_space<hbm>>
          %dma_start3A_3042 = tpu.memref_squeeze %dma_start3A_3041 : memref<1x8x128xf32, #tpu.memory_space<hbm>> -> memref<8x128xf32, #tpu.memory_space<hbm>>
          %dma_start3A_3043 = arith.constant 0 : i32
          %dma_start3A_3044 = arith.constant 0 : i32
          %dma_start3A_3045 = tpu.memref_slice %arg12[%and3A_2993, %dma_start3A_3035, %dma_start3A_3043, %dma_start3A_3044] : memref<8x8x8x128xf32, #tpu.memory_space<vmem>> -> memref<1x1x8x128xf32, #tpu.memory_space<vmem>>
          %dma_start3A_3046 = tpu.memref_squeeze %dma_start3A_3045 : memref<1x1x8x128xf32, #tpu.memory_space<vmem>> -> memref<8x128xf32, #tpu.memory_space<vmem>>
          %dma_start3A_3047 = arith.constant 0 : i32
          %dma_start3A_3048 = tpu.memref_slice %arg4[%dma_start3A_3034, %dma_start3A_3047, %multiple_of3A_2991] : memref<8x8x1000000xf32, #tpu.memory_space<hbm>> -> memref<1x8x128xf32, #tpu.memory_space<hbm>>
          %dma_start3A_3049 = tpu.memref_squeeze %dma_start3A_3048 : memref<1x8x128xf32, #tpu.memory_space<hbm>> -> memref<8x128xf32, #tpu.memory_space<hbm>>
          tpu.enqueue_dma source(%dma_start3A_3049 : memref<8x128xf32, #tpu.memory_space<hbm>>) target(%dma_start3A_3046 : memref<8x128xf32, #tpu.memory_space<vmem>>) target_semaphore(%arg14 : memref<!tpu.dma_semaphore, #tpu.memory_space<semaphore_mem>>)
          %dma_start3A_3050 = arith.constant 3 : i32
          %dma_start3A_3051 = arith.constant 3 : i32
          %dma_start3A_3052 = arith.constant 0 : i32
          %dma_start3A_3053 = arith.constant 0 : i32
          %dma_start3A_3054 = tpu.memref_slice %arg12[%and3A_2993, %dma_start3A_3051, %dma_start3A_3052, %dma_start3A_3053] : memref<8x8x8x128xf32, #tpu.memory_space<vmem>> -> memref<1x1x8x128xf32, #tpu.memory_space<vmem>>
          %dma_start3A_3055 = tpu.memref_squeeze %dma_start3A_3054 : memref<1x1x8x128xf32, #tpu.memory_space<vmem>> -> memref<8x128xf32, #tpu.memory_space<vmem>>
          %dma_start3A_3056 = arith.constant 0 : i32
          %dma_start3A_3057 = tpu.memref_slice %arg4[%dma_start3A_3050, %dma_start3A_3056, %multiple_of3A_2991] : memref<8x8x1000000xf32, #tpu.memory_space<hbm>> -> memref<1x8x128xf32, #tpu.memory_space<hbm>>
          %dma_start3A_3058 = tpu.memref_squeeze %dma_start3A_3057 : memref<1x8x128xf32, #tpu.memory_space<hbm>> -> memref<8x128xf32, #tpu.memory_space<hbm>>
          %dma_start3A_3059 = arith.constant 0 : i32
          %dma_start3A_3060 = arith.constant 0 : i32
          %dma_start3A_3061 = tpu.memref_slice %arg12[%and3A_2993, %dma_start3A_3051, %dma_start3A_3059, %dma_start3A_3060] : memref<8x8x8x128xf32, #tpu.memory_space<vmem>> -> memref<1x1x8x128xf32, #tpu.memory_space<vmem>>
          %dma_start3A_3062 = tpu.memref_squeeze %dma_start3A_3061 : memref<1x1x8x128xf32, #tpu.memory_space<vmem>> -> memref<8x128xf32, #tpu.memory_space<vmem>>
          %dma_start3A_3063 = arith.constant 0 : i32
          %dma_start3A_3064 = tpu.memref_slice %arg4[%dma_start3A_3050, %dma_start3A_3063, %multiple_of3A_2991] : memref<8x8x1000000xf32, #tpu.memory_space<hbm>> -> memref<1x8x128xf32, #tpu.memory_space<hbm>>
          %dma_start3A_3065 = tpu.memref_squeeze %dma_start3A_3064 : memref<1x8x128xf32, #tpu.memory_space<hbm>> -> memref<8x128xf32, #tpu.memory_space<hbm>>
          tpu.enqueue_dma source(%dma_start3A_3065 : memref<8x128xf32, #tpu.memory_space<hbm>>) target(%dma_start3A_3062 : memref<8x128xf32, #tpu.memory_space<vmem>>) target_semaphore(%arg14 : memref<!tpu.dma_semaphore, #tpu.memory_space<semaphore_mem>>)
          %dma_start3A_3066 = arith.constant 4 : i32
          %dma_start3A_3067 = arith.constant 4 : i32
          %dma_start3A_3068 = arith.constant 0 : i32
          %dma_start3A_3069 = arith.constant 0 : i32
          %dma_start3A_3070 = tpu.memref_slice %arg12[%and3A_2993, %dma_start3A_3067, %dma_start3A_3068, %dma_start3A_3069] : memref<8x8x8x128xf32, #tpu.memory_space<vmem>> -> memref<1x1x8x128xf32, #tpu.memory_space<vmem>>
          %dma_start3A_3071 = tpu.memref_squeeze %dma_start3A_3070 : memref<1x1x8x128xf32, #tpu.memory_space<vmem>> -> memref<8x128xf32, #tpu.memory_space<vmem>>
          %dma_start3A_3072 = arith.constant 0 : i32
          %dma_start3A_3073 = tpu.memref_slice %arg4[%dma_start3A_3066, %dma_start3A_3072, %multiple_of3A_2991] : memref<8x8x1000000xf32, #tpu.memory_space<hbm>> -> memref<1x8x128xf32, #tpu.memory_space<hbm>>
          %dma_start3A_3074 = tpu.memref_squeeze %dma_start3A_3073 : memref<1x8x128xf32, #tpu.memory_space<hbm>> -> memref<8x128xf32, #tpu.memory_space<hbm>>
          %dma_start3A_3075 = arith.constant 0 : i32
          %dma_start3A_3076 = arith.constant 0 : i32
          %dma_start3A_3077 = tpu.memref_slice %arg12[%and3A_2993, %dma_start3A_3067, %dma_start3A_3075, %dma_start3A_3076] : memref<8x8x8x128xf32, #tpu.memory_space<vmem>> -> memref<1x1x8x128xf32, #tpu.memory_space<vmem>>
          %dma_start3A_3078 = tpu.memref_squeeze %dma_start3A_3077 : memref<1x1x8x128xf32, #tpu.memory_space<vmem>> -> memref<8x128xf32, #tpu.memory_space<vmem>>
          %dma_start3A_3079 = arith.constant 0 : i32
          %dma_start3A_3080 = tpu.memref_slice %arg4[%dma_start3A_3066, %dma_start3A_3079, %multiple_of3A_2991] : memref<8x8x1000000xf32, #tpu.memory_space<hbm>> -> memref<1x8x128xf32, #tpu.memory_space<hbm>>
          %dma_start3A_3081 = tpu.memref_squeeze %dma_start3A_3080 : memref<1x8x128xf32, #tpu.memory_space<hbm>> -> memref<8x128xf32, #tpu.memory_space<hbm>>
          tpu.enqueue_dma source(%dma_start3A_3081 : memref<8x128xf32, #tpu.memory_space<hbm>>) target(%dma_start3A_3078 : memref<8x128xf32, #tpu.memory_space<vmem>>) target_semaphore(%arg14 : memref<!tpu.dma_semaphore, #tpu.memory_space<semaphore_mem>>)
          %dma_start3A_3082 = arith.constant 5 : i32
          %dma_start3A_3083 = arith.constant 5 : i32
          %dma_start3A_3084 = arith.constant 0 : i32
          %dma_start3A_3085 = arith.constant 0 : i32
          %dma_start3A_3086 = tpu.memref_slice %arg12[%and3A_2993, %dma_start3A_3083, %dma_start3A_3084, %dma_start3A_3085] : memref<8x8x8x128xf32, #tpu.memory_space<vmem>> -> memref<1x1x8x128xf32, #tpu.memory_space<vmem>>
          %dma_start3A_3087 = tpu.memref_squeeze %dma_start3A_3086 : memref<1x1x8x128xf32, #tpu.memory_space<vmem>> -> memref<8x128xf32, #tpu.memory_space<vmem>>
          %dma_start3A_3088 = arith.constant 0 : i32
          %dma_start3A_3089 = tpu.memref_slice %arg4[%dma_start3A_3082, %dma_start3A_3088, %multiple_of3A_2991] : memref<8x8x1000000xf32, #tpu.memory_space<hbm>> -> memref<1x8x128xf32, #tpu.memory_space<hbm>>
          %dma_start3A_3090 = tpu.memref_squeeze %dma_start3A_3089 : memref<1x8x128xf32, #tpu.memory_space<hbm>> -> memref<8x128xf32, #tpu.memory_space<hbm>>
          %dma_start3A_3091 = arith.constant 0 : i32
          %dma_start3A_3092 = arith.constant 0 : i32
          %dma_start3A_3093 = tpu.memref_slice %arg12[%and3A_2993, %dma_start3A_3083, %dma_start3A_3091, %dma_start3A_3092] : memref<8x8x8x128xf32, #tpu.memory_space<vmem>> -> memref<1x1x8x128xf32, #tpu.memory_space<vmem>>
          %dma_start3A_3094 = tpu.memref_squeeze %dma_start3A_3093 : memref<1x1x8x128xf32, #tpu.memory_space<vmem>> -> memref<8x128xf32, #tpu.memory_space<vmem>>
          %dma_start3A_3095 = arith.constant 0 : i32
          %dma_start3A_3096 = tpu.memref_slice %arg4[%dma_start3A_3082, %dma_start3A_3095, %multiple_of3A_2991] : memref<8x8x1000000xf32, #tpu.memory_space<hbm>> -> memref<1x8x128xf32, #tpu.memory_space<hbm>>
          %dma_start3A_3097 = tpu.memref_squeeze %dma_start3A_3096 : memref<1x8x128xf32, #tpu.memory_space<hbm>> -> memref<8x128xf32, #tpu.memory_space<hbm>>
          tpu.enqueue_dma source(%dma_start3A_3097 : memref<8x128xf32, #tpu.memory_space<hbm>>) target(%dma_start3A_3094 : memref<8x128xf32, #tpu.memory_space<vmem>>) target_semaphore(%arg14 : memref<!tpu.dma_semaphore, #tpu.memory_space<semaphore_mem>>)
          %dma_start3A_3098 = arith.constant 6 : i32
          %dma_start3A_3099 = arith.constant 6 : i32
          %dma_start3A_3100 = arith.constant 0 : i32
          %dma_start3A_3101 = arith.constant 0 : i32
          %dma_start3A_3102 = tpu.memref_slice %arg12[%and3A_2993, %dma_start3A_3099, %dma_start3A_3100, %dma_start3A_3101] : memref<8x8x8x128xf32, #tpu.memory_space<vmem>> -> memref<1x1x8x128xf32, #tpu.memory_space<vmem>>
          %dma_start3A_3103 = tpu.memref_squeeze %dma_start3A_3102 : memref<1x1x8x128xf32, #tpu.memory_space<vmem>> -> memref<8x128xf32, #tpu.memory_space<vmem>>
          %dma_start3A_3104 = arith.constant 0 : i32
          %dma_start3A_3105 = tpu.memref_slice %arg4[%dma_start3A_3098, %dma_start3A_3104, %multiple_of3A_2991] : memref<8x8x1000000xf32, #tpu.memory_space<hbm>> -> memref<1x8x128xf32, #tpu.memory_space<hbm>>
          %dma_start3A_3106 = tpu.memref_squeeze %dma_start3A_3105 : memref<1x8x128xf32, #tpu.memory_space<hbm>> -> memref<8x128xf32, #tpu.memory_space<hbm>>
          %dma_start3A_3107 = arith.constant 0 : i32
          %dma_start3A_3108 = arith.constant 0 : i32
          %dma_start3A_3109 = tpu.memref_slice %arg12[%and3A_2993, %dma_start3A_3099, %dma_start3A_3107, %dma_start3A_3108] : memref<8x8x8x128xf32, #tpu.memory_space<vmem>> -> memref<1x1x8x128xf32, #tpu.memory_space<vmem>>
          %dma_start3A_3110 = tpu.memref_squeeze %dma_start3A_3109 : memref<1x1x8x128xf32, #tpu.memory_space<vmem>> -> memref<8x128xf32, #tpu.memory_space<vmem>>
          %dma_start3A_3111 = arith.constant 0 : i32
          %dma_start3A_3112 = tpu.memref_slice %arg4[%dma_start3A_3098, %dma_start3A_3111, %multiple_of3A_2991] : memref<8x8x1000000xf32, #tpu.memory_space<hbm>> -> memref<1x8x128xf32, #tpu.memory_space<hbm>>
          %dma_start3A_3113 = tpu.memref_squeeze %dma_start3A_3112 : memref<1x8x128xf32, #tpu.memory_space<hbm>> -> memref<8x128xf32, #tpu.memory_space<hbm>>
          tpu.enqueue_dma source(%dma_start3A_3113 : memref<8x128xf32, #tpu.memory_space<hbm>>) target(%dma_start3A_3110 : memref<8x128xf32, #tpu.memory_space<vmem>>) target_semaphore(%arg14 : memref<!tpu.dma_semaphore, #tpu.memory_space<semaphore_mem>>)
          %dma_start3A_3114 = arith.constant 7 : i32
          %dma_start3A_3115 = arith.constant 7 : i32
          %dma_start3A_3116 = arith.constant 0 : i32
          %dma_start3A_3117 = arith.constant 0 : i32
          %dma_start3A_3118 = tpu.memref_slice %arg12[%and3A_2993, %dma_start3A_3115, %dma_start3A_3116, %dma_start3A_3117] : memref<8x8x8x128xf32, #tpu.memory_space<vmem>> -> memref<1x1x8x128xf32, #tpu.memory_space<vmem>>
          %dma_start3A_3119 = tpu.memref_squeeze %dma_start3A_3118 : memref<1x1x8x128xf32, #tpu.memory_space<vmem>> -> memref<8x128xf32, #tpu.memory_space<vmem>>
          %dma_start3A_3120 = arith.constant 0 : i32
          %dma_start3A_3121 = tpu.memref_slice %arg4[%dma_start3A_3114, %dma_start3A_3120, %multiple_of3A_2991] : memref<8x8x1000000xf32, #tpu.memory_space<hbm>> -> memref<1x8x128xf32, #tpu.memory_space<hbm>>
          %dma_start3A_3122 = tpu.memref_squeeze %dma_start3A_3121 : memref<1x8x128xf32, #tpu.memory_space<hbm>> -> memref<8x128xf32, #tpu.memory_space<hbm>>
          %dma_start3A_3123 = arith.constant 0 : i32
          %dma_start3A_3124 = arith.constant 0 : i32
          %dma_start3A_3125 = tpu.memref_slice %arg12[%and3A_2993, %dma_start3A_3115, %dma_start3A_3123, %dma_start3A_3124] : memref<8x8x8x128xf32, #tpu.memory_space<vmem>> -> memref<1x1x8x128xf32, #tpu.memory_space<vmem>>
          %dma_start3A_3126 = tpu.memref_squeeze %dma_start3A_3125 : memref<1x1x8x128xf32, #tpu.memory_space<vmem>> -> memref<8x128xf32, #tpu.memory_space<vmem>>
          %dma_start3A_3127 = arith.constant 0 : i32
          %dma_start3A_3128 = tpu.memref_slice %arg4[%dma_start3A_3114, %dma_start3A_3127, %multiple_of3A_2991] : memref<8x8x1000000xf32, #tpu.memory_space<hbm>> -> memref<1x8x128xf32, #tpu.memory_space<hbm>>
          %dma_start3A_3129 = tpu.memref_squeeze %dma_start3A_3128 : memref<1x8x128xf32, #tpu.memory_space<hbm>> -> memref<8x128xf32, #tpu.memory_space<hbm>>
          tpu.enqueue_dma source(%dma_start3A_3129 : memref<8x128xf32, #tpu.memory_space<hbm>>) target(%dma_start3A_3126 : memref<8x128xf32, #tpu.memory_space<vmem>>) target_semaphore(%arg14 : memref<!tpu.dma_semaphore, #tpu.memory_space<semaphore_mem>>)
        } else {
        }
        %ge3A = arith.constant 8192 : i32
        %ge3A_2999 = arith.cmpi sge, %squeeze3A_2987, %ge3A : i32
        %convert_element_type3A_3000 = arith.extui %ge3A_2999 : i1 to i32
        %cond3A_3001 = arith.constant 0 : i32
        %cond3A_3002 = arith.cmpi ne, %convert_element_type3A_3000, %cond3A_3001 : i32
        scf.if %cond3A_3002 {
          %dma_start3A = arith.constant 0 : i32
          %dma_start3A_3003 = arith.constant 0 : i32
          %dma_start3A_3004 = arith.constant 0 : i32
          %dma_start3A_3005 = arith.constant 0 : i32
          %dma_start3A_3006 = tpu.memref_slice %arg12[%and3A_2993, %dma_start3A_3003, %dma_start3A_3004, %dma_start3A_3005] : memref<8x8x8x128xf32, #tpu.memory_space<vmem>> -> memref<1x1x8x128xf32, #tpu.memory_space<vmem>>
          %dma_start3A_3007 = tpu.memref_squeeze %dma_start3A_3006 : memref<1x1x8x128xf32, #tpu.memory_space<vmem>> -> memref<8x128xf32, #tpu.memory_space<vmem>>
          %dma_start3A_3008 = arith.constant 0 : i32
          %dma_start3A_3009 = tpu.memref_slice %arg5[%dma_start3A, %dma_start3A_3008, %multiple_of3A_2991] : memref<8x8x1000000xf32, #tpu.memory_space<hbm>> -> memref<1x8x128xf32, #tpu.memory_space<hbm>>
          %dma_start3A_3010 = tpu.memref_squeeze %dma_start3A_3009 : memref<1x8x128xf32, #tpu.memory_space<hbm>> -> memref<8x128xf32, #tpu.memory_space<hbm>>
          %dma_start3A_3011 = arith.constant 0 : i32
          %dma_start3A_3012 = arith.constant 0 : i32
          %dma_start3A_3013 = tpu.memref_slice %arg12[%and3A_2993, %dma_start3A_3003, %dma_start3A_3011, %dma_start3A_3012] : memref<8x8x8x128xf32, #tpu.memory_space<vmem>> -> memref<1x1x8x128xf32, #tpu.memory_space<vmem>>
          %dma_start3A_3014 = tpu.memref_squeeze %dma_start3A_3013 : memref<1x1x8x128xf32, #tpu.memory_space<vmem>> -> memref<8x128xf32, #tpu.memory_space<vmem>>
          %dma_start3A_3015 = arith.constant 0 : i32
          %dma_start3A_3016 = tpu.memref_slice %arg5[%dma_start3A, %dma_start3A_3015, %multiple_of3A_2991] : memref<8x8x1000000xf32, #tpu.memory_space<hbm>> -> memref<1x8x128xf32, #tpu.memory_space<hbm>>
          %dma_start3A_3017 = tpu.memref_squeeze %dma_start3A_3016 : memref<1x8x128xf32, #tpu.memory_space<hbm>> -> memref<8x128xf32, #tpu.memory_space<hbm>>
          tpu.enqueue_dma source(%dma_start3A_3017 : memref<8x128xf32, #tpu.memory_space<hbm>>) target(%dma_start3A_3014 : memref<8x128xf32, #tpu.memory_space<vmem>>) target_semaphore(%arg14 : memref<!tpu.dma_semaphore, #tpu.memory_space<semaphore_mem>>)
          %dma_start3A_3018 = arith.constant 1 : i32
          %dma_start3A_3019 = arith.constant 1 : i32
          %dma_start3A_3020 = arith.constant 0 : i32
          %dma_start3A_3021 = arith.constant 0 : i32
          %dma_start3A_3022 = tpu.memref_slice %arg12[%and3A_2993, %dma_start3A_3019, %dma_start3A_3020, %dma_start3A_3021] : memref<8x8x8x128xf32, #tpu.memory_space<vmem>> -> memref<1x1x8x128xf32, #tpu.memory_space<vmem>>
          %dma_start3A_3023 = tpu.memref_squeeze %dma_start3A_3022 : memref<1x1x8x128xf32, #tpu.memory_space<vmem>> -> memref<8x128xf32, #tpu.memory_space<vmem>>
          %dma_start3A_3024 = arith.constant 0 : i32
          %dma_start3A_3025 = tpu.memref_slice %arg5[%dma_start3A_3018, %dma_start3A_3024, %multiple_of3A_2991] : memref<8x8x1000000xf32, #tpu.memory_space<hbm>> -> memref<1x8x128xf32, #tpu.memory_space<hbm>>
          %dma_start3A_3026 = tpu.memref_squeeze %dma_start3A_3025 : memref<1x8x128xf32, #tpu.memory_space<hbm>> -> memref<8x128xf32, #tpu.memory_space<hbm>>
          %dma_start3A_3027 = arith.constant 0 : i32
          %dma_start3A_3028 = arith.constant 0 : i32
          %dma_start3A_3029 = tpu.memref_slice %arg12[%and3A_2993, %dma_start3A_3019, %dma_start3A_3027, %dma_start3A_3028] : memref<8x8x8x128xf32, #tpu.memory_space<vmem>> -> memref<1x1x8x128xf32, #tpu.memory_space<vmem>>
          %dma_start3A_3030 = tpu.memref_squeeze %dma_start3A_3029 : memref<1x1x8x128xf32, #tpu.memory_space<vmem>> -> memref<8x128xf32, #tpu.memory_space<vmem>>
          %dma_start3A_3031 = arith.constant 0 : i32
          %dma_start3A_3032 = tpu.memref_slice %arg5[%dma_start3A_3018, %dma_start3A_3031, %multiple_of3A_2991] : memref<8x8x1000000xf32, #tpu.memory_space<hbm>> -> memref<1x8x128xf32, #tpu.memory_space<hbm>>
          %dma_start3A_3033 = tpu.memref_squeeze %dma_start3A_3032 : memref<1x8x128xf32, #tpu.memory_space<hbm>> -> memref<8x128xf32, #tpu.memory_space<hbm>>
          tpu.enqueue_dma source(%dma_start3A_3033 : memref<8x128xf32, #tpu.memory_space<hbm>>) target(%dma_start3A_3030 : memref<8x128xf32, #tpu.memory_space<vmem>>) target_semaphore(%arg14 : memref<!tpu.dma_semaphore, #tpu.memory_space<semaphore_mem>>)
          %dma_start3A_3034 = arith.constant 2 : i32
          %dma_start3A_3035 = arith.constant 2 : i32
          %dma_start3A_3036 = arith.constant 0 : i32
          %dma_start3A_3037 = arith.constant 0 : i32
          %dma_start3A_3038 = tpu.memref_slice %arg12[%and3A_2993, %dma_start3A_3035, %dma_start3A_3036, %dma_start3A_3037] : memref<8x8x8x128xf32, #tpu.memory_space<vmem>> -> memref<1x1x8x128xf32, #tpu.memory_space<vmem>>
          %dma_start3A_3039 = tpu.memref_squeeze %dma_start3A_3038 : memref<1x1x8x128xf32, #tpu.memory_space<vmem>> -> memref<8x128xf32, #tpu.memory_space<vmem>>
          %dma_start3A_3040 = arith.constant 0 : i32
          %dma_start3A_3041 = tpu.memref_slice %arg5[%dma_start3A_3034, %dma_start3A_3040, %multiple_of3A_2991] : memref<8x8x1000000xf32, #tpu.memory_space<hbm>> -> memref<1x8x128xf32, #tpu.memory_space<hbm>>
          %dma_start3A_3042 = tpu.memref_squeeze %dma_start3A_3041 : memref<1x8x128xf32, #tpu.memory_space<hbm>> -> memref<8x128xf32, #tpu.memory_space<hbm>>
          %dma_start3A_3043 = arith.constant 0 : i32
          %dma_start3A_3044 = arith.constant 0 : i32
          %dma_start3A_3045 = tpu.memref_slice %arg12[%and3A_2993, %dma_start3A_3035, %dma_start3A_3043, %dma_start3A_3044] : memref<8x8x8x128xf32, #tpu.memory_space<vmem>> -> memref<1x1x8x128xf32, #tpu.memory_space<vmem>>
          %dma_start3A_3046 = tpu.memref_squeeze %dma_start3A_3045 : memref<1x1x8x128xf32, #tpu.memory_space<vmem>> -> memref<8x128xf32, #tpu.memory_space<vmem>>
          %dma_start3A_3047 = arith.constant 0 : i32
          %dma_start3A_3048 = tpu.memref_slice %arg5[%dma_start3A_3034, %dma_start3A_3047, %multiple_of3A_2991] : memref<8x8x1000000xf32, #tpu.memory_space<hbm>> -> memref<1x8x128xf32, #tpu.memory_space<hbm>>
          %dma_start3A_3049 = tpu.memref_squeeze %dma_start3A_3048 : memref<1x8x128xf32, #tpu.memory_space<hbm>> -> memref<8x128xf32, #tpu.memory_space<hbm>>
          tpu.enqueue_dma source(%dma_start3A_3049 : memref<8x128xf32, #tpu.memory_space<hbm>>) target(%dma_start3A_3046 : memref<8x128xf32, #tpu.memory_space<vmem>>) target_semaphore(%arg14 : memref<!tpu.dma_semaphore, #tpu.memory_space<semaphore_mem>>)
          %dma_start3A_3050 = arith.constant 3 : i32
          %dma_start3A_3051 = arith.constant 3 : i32
          %dma_start3A_3052 = arith.constant 0 : i32
          %dma_start3A_3053 = arith.constant 0 : i32
          %dma_start3A_3054 = tpu.memref_slice %arg12[%and3A_2993, %dma_start3A_3051, %dma_start3A_3052, %dma_start3A_3053] : memref<8x8x8x128xf32, #tpu.memory_space<vmem>> -> memref<1x1x8x128xf32, #tpu.memory_space<vmem>>
          %dma_start3A_3055 = tpu.memref_squeeze %dma_start3A_3054 : memref<1x1x8x128xf32, #tpu.memory_space<vmem>> -> memref<8x128xf32, #tpu.memory_space<vmem>>
          %dma_start3A_3056 = arith.constant 0 : i32
          %dma_start3A_3057 = tpu.memref_slice %arg5[%dma_start3A_3050, %dma_start3A_3056, %multiple_of3A_2991] : memref<8x8x1000000xf32, #tpu.memory_space<hbm>> -> memref<1x8x128xf32, #tpu.memory_space<hbm>>
          %dma_start3A_3058 = tpu.memref_squeeze %dma_start3A_3057 : memref<1x8x128xf32, #tpu.memory_space<hbm>> -> memref<8x128xf32, #tpu.memory_space<hbm>>
          %dma_start3A_3059 = arith.constant 0 : i32
          %dma_start3A_3060 = arith.constant 0 : i32
          %dma_start3A_3061 = tpu.memref_slice %arg12[%and3A_2993, %dma_start3A_3051, %dma_start3A_3059, %dma_start3A_3060] : memref<8x8x8x128xf32, #tpu.memory_space<vmem>> -> memref<1x1x8x128xf32, #tpu.memory_space<vmem>>
          %dma_start3A_3062 = tpu.memref_squeeze %dma_start3A_3061 : memref<1x1x8x128xf32, #tpu.memory_space<vmem>> -> memref<8x128xf32, #tpu.memory_space<vmem>>
          %dma_start3A_3063 = arith.constant 0 : i32
          %dma_start3A_3064 = tpu.memref_slice %arg5[%dma_start3A_3050, %dma_start3A_3063, %multiple_of3A_2991] : memref<8x8x1000000xf32, #tpu.memory_space<hbm>> -> memref<1x8x128xf32, #tpu.memory_space<hbm>>
          %dma_start3A_3065 = tpu.memref_squeeze %dma_start3A_3064 : memref<1x8x128xf32, #tpu.memory_space<hbm>> -> memref<8x128xf32, #tpu.memory_space<hbm>>
          tpu.enqueue_dma source(%dma_start3A_3065 : memref<8x128xf32, #tpu.memory_space<hbm>>) target(%dma_start3A_3062 : memref<8x128xf32, #tpu.memory_space<vmem>>) target_semaphore(%arg14 : memref<!tpu.dma_semaphore, #tpu.memory_space<semaphore_mem>>)
          %dma_start3A_3066 = arith.constant 4 : i32
          %dma_start3A_3067 = arith.constant 4 : i32
          %dma_start3A_3068 = arith.constant 0 : i32
          %dma_start3A_3069 = arith.constant 0 : i32
          %dma_start3A_3070 = tpu.memref_slice %arg12[%and3A_2993, %dma_start3A_3067, %dma_start3A_3068, %dma_start3A_3069] : memref<8x8x8x128xf32, #tpu.memory_space<vmem>> -> memref<1x1x8x128xf32, #tpu.memory_space<vmem>>
          %dma_start3A_3071 = tpu.memref_squeeze %dma_start3A_3070 : memref<1x1x8x128xf32, #tpu.memory_space<vmem>> -> memref<8x128xf32, #tpu.memory_space<vmem>>
          %dma_start3A_3072 = arith.constant 0 : i32
          %dma_start3A_3073 = tpu.memref_slice %arg5[%dma_start3A_3066, %dma_start3A_3072, %multiple_of3A_2991] : memref<8x8x1000000xf32, #tpu.memory_space<hbm>> -> memref<1x8x128xf32, #tpu.memory_space<hbm>>
          %dma_start3A_3074 = tpu.memref_squeeze %dma_start3A_3073 : memref<1x8x128xf32, #tpu.memory_space<hbm>> -> memref<8x128xf32, #tpu.memory_space<hbm>>
          %dma_start3A_3075 = arith.constant 0 : i32
          %dma_start3A_3076 = arith.constant 0 : i32
          %dma_start3A_3077 = tpu.memref_slice %arg12[%and3A_2993, %dma_start3A_3067, %dma_start3A_3075, %dma_start3A_3076] : memref<8x8x8x128xf32, #tpu.memory_space<vmem>> -> memref<1x1x8x128xf32, #tpu.memory_space<vmem>>
          %dma_start3A_3078 = tpu.memref_squeeze %dma_start3A_3077 : memref<1x1x8x128xf32, #tpu.memory_space<vmem>> -> memref<8x128xf32, #tpu.memory_space<vmem>>
          %dma_start3A_3079 = arith.constant 0 : i32
          %dma_start3A_3080 = tpu.memref_slice %arg5[%dma_start3A_3066, %dma_start3A_3079, %multiple_of3A_2991] : memref<8x8x1000000xf32, #tpu.memory_space<hbm>> -> memref<1x8x128xf32, #tpu.memory_space<hbm>>
          %dma_start3A_3081 = tpu.memref_squeeze %dma_start3A_3080 : memref<1x8x128xf32, #tpu.memory_space<hbm>> -> memref<8x128xf32, #tpu.memory_space<hbm>>
          tpu.enqueue_dma source(%dma_start3A_3081 : memref<8x128xf32, #tpu.memory_space<hbm>>) target(%dma_start3A_3078 : memref<8x128xf32, #tpu.memory_space<vmem>>) target_semaphore(%arg14 : memref<!tpu.dma_semaphore, #tpu.memory_space<semaphore_mem>>)
          %dma_start3A_3082 = arith.constant 5 : i32
          %dma_start3A_3083 = arith.constant 5 : i32
          %dma_start3A_3084 = arith.constant 0 : i32
          %dma_start3A_3085 = arith.constant 0 : i32
          %dma_start3A_3086 = tpu.memref_slice %arg12[%and3A_2993, %dma_start3A_3083, %dma_start3A_3084, %dma_start3A_3085] : memref<8x8x8x128xf32, #tpu.memory_space<vmem>> -> memref<1x1x8x128xf32, #tpu.memory_space<vmem>>
          %dma_start3A_3087 = tpu.memref_squeeze %dma_start3A_3086 : memref<1x1x8x128xf32, #tpu.memory_space<vmem>> -> memref<8x128xf32, #tpu.memory_space<vmem>>
          %dma_start3A_3088 = arith.constant 0 : i32
          %dma_start3A_3089 = tpu.memref_slice %arg5[%dma_start3A_3082, %dma_start3A_3088, %multiple_of3A_2991] : memref<8x8x1000000xf32, #tpu.memory_space<hbm>> -> memref<1x8x128xf32, #tpu.memory_space<hbm>>
          %dma_start3A_3090 = tpu.memref_squeeze %dma_start3A_3089 : memref<1x8x128xf32, #tpu.memory_space<hbm>> -> memref<8x128xf32, #tpu.memory_space<hbm>>
          %dma_start3A_3091 = arith.constant 0 : i32
          %dma_start3A_3092 = arith.constant 0 : i32
          %dma_start3A_3093 = tpu.memref_slice %arg12[%and3A_2993, %dma_start3A_3083, %dma_start3A_3091, %dma_start3A_3092] : memref<8x8x8x128xf32, #tpu.memory_space<vmem>> -> memref<1x1x8x128xf32, #tpu.memory_space<vmem>>
          %dma_start3A_3094 = tpu.memref_squeeze %dma_start3A_3093 : memref<1x1x8x128xf32, #tpu.memory_space<vmem>> -> memref<8x128xf32, #tpu.memory_space<vmem>>
          %dma_start3A_3095 = arith.constant 0 : i32
          %dma_start3A_3096 = tpu.memref_slice %arg5[%dma_start3A_3082, %dma_start3A_3095, %multiple_of3A_2991] : memref<8x8x1000000xf32, #tpu.memory_space<hbm>> -> memref<1x8x128xf32, #tpu.memory_space<hbm>>
          %dma_start3A_3097 = tpu.memref_squeeze %dma_start3A_3096 : memref<1x8x128xf32, #tpu.memory_space<hbm>> -> memref<8x128xf32, #tpu.memory_space<hbm>>
          tpu.enqueue_dma source(%dma_start3A_3097 : memref<8x128xf32, #tpu.memory_space<hbm>>) target(%dma_start3A_3094 : memref<8x128xf32, #tpu.memory_space<vmem>>) target_semaphore(%arg14 : memref<!tpu.dma_semaphore, #tpu.memory_space<semaphore_mem>>)
          %dma_start3A_3098 = arith.constant 6 : i32
          %dma_start3A_3099 = arith.constant 6 : i32
          %dma_start3A_3100 = arith.constant 0 : i32
          %dma_start3A_3101 = arith.constant 0 : i32
          %dma_start3A_3102 = tpu.memref_slice %arg12[%and3A_2993, %dma_start3A_3099, %dma_start3A_3100, %dma_start3A_3101] : memref<8x8x8x128xf32, #tpu.memory_space<vmem>> -> memref<1x1x8x128xf32, #tpu.memory_space<vmem>>
          %dma_start3A_3103 = tpu.memref_squeeze %dma_start3A_3102 : memref<1x1x8x128xf32, #tpu.memory_space<vmem>> -> memref<8x128xf32, #tpu.memory_space<vmem>>
          %dma_start3A_3104 = arith.constant 0 : i32
          %dma_start3A_3105 = tpu.memref_slice %arg5[%dma_start3A_3098, %dma_start3A_3104, %multiple_of3A_2991] : memref<8x8x1000000xf32, #tpu.memory_space<hbm>> -> memref<1x8x128xf32, #tpu.memory_space<hbm>>
          %dma_start3A_3106 = tpu.memref_squeeze %dma_start3A_3105 : memref<1x8x128xf32, #tpu.memory_space<hbm>> -> memref<8x128xf32, #tpu.memory_space<hbm>>
          %dma_start3A_3107 = arith.constant 0 : i32
          %dma_start3A_3108 = arith.constant 0 : i32
          %dma_start3A_3109 = tpu.memref_slice %arg12[%and3A_2993, %dma_start3A_3099, %dma_start3A_3107, %dma_start3A_3108] : memref<8x8x8x128xf32, #tpu.memory_space<vmem>> -> memref<1x1x8x128xf32, #tpu.memory_space<vmem>>
          %dma_start3A_3110 = tpu.memref_squeeze %dma_start3A_3109 : memref<1x1x8x128xf32, #tpu.memory_space<vmem>> -> memref<8x128xf32, #tpu.memory_space<vmem>>
          %dma_start3A_3111 = arith.constant 0 : i32
          %dma_start3A_3112 = tpu.memref_slice %arg5[%dma_start3A_3098, %dma_start3A_3111, %multiple_of3A_2991] : memref<8x8x1000000xf32, #tpu.memory_space<hbm>> -> memref<1x8x128xf32, #tpu.memory_space<hbm>>
          %dma_start3A_3113 = tpu.memref_squeeze %dma_start3A_3112 : memref<1x8x128xf32, #tpu.memory_space<hbm>> -> memref<8x128xf32, #tpu.memory_space<hbm>>
          tpu.enqueue_dma source(%dma_start3A_3113 : memref<8x128xf32, #tpu.memory_space<hbm>>) target(%dma_start3A_3110 : memref<8x128xf32, #tpu.memory_space<vmem>>) target_semaphore(%arg14 : memref<!tpu.dma_semaphore, #tpu.memory_space<semaphore_mem>>)
          %dma_start3A_3114 = arith.constant 7 : i32
          %dma_start3A_3115 = arith.constant 7 : i32
          %dma_start3A_3116 = arith.constant 0 : i32
          %dma_start3A_3117 = arith.constant 0 : i32
          %dma_start3A_3118 = tpu.memref_slice %arg12[%and3A_2993, %dma_start3A_3115, %dma_start3A_3116, %dma_start3A_3117] : memref<8x8x8x128xf32, #tpu.memory_space<vmem>> -> memref<1x1x8x128xf32, #tpu.memory_space<vmem>>
          %dma_start3A_3119 = tpu.memref_squeeze %dma_start3A_3118 : memref<1x1x8x128xf32, #tpu.memory_space<vmem>> -> memref<8x128xf32, #tpu.memory_space<vmem>>
          %dma_start3A_3120 = arith.constant 0 : i32
          %dma_start3A_3121 = tpu.memref_slice %arg5[%dma_start3A_3114, %dma_start3A_3120, %multiple_of3A_2991] : memref<8x8x1000000xf32, #tpu.memory_space<hbm>> -> memref<1x8x128xf32, #tpu.memory_space<hbm>>
          %dma_start3A_3122 = tpu.memref_squeeze %dma_start3A_3121 : memref<1x8x128xf32, #tpu.memory_space<hbm>> -> memref<8x128xf32, #tpu.memory_space<hbm>>
          %dma_start3A_3123 = arith.constant 0 : i32
          %dma_start3A_3124 = arith.constant 0 : i32
          %dma_start3A_3125 = tpu.memref_slice %arg12[%and3A_2993, %dma_start3A_3115, %dma_start3A_3123, %dma_start3A_3124] : memref<8x8x8x128xf32, #tpu.memory_space<vmem>> -> memref<1x1x8x128xf32, #tpu.memory_space<vmem>>
          %dma_start3A_3126 = tpu.memref_squeeze %dma_start3A_3125 : memref<1x1x8x128xf32, #tpu.memory_space<vmem>> -> memref<8x128xf32, #tpu.memory_space<vmem>>
          %dma_start3A_3127 = arith.constant 0 : i32
          %dma_start3A_3128 = tpu.memref_slice %arg5[%dma_start3A_3114, %dma_start3A_3127, %multiple_of3A_2991] : memref<8x8x1000000xf32, #tpu.memory_space<hbm>> -> memref<1x8x128xf32, #tpu.memory_space<hbm>>
          %dma_start3A_3129 = tpu.memref_squeeze %dma_start3A_3128 : memref<1x8x128xf32, #tpu.memory_space<hbm>> -> memref<8x128xf32, #tpu.memory_space<hbm>>
          tpu.enqueue_dma source(%dma_start3A_3129 : memref<8x128xf32, #tpu.memory_space<hbm>>) target(%dma_start3A_3126 : memref<8x128xf32, #tpu.memory_space<vmem>>) target_semaphore(%arg14 : memref<!tpu.dma_semaphore, #tpu.memory_space<semaphore_mem>>)
        } else {
        }
      }
      %while3A_2907 = arith.constant 1 : i32
      scf.for %while3A_2965 = %while3A_2905 to %while3A_2901 step %while3A_2907  : i32 {
        %and3A_2966 = arith.constant 15 : i32
        %and3A_2967 = arith.andi %while3A_2965, %and3A_2966 : i32
        %broadcast_in_dim3A_2968 = arith.constant 0 : i32
        %broadcast_in_dim3A_2969 = vector.broadcast %broadcast_in_dim3A_2968 : i32 to vector<16xi32>
        %add3A_2970 = vector.broadcast %and3A_2967 : i32 to vector<16xi32>
        %add3A_2971 = arith.addi %broadcast_in_dim3A_2969, %add3A_2970 : vector<16xi32>
        %sub3A_2972 = arith.subi %while3A_2965, %and3A_2967 : i32
        %multiple_of3A_2973 = tpu.assume_multiple %sub3A_2972, 16 : i32
        %get3A_2974 = arith.index_cast %multiple_of3A_2973 : i32 to index
        %get3A_2975 = tpu.vector_load %arg11[%get3A_2974] {strides = array<i32>} : memref<1024xi32, #tpu.memory_space<vmem>>, vector<16xi32>,
        %lt3A_2976 = arith.constant 0 : i32
        %lt3A_2977 = vector.broadcast %lt3A_2976 : i32 to vector<16xi32>
        %lt3A_2978 = arith.cmpi slt, %add3A_2971, %lt3A_2977 : vector<16xi32>
        %add3A_2979 = arith.constant 16 : i32
        %add3A_2980 = vector.broadcast %add3A_2979 : i32 to vector<16xi32>
        %add3A_2981 = arith.addi %add3A_2971, %add3A_2980 : vector<16xi32>
        %select_n3A_2982 = arith.select %lt3A_2978, %add3A_2981, %add3A_2971 : vector<16xi1>, vector<16xi32>
        %broadcast_in_dim3A_2983 = vector.shape_cast %select_n3A_2982 : vector<16xi32> to vector<16x1xi32>
        %gather3A_2984 = vector.shape_cast %broadcast_in_dim3A_2983 : vector<16x1xi32> to vector<16xi32>
        %gather3A_2985 = tpu.dynamic_gather %get3A_2975[%gather3A_2984] in [0] : vector<16xi32>, vector<16xi32> -> vector<16xi32>
        %slice3A_2986 = vector.extract_strided_slice %gather3A_2985 {offsets = [0], sizes = [1], strides = [1]} : vector<16xi32> to vector<1xi32>
        %squeeze3A_2987 = vector.extract %slice3A_2986[0] : i32 from vector<1xi32>
        %and3A_2988 = arith.constant 8191 : i32
        %and3A_2989 = arith.andi %squeeze3A_2987, %and3A_2988 : i32
        %shift_left3A = arith.constant 7 : i32
        %shift_left3A_2990 = arith.shli %and3A_2989, %shift_left3A : i32
        %multiple_of3A_2991 = tpu.assume_multiple %shift_left3A_2990, 128 : i32
        %and3A_2992 = arith.constant 7 : i32
        %and3A_2993 = arith.andi %while3A_2965, %and3A_2992 : i32
        %lt3A_2994 = arith.constant 8192 : i32
        %lt3A_2995 = arith.cmpi slt, %squeeze3A_2987, %lt3A_2994 : i32
        %convert_element_type3A_2996 = arith.extui %lt3A_2995 : i1 to i32
        %cond3A_2997 = arith.constant 0 : i32
        %cond3A_2998 = arith.cmpi ne, %convert_element_type3A_2996, %cond3A_2997 : i32
        scf.if %cond3A_2998 {
          %dma_start3A = arith.constant 0 : i32
          %dma_start3A_3003 = arith.constant 0 : i32
          %dma_start3A_3004 = arith.constant 0 : i32
          %dma_start3A_3005 = arith.constant 0 : i32
          %dma_start3A_3006 = tpu.memref_slice %arg12[%and3A_2993, %dma_start3A_3003, %dma_start3A_3004, %dma_start3A_3005] : memref<8x8x8x128xf32, #tpu.memory_space<vmem>> -> memref<1x1x8x128xf32, #tpu.memory_space<vmem>>
          %dma_start3A_3007 = tpu.memref_squeeze %dma_start3A_3006 : memref<1x1x8x128xf32, #tpu.memory_space<vmem>> -> memref<8x128xf32, #tpu.memory_space<vmem>>
          %dma_start3A_3008 = arith.constant 0 : i32
          %dma_start3A_3009 = tpu.memref_slice %arg4[%dma_start3A, %dma_start3A_3008, %multiple_of3A_2991] : memref<8x8x1000000xf32, #tpu.memory_space<hbm>> -> memref<1x8x128xf32, #tpu.memory_space<hbm>>
          %dma_start3A_3010 = tpu.memref_squeeze %dma_start3A_3009 : memref<1x8x128xf32, #tpu.memory_space<hbm>> -> memref<8x128xf32, #tpu.memory_space<hbm>>
          %dma_start3A_3011 = arith.constant 0 : i32
          %dma_start3A_3012 = arith.constant 0 : i32
          %dma_start3A_3013 = tpu.memref_slice %arg12[%and3A_2993, %dma_start3A_3003, %dma_start3A_3011, %dma_start3A_3012] : memref<8x8x8x128xf32, #tpu.memory_space<vmem>> -> memref<1x1x8x128xf32, #tpu.memory_space<vmem>>
          %dma_start3A_3014 = tpu.memref_squeeze %dma_start3A_3013 : memref<1x1x8x128xf32, #tpu.memory_space<vmem>> -> memref<8x128xf32, #tpu.memory_space<vmem>>
          %dma_start3A_3015 = arith.constant 0 : i32
          %dma_start3A_3016 = tpu.memref_slice %arg4[%dma_start3A, %dma_start3A_3015, %multiple_of3A_2991] : memref<8x8x1000000xf32, #tpu.memory_space<hbm>> -> memref<1x8x128xf32, #tpu.memory_space<hbm>>
          %dma_start3A_3017 = tpu.memref_squeeze %dma_start3A_3016 : memref<1x8x128xf32, #tpu.memory_space<hbm>> -> memref<8x128xf32, #tpu.memory_space<hbm>>
          tpu.enqueue_dma source(%dma_start3A_3017 : memref<8x128xf32, #tpu.memory_space<hbm>>) target(%dma_start3A_3014 : memref<8x128xf32, #tpu.memory_space<vmem>>) target_semaphore(%arg14 : memref<!tpu.dma_semaphore, #tpu.memory_space<semaphore_mem>>)
          %dma_start3A_3018 = arith.constant 1 : i32
          %dma_start3A_3019 = arith.constant 1 : i32
          %dma_start3A_3020 = arith.constant 0 : i32
          %dma_start3A_3021 = arith.constant 0 : i32
          %dma_start3A_3022 = tpu.memref_slice %arg12[%and3A_2993, %dma_start3A_3019, %dma_start3A_3020, %dma_start3A_3021] : memref<8x8x8x128xf32, #tpu.memory_space<vmem>> -> memref<1x1x8x128xf32, #tpu.memory_space<vmem>>
          %dma_start3A_3023 = tpu.memref_squeeze %dma_start3A_3022 : memref<1x1x8x128xf32, #tpu.memory_space<vmem>> -> memref<8x128xf32, #tpu.memory_space<vmem>>
          %dma_start3A_3024 = arith.constant 0 : i32
          %dma_start3A_3025 = tpu.memref_slice %arg4[%dma_start3A_3018, %dma_start3A_3024, %multiple_of3A_2991] : memref<8x8x1000000xf32, #tpu.memory_space<hbm>> -> memref<1x8x128xf32, #tpu.memory_space<hbm>>
          %dma_start3A_3026 = tpu.memref_squeeze %dma_start3A_3025 : memref<1x8x128xf32, #tpu.memory_space<hbm>> -> memref<8x128xf32, #tpu.memory_space<hbm>>
          %dma_start3A_3027 = arith.constant 0 : i32
          %dma_start3A_3028 = arith.constant 0 : i32
          %dma_start3A_3029 = tpu.memref_slice %arg12[%and3A_2993, %dma_start3A_3019, %dma_start3A_3027, %dma_start3A_3028] : memref<8x8x8x128xf32, #tpu.memory_space<vmem>> -> memref<1x1x8x128xf32, #tpu.memory_space<vmem>>
          %dma_start3A_3030 = tpu.memref_squeeze %dma_start3A_3029 : memref<1x1x8x128xf32, #tpu.memory_space<vmem>> -> memref<8x128xf32, #tpu.memory_space<vmem>>
          %dma_start3A_3031 = arith.constant 0 : i32
          %dma_start3A_3032 = tpu.memref_slice %arg4[%dma_start3A_3018, %dma_start3A_3031, %multiple_of3A_2991] : memref<8x8x1000000xf32, #tpu.memory_space<hbm>> -> memref<1x8x128xf32, #tpu.memory_space<hbm>>
          %dma_start3A_3033 = tpu.memref_squeeze %dma_start3A_3032 : memref<1x8x128xf32, #tpu.memory_space<hbm>> -> memref<8x128xf32, #tpu.memory_space<hbm>>
          tpu.enqueue_dma source(%dma_start3A_3033 : memref<8x128xf32, #tpu.memory_space<hbm>>) target(%dma_start3A_3030 : memref<8x128xf32, #tpu.memory_space<vmem>>) target_semaphore(%arg14 : memref<!tpu.dma_semaphore, #tpu.memory_space<semaphore_mem>>)
          %dma_start3A_3034 = arith.constant 2 : i32
          %dma_start3A_3035 = arith.constant 2 : i32
          %dma_start3A_3036 = arith.constant 0 : i32
          %dma_start3A_3037 = arith.constant 0 : i32
          %dma_start3A_3038 = tpu.memref_slice %arg12[%and3A_2993, %dma_start3A_3035, %dma_start3A_3036, %dma_start3A_3037] : memref<8x8x8x128xf32, #tpu.memory_space<vmem>> -> memref<1x1x8x128xf32, #tpu.memory_space<vmem>>
          %dma_start3A_3039 = tpu.memref_squeeze %dma_start3A_3038 : memref<1x1x8x128xf32, #tpu.memory_space<vmem>> -> memref<8x128xf32, #tpu.memory_space<vmem>>
          %dma_start3A_3040 = arith.constant 0 : i32
          %dma_start3A_3041 = tpu.memref_slice %arg4[%dma_start3A_3034, %dma_start3A_3040, %multiple_of3A_2991] : memref<8x8x1000000xf32, #tpu.memory_space<hbm>> -> memref<1x8x128xf32, #tpu.memory_space<hbm>>
          %dma_start3A_3042 = tpu.memref_squeeze %dma_start3A_3041 : memref<1x8x128xf32, #tpu.memory_space<hbm>> -> memref<8x128xf32, #tpu.memory_space<hbm>>
          %dma_start3A_3043 = arith.constant 0 : i32
          %dma_start3A_3044 = arith.constant 0 : i32
          %dma_start3A_3045 = tpu.memref_slice %arg12[%and3A_2993, %dma_start3A_3035, %dma_start3A_3043, %dma_start3A_3044] : memref<8x8x8x128xf32, #tpu.memory_space<vmem>> -> memref<1x1x8x128xf32, #tpu.memory_space<vmem>>
          %dma_start3A_3046 = tpu.memref_squeeze %dma_start3A_3045 : memref<1x1x8x128xf32, #tpu.memory_space<vmem>> -> memref<8x128xf32, #tpu.memory_space<vmem>>
          %dma_start3A_3047 = arith.constant 0 : i32
          %dma_start3A_3048 = tpu.memref_slice %arg4[%dma_start3A_3034, %dma_start3A_3047, %multiple_of3A_2991] : memref<8x8x1000000xf32, #tpu.memory_space<hbm>> -> memref<1x8x128xf32, #tpu.memory_space<hbm>>
          %dma_start3A_3049 = tpu.memref_squeeze %dma_start3A_3048 : memref<1x8x128xf32, #tpu.memory_space<hbm>> -> memref<8x128xf32, #tpu.memory_space<hbm>>
          tpu.enqueue_dma source(%dma_start3A_3049 : memref<8x128xf32, #tpu.memory_space<hbm>>) target(%dma_start3A_3046 : memref<8x128xf32, #tpu.memory_space<vmem>>) target_semaphore(%arg14 : memref<!tpu.dma_semaphore, #tpu.memory_space<semaphore_mem>>)
          %dma_start3A_3050 = arith.constant 3 : i32
          %dma_start3A_3051 = arith.constant 3 : i32
          %dma_start3A_3052 = arith.constant 0 : i32
          %dma_start3A_3053 = arith.constant 0 : i32
          %dma_start3A_3054 = tpu.memref_slice %arg12[%and3A_2993, %dma_start3A_3051, %dma_start3A_3052, %dma_start3A_3053] : memref<8x8x8x128xf32, #tpu.memory_space<vmem>> -> memref<1x1x8x128xf32, #tpu.memory_space<vmem>>
          %dma_start3A_3055 = tpu.memref_squeeze %dma_start3A_3054 : memref<1x1x8x128xf32, #tpu.memory_space<vmem>> -> memref<8x128xf32, #tpu.memory_space<vmem>>
          %dma_start3A_3056 = arith.constant 0 : i32
          %dma_start3A_3057 = tpu.memref_slice %arg4[%dma_start3A_3050, %dma_start3A_3056, %multiple_of3A_2991] : memref<8x8x1000000xf32, #tpu.memory_space<hbm>> -> memref<1x8x128xf32, #tpu.memory_space<hbm>>
          %dma_start3A_3058 = tpu.memref_squeeze %dma_start3A_3057 : memref<1x8x128xf32, #tpu.memory_space<hbm>> -> memref<8x128xf32, #tpu.memory_space<hbm>>
          %dma_start3A_3059 = arith.constant 0 : i32
          %dma_start3A_3060 = arith.constant 0 : i32
          %dma_start3A_3061 = tpu.memref_slice %arg12[%and3A_2993, %dma_start3A_3051, %dma_start3A_3059, %dma_start3A_3060] : memref<8x8x8x128xf32, #tpu.memory_space<vmem>> -> memref<1x1x8x128xf32, #tpu.memory_space<vmem>>
          %dma_start3A_3062 = tpu.memref_squeeze %dma_start3A_3061 : memref<1x1x8x128xf32, #tpu.memory_space<vmem>> -> memref<8x128xf32, #tpu.memory_space<vmem>>
          %dma_start3A_3063 = arith.constant 0 : i32
          %dma_start3A_3064 = tpu.memref_slice %arg4[%dma_start3A_3050, %dma_start3A_3063, %multiple_of3A_2991] : memref<8x8x1000000xf32, #tpu.memory_space<hbm>> -> memref<1x8x128xf32, #tpu.memory_space<hbm>>
          %dma_start3A_3065 = tpu.memref_squeeze %dma_start3A_3064 : memref<1x8x128xf32, #tpu.memory_space<hbm>> -> memref<8x128xf32, #tpu.memory_space<hbm>>
          tpu.enqueue_dma source(%dma_start3A_3065 : memref<8x128xf32, #tpu.memory_space<hbm>>) target(%dma_start3A_3062 : memref<8x128xf32, #tpu.memory_space<vmem>>) target_semaphore(%arg14 : memref<!tpu.dma_semaphore, #tpu.memory_space<semaphore_mem>>)
          %dma_start3A_3066 = arith.constant 4 : i32
          %dma_start3A_3067 = arith.constant 4 : i32
          %dma_start3A_3068 = arith.constant 0 : i32
          %dma_start3A_3069 = arith.constant 0 : i32
          %dma_start3A_3070 = tpu.memref_slice %arg12[%and3A_2993, %dma_start3A_3067, %dma_start3A_3068, %dma_start3A_3069] : memref<8x8x8x128xf32, #tpu.memory_space<vmem>> -> memref<1x1x8x128xf32, #tpu.memory_space<vmem>>
          %dma_start3A_3071 = tpu.memref_squeeze %dma_start3A_3070 : memref<1x1x8x128xf32, #tpu.memory_space<vmem>> -> memref<8x128xf32, #tpu.memory_space<vmem>>
          %dma_start3A_3072 = arith.constant 0 : i32
          %dma_start3A_3073 = tpu.memref_slice %arg4[%dma_start3A_3066, %dma_start3A_3072, %multiple_of3A_2991] : memref<8x8x1000000xf32, #tpu.memory_space<hbm>> -> memref<1x8x128xf32, #tpu.memory_space<hbm>>
          %dma_start3A_3074 = tpu.memref_squeeze %dma_start3A_3073 : memref<1x8x128xf32, #tpu.memory_space<hbm>> -> memref<8x128xf32, #tpu.memory_space<hbm>>
          %dma_start3A_3075 = arith.constant 0 : i32
          %dma_start3A_3076 = arith.constant 0 : i32
          %dma_start3A_3077 = tpu.memref_slice %arg12[%and3A_2993, %dma_start3A_3067, %dma_start3A_3075, %dma_start3A_3076] : memref<8x8x8x128xf32, #tpu.memory_space<vmem>> -> memref<1x1x8x128xf32, #tpu.memory_space<vmem>>
          %dma_start3A_3078 = tpu.memref_squeeze %dma_start3A_3077 : memref<1x1x8x128xf32, #tpu.memory_space<vmem>> -> memref<8x128xf32, #tpu.memory_space<vmem>>
          %dma_start3A_3079 = arith.constant 0 : i32
          %dma_start3A_3080 = tpu.memref_slice %arg4[%dma_start3A_3066, %dma_start3A_3079, %multiple_of3A_2991] : memref<8x8x1000000xf32, #tpu.memory_space<hbm>> -> memref<1x8x128xf32, #tpu.memory_space<hbm>>
          %dma_start3A_3081 = tpu.memref_squeeze %dma_start3A_3080 : memref<1x8x128xf32, #tpu.memory_space<hbm>> -> memref<8x128xf32, #tpu.memory_space<hbm>>
          tpu.enqueue_dma source(%dma_start3A_3081 : memref<8x128xf32, #tpu.memory_space<hbm>>) target(%dma_start3A_3078 : memref<8x128xf32, #tpu.memory_space<vmem>>) target_semaphore(%arg14 : memref<!tpu.dma_semaphore, #tpu.memory_space<semaphore_mem>>)
          %dma_start3A_3082 = arith.constant 5 : i32
          %dma_start3A_3083 = arith.constant 5 : i32
          %dma_start3A_3084 = arith.constant 0 : i32
          %dma_start3A_3085 = arith.constant 0 : i32
          %dma_start3A_3086 = tpu.memref_slice %arg12[%and3A_2993, %dma_start3A_3083, %dma_start3A_3084, %dma_start3A_3085] : memref<8x8x8x128xf32, #tpu.memory_space<vmem>> -> memref<1x1x8x128xf32, #tpu.memory_space<vmem>>
          %dma_start3A_3087 = tpu.memref_squeeze %dma_start3A_3086 : memref<1x1x8x128xf32, #tpu.memory_space<vmem>> -> memref<8x128xf32, #tpu.memory_space<vmem>>
          %dma_start3A_3088 = arith.constant 0 : i32
          %dma_start3A_3089 = tpu.memref_slice %arg4[%dma_start3A_3082, %dma_start3A_3088, %multiple_of3A_2991] : memref<8x8x1000000xf32, #tpu.memory_space<hbm>> -> memref<1x8x128xf32, #tpu.memory_space<hbm>>
          %dma_start3A_3090 = tpu.memref_squeeze %dma_start3A_3089 : memref<1x8x128xf32, #tpu.memory_space<hbm>> -> memref<8x128xf32, #tpu.memory_space<hbm>>
          %dma_start3A_3091 = arith.constant 0 : i32
          %dma_start3A_3092 = arith.constant 0 : i32
          %dma_start3A_3093 = tpu.memref_slice %arg12[%and3A_2993, %dma_start3A_3083, %dma_start3A_3091, %dma_start3A_3092] : memref<8x8x8x128xf32, #tpu.memory_space<vmem>> -> memref<1x1x8x128xf32, #tpu.memory_space<vmem>>
          %dma_start3A_3094 = tpu.memref_squeeze %dma_start3A_3093 : memref<1x1x8x128xf32, #tpu.memory_space<vmem>> -> memref<8x128xf32, #tpu.memory_space<vmem>>
          %dma_start3A_3095 = arith.constant 0 : i32
          %dma_start3A_3096 = tpu.memref_slice %arg4[%dma_start3A_3082, %dma_start3A_3095, %multiple_of3A_2991] : memref<8x8x1000000xf32, #tpu.memory_space<hbm>> -> memref<1x8x128xf32, #tpu.memory_space<hbm>>
          %dma_start3A_3097 = tpu.memref_squeeze %dma_start3A_3096 : memref<1x8x128xf32, #tpu.memory_space<hbm>> -> memref<8x128xf32, #tpu.memory_space<hbm>>
          tpu.enqueue_dma source(%dma_start3A_3097 : memref<8x128xf32, #tpu.memory_space<hbm>>) target(%dma_start3A_3094 : memref<8x128xf32, #tpu.memory_space<vmem>>) target_semaphore(%arg14 : memref<!tpu.dma_semaphore, #tpu.memory_space<semaphore_mem>>)
          %dma_start3A_3098 = arith.constant 6 : i32
          %dma_start3A_3099 = arith.constant 6 : i32
          %dma_start3A_3100 = arith.constant 0 : i32
          %dma_start3A_3101 = arith.constant 0 : i32
          %dma_start3A_3102 = tpu.memref_slice %arg12[%and3A_2993, %dma_start3A_3099, %dma_start3A_3100, %dma_start3A_3101] : memref<8x8x8x128xf32, #tpu.memory_space<vmem>> -> memref<1x1x8x128xf32, #tpu.memory_space<vmem>>
          %dma_start3A_3103 = tpu.memref_squeeze %dma_start3A_3102 : memref<1x1x8x128xf32, #tpu.memory_space<vmem>> -> memref<8x128xf32, #tpu.memory_space<vmem>>
          %dma_start3A_3104 = arith.constant 0 : i32
          %dma_start3A_3105 = tpu.memref_slice %arg4[%dma_start3A_3098, %dma_start3A_3104, %multiple_of3A_2991] : memref<8x8x1000000xf32, #tpu.memory_space<hbm>> -> memref<1x8x128xf32, #tpu.memory_space<hbm>>
          %dma_start3A_3106 = tpu.memref_squeeze %dma_start3A_3105 : memref<1x8x128xf32, #tpu.memory_space<hbm>> -> memref<8x128xf32, #tpu.memory_space<hbm>>
          %dma_start3A_3107 = arith.constant 0 : i32
          %dma_start3A_3108 = arith.constant 0 : i32
          %dma_start3A_3109 = tpu.memref_slice %arg12[%and3A_2993, %dma_start3A_3099, %dma_start3A_3107, %dma_start3A_3108] : memref<8x8x8x128xf32, #tpu.memory_space<vmem>> -> memref<1x1x8x128xf32, #tpu.memory_space<vmem>>
          %dma_start3A_3110 = tpu.memref_squeeze %dma_start3A_3109 : memref<1x1x8x128xf32, #tpu.memory_space<vmem>> -> memref<8x128xf32, #tpu.memory_space<vmem>>
          %dma_start3A_3111 = arith.constant 0 : i32
          %dma_start3A_3112 = tpu.memref_slice %arg4[%dma_start3A_3098, %dma_start3A_3111, %multiple_of3A_2991] : memref<8x8x1000000xf32, #tpu.memory_space<hbm>> -> memref<1x8x128xf32, #tpu.memory_space<hbm>>
          %dma_start3A_3113 = tpu.memref_squeeze %dma_start3A_3112 : memref<1x8x128xf32, #tpu.memory_space<hbm>> -> memref<8x128xf32, #tpu.memory_space<hbm>>
          tpu.enqueue_dma source(%dma_start3A_3113 : memref<8x128xf32, #tpu.memory_space<hbm>>) target(%dma_start3A_3110 : memref<8x128xf32, #tpu.memory_space<vmem>>) target_semaphore(%arg14 : memref<!tpu.dma_semaphore, #tpu.memory_space<semaphore_mem>>)
          %dma_start3A_3114 = arith.constant 7 : i32
          %dma_start3A_3115 = arith.constant 7 : i32
          %dma_start3A_3116 = arith.constant 0 : i32
          %dma_start3A_3117 = arith.constant 0 : i32
          %dma_start3A_3118 = tpu.memref_slice %arg12[%and3A_2993, %dma_start3A_3115, %dma_start3A_3116, %dma_start3A_3117] : memref<8x8x8x128xf32, #tpu.memory_space<vmem>> -> memref<1x1x8x128xf32, #tpu.memory_space<vmem>>
          %dma_start3A_3119 = tpu.memref_squeeze %dma_start3A_3118 : memref<1x1x8x128xf32, #tpu.memory_space<vmem>> -> memref<8x128xf32, #tpu.memory_space<vmem>>
          %dma_start3A_3120 = arith.constant 0 : i32
          %dma_start3A_3121 = tpu.memref_slice %arg4[%dma_start3A_3114, %dma_start3A_3120, %multiple_of3A_2991] : memref<8x8x1000000xf32, #tpu.memory_space<hbm>> -> memref<1x8x128xf32, #tpu.memory_space<hbm>>
          %dma_start3A_3122 = tpu.memref_squeeze %dma_start3A_3121 : memref<1x8x128xf32, #tpu.memory_space<hbm>> -> memref<8x128xf32, #tpu.memory_space<hbm>>
          %dma_start3A_3123 = arith.constant 0 : i32
          %dma_start3A_3124 = arith.constant 0 : i32
          %dma_start3A_3125 = tpu.memref_slice %arg12[%and3A_2993, %dma_start3A_3115, %dma_start3A_3123, %dma_start3A_3124] : memref<8x8x8x128xf32, #tpu.memory_space<vmem>> -> memref<1x1x8x128xf32, #tpu.memory_space<vmem>>
          %dma_start3A_3126 = tpu.memref_squeeze %dma_start3A_3125 : memref<1x1x8x128xf32, #tpu.memory_space<vmem>> -> memref<8x128xf32, #tpu.memory_space<vmem>>
          %dma_start3A_3127 = arith.constant 0 : i32
          %dma_start3A_3128 = tpu.memref_slice %arg4[%dma_start3A_3114, %dma_start3A_3127, %multiple_of3A_2991] : memref<8x8x1000000xf32, #tpu.memory_space<hbm>> -> memref<1x8x128xf32, #tpu.memory_space<hbm>>
          %dma_start3A_3129 = tpu.memref_squeeze %dma_start3A_3128 : memref<1x8x128xf32, #tpu.memory_space<hbm>> -> memref<8x128xf32, #tpu.memory_space<hbm>>
          tpu.enqueue_dma source(%dma_start3A_3129 : memref<8x128xf32, #tpu.memory_space<hbm>>) target(%dma_start3A_3126 : memref<8x128xf32, #tpu.memory_space<vmem>>) target_semaphore(%arg14 : memref<!tpu.dma_semaphore, #tpu.memory_space<semaphore_mem>>)
        } else {
        }
        %ge3A = arith.constant 8192 : i32
        %ge3A_2999 = arith.cmpi sge, %squeeze3A_2987, %ge3A : i32
        %convert_element_type3A_3000 = arith.extui %ge3A_2999 : i1 to i32
        %cond3A_3001 = arith.constant 0 : i32
        %cond3A_3002 = arith.cmpi ne, %convert_element_type3A_3000, %cond3A_3001 : i32
        scf.if %cond3A_3002 {
          %dma_start3A = arith.constant 0 : i32
          %dma_start3A_3003 = arith.constant 0 : i32
          %dma_start3A_3004 = arith.constant 0 : i32
          %dma_start3A_3005 = arith.constant 0 : i32
          %dma_start3A_3006 = tpu.memref_slice %arg12[%and3A_2993, %dma_start3A_3003, %dma_start3A_3004, %dma_start3A_3005] : memref<8x8x8x128xf32, #tpu.memory_space<vmem>> -> memref<1x1x8x128xf32, #tpu.memory_space<vmem>>
          %dma_start3A_3007 = tpu.memref_squeeze %dma_start3A_3006 : memref<1x1x8x128xf32, #tpu.memory_space<vmem>> -> memref<8x128xf32, #tpu.memory_space<vmem>>
          %dma_start3A_3008 = arith.constant 0 : i32
          %dma_start3A_3009 = tpu.memref_slice %arg5[%dma_start3A, %dma_start3A_3008, %multiple_of3A_2991] : memref<8x8x1000000xf32, #tpu.memory_space<hbm>> -> memref<1x8x128xf32, #tpu.memory_space<hbm>>
          %dma_start3A_3010 = tpu.memref_squeeze %dma_start3A_3009 : memref<1x8x128xf32, #tpu.memory_space<hbm>> -> memref<8x128xf32, #tpu.memory_space<hbm>>
          %dma_start3A_3011 = arith.constant 0 : i32
          %dma_start3A_3012 = arith.constant 0 : i32
          %dma_start3A_3013 = tpu.memref_slice %arg12[%and3A_2993, %dma_start3A_3003, %dma_start3A_3011, %dma_start3A_3012] : memref<8x8x8x128xf32, #tpu.memory_space<vmem>> -> memref<1x1x8x128xf32, #tpu.memory_space<vmem>>
          %dma_start3A_3014 = tpu.memref_squeeze %dma_start3A_3013 : memref<1x1x8x128xf32, #tpu.memory_space<vmem>> -> memref<8x128xf32, #tpu.memory_space<vmem>>
          %dma_start3A_3015 = arith.constant 0 : i32
          %dma_start3A_3016 = tpu.memref_slice %arg5[%dma_start3A, %dma_start3A_3015, %multiple_of3A_2991] : memref<8x8x1000000xf32, #tpu.memory_space<hbm>> -> memref<1x8x128xf32, #tpu.memory_space<hbm>>
          %dma_start3A_3017 = tpu.memref_squeeze %dma_start3A_3016 : memref<1x8x128xf32, #tpu.memory_space<hbm>> -> memref<8x128xf32, #tpu.memory_space<hbm>>
          tpu.enqueue_dma source(%dma_start3A_3017 : memref<8x128xf32, #tpu.memory_space<hbm>>) target(%dma_start3A_3014 : memref<8x128xf32, #tpu.memory_space<vmem>>) target_semaphore(%arg14 : memref<!tpu.dma_semaphore, #tpu.memory_space<semaphore_mem>>)
          %dma_start3A_3018 = arith.constant 1 : i32
          %dma_start3A_3019 = arith.constant 1 : i32
          %dma_start3A_3020 = arith.constant 0 : i32
          %dma_start3A_3021 = arith.constant 0 : i32
          %dma_start3A_3022 = tpu.memref_slice %arg12[%and3A_2993, %dma_start3A_3019, %dma_start3A_3020, %dma_start3A_3021] : memref<8x8x8x128xf32, #tpu.memory_space<vmem>> -> memref<1x1x8x128xf32, #tpu.memory_space<vmem>>
          %dma_start3A_3023 = tpu.memref_squeeze %dma_start3A_3022 : memref<1x1x8x128xf32, #tpu.memory_space<vmem>> -> memref<8x128xf32, #tpu.memory_space<vmem>>
          %dma_start3A_3024 = arith.constant 0 : i32
          %dma_start3A_3025 = tpu.memref_slice %arg5[%dma_start3A_3018, %dma_start3A_3024, %multiple_of3A_2991] : memref<8x8x1000000xf32, #tpu.memory_space<hbm>> -> memref<1x8x128xf32, #tpu.memory_space<hbm>>
          %dma_start3A_3026 = tpu.memref_squeeze %dma_start3A_3025 : memref<1x8x128xf32, #tpu.memory_space<hbm>> -> memref<8x128xf32, #tpu.memory_space<hbm>>
          %dma_start3A_3027 = arith.constant 0 : i32
          %dma_start3A_3028 = arith.constant 0 : i32
          %dma_start3A_3029 = tpu.memref_slice %arg12[%and3A_2993, %dma_start3A_3019, %dma_start3A_3027, %dma_start3A_3028] : memref<8x8x8x128xf32, #tpu.memory_space<vmem>> -> memref<1x1x8x128xf32, #tpu.memory_space<vmem>>
          %dma_start3A_3030 = tpu.memref_squeeze %dma_start3A_3029 : memref<1x1x8x128xf32, #tpu.memory_space<vmem>> -> memref<8x128xf32, #tpu.memory_space<vmem>>
          %dma_start3A_3031 = arith.constant 0 : i32
          %dma_start3A_3032 = tpu.memref_slice %arg5[%dma_start3A_3018, %dma_start3A_3031, %multiple_of3A_2991] : memref<8x8x1000000xf32, #tpu.memory_space<hbm>> -> memref<1x8x128xf32, #tpu.memory_space<hbm>>
          %dma_start3A_3033 = tpu.memref_squeeze %dma_start3A_3032 : memref<1x8x128xf32, #tpu.memory_space<hbm>> -> memref<8x128xf32, #tpu.memory_space<hbm>>
          tpu.enqueue_dma source(%dma_start3A_3033 : memref<8x128xf32, #tpu.memory_space<hbm>>) target(%dma_start3A_3030 : memref<8x128xf32, #tpu.memory_space<vmem>>) target_semaphore(%arg14 : memref<!tpu.dma_semaphore, #tpu.memory_space<semaphore_mem>>)
          %dma_start3A_3034 = arith.constant 2 : i32
          %dma_start3A_3035 = arith.constant 2 : i32
          %dma_start3A_3036 = arith.constant 0 : i32
          %dma_start3A_3037 = arith.constant 0 : i32
          %dma_start3A_3038 = tpu.memref_slice %arg12[%and3A_2993, %dma_start3A_3035, %dma_start3A_3036, %dma_start3A_3037] : memref<8x8x8x128xf32, #tpu.memory_space<vmem>> -> memref<1x1x8x128xf32, #tpu.memory_space<vmem>>
          %dma_start3A_3039 = tpu.memref_squeeze %dma_start3A_3038 : memref<1x1x8x128xf32, #tpu.memory_space<vmem>> -> memref<8x128xf32, #tpu.memory_space<vmem>>
          %dma_start3A_3040 = arith.constant 0 : i32
          %dma_start3A_3041 = tpu.memref_slice %arg5[%dma_start3A_3034, %dma_start3A_3040, %multiple_of3A_2991] : memref<8x8x1000000xf32, #tpu.memory_space<hbm>> -> memref<1x8x128xf32, #tpu.memory_space<hbm>>
          %dma_start3A_3042 = tpu.memref_squeeze %dma_start3A_3041 : memref<1x8x128xf32, #tpu.memory_space<hbm>> -> memref<8x128xf32, #tpu.memory_space<hbm>>
          %dma_start3A_3043 = arith.constant 0 : i32
          %dma_start3A_3044 = arith.constant 0 : i32
          %dma_start3A_3045 = tpu.memref_slice %arg12[%and3A_2993, %dma_start3A_3035, %dma_start3A_3043, %dma_start3A_3044] : memref<8x8x8x128xf32, #tpu.memory_space<vmem>> -> memref<1x1x8x128xf32, #tpu.memory_space<vmem>>
          %dma_start3A_3046 = tpu.memref_squeeze %dma_start3A_3045 : memref<1x1x8x128xf32, #tpu.memory_space<vmem>> -> memref<8x128xf32, #tpu.memory_space<vmem>>
          %dma_start3A_3047 = arith.constant 0 : i32
          %dma_start3A_3048 = tpu.memref_slice %arg5[%dma_start3A_3034, %dma_start3A_3047, %multiple_of3A_2991] : memref<8x8x1000000xf32, #tpu.memory_space<hbm>> -> memref<1x8x128xf32, #tpu.memory_space<hbm>>
          %dma_start3A_3049 = tpu.memref_squeeze %dma_start3A_3048 : memref<1x8x128xf32, #tpu.memory_space<hbm>> -> memref<8x128xf32, #tpu.memory_space<hbm>>
          tpu.enqueue_dma source(%dma_start3A_3049 : memref<8x128xf32, #tpu.memory_space<hbm>>) target(%dma_start3A_3046 : memref<8x128xf32, #tpu.memory_space<vmem>>) target_semaphore(%arg14 : memref<!tpu.dma_semaphore, #tpu.memory_space<semaphore_mem>>)
          %dma_start3A_3050 = arith.constant 3 : i32
          %dma_start3A_3051 = arith.constant 3 : i32
          %dma_start3A_3052 = arith.constant 0 : i32
          %dma_start3A_3053 = arith.constant 0 : i32
          %dma_start3A_3054 = tpu.memref_slice %arg12[%and3A_2993, %dma_start3A_3051, %dma_start3A_3052, %dma_start3A_3053] : memref<8x8x8x128xf32, #tpu.memory_space<vmem>> -> memref<1x1x8x128xf32, #tpu.memory_space<vmem>>
          %dma_start3A_3055 = tpu.memref_squeeze %dma_start3A_3054 : memref<1x1x8x128xf32, #tpu.memory_space<vmem>> -> memref<8x128xf32, #tpu.memory_space<vmem>>
          %dma_start3A_3056 = arith.constant 0 : i32
          %dma_start3A_3057 = tpu.memref_slice %arg5[%dma_start3A_3050, %dma_start3A_3056, %multiple_of3A_2991] : memref<8x8x1000000xf32, #tpu.memory_space<hbm>> -> memref<1x8x128xf32, #tpu.memory_space<hbm>>
          %dma_start3A_3058 = tpu.memref_squeeze %dma_start3A_3057 : memref<1x8x128xf32, #tpu.memory_space<hbm>> -> memref<8x128xf32, #tpu.memory_space<hbm>>
          %dma_start3A_3059 = arith.constant 0 : i32
          %dma_start3A_3060 = arith.constant 0 : i32
          %dma_start3A_3061 = tpu.memref_slice %arg12[%and3A_2993, %dma_start3A_3051, %dma_start3A_3059, %dma_start3A_3060] : memref<8x8x8x128xf32, #tpu.memory_space<vmem>> -> memref<1x1x8x128xf32, #tpu.memory_space<vmem>>
          %dma_start3A_3062 = tpu.memref_squeeze %dma_start3A_3061 : memref<1x1x8x128xf32, #tpu.memory_space<vmem>> -> memref<8x128xf32, #tpu.memory_space<vmem>>
          %dma_start3A_3063 = arith.constant 0 : i32
          %dma_start3A_3064 = tpu.memref_slice %arg5[%dma_start3A_3050, %dma_start3A_3063, %multiple_of3A_2991] : memref<8x8x1000000xf32, #tpu.memory_space<hbm>> -> memref<1x8x128xf32, #tpu.memory_space<hbm>>
          %dma_start3A_3065 = tpu.memref_squeeze %dma_start3A_3064 : memref<1x8x128xf32, #tpu.memory_space<hbm>> -> memref<8x128xf32, #tpu.memory_space<hbm>>
          tpu.enqueue_dma source(%dma_start3A_3065 : memref<8x128xf32, #tpu.memory_space<hbm>>) target(%dma_start3A_3062 : memref<8x128xf32, #tpu.memory_space<vmem>>) target_semaphore(%arg14 : memref<!tpu.dma_semaphore, #tpu.memory_space<semaphore_mem>>)
          %dma_start3A_3066 = arith.constant 4 : i32
          %dma_start3A_3067 = arith.constant 4 : i32
          %dma_start3A_3068 = arith.constant 0 : i32
          %dma_start3A_3069 = arith.constant 0 : i32
          %dma_start3A_3070 = tpu.memref_slice %arg12[%and3A_2993, %dma_start3A_3067, %dma_start3A_3068, %dma_start3A_3069] : memref<8x8x8x128xf32, #tpu.memory_space<vmem>> -> memref<1x1x8x128xf32, #tpu.memory_space<vmem>>
          %dma_start3A_3071 = tpu.memref_squeeze %dma_start3A_3070 : memref<1x1x8x128xf32, #tpu.memory_space<vmem>> -> memref<8x128xf32, #tpu.memory_space<vmem>>
          %dma_start3A_3072 = arith.constant 0 : i32
          %dma_start3A_3073 = tpu.memref_slice %arg5[%dma_start3A_3066, %dma_start3A_3072, %multiple_of3A_2991] : memref<8x8x1000000xf32, #tpu.memory_space<hbm>> -> memref<1x8x128xf32, #tpu.memory_space<hbm>>
          %dma_start3A_3074 = tpu.memref_squeeze %dma_start3A_3073 : memref<1x8x128xf32, #tpu.memory_space<hbm>> -> memref<8x128xf32, #tpu.memory_space<hbm>>
          %dma_start3A_3075 = arith.constant 0 : i32
          %dma_start3A_3076 = arith.constant 0 : i32
          %dma_start3A_3077 = tpu.memref_slice %arg12[%and3A_2993, %dma_start3A_3067, %dma_start3A_3075, %dma_start3A_3076] : memref<8x8x8x128xf32, #tpu.memory_space<vmem>> -> memref<1x1x8x128xf32, #tpu.memory_space<vmem>>
          %dma_start3A_3078 = tpu.memref_squeeze %dma_start3A_3077 : memref<1x1x8x128xf32, #tpu.memory_space<vmem>> -> memref<8x128xf32, #tpu.memory_space<vmem>>
          %dma_start3A_3079 = arith.constant 0 : i32
          %dma_start3A_3080 = tpu.memref_slice %arg5[%dma_start3A_3066, %dma_start3A_3079, %multiple_of3A_2991] : memref<8x8x1000000xf32, #tpu.memory_space<hbm>> -> memref<1x8x128xf32, #tpu.memory_space<hbm>>
          %dma_start3A_3081 = tpu.memref_squeeze %dma_start3A_3080 : memref<1x8x128xf32, #tpu.memory_space<hbm>> -> memref<8x128xf32, #tpu.memory_space<hbm>>
          tpu.enqueue_dma source(%dma_start3A_3081 : memref<8x128xf32, #tpu.memory_space<hbm>>) target(%dma_start3A_3078 : memref<8x128xf32, #tpu.memory_space<vmem>>) target_semaphore(%arg14 : memref<!tpu.dma_semaphore, #tpu.memory_space<semaphore_mem>>)
          %dma_start3A_3082 = arith.constant 5 : i32
          %dma_start3A_3083 = arith.constant 5 : i32
          %dma_start3A_3084 = arith.constant 0 : i32
          %dma_start3A_3085 = arith.constant 0 : i32
          %dma_start3A_3086 = tpu.memref_slice %arg12[%and3A_2993, %dma_start3A_3083, %dma_start3A_3084, %dma_start3A_3085] : memref<8x8x8x128xf32, #tpu.memory_space<vmem>> -> memref<1x1x8x128xf32, #tpu.memory_space<vmem>>
          %dma_start3A_3087 = tpu.memref_squeeze %dma_start3A_3086 : memref<1x1x8x128xf32, #tpu.memory_space<vmem>> -> memref<8x128xf32, #tpu.memory_space<vmem>>
          %dma_start3A_3088 = arith.constant 0 : i32
          %dma_start3A_3089 = tpu.memref_slice %arg5[%dma_start3A_3082, %dma_start3A_3088, %multiple_of3A_2991] : memref<8x8x1000000xf32, #tpu.memory_space<hbm>> -> memref<1x8x128xf32, #tpu.memory_space<hbm>>
          %dma_start3A_3090 = tpu.memref_squeeze %dma_start3A_3089 : memref<1x8x128xf32, #tpu.memory_space<hbm>> -> memref<8x128xf32, #tpu.memory_space<hbm>>
          %dma_start3A_3091 = arith.constant 0 : i32
          %dma_start3A_3092 = arith.constant 0 : i32
          %dma_start3A_3093 = tpu.memref_slice %arg12[%and3A_2993, %dma_start3A_3083, %dma_start3A_3091, %dma_start3A_3092] : memref<8x8x8x128xf32, #tpu.memory_space<vmem>> -> memref<1x1x8x128xf32, #tpu.memory_space<vmem>>
          %dma_start3A_3094 = tpu.memref_squeeze %dma_start3A_3093 : memref<1x1x8x128xf32, #tpu.memory_space<vmem>> -> memref<8x128xf32, #tpu.memory_space<vmem>>
          %dma_start3A_3095 = arith.constant 0 : i32
          %dma_start3A_3096 = tpu.memref_slice %arg5[%dma_start3A_3082, %dma_start3A_3095, %multiple_of3A_2991] : memref<8x8x1000000xf32, #tpu.memory_space<hbm>> -> memref<1x8x128xf32, #tpu.memory_space<hbm>>
          %dma_start3A_3097 = tpu.memref_squeeze %dma_start3A_3096 : memref<1x8x128xf32, #tpu.memory_space<hbm>> -> memref<8x128xf32, #tpu.memory_space<hbm>>
          tpu.enqueue_dma source(%dma_start3A_3097 : memref<8x128xf32, #tpu.memory_space<hbm>>) target(%dma_start3A_3094 : memref<8x128xf32, #tpu.memory_space<vmem>>) target_semaphore(%arg14 : memref<!tpu.dma_semaphore, #tpu.memory_space<semaphore_mem>>)
          %dma_start3A_3098 = arith.constant 6 : i32
          %dma_start3A_3099 = arith.constant 6 : i32
          %dma_start3A_3100 = arith.constant 0 : i32
          %dma_start3A_3101 = arith.constant 0 : i32
          %dma_start3A_3102 = tpu.memref_slice %arg12[%and3A_2993, %dma_start3A_3099, %dma_start3A_3100, %dma_start3A_3101] : memref<8x8x8x128xf32, #tpu.memory_space<vmem>> -> memref<1x1x8x128xf32, #tpu.memory_space<vmem>>
          %dma_start3A_3103 = tpu.memref_squeeze %dma_start3A_3102 : memref<1x1x8x128xf32, #tpu.memory_space<vmem>> -> memref<8x128xf32, #tpu.memory_space<vmem>>
          %dma_start3A_3104 = arith.constant 0 : i32
          %dma_start3A_3105 = tpu.memref_slice %arg5[%dma_start3A_3098, %dma_start3A_3104, %multiple_of3A_2991] : memref<8x8x1000000xf32, #tpu.memory_space<hbm>> -> memref<1x8x128xf32, #tpu.memory_space<hbm>>
          %dma_start3A_3106 = tpu.memref_squeeze %dma_start3A_3105 : memref<1x8x128xf32, #tpu.memory_space<hbm>> -> memref<8x128xf32, #tpu.memory_space<hbm>>
          %dma_start3A_3107 = arith.constant 0 : i32
          %dma_start3A_3108 = arith.constant 0 : i32
          %dma_start3A_3109 = tpu.memref_slice %arg12[%and3A_2993, %dma_start3A_3099, %dma_start3A_3107, %dma_start3A_3108] : memref<8x8x8x128xf32, #tpu.memory_space<vmem>> -> memref<1x1x8x128xf32, #tpu.memory_space<vmem>>
          %dma_start3A_3110 = tpu.memref_squeeze %dma_start3A_3109 : memref<1x1x8x128xf32, #tpu.memory_space<vmem>> -> memref<8x128xf32, #tpu.memory_space<vmem>>
          %dma_start3A_3111 = arith.constant 0 : i32
          %dma_start3A_3112 = tpu.memref_slice %arg5[%dma_start3A_3098, %dma_start3A_3111, %multiple_of3A_2991] : memref<8x8x1000000xf32, #tpu.memory_space<hbm>> -> memref<1x8x128xf32, #tpu.memory_space<hbm>>
          %dma_start3A_3113 = tpu.memref_squeeze %dma_start3A_3112 : memref<1x8x128xf32, #tpu.memory_space<hbm>> -> memref<8x128xf32, #tpu.memory_space<hbm>>
          tpu.enqueue_dma source(%dma_start3A_3113 : memref<8x128xf32, #tpu.memory_space<hbm>>) target(%dma_start3A_3110 : memref<8x128xf32, #tpu.memory_space<vmem>>) target_semaphore(%arg14 : memref<!tpu.dma_semaphore, #tpu.memory_space<semaphore_mem>>)
          %dma_start3A_3114 = arith.constant 7 : i32
          %dma_start3A_3115 = arith.constant 7 : i32
          %dma_start3A_3116 = arith.constant 0 : i32
          %dma_start3A_3117 = arith.constant 0 : i32
          %dma_start3A_3118 = tpu.memref_slice %arg12[%and3A_2993, %dma_start3A_3115, %dma_start3A_3116, %dma_start3A_3117] : memref<8x8x8x128xf32, #tpu.memory_space<vmem>> -> memref<1x1x8x128xf32, #tpu.memory_space<vmem>>
          %dma_start3A_3119 = tpu.memref_squeeze %dma_start3A_3118 : memref<1x1x8x128xf32, #tpu.memory_space<vmem>> -> memref<8x128xf32, #tpu.memory_space<vmem>>
          %dma_start3A_3120 = arith.constant 0 : i32
          %dma_start3A_3121 = tpu.memref_slice %arg5[%dma_start3A_3114, %dma_start3A_3120, %multiple_of3A_2991] : memref<8x8x1000000xf32, #tpu.memory_space<hbm>> -> memref<1x8x128xf32, #tpu.memory_space<hbm>>
          %dma_start3A_3122 = tpu.memref_squeeze %dma_start3A_3121 : memref<1x8x128xf32, #tpu.memory_space<hbm>> -> memref<8x128xf32, #tpu.memory_space<hbm>>
          %dma_start3A_3123 = arith.constant 0 : i32
          %dma_start3A_3124 = arith.constant 0 : i32
          %dma_start3A_3125 = tpu.memref_slice %arg12[%and3A_2993, %dma_start3A_3115, %dma_start3A_3123, %dma_start3A_3124] : memref<8x8x8x128xf32, #tpu.memory_space<vmem>> -> memref<1x1x8x128xf32, #tpu.memory_space<vmem>>
          %dma_start3A_3126 = tpu.memref_squeeze %dma_start3A_3125 : memref<1x1x8x128xf32, #tpu.memory_space<vmem>> -> memref<8x128xf32, #tpu.memory_space<vmem>>
          %dma_start3A_3127 = arith.constant 0 : i32
          %dma_start3A_3128 = tpu.memref_slice %arg5[%dma_start3A_3114, %dma_start3A_3127, %multiple_of3A_2991] : memref<8x8x1000000xf32, #tpu.memory_space<hbm>> -> memref<1x8x128xf32, #tpu.memory_space<hbm>>
          %dma_start3A_3129 = tpu.memref_squeeze %dma_start3A_3128 : memref<1x8x128xf32, #tpu.memory_space<hbm>> -> memref<8x128xf32, #tpu.memory_space<hbm>>
          tpu.enqueue_dma source(%dma_start3A_3129 : memref<8x128xf32, #tpu.memory_space<hbm>>) target(%dma_start3A_3126 : memref<8x128xf32, #tpu.memory_space<vmem>>) target_semaphore(%arg14 : memref<!tpu.dma_semaphore, #tpu.memory_space<semaphore_mem>>)
        } else {
        }
      }
      %add3A_2908 = arith.constant 1 : i32
      %add3A_2909 = arith.addi %min3A, %add3A_2908 : i32
      %max3A = arith.maxsi %scan3A_2851, %add3A_2909 : i32
      %add3A_2910 = arith.constant 1 : i32
      %add3A_2911 = arith.addi %squeeze3A_2890, %add3A_2910 : i32
      %while3A_2912 = arith.constant 0 : i32
      %while3A_2913 = arith.subi %add3A_2911, %scan3A_2852 : i32
      %while3A_2914 = arith.addi %scan3A_2852, %while3A_2913 : i32
      %while3A_2915 = arith.constant 1 : i32
      %while3A_2916 = arith.divsi %while3A_2913, %while3A_2915 : i32
      %while3A_2917 = arith.muli %while3A_2916, %while3A_2915 : i32
      %while3A_2918 = arith.addi %scan3A_2852, %while3A_2917 : i32
      %while3A_2919 = arith.constant 1 : i32
      scf.for %while3A_2965 = %scan3A_2852 to %while3A_2918 step %while3A_2919  : i32 {
        %dma_wait3A_2966 = arith.constant 0 : i32
        %dma_wait3A_2967 = arith.constant 0 : i32
        %dma_wait3A_2968 = arith.constant 0 : i32
        %dma_wait3A_2969 = arith.constant 0 : i32
        %dma_wait3A_2970 = tpu.memref_slice %arg12[%dma_wait3A_2966, %dma_wait3A_2967, %dma_wait3A_2968, %dma_wait3A_2969] : memref<8x8x8x128xf32, #tpu.memory_space<vmem>> -> memref<1x8x8x128xf32, #tpu.memory_space<vmem>>
        %dma_wait3A_2971 = tpu.memref_squeeze %dma_wait3A_2970 : memref<1x8x8x128xf32, #tpu.memory_space<vmem>> -> memref<8x8x128xf32, #tpu.memory_space<vmem>>
        %dma_wait3A_2972 = arith.constant 0 : i32
        %dma_wait3A_2973 = arith.constant 0 : i32
        %dma_wait3A_2974 = arith.constant 0 : i32
        %dma_wait3A_2975 = tpu.memref_slice %arg4[%dma_wait3A_2972, %dma_wait3A_2973, %dma_wait3A_2974] : memref<8x8x1000000xf32, #tpu.memory_space<hbm>> -> memref<8x8x128xf32, #tpu.memory_space<hbm>>
        %dma_wait3A_2976 = arith.constant 0 : i32
        %dma_wait3A_2977 = arith.constant 0 : i32
        %dma_wait3A_2978 = arith.constant 0 : i32
        %dma_wait3A_2979 = tpu.memref_slice %arg12[%dma_wait3A_2966, %dma_wait3A_2976, %dma_wait3A_2977, %dma_wait3A_2978] : memref<8x8x8x128xf32, #tpu.memory_space<vmem>> -> memref<1x8x8x128xf32, #tpu.memory_space<vmem>>
        %dma_wait3A_2980 = tpu.memref_squeeze %dma_wait3A_2979 : memref<1x8x8x128xf32, #tpu.memory_space<vmem>> -> memref<8x8x128xf32, #tpu.memory_space<vmem>>
        %dma_wait3A_2981 = arith.constant 0 : i32
        %dma_wait3A_2982 = arith.constant 0 : i32
        %dma_wait3A_2983 = arith.constant 0 : i32
        %dma_wait3A_2984 = tpu.memref_slice %arg4[%dma_wait3A_2981, %dma_wait3A_2982, %dma_wait3A_2983] : memref<8x8x1000000xf32, #tpu.memory_space<hbm>> -> memref<8x8x128xf32, #tpu.memory_space<hbm>>
        tpu.wait_dma2 semaphore(%arg14 : memref<!tpu.dma_semaphore, #tpu.memory_space<semaphore_mem>>) src(%dma_wait3A_2984 : memref<8x8x128xf32, #tpu.memory_space<hbm>>) dst(%dma_wait3A_2980 : memref<8x8x128xf32, #tpu.memory_space<vmem>>)
      }
      %while3A_2920 = arith.constant 1 : i32
      scf.for %while3A_2965 = %while3A_2918 to %while3A_2914 step %while3A_2920  : i32 {
        %dma_wait3A_2966 = arith.constant 0 : i32
        %dma_wait3A_2967 = arith.constant 0 : i32
        %dma_wait3A_2968 = arith.constant 0 : i32
        %dma_wait3A_2969 = arith.constant 0 : i32
        %dma_wait3A_2970 = tpu.memref_slice %arg12[%dma_wait3A_2966, %dma_wait3A_2967, %dma_wait3A_2968, %dma_wait3A_2969] : memref<8x8x8x128xf32, #tpu.memory_space<vmem>> -> memref<1x8x8x128xf32, #tpu.memory_space<vmem>>
        %dma_wait3A_2971 = tpu.memref_squeeze %dma_wait3A_2970 : memref<1x8x8x128xf32, #tpu.memory_space<vmem>> -> memref<8x8x128xf32, #tpu.memory_space<vmem>>
        %dma_wait3A_2972 = arith.constant 0 : i32
        %dma_wait3A_2973 = arith.constant 0 : i32
        %dma_wait3A_2974 = arith.constant 0 : i32
        %dma_wait3A_2975 = tpu.memref_slice %arg4[%dma_wait3A_2972, %dma_wait3A_2973, %dma_wait3A_2974] : memref<8x8x1000000xf32, #tpu.memory_space<hbm>> -> memref<8x8x128xf32, #tpu.memory_space<hbm>>
        %dma_wait3A_2976 = arith.constant 0 : i32
        %dma_wait3A_2977 = arith.constant 0 : i32
        %dma_wait3A_2978 = arith.constant 0 : i32
        %dma_wait3A_2979 = tpu.memref_slice %arg12[%dma_wait3A_2966, %dma_wait3A_2976, %dma_wait3A_2977, %dma_wait3A_2978] : memref<8x8x8x128xf32, #tpu.memory_space<vmem>> -> memref<1x8x8x128xf32, #tpu.memory_space<vmem>>
        %dma_wait3A_2980 = tpu.memref_squeeze %dma_wait3A_2979 : memref<1x8x8x128xf32, #tpu.memory_space<vmem>> -> memref<8x8x128xf32, #tpu.memory_space<vmem>>
        %dma_wait3A_2981 = arith.constant 0 : i32
        %dma_wait3A_2982 = arith.constant 0 : i32
        %dma_wait3A_2983 = arith.constant 0 : i32
        %dma_wait3A_2984 = tpu.memref_slice %arg4[%dma_wait3A_2981, %dma_wait3A_2982, %dma_wait3A_2983] : memref<8x8x1000000xf32, #tpu.memory_space<hbm>> -> memref<8x8x128xf32, #tpu.memory_space<hbm>>
        tpu.wait_dma2 semaphore(%arg14 : memref<!tpu.dma_semaphore, #tpu.memory_space<semaphore_mem>>) src(%dma_wait3A_2984 : memref<8x8x128xf32, #tpu.memory_space<hbm>>) dst(%dma_wait3A_2980 : memref<8x8x128xf32, #tpu.memory_space<vmem>>)
      }
      %add3A_2921 = arith.constant 1 : i32
      %add3A_2922 = arith.addi %squeeze3A_2890, %add3A_2921 : i32
      %max3A_2923 = arith.maxsi %scan3A_2852, %add3A_2922 : i32
      %and3A_2924 = arith.constant 1 : i32
      %and3A_2925 = arith.andi %shift_right_logical3A_2854, %and3A_2924 : i32
      %mul3A_2926 = arith.constant 16 : i32
      %mul3A_2927 = arith.muli %and3A_2925, %mul3A_2926 : i32
      %multiple_of3A_2928 = tpu.assume_multiple %mul3A_2927, 16 : i32
      %add3A_2929 = arith.constant 0 : i32
      %add3A_2930 = vector.broadcast %add3A_2929 : i32 to vector<16xi32>
      %add3A_2931 = arith.addi %shift_right_logical3A_2816, %add3A_2930 : vector<16xi32>
      %gather3A_2932 = tpu.vector_load_idx %arg12[%and3A_2893, %add3A_2931, %and3A_2819, %and3A_2875] : memref<8x8x8x128xf32, #tpu.memory_space<vmem>>[vector<16xi32>, vector<16xi32>, vector<16xi32>, vector<16xi32>], vector<16xf32>,
      %add3A_2933 = arith.addi %multiple_of3A_2928, %and3A_2856 : i32
      %swap3A_2934 = arith.index_cast %add3A_2933 : i32 to index
      %swap3A_2935 = arith.constant 0 : index
      %swap3A_2936 = tpu.vector_load %arg13[%swap3A_2934, %swap3A_2935] {strides = array<i32>} : memref<32x128xf32, #tpu.memory_space<vmem>>, vector<16xf32>,
      tpu.vector_store %arg13[%swap3A_2934, %swap3A_2935], %gather3A_2932 {strides = array<i32>} : memref<32x128xf32, #tpu.memory_space<vmem>>, vector<16xf32>,
      %add3A_2937 = arith.constant 2 : i32
      %add3A_2938 = vector.broadcast %add3A_2937 : i32 to vector<16xi32>
      %add3A_2939 = arith.addi %shift_right_logical3A_2816, %add3A_2938 : vector<16xi32>
      %gather3A_2940 = tpu.vector_load_idx %arg12[%and3A_2893, %add3A_2939, %and3A_2819, %and3A_2875] : memref<8x8x8x128xf32, #tpu.memory_space<vmem>>[vector<16xi32>, vector<16xi32>, vector<16xi32>, vector<16xi32>], vector<16xf32>,
      %add3A_2941 = arith.addi %multiple_of3A_2928, %and3A_2856 : i32
      %swap3A_2942 = arith.index_cast %add3A_2941 : i32 to index
      %swap3A_2943 = arith.constant 16 : index
      %swap3A_2944 = tpu.vector_load %arg13[%swap3A_2942, %swap3A_2943] {strides = array<i32>} : memref<32x128xf32, #tpu.memory_space<vmem>>, vector<16xf32>,
      tpu.vector_store %arg13[%swap3A_2942, %swap3A_2943], %gather3A_2940 {strides = array<i32>} : memref<32x128xf32, #tpu.memory_space<vmem>>, vector<16xf32>,
      %add3A_2945 = arith.constant 4 : i32
      %add3A_2946 = vector.broadcast %add3A_2945 : i32 to vector<16xi32>
      %add3A_2947 = arith.addi %shift_right_logical3A_2816, %add3A_2946 : vector<16xi32>
      %gather3A_2948 = tpu.vector_load_idx %arg12[%and3A_2893, %add3A_2947, %and3A_2819, %and3A_2875] : memref<8x8x8x128xf32, #tpu.memory_space<vmem>>[vector<16xi32>, vector<16xi32>, vector<16xi32>, vector<16xi32>], vector<16xf32>,
      %add3A_2949 = arith.addi %multiple_of3A_2928, %and3A_2856 : i32
      %swap3A_2950 = arith.index_cast %add3A_2949 : i32 to index
      %swap3A_2951 = arith.constant 32 : index
      %swap3A_2952 = tpu.vector_load %arg13[%swap3A_2950, %swap3A_2951] {strides = array<i32>} : memref<32x128xf32, #tpu.memory_space<vmem>>, vector<16xf32>,
      tpu.vector_store %arg13[%swap3A_2950, %swap3A_2951], %gather3A_2948 {strides = array<i32>} : memref<32x128xf32, #tpu.memory_space<vmem>>, vector<16xf32>,
      %add3A_2953 = arith.constant 6 : i32
      %add3A_2954 = vector.broadcast %add3A_2953 : i32 to vector<16xi32>
      %add3A_2955 = arith.addi %shift_right_logical3A_2816, %add3A_2954 : vector<16xi32>
      %gather3A_2956 = tpu.vector_load_idx %arg12[%and3A_2893, %add3A_2955, %and3A_2819, %and3A_2875] : memref<8x8x8x128xf32, #tpu.memory_space<vmem>>[vector<16xi32>, vector<16xi32>, vector<16xi32>, vector<16xi32>], vector<16xf32>,
      %add3A_2957 = arith.addi %multiple_of3A_2928, %and3A_2856 : i32
      %swap3A_2958 = arith.index_cast %add3A_2957 : i32 to index
      %swap3A_2959 = arith.constant 48 : index
      %swap3A_2960 = tpu.vector_load %arg13[%swap3A_2958, %swap3A_2959] {strides = array<i32>} : memref<32x128xf32, #tpu.memory_space<vmem>>, vector<16xf32>,
      tpu.vector_store %arg13[%swap3A_2958, %swap3A_2959], %gather3A_2956 {strides = array<i32>} : memref<32x128xf32, #tpu.memory_space<vmem>>, vector<16xf32>,
      %eq3A_2961 = arith.constant 15 : i32
      %eq3A_2962 = arith.cmpi eq, %and3A_2856, %eq3A_2961 : i32
      %convert_element_type3A_2963 = arith.extui %eq3A_2962 : i1 to i32
      %cond3A = arith.constant 0 : i32
      %cond3A_2964 = arith.cmpi ne, %convert_element_type3A_2963, %cond3A : i32
      scf.if %cond3A_2964 {
        %ge3A = arith.constant 2 : i32
        %ge3A_2965 = arith.cmpi sge, %shift_right_logical3A_2854, %ge3A : i32
        %convert_element_type3A_2966 = arith.extui %ge3A_2965 : i1 to i32
        %cond3A_2967 = arith.constant 0 : i32
        %cond3A_2968 = arith.cmpi ne, %convert_element_type3A_2966, %cond3A_2967 : i32
        scf.if %cond3A_2968 {
          %dma_wait3A_2976 = arith.constant 0 : i32
          %dma_wait3A_2977 = arith.constant 0 : i32
          %dma_wait3A_2978 = tpu.memref_slice %arg13[%dma_wait3A_2976, %dma_wait3A_2977] : memref<32x128xf32, #tpu.memory_space<vmem>> -> memref<16x128xf32, #tpu.memory_space<vmem>>
          %dma_wait3A_2979 = arith.constant 0 : i32
          %dma_wait3A_2980 = arith.constant 0 : i32
          %dma_wait3A_2981 = tpu.memref_slice %arg6[%dma_wait3A_2979, %dma_wait3A_2980] : memref<32768x128xf32, #tpu.memory_space<hbm>> -> memref<16x128xf32, #tpu.memory_space<hbm>>
          %dma_wait3A_2982 = arith.constant 0 : i32
          %dma_wait3A_2983 = arith.constant 0 : i32
          %dma_wait3A_2984 = tpu.memref_slice %arg13[%dma_wait3A_2982, %dma_wait3A_2983] : memref<32x128xf32, #tpu.memory_space<vmem>> -> memref<16x128xf32, #tpu.memory_space<vmem>>
          %dma_wait3A_2985 = arith.constant 0 : i32
          %dma_wait3A_2986 = arith.constant 0 : i32
          %dma_wait3A_2987 = tpu.memref_slice %arg6[%dma_wait3A_2985, %dma_wait3A_2986] : memref<32768x128xf32, #tpu.memory_space<hbm>> -> memref<16x128xf32, #tpu.memory_space<hbm>>
          tpu.wait_dma2 semaphore(%arg15 : memref<!tpu.dma_semaphore, #tpu.memory_space<semaphore_mem>>) src(%dma_wait3A_2987 : memref<16x128xf32, #tpu.memory_space<hbm>>) dst(%dma_wait3A_2984 : memref<16x128xf32, #tpu.memory_space<vmem>>)
        } else {
        }
        %dma_start3A = arith.constant 0 : i32
        %dma_start3A_2969 = tpu.memref_slice %arg13[%multiple_of3A_2928, %dma_start3A] : memref<32x128xf32, #tpu.memory_space<vmem>> -> memref<16x128xf32, #tpu.memory_space<vmem>>
        %dma_start3A_2970 = arith.constant 0 : i32
        %dma_start3A_2971 = tpu.memref_slice %arg9[%shift_right_logical3A_2854, %dma_start3A_2970] : memref<64x16xi32, #tpu.memory_space<vmem>> -> memref<1x16xi32, #tpu.memory_space<vmem>>
        %dma_start3A_2972 = tpu.memref_squeeze %dma_start3A_2971 : memref<1x16xi32, #tpu.memory_space<vmem>> -> memref<16xi32, #tpu.memory_space<vmem>>
        %dma_start3A_2973 = arith.constant 0 : i32
        %dma_start3A_2974 = arith.constant 0 : i32
        %dma_start3A_2975 = tpu.memref_slice %arg6[%dma_start3A_2973, %dma_start3A_2974] : memref<32768x128xf32, #tpu.memory_space<hbm>> -> memref<32768x128xf32, #tpu.memory_space<hbm>>
        tpu.enqueue_indirect_dma source(%dma_start3A_2969 : memref<16x128xf32, #tpu.memory_space<vmem>>) target(%dma_start3A_2975 : memref<32768x128xf32, #tpu.memory_space<hbm>>) offsets(%dma_start3A_2972 : memref<16xi32, #tpu.memory_space<vmem>>) semaphore(%arg15 : memref<!tpu.dma_semaphore, #tpu.memory_space<semaphore_mem>>)
      } else {
      }
      scf.yield %max3A, %max3A_2923 : i32, i32
    }
    %scan3A_2826 = arith.constant 1024 : i32
    %dma_wait3A = arith.constant 0 : i32
    %dma_wait3A_2827 = arith.constant 0 : i32
    %dma_wait3A_2828 = tpu.memref_slice %arg13[%dma_wait3A, %dma_wait3A_2827] : memref<32x128xf32, #tpu.memory_space<vmem>> -> memref<16x128xf32, #tpu.memory_space<vmem>>
    %dma_wait3A_2829 = arith.constant 0 : i32
    %dma_wait3A_2830 = arith.constant 0 : i32
    %dma_wait3A_2831 = tpu.memref_slice %arg6[%dma_wait3A_2829, %dma_wait3A_2830] : memref<32768x128xf32, #tpu.memory_space<hbm>> -> memref<16x128xf32, #tpu.memory_space<hbm>>
    %dma_wait3A_2832 = arith.constant 0 : i32
    %dma_wait3A_2833 = arith.constant 0 : i32
    %dma_wait3A_2834 = tpu.memref_slice %arg13[%dma_wait3A_2832, %dma_wait3A_2833] : memref<32x128xf32, #tpu.memory_space<vmem>> -> memref<16x128xf32, #tpu.memory_space<vmem>>
    %dma_wait3A_2835 = arith.constant 0 : i32
    %dma_wait3A_2836 = arith.constant 0 : i32
    %dma_wait3A_2837 = tpu.memref_slice %arg6[%dma_wait3A_2835, %dma_wait3A_2836] : memref<32768x128xf32, #tpu.memory_space<hbm>> -> memref<16x128xf32, #tpu.memory_space<hbm>>
    tpu.wait_dma2 semaphore(%arg15 : memref<!tpu.dma_semaphore, #tpu.memory_space<semaphore_mem>>) src(%dma_wait3A_2837 : memref<16x128xf32, #tpu.memory_space<hbm>>) dst(%dma_wait3A_2834 : memref<16x128xf32, #tpu.memory_space<vmem>>)
    %dma_wait3A_2838 = arith.constant 0 : i32
    %dma_wait3A_2839 = arith.constant 0 : i32
    %dma_wait3A_2840 = tpu.memref_slice %arg13[%dma_wait3A_2838, %dma_wait3A_2839] : memref<32x128xf32, #tpu.memory_space<vmem>> -> memref<16x128xf32, #tpu.memory_space<vmem>>
    %dma_wait3A_2841 = arith.constant 0 : i32
    %dma_wait3A_2842 = arith.constant 0 : i32
    %dma_wait3A_2843 = tpu.memref_slice %arg6[%dma_wait3A_2841, %dma_wait3A_2842] : memref<32768x128xf32, #tpu.memory_space<hbm>> -> memref<16x128xf32, #tpu.memory_space<hbm>>
    %dma_wait3A_2844 = arith.constant 0 : i32
    %dma_wait3A_2845 = arith.constant 0 : i32
    %dma_wait3A_2846 = tpu.memref_slice %arg13[%dma_wait3A_2844, %dma_wait3A_2845] : memref<32x128xf32, #tpu.memory_space<vmem>> -> memref<16x128xf32, #tpu.memory_space<vmem>>
    %dma_wait3A_2847 = arith.constant 0 : i32
    %dma_wait3A_2848 = arith.constant 0 : i32
    %dma_wait3A_2849 = tpu.memref_slice %arg6[%dma_wait3A_2847, %dma_wait3A_2848] : memref<32768x128xf32, #tpu.memory_space<hbm>> -> memref<16x128xf32, #tpu.memory_space<hbm>>
    tpu.wait_dma2 semaphore(%arg15 : memref<!tpu.dma_semaphore, #tpu.memory_space<semaphore_mem>>) src(%dma_wait3A_2849 : memref<16x128xf32, #tpu.memory_space<hbm>>) dst(%dma_wait3A_2846 : memref<16x128xf32, #tpu.memory_space<vmem>>)
    return
  }
}

module attributes {stable_mosaic.version = 14 : i64} {
  func.func @_p2_tc(%arg0: i32, %arg1: memref<2048x128xf32, #tpu.memory_space<vmem>>, %arg2: memref<2048x128xf32, #tpu.memory_space<vmem>>, %arg3: memref<2048xf32, #tpu.memory_space<vmem>>) attributes {dimension_semantics = [#tpu.dimension_semantics<arbitrary>], iteration_bounds = array<i64: 8>, scalar_prefetch = 0 : i64, scratch_operands = 0 : i64, tpu.core_type = #tpu.core_type<tc>, window_params = [{transform_indices = @transform_0, window_bounds = array<i64: 2048, 128>}, {transform_indices = @transform_1, window_bounds = array<i64: 2048, 128>}, {transform_indices = @transform_2, window_bounds = array<i64: 2048>}]} {
    %iota3A = tpu.iota {dimensions = array<i32: 1>} : vector<2048x128xi32>
    %lt3A = arith.constant 64 : i32
    %lt3A_0 = vector.broadcast %lt3A : i32 to vector<2048x128xi32>
    %lt3A_1 = arith.cmpi slt, %iota3A, %lt3A_0 : vector<2048x128xi32>
    %get3A = arith.constant 0 : index
    %get3A_2 = arith.constant 0 : index
    %get3A_3 = vector.load %arg1[%get3A, %get3A_2] : memref<2048x128xf32, #tpu.memory_space<vmem>>, vector<2048x128xf32>
    %jit3A = arith.constant 0.000000e+00 : f32
    %broadcast_in_dim3A = vector.broadcast %jit3A : f32 to vector<2048x128xf32>
    %select_n3A = arith.select %lt3A_1, %get3A_3, %broadcast_in_dim3A : vector<2048x128xi1>, vector<2048x128xf32>
    %get3A_4 = arith.constant 0 : index
    %get3A_5 = arith.constant 0 : index
    %get3A_6 = vector.load %arg2[%get3A_4, %get3A_5] : memref<2048x128xf32, #tpu.memory_space<vmem>>, vector<2048x128xf32>
    %jit3A_7 = arith.constant 0.000000e+00 : f32
    %broadcast_in_dim3A_8 = vector.broadcast %jit3A_7 : f32 to vector<2048x128xf32>
    %select_n3A_9 = arith.select %lt3A_1, %get3A_6, %broadcast_in_dim3A_8 : vector<2048x128xi1>, vector<2048x128xf32>
    %mul3A = arith.mulf %select_n3A, %select_n3A_9 : vector<2048x128xf32>
    %reduce_sum3A = arith.constant dense<0.000000e+00> : vector<2048xf32>
    %reduce_sum3A_10 = vector.multi_reduction <add>, %mul3A, %reduce_sum3A [1] : vector<2048x128xf32> to vector<2048xf32>
    %swap3A = arith.constant 0 : index
    %swap3A_11 = vector.load %arg3[%swap3A] : memref<2048xf32, #tpu.memory_space<vmem>>, vector<2048xf32>
    tpu.vector_store %arg3[%swap3A], %reduce_sum3A_10 {strides = array<i32>} : memref<2048xf32, #tpu.memory_space<vmem>>, vector<2048xf32>,
    return
  }
  func.func @transform_0(%arg0: i32) -> (i32, i32) {
    %c0_i32 = arith.constant 0 : i32
    %c0_i32_0 = arith.constant 0 : i32
    return %arg0, %c0_i32 : i32, i32
  }
  func.func @transform_1(%arg0: i32) -> (i32, i32) {
    %add3A = arith.constant 8 : i32
    %add3A_0 = arith.addi %arg0, %add3A : i32
    %c0_i32 = arith.constant 0 : i32
    %c0_i32_1 = arith.constant 0 : i32
    return %add3A_0, %c0_i32 : i32, i32
  }
  func.func @transform_2(%arg0: i32) -> i32 {
    %c0_i32 = arith.constant 0 : i32
    return %arg0 : i32
  }
}

</mosaic_0001>

<sc_bundles>
// kernel: kernel.4.cloned.1.call-start
scs
__scs_entry_jumppad:
0x0: {  	(pc) =	sbr.rel $0x88, $3  }
0x1: {  	(tag) =	ssettag $0x0;
	lr =	simm.s32 $0x1  }
0x2: {  	[smem:$0x3F9D] =	sst lr;
	_ =	strace $0xD0000000  }
0x3: {  	_ = 	snop  }
0x4: {  	_ = 	snop  }
0x5: {  	_ = 	snop  }
0x6: {  	_ = 	snop  }
0x7: {  	_ = 	snop  }
__scs_overlays_trampoline_lowered:
0x8: {  	[smem:$0x3FAC] =	sst s0  }
0x9: {  	[smem:$0x3FAD] =	sst s1  }
0xa: {  	[smem:$0x3FAE] =	sst s2  }
0xb: {  	[smem:$0x3FAF] =	sst s3  }
0xc: {  	[smem:$0x3FB0] =	sst s4  }
0xd: {  	[smem:$0x3FB1] =	sst s5  }
0xe: {  	[smem:$0x3FB2] =	sst s6  }
0xf: {  	[smem:$0x3FB3] =	sst s7  }
0x10: {  	[smem:$0x3FB4] =	sst s8  }
0x11: {  	[smem:$0x3FB5] =	sst s9;
	s0 =	simm.s32 @!p0 $0x0  }
0x12: {  	s1 =	sld [smem:$0x3F9B];
	s0 =	simm.s32 @p0 $0x1  }
0x13: {  	[smem:$0x3FB6] =	sst s0;
	s0 =	simm.s32 @!p1 $0x0  }
0x14: {  	s2 =	sld [smem:$0x3F9A];
	s0 =	simm.s32 @p1 $0x1  }
0x15: {  	[smem:$0x3FB7] =	sst s0;
	s0 =	simm.s32 @!p2 $0x0  }
0x16: {  	s3 =	sld [smem:$0x3FDB];
	s0 =	simm.s32 @p2 $0x1  }
0x17: {  	s4 =	simm.s32 $0x1BF5;
	[smem:$0x3FB9] =	sst s0  }
0x18: {  	s0 =	sld [smem:$0x3F9C];
	_ =	swait.ge [sflag:s4], $0x0  }
0x19: {  	s7 =	sld [smem:$0x3F9D]  }
0x1a: {  	s8 =	sadd.s32 $0xFFFFE003, lr  }
0x1b: {  	s9 =	sadd.s32 $0xFFFFFEF7, lr;
	s5 =	simm.s32 $0xFFFFFFFF;
	p2 =	slt.u32 s8, $0xFFFFF086  }
0x1c: {  	p1 =	slt.u32 s9, $0xF7A;
	s5 =	simm.s32 @!p2 $0x0  }
0x1d: {  	s5 =	simm.s32 @p1 $0x1;
	p0 =	seq.s32 s7, s2  }
0x1e: {  	s7 =	smul.u32 @!p0 $0xF7A, s2;
	p2 =	seq.s32 @!p0 s5, $0x0  }
0x1f: {  	s9 =	smul.u32 $0xF7A, s1;
	s8 =	simm.s32 @!p0 $0x1BF5;
	p2 =	por !p2, p0  }
0x20: {  	[sflag:s8] =	ssyncset.s32 @!p0 $0xFFFFF086;
	s6 =	sadd.s32 @!p0 s3, s7;
	s7 =	simm.s32 @!p0 $0x108  }
0x21: {  	s3 =	sadd.s32 s3, s9;
	s6 =	sadd.s32 @!p0 $0x88, s6;
	s7 =	simm.s32 @p2 $0x1082  }
0x22: {  	[simem:s7], [sflag:s8] =	dma.local @!p0 [hbm:s6], $0xF7A  }
0x23: {  	s9 =	sor.u32 $0xD0000000, s2;
	s6 =	simm.s32 $0x108;
	_ =	swait.ge @!p0 [sflag:s8], $0x0  }
0x24: {  	s3 =	sadd.s32 $0x88, s3;
	s6 =	simm.s32 @!p1 $0x1082;
	[sflag:s4] =	ssyncset.s32 $0xFFFFF086  }
0x25: {  	[simem:s6], [sflag:s4] =	dma.local [hbm:s3], $0xF7A  }
0x26: {  	[smem:$0x3F9D] =	sst s1;
	(tag) =	ssettag s2;
	_ =	strace s9  }
0x27: {  	s1 =	sld [smem:$0x3FAD]  }
0x28: {  	s2 =	sld [smem:$0x3FAE]  }
0x29: {  	s4 =	sld [smem:$0x3FB0]  }
0x2a: {  	p0 =	seq.s32 s5, $0x0;
	s5 =	sld [smem:$0x3FB1]  }
0x2b: {  	s6 =	sld [smem:$0x3FB2]  }
0x2c: {  	s7 =	sld [smem:$0x3FB3]  }
0x2d: {  	s3 =	simm.s32 $0x108;
	s8 =	sld [smem:$0x3FB4]  }
0x2e: {  	s3 =	simm.s32 @!p0 $0x1082;
	s9 =	sld [smem:$0x3FB5]  }
0x2f: {  	lr =	sadd.s32 s0, s3;
	s0 =	sld [smem:$0x3FAC]  }
0x30: {  	s3 =	sld [smem:$0x3FAF]  }
0x31: {  	[smem:$0x3FB8] =	sst s10  }
0x32: {  	s10 =	sld [smem:$0x3FB6];
	_ =	sdelay $0x3  }
0x33: {  	p0 =	seq.s32 s10, $0x1;
	s10 =	sld [smem:$0x3FB8];
	_ =	sdelay $0x3  }
0x34: {  	[smem:$0x3FB8] =	sst s10  }
0x35: {  	s10 =	sld [smem:$0x3FB7];
	_ =	sdelay $0x3  }
0x36: {  	p1 =	seq.s32 s10, $0x1;
	s10 =	sld [smem:$0x3FB8];
	_ =	sdelay $0x3  }
0x37: {  	[smem:$0x3FB8] =	sst s10  }
0x38: {  	s10 =	sld [smem:$0x3FB9]  }
0x39: {  	_ = 	snop;
	(pc) =	sbr.ind lr, $3  }
0x3a: {  	_ = 	snop  }
0x3b: {  	_ = 	snop  }
0x3c: {  	p2 =	seq.s32 s10, $0x1;
	s10 =	sld [smem:$0x3FB8]  }
0x3d: {  	_ =	shalt  }
0x3e: {  	_ =	shalt  }
0x3f: {  	_ =	shalt  }
0x40: {  	_ =	shalt  }
0x41: {  	_ =	shalt  }
0x42: {  	_ =	shalt  }
0x43: {  	_ =	shalt  }
0x44: {  	_ =	shalt  }
0x45: {  	_ =	shalt  }
0x46: {  	_ =	shalt  }
0x47: {  	_ =	shalt  }
0x48: {  	_ =	shalt  }
0x49: {  	_ =	shalt  }
0x4a: {  	_ =	shalt  }
0x4b: {  	_ =	shalt  }
0x4c: {  	_ =	shalt  }
0x4d: {  	_ =	shalt  }
0x4e: {  	_ =	shalt  }
0x4f: {  	_ =	shalt  }
0x50: {  	_ =	shalt  }
0x51: {  	_ =	shalt  }
0x52: {  	_ =	shalt  }
0x53: {  	_ =	shalt  }
0x54: {  	_ =	shalt  }
0x55: {  	_ =	shalt  }
0x56: {  	_ =	shalt  }
0x57: {  	_ =	shalt  }
0x58: {  	_ =	shalt  }
0x59: {  	_ =	shalt  }
0x5a: {  	_ =	shalt  }
0x5b: {  	_ =	shalt  }
0x5c: {  	_ =	shalt  }
0x5d: {  	_ =	shalt  }
0x5e: {  	_ =	shalt  }
0x5f: {  	_ =	shalt  }
0x60: {  	_ =	shalt  }
0x61: {  	_ =	shalt  }
0x62: {  	_ =	shalt  }
0x63: {  	_ =	shalt  }
0x64: {  	_ =	shalt  }
0x65: {  	_ =	shalt  }
0x66: {  	_ =	shalt  }
0x67: {  	_ =	shalt  }
0x68: {  	_ =	shalt  }
0x69: {  	_ =	shalt  }
0x6a: {  	_ =	shalt  }
0x6b: {  	_ =	shalt  }
0x6c: {  	_ =	shalt  }
0x6d: {  	_ =	shalt  }
0x6e: {  	_ =	shalt  }
0x6f: {  	_ =	shalt  }
0x70: {  	_ =	shalt  }
0x71: {  	_ =	shalt  }
0x72: {  	_ =	shalt  }
0x73: {  	_ =	shalt  }
0x74: {  	_ =	shalt  }
0x75: {  	_ =	shalt  }
0x76: {  	_ =	shalt  }
0x77: {  	_ =	shalt  }
0x78: {  	_ =	shalt  }
0x79: {  	_ =	shalt  }
0x7a: {  	_ =	shalt  }
0x7b: {  	_ =	shalt  }
0x7c: {  	_ =	shalt  }
0x7d: {  	_ =	shalt  }
0x7e: {  	_ =	shalt  }
0x7f: {  	_ =	shalt  }
0x80: {  	_ =	shalt  }
0x81: {  	_ =	shalt  }
0x82: {  	_ =	shalt  }
0x83: {  	_ =	shalt  }
0x84: {  	_ =	shalt  }
0x85: {  	_ =	shalt  }
0x86: {  	_ =	shalt  }
0x87: {  	_ =	shalt  }
.Lfunc_end0:
.L_simem_size_0:
called_computation_lowered:
.L_overlay_start_0:
0x88: {  	s2 =	sld [smem:$0x3FD9]  }
0x89: {  	s3 =	sld [smem:$0x3FFE];
	_ =	sdelay $0x1  }
0x8a: {  	s1 =	srdreg.scid  }
0x8b: {  	s0 =	sand.u32 $0x1, s1  }
0x8c: {  	s17 =	sshll.u32 s0, $0xA;
	s2 =	sadd.s32 s3, s2  }
0x8d: {  	s2 =	sadd.s32 s2, s17  }
0x8e: {  	[smem:$0x3FC4] =	sst s2  }
0x8f: {  	_ = 	snop  }
0x90: {  	s2 =	sld [smem:$0x3FC7]  }
0x91: {  	s18 =	sld [smem:$0x3FC6];
	(tm) =	ssettm $0x1  }
0x92: {  	s4 =	sld [smem:$0x3FFB];
	_ =	sdelay $0x3  }
0x93: {  	_ =	strace s4  }
0x94: {  	s4 =	sld [smem:$0x3FFC];
	_ =	sdelay $0x3  }
0x95: {  	_ =	strace s4  }
0x96: {  	s4 =	sld [smem:$0x3FFD];
	_ =	sdelay $0x3  }
0x97: {  	_ =	strace s4  }
0x98: {  	_ =	strace $0x8FFFFFFF  }
0x99: {  	s19 =	sld [smem:$0x3FDB];
	_ =	sdelay $0x1  }
0x9a: {  	s5 =	simm.s32 $_scs_section_size  }
0x9b: {  	s6 =	simm.s32 $_size__tile_overlayer_lowered;
	s7 =	simm.s32 $_tile_overlayer_lowered  }
0x9c: {  	s22 =	simm.s32 $0x1BFF;
	s21 =	sshll.u32 s7, $0x1;
	s4 =	sadd.s32 s5, s19  }
0x9d: {  	s8 =	simm.s32 $0x0;
	s20 =	sshll.u32 s6, $0x1;
	s6 =	sadd.s32 s21, s4  }
0x9e: {  	[timem:s8], [sflag:s22] =	dma.local [hbm:s6], s20  }
0x9f: {  	_ =	swait.ge [sflag:s22], s20  }
0xa0: {  	s5 =	ssub.s32 $0x0, s20;
	[sflag:s22] =	ssyncset.done $0x0  }
0xa1: {  	[sflag:s22] =	ssyncadd.s32 s5;
	_ =	sdelay $0x1  }
0xa2: {  	s23 =	simm.s32 $0x1B8B  }
0xa3: {  	_ =	swait.ge [sflag:s23], $0x1  }
0xa4: {  	[sflag:s23] =	ssyncset.done $0x0  }
0xa5: {  	s25 =	simm.s32 $0x1B8E;
	s24 =	sld [smem:$0x3FFE];
	[sflag:s23] =	ssyncadd.s32 $0xFFFFFFFF  }
0xa6: {  	s26 =	simm.s32 $execute0_lowered;
	[smem:$0x3FD2] =	sst s25  }
0xa7: {  	s6 =	sshll.u32 s26, $0x1;
	_ =	strace $0x80000046;
	[dreg:$0x1] =	wrdreg $0xFFFFFFFF  }
0xa8: {  	s28 =	simm.s32 $_size_execute0_lowered;
	s4 =	sadd.s32 s4, s6;
	[dreg:$0x0] =	wrdreg $0x0  }
0xa9: {  	s6 =	sshll.u32 s28, $0x1;
	[dreg:$0x2] =	wrdreg s4  }
0xaa: {  	[dreg:$0x3] =	wrdreg s6  }
0xab: {  	[dreg:$0x4] =	wrdreg $0xC0  }
0xac: {  	_ =	task [dreg:s8], $0x5FFFF  }
0xad: {  	[dreg:$0x1] =	wrdreg $0xFFFFFFFF  }
0xae: {  	[dreg:$0x0] =	wrdreg $0x60  }
0xaf: {  	[dreg:$0x2] =	wrdreg s24  }
0xb0: {  	[dreg:$0x3] =	wrdreg s2  }
0xb1: {  	[dreg:$0x4] =	wrdreg s18  }
0xb2: {  	[dreg:$0x5] =	wrdreg $0x9  }
0xb3: {  	_ =	task.clear_ibuf [dreg:s8], $0x6FFFF;
	_ =	strace $0x90000046  }
0xb4: {  	s29 =	simm.s32 $0x9;
	_ =	strace $0x80000048  }
0xb5: {  	_ =	swait.ge [sflag:s29], $0x1  }
0xb6: {  	[sflag:s29] =	ssyncadd.s32 $0xFFFFFFFF  }
0xb7: {  	_ =	strace $0x90000048  }
0xb8: {  	_ =	sfence  }
0xb9: {  	s30 =	sld [smem:$0x0];
	_ =	sdelay $0x2  }
0xba: {  	s31 =	sshll.u32 s1, $0xD;
	s1 =	sshrl.u32 s1, $0x2  }
0xbb: {  	s3 =	sand.u32 $0x4000, s31;
	s1 =	sadd.s32 s1, s30  }
0xbc: {  	s0 =	sor.u32 s3, s0;
	s1 =	sshll.u32 s1, $0x11  }
0xbd: {  	s0 =	sor.u32 s1, s0  }
0xbe: {  	s0 =	sadd.s32 $0x8F2B, s0  }
0xbf: {  	[sflag:s0] =	ssyncadd.remote.s32 $0x1  }
0xc0: {  	_ =	sfence.sel $0xFFFF  }
0xc1: {  	[dreg:$0x0] =	wrdreg $0xFFFFFFFF;
	(pc) =	sbr.abs _section_cstart, $3  }
0xc2: {  	[dreg:$0x1] =	wrdreg $0xFFFFFFFF  }
0xc3: {  	_ =	task.clear_ibuf [dreg:s8], $0x2FFFF;
	_ =	strace $0x9FFFFFFF  }
0xc4: {  	(tm) =	ssettm $0x7FFFFFFF  }
0xc5: {  	_ =	shalt  }
tec
execute0_lowered:
.L_overlay_start_1:
0x0: {  	(tag) =	ssettag $0x1  }
0x1: {  	s6 =	rddreg [dreg:$0x0]  }
0x2: {  	s1 =	rddreg [dreg:$0x1]  }
0x3: {  	s2 =	rddreg [dreg:$0x2]  }
0x4: {  	v0 =	vimm.s32 $0xEDCBA987;
	v1 =	vimm.s32 $0x6543210F;
	s3 =	simm.s32 $0x0;
	s5 =	srdreg.scid;
	s4 =	stileid.u32  }
0x5: {  	s10 =	simm.s32 $0x400;
	s11 =	simm.s32 $0x4800;
	s12 =	simm.s32 $0x1;
	v0 =	vunpack.c.l.s4.s8 v0;
	v1 =	vunpack.c.l.s4.s8 v1  }
0x6: {  	s13 =	simm.s32 $0x4C00;
	s14 =	simm.s32 $0x2;
	s15 =	simm.s32 $0x0  }
.Ltmp0:
0x7: {  	[smem:$0x7FF] =	sst s3;
	s5 =	sand.u32 $0x1, s5;
	v0 =	vunpack.c.0.s8.s32 v0;
	v1 =	vunpack.c.0.s8.s32 v1;
	(pc) =	sbr.rel .LBB2_1-.Ltmp0, $4  }
0x8: {  	s8 =	sshll.u32 s4, $0x8;
	s7 =	ssub.s32 $0x2, s5;
	s5 =	sshll.u32 s5, $0x7  }
0x9: {  	_ =	strace $0x80000047;
	s9 =	sshrl.u32 s7, $0x1;
	s8 =	sor.u32 s5, s8;
	v0 =	vcombine.low v1, v0  }
0xa: {  	v2 =	vimm.s32 $0x0;
	s5 =	sadd.s32 $0x2000, s6;
	s9 =	ssub.s32 s7, s9;
	s6 =	sadd.s32 s6, s8  }
0xb: {  	vm0 =	vmmov $0x1;
	s7 =	sadd.s32 $0x1000, s6;
	s8 =	smax.u32 s9, $0x1;
	s9 =	simm.s32 $0x3;
	v1 =	vlaneseq.u32;
	v0 =	vand.u32 $0xF, v0  }
.LBB2_13:
0xc: {  	s15 =	sadd.s32 $0x1, s15  }
0xd: {  	_ =	swait.ge [sflag:s14], $0x800;
	p0 =	sne.s32 s15, s8  }
.Ltmp1:
0xe: {  	[sflag:s14] =	ssyncset.done $0x0;
	(pc) =	sbr.rel @!p0 .LBB2_14-.Ltmp1, $4  }
0xf: {  	[sflag:s14] =	ssyncadd.s32 $0xFFFFF800  }
0x10: {  	_ =	swait.ge [sflag:s14], $0x800  }
0x11: {  	[sflag:s14] =	ssyncset.done $0x0  }
0x12: {  	[sflag:s14] =	ssyncadd.s32 $0xFFFFF800  }
.LBB2_1:
0x13: {  	[tilespmem:s3], [sflag:$0x3] =	stream.linear.gather [hbm4b:s6+s3], $0x400, $0x38;
	[tilespmem:$0x15C00] =	vst v63  }
0x14: {  	_ =	swait.ge [sflag:s9], $0x400  }
0x15: {  	[sflag:s9] =	ssyncset.done $0x0  }
0x16: {  	[sflag:s9] =	ssyncadd.s32 $0xFFFFFC00  }
0x17: {  	[tilespmem:s10], [sflag:$0x3] =	stream.linear.gather [hbm4b:s7+s3], $0x400, $0x38;
	[tilespmem:$0x15C00] =	vst v63  }
0x18: {  	_ =	swait.ge [sflag:s9], $0x400  }
0x19: {  	[sflag:s9] =	ssyncset.done $0x0  }
0x1a: {  	[sflag:s9] =	ssyncadd.s32 $0xFFFFFC00  }
0x1b: {  	v3 =	vld [tilespmem:$0x0];
	_ =	sdelay $0x4  }
0x1c: {  	v4 =	vperm.xlane v3, v0  }
0x1d: {  	vm1 =	veq.s32 v1, $0x0  }
0x1e: {  	v4 =	vsel vm1, $0xFFFFFFFF, v4  }
0x1f: {  	vm1 =	vne.s32 v3, v4  }
0x20: {  	v4 =	vsel vm1, $0x1, v2  }
0x21: {  	(xrf0) =	vadd.scan.msk.s32 $0xffff, v4;
	_ =	sdelay $0x5  }
0x22: {  	v4, _, _ =	vpop (xrf0)  }
0x23: {  	v4 =	vadd.s32 $0xFFFFFFFF, v4;
	_ =	sdelay $0x3  }
0x24: {  	v5 =	vshrl.u32 v3, $0x7  }
0x25: {  	[tilespmem:v4+s11+$0x0] =	vst.idx.msk vm1, v5  }
0x26: {  	v5 =	vld [tilespmem:$0x10];
	_ =	sdelay $0x4  }
0x27: {  	v3 =	vbroadcast v3, $0xF;
	v6 =	vperm.xlane v5, v0;
	_ =	sdelay $0x1  }
0x28: {  	v3 =	vsel vm0, v3, v6  }
0x29: {  	vm1 =	vne.s32 v5, v3  }
0x2a: {  	v3 =	vsel vm1, $0x1, v2  }
0x2b: {  	(xrf0) =	vadd.scan.msk.s32 $0xffff, v3;
	_ =	sdelay $0x4  }
0x2c: {  	v3 =	vbroadcast v4, $0xF  }
0x2d: {  	v15 =	vld [tilespmem:$0x400];
	v7, _, _ =	vpop (xrf0)  }
0x2e: {  	v3 =	vadd.s32 v3, v7;
	_ =	sdelay $0x2  }
0x2f: {  	[tilespmem:$0x2800] =	vst v4  }
0x30: {  	[tilespmem:$0x800] =	vst v15;
	v16 =	vshrl.u32 v5, $0x7  }
0x31: {  	[tilespmem:v3+s11+$0x0] =	vst.idx.msk vm1, v16  }
0x32: {  	v4 =	vld [tilespmem:$0x20];
	_ =	sdelay $0x4  }
0x33: {  	v5 =	vbroadcast v5, $0xF;
	v17 =	vperm.xlane v4, v0;
	_ =	sdelay $0x1  }
0x34: {  	v5 =	vsel vm0, v5, v17  }
0x35: {  	vm1 =	vne.s32 v4, v5  }
0x36: {  	v5 =	vsel vm1, $0x1, v2  }
0x37: {  	(xrf0) =	vadd.scan.msk.s32 $0xffff, v5;
	_ =	sdelay $0x4  }
0x38: {  	v18 =	vbroadcast v3, $0xF  }
0x39: {  	v19 =	vld [tilespmem:$0x410];
	v20, _, _ =	vpop (xrf0)  }
0x3a: {  	v5 =	vadd.s32 v18, v20;
	_ =	sdelay $0x2  }
0x3b: {  	[tilespmem:$0x2880] =	vst v3  }
0x3c: {  	[tilespmem:$0x880] =	vst v19;
	v3 =	vshrl.u32 v4, $0x7  }
0x3d: {  	[tilespmem:v5+s11+$0x0] =	vst.idx.msk vm1, v3  }
0x3e: {  	v3 =	vld [tilespmem:$0x30];
	_ =	sdelay $0x4  }
0x3f: {  	v4 =	vbroadcast v4, $0xF;
	v21 =	vperm.xlane v3, v0;
	_ =	sdelay $0x1  }
0x40: {  	v4 =	vsel vm0, v4, v21  }
0x41: {  	vm1 =	vne.s32 v3, v4  }
0x42: {  	v4 =	vsel vm1, $0x1, v2  }
0x43: {  	(xrf0) =	vadd.scan.msk.s32 $0xffff, v4;
	_ =	sdelay $0x4  }
0x44: {  	v22 =	vbroadcast v5, $0xF  }
0x45: {  	v23 =	vld [tilespmem:$0x420];
	v24, _, _ =	vpop (xrf0)  }
0x46: {  	v4 =	vadd.s32 v22, v24;
	_ =	sdelay $0x2  }
0x47: {  	[tilespmem:$0x2900] =	vst v5  }
0x48: {  	[tilespmem:$0x900] =	vst v23;
	v25 =	vshrl.u32 v3, $0x7  }
0x49: {  	[tilespmem:v4+s11+$0x0] =	vst.idx.msk vm1, v25  }
0x4a: {  	v5 =	vld [tilespmem:$0x40];
	_ =	sdelay $0x4  }
0x4b: {  	v3 =	vbroadcast v3, $0xF;
	v26 =	vperm.xlane v5, v0;
	_ =	sdelay $0x1  }
0x4c: {  	v3 =	vsel vm0, v3, v26  }
0x4d: {  	vm1 =	vne.s32 v5, v3  }
0x4e: {  	v3 =	vsel vm1, $0x1, v2  }
0x4f: {  	(xrf0) =	vadd.scan.msk.s32 $0xffff, v3;
	_ =	sdelay $0x4  }
0x50: {  	v3 =	vbroadcast v4, $0xF  }
0x51: {  	v27 =	vld [tilespmem:$0x430];
	v28, _, _ =	vpop (xrf0)  }
0x52: {  	v3 =	vadd.s32 v3, v28;
	_ =	sdelay $0x2  }
0x53: {  	[tilespmem:$0x2980] =	vst v4  }
0x54: {  	[tilespmem:$0x980] =	vst v27;
	v29 =	vshrl.u32 v5, $0x7  }
0x55: {  	[tilespmem:v3+s11+$0x0] =	vst.idx.msk vm1, v29  }
0x56: {  	v4 =	vld [tilespmem:$0x50];
	_ =	sdelay $0x4  }
0x57: {  	v5 =	vbroadcast v5, $0xF;
	v30 =	vperm.xlane v4, v0;
	_ =	sdelay $0x1  }
0x58: {  	v5 =	vsel vm0, v5, v30  }
0x59: {  	vm1 =	vne.s32 v4, v5  }
0x5a: {  	v5 =	vsel vm1, $0x1, v2  }
0x5b: {  	(xrf0) =	vadd.scan.msk.s32 $0xffff, v5;
	_ =	sdelay $0x4  }
0x5c: {  	v31 =	vbroadcast v3, $0xF  }
0x5d: {  	v32 =	vld [tilespmem:$0x440];
	v33, _, _ =	vpop (xrf0)  }
0x5e: {  	v5 =	vadd.s32 v31, v33;
	_ =	sdelay $0x2  }
0x5f: {  	[tilespmem:$0x2A00] =	vst v3  }
0x60: {  	[tilespmem:$0xA00] =	vst v32;
	v3 =	vshrl.u32 v4, $0x7  }
0x61: {  	[tilespmem:v5+s11+$0x0] =	vst.idx.msk vm1, v3  }
0x62: {  	v3 =	vld [tilespmem:$0x60];
	_ =	sdelay $0x4  }
0x63: {  	v4 =	vbroadcast v4, $0xF;
	v34 =	vperm.xlane v3, v0;
	_ =	sdelay $0x1  }
0x64: {  	v4 =	vsel vm0, v4, v34  }
0x65: {  	vm1 =	vne.s32 v3, v4  }
0x66: {  	v4 =	vsel vm1, $0x1, v2  }
0x67: {  	(xrf0) =	vadd.scan.msk.s32 $0xffff, v4;
	_ =	sdelay $0x4  }
0x68: {  	v35 =	vbroadcast v5, $0xF  }
0x69: {  	v36 =	vld [tilespmem:$0x450];
	v37, _, _ =	vpop (xrf0)  }
0x6a: {  	v4 =	vadd.s32 v35, v37;
	_ =	sdelay $0x2  }
0x6b: {  	[tilespmem:$0x2A80] =	vst v5  }
0x6c: {  	[tilespmem:$0xA80] =	vst v36;
	v38 =	vshrl.u32 v3, $0x7  }
0x6d: {  	[tilespmem:v4+s11+$0x0] =	vst.idx.msk vm1, v38  }
0x6e: {  	v5 =	vld [tilespmem:$0x70];
	_ =	sdelay $0x4  }
0x6f: {  	v3 =	vbroadcast v3, $0xF;
	v39 =	vperm.xlane v5, v0;
	_ =	sdelay $0x1  }
0x70: {  	v3 =	vsel vm0, v3, v39  }
0x71: {  	vm1 =	vne.s32 v5, v3  }
0x72: {  	v3 =	vsel vm1, $0x1, v2  }
0x73: {  	(xrf0) =	vadd.scan.msk.s32 $0xffff, v3;
	_ =	sdelay $0x4  }
0x74: {  	v3 =	vbroadcast v4, $0xF  }
0x75: {  	v40 =	vld [tilespmem:$0x460];
	v41, _, _ =	vpop (xrf0)  }
0x76: {  	v3 =	vadd.s32 v3, v41;
	_ =	sdelay $0x2  }
0x77: {  	[tilespmem:$0x2B00] =	vst v4  }
0x78: {  	[tilespmem:$0xB00] =	vst v40;
	v42 =	vshrl.u32 v5, $0x7  }
0x79: {  	[tilespmem:v3+s11+$0x0] =	vst.idx.msk vm1, v42  }
0x7a: {  	v4 =	vld [tilespmem:$0x80];
	_ =	sdelay $0x4  }
0x7b: {  	v5 =	vbroadcast v5, $0xF;
	v43 =	vperm.xlane v4, v0;
	_ =	sdelay $0x1  }
0x7c: {  	v5 =	vsel vm0, v5, v43  }
0x7d: {  	vm1 =	vne.s32 v4, v5  }
0x7e: {  	v5 =	vsel vm1, $0x1, v2  }
0x7f: {  	(xrf0) =	vadd.scan.msk.s32 $0xffff, v5;
	_ =	sdelay $0x4  }
0x80: {  	v44 =	vbroadcast v3, $0xF  }
0x81: {  	v45 =	vld [tilespmem:$0x470];
	v46, _, _ =	vpop (xrf0)  }
0x82: {  	v5 =	vadd.s32 v44, v46;
	_ =	sdelay $0x2  }
0x83: {  	[tilespmem:$0x2B80] =	vst v3  }
0x84: {  	[tilespmem:$0xB80] =	vst v45;
	v3 =	vshrl.u32 v4, $0x7  }
0x85: {  	[tilespmem:v5+s11+$0x0] =	vst.idx.msk vm1, v3  }
0x86: {  	v3 =	vld [tilespmem:$0x90];
	_ =	sdelay $0x4  }
0x87: {  	v4 =	vbroadcast v4, $0xF;
	v47 =	vperm.xlane v3, v0;
	_ =	sdelay $0x1  }
0x88: {  	v4 =	vsel vm0, v4, v47  }
0x89: {  	vm1 =	vne.s32 v3, v4  }
0x8a: {  	v4 =	vsel vm1, $0x1, v2  }
0x8b: {  	(xrf0) =	vadd.scan.msk.s32 $0xffff, v4;
	_ =	sdelay $0x4  }
0x8c: {  	v48 =	vbroadcast v5, $0xF  }
0x8d: {  	v49 =	vld [tilespmem:$0x480];
	v50, _, _ =	vpop (xrf0)  }
0x8e: {  	v4 =	vadd.s32 v48, v50;
	_ =	sdelay $0x2  }
0x8f: {  	[tilespmem:$0x2C00] =	vst v5  }
0x90: {  	[tilespmem:$0xC00] =	vst v49;
	v51 =	vshrl.u32 v3, $0x7  }
0x91: {  	[tilespmem:v4+s11+$0x0] =	vst.idx.msk vm1, v51  }
0x92: {  	v5 =	vld [tilespmem:$0xA0];
	_ =	sdelay $0x4  }
0x93: {  	v3 =	vbroadcast v3, $0xF;
	v52 =	vperm.xlane v5, v0;
	_ =	sdelay $0x1  }
0x94: {  	v3 =	vsel vm0, v3, v52  }
0x95: {  	vm1 =	vne.s32 v5, v3  }
0x96: {  	v3 =	vsel vm1, $0x1, v2  }
0x97: {  	(xrf0) =	vadd.scan.msk.s32 $0xffff, v3;
	_ =	sdelay $0x4  }
0x98: {  	v3 =	vbroadcast v4, $0xF  }
0x99: {  	v53 =	vld [tilespmem:$0x490];
	v54, _, _ =	vpop (xrf0)  }
0x9a: {  	v3 =	vadd.s32 v3, v54;
	_ =	sdelay $0x2  }
0x9b: {  	[tilespmem:$0x2C80] =	vst v4  }
0x9c: {  	[tilespmem:$0xC80] =	vst v53;
	v55 =	vshrl.u32 v5, $0x7  }
0x9d: {  	[tilespmem:v3+s11+$0x0] =	vst.idx.msk vm1, v55  }
0x9e: {  	v4 =	vld [tilespmem:$0xB0];
	_ =	sdelay $0x4  }
0x9f: {  	v5 =	vbroadcast v5, $0xF;
	v56 =	vperm.xlane v4, v0;
	_ =	sdelay $0x1  }
0xa0: {  	v5 =	vsel vm0, v5, v56  }
0xa1: {  	vm1 =	vne.s32 v4, v5  }
0xa2: {  	v5 =	vsel vm1, $0x1, v2  }
0xa3: {  	(xrf0) =	vadd.scan.msk.s32 $0xffff, v5;
	_ =	sdelay $0x4  }
0xa4: {  	v57 =	vbroadcast v3, $0xF  }
0xa5: {  	v58 =	vld [tilespmem:$0x4A0];
	v59, _, _ =	vpop (xrf0)  }
0xa6: {  	v5 =	vadd.s32 v57, v59;
	_ =	sdelay $0x2  }
0xa7: {  	[tilespmem:$0x2D00] =	vst v3  }
0xa8: {  	[tilespmem:$0xD00] =	vst v58;
	v3 =	vshrl.u32 v4, $0x7  }
0xa9: {  	[tilespmem:v5+s11+$0x0] =	vst.idx.msk vm1, v3  }
0xaa: {  	v3 =	vld [tilespmem:$0xC0];
	_ =	sdelay $0x4  }
0xab: {  	v4 =	vbroadcast v4, $0xF;
	v60 =	vperm.xlane v3, v0;
	_ =	sdelay $0x1  }
0xac: {  	v4 =	vsel vm0, v4, v60  }
0xad: {  	vm1 =	vne.s32 v3, v4  }
0xae: {  	v4 =	vsel vm1, $0x1, v2  }
0xaf: {  	(xrf0) =	vadd.scan.msk.s32 $0xffff, v4;
	_ =	sdelay $0x4  }
0xb0: {  	v61 =	vbroadcast v5, $0xF  }
0xb1: {  	v62 =	vld [tilespmem:$0x4B0];
	v63, _, _ =	vpop (xrf0)  }
0xb2: {  	v4 =	vadd.s32 v61, v63;
	_ =	sdelay $0x2  }
0xb3: {  	[tilespmem:$0x2D80] =	vst v5  }
0xb4: {  	[tilespmem:$0xD80] =	vst v62;
	v8 =	vshrl.u32 v3, $0x7  }
0xb5: {  	[tilespmem:v4+s11+$0x0] =	vst.idx.msk vm1, v8  }
0xb6: {  	v5 =	vld [tilespmem:$0xD0];
	_ =	sdelay $0x4  }
0xb7: {  	v3 =	vbroadcast v3, $0xF;
	v9 =	vperm.xlane v5, v0;
	_ =	sdelay $0x1  }
0xb8: {  	v3 =	vsel vm0, v3, v9  }
0xb9: {  	vm1 =	vne.s32 v5, v3  }
0xba: {  	v3 =	vsel vm1, $0x1, v2  }
0xbb: {  	(xrf0) =	vadd.scan.msk.s32 $0xffff, v3;
	_ =	sdelay $0x4  }
0xbc: {  	v3 =	vbroadcast v4, $0xF  }
0xbd: {  	v10 =	vld [tilespmem:$0x4C0];
	v11, _, _ =	vpop (xrf0)  }
0xbe: {  	v3 =	vadd.s32 v3, v11;
	_ =	sdelay $0x2  }
0xbf: {  	[tilespmem:$0x2E00] =	vst v4  }
0xc0: {  	[tilespmem:$0xE00] =	vst v10;
	v12 =	vshrl.u32 v5, $0x7  }
0xc1: {  	[tilespmem:v3+s11+$0x0] =	vst.idx.msk vm1, v12  }
0xc2: {  	v4 =	vld [tilespmem:$0xE0];
	_ =	sdelay $0x4  }
0xc3: {  	v5 =	vbroadcast v5, $0xF;
	v13 =	vperm.xlane v4, v0;
	_ =	sdelay $0x1  }
0xc4: {  	v5 =	vsel vm0, v5, v13  }
0xc5: {  	vm1 =	vne.s32 v4, v5  }
0xc6: {  	v5 =	vsel vm1, $0x1, v2  }
0xc7: {  	(xrf0) =	vadd.scan.msk.s32 $0xffff, v5;
	_ =	sdelay $0x4  }
0xc8: {  	v14 =	vbroadcast v3, $0xF  }
0xc9: {  	v15 =	vld [tilespmem:$0x4D0];
	v16, _, _ =	vpop (xrf0)  }
0xca: {  	v5 =	vadd.s32 v14, v16;
	_ =	sdelay $0x2  }
0xcb: {  	[tilespmem:$0x2E80] =	vst v3  }
0xcc: {  	[tilespmem:$0xE80] =	vst v15;
	v3 =	vshrl.u32 v4, $0x7  }
0xcd: {  	[tilespmem:v5+s11+$0x0] =	vst.idx.msk vm1, v3  }
0xce: {  	v3 =	vld [tilespmem:$0xF0];
	_ =	sdelay $0x4  }
0xcf: {  	v4 =	vbroadcast v4, $0xF;
	v17 =	vperm.xlane v3, v0;
	_ =	sdelay $0x1  }
0xd0: {  	v4 =	vsel vm0, v4, v17  }
0xd1: {  	vm1 =	vne.s32 v3, v4  }
0xd2: {  	v4 =	vsel vm1, $0x1, v2  }
0xd3: {  	(xrf0) =	vadd.scan.msk.s32 $0xffff, v4;
	_ =	sdelay $0x4  }
0xd4: {  	v18 =	vbroadcast v5, $0xF  }
0xd5: {  	v19 =	vld [tilespmem:$0x4E0];
	v20, _, _ =	vpop (xrf0)  }
0xd6: {  	v4 =	vadd.s32 v18, v20;
	_ =	sdelay $0x2  }
0xd7: {  	[tilespmem:$0x2F00] =	vst v5  }
0xd8: {  	[tilespmem:$0xF00] =	vst v19;
	v21 =	vshrl.u32 v3, $0x7  }
0xd9: {  	[tilespmem:v4+s11+$0x0] =	vst.idx.msk vm1, v21  }
0xda: {  	v5 =	vld [tilespmem:$0x100];
	_ =	sdelay $0x4  }
0xdb: {  	v3 =	vbroadcast v3, $0xF;
	v22 =	vperm.xlane v5, v0;
	_ =	sdelay $0x1  }
0xdc: {  	v3 =	vsel vm0, v3, v22  }
0xdd: {  	vm1 =	vne.s32 v5, v3  }
0xde: {  	v3 =	vsel vm1, $0x1, v2  }
0xdf: {  	(xrf0) =	vadd.scan.msk.s32 $0xffff, v3;
	_ =	sdelay $0x4  }
0xe0: {  	v3 =	vbroadcast v4, $0xF  }
0xe1: {  	v23 =	vld [tilespmem:$0x4F0];
	v24, _, _ =	vpop (xrf0)  }
0xe2: {  	v3 =	vadd.s32 v3, v24;
	_ =	sdelay $0x2  }
0xe3: {  	[tilespmem:$0x2F80] =	vst v4  }
0xe4: {  	[tilespmem:$0xF80] =	vst v23;
	v25 =	vshrl.u32 v5, $0x7  }
0xe5: {  	[tilespmem:v3+s11+$0x0] =	vst.idx.msk vm1, v25  }
0xe6: {  	v4 =	vld [tilespmem:$0x110];
	_ =	sdelay $0x4  }
0xe7: {  	v5 =	vbroadcast v5, $0xF;
	v26 =	vperm.xlane v4, v0;
	_ =	sdelay $0x1  }
0xe8: {  	v5 =	vsel vm0, v5, v26  }
0xe9: {  	vm1 =	vne.s32 v4, v5  }
0xea: {  	v5 =	vsel vm1, $0x1, v2  }
0xeb: {  	(xrf0) =	vadd.scan.msk.s32 $0xffff, v5;
	_ =	sdelay $0x4  }
0xec: {  	v27 =	vbroadcast v3, $0xF  }
0xed: {  	v28 =	vld [tilespmem:$0x500];
	v29, _, _ =	vpop (xrf0)  }
0xee: {  	v5 =	vadd.s32 v27, v29;
	_ =	sdelay $0x2  }
0xef: {  	[tilespmem:$0x3000] =	vst v3  }
0xf0: {  	[tilespmem:$0x1000] =	vst v28;
	v3 =	vshrl.u32 v4, $0x7  }
0xf1: {  	[tilespmem:v5+s11+$0x0] =	vst.idx.msk vm1, v3  }
0xf2: {  	v3 =	vld [tilespmem:$0x120];
	_ =	sdelay $0x4  }
0xf3: {  	v4 =	vbroadcast v4, $0xF;
	v30 =	vperm.xlane v3, v0;
	_ =	sdelay $0x1  }
0xf4: {  	v4 =	vsel vm0, v4, v30  }
0xf5: {  	vm1 =	vne.s32 v3, v4  }
0xf6: {  	v4 =	vsel vm1, $0x1, v2  }
0xf7: {  	(xrf0) =	vadd.scan.msk.s32 $0xffff, v4;
	_ =	sdelay $0x4  }
0xf8: {  	v31 =	vbroadcast v5, $0xF  }
0xf9: {  	v32 =	vld [tilespmem:$0x510];
	v33, _, _ =	vpop (xrf0)  }
0xfa: {  	v4 =	vadd.s32 v31, v33;
	_ =	sdelay $0x2  }
0xfb: {  	[tilespmem:$0x3080] =	vst v5  }
0xfc: {  	[tilespmem:$0x1080] =	vst v32;
	v34 =	vshrl.u32 v3, $0x7  }
0xfd: {  	[tilespmem:v4+s11+$0x0] =	vst.idx.msk vm1, v34  }
0xfe: {  	v5 =	vld [tilespmem:$0x130];
	_ =	sdelay $0x4  }
0xff: {  	v3 =	vbroadcast v3, $0xF;
	v35 =	vperm.xlane v5, v0;
	_ =	sdelay $0x1  }
0x100: {  	v3 =	vsel vm0, v3, v35  }
0x101: {  	vm1 =	vne.s32 v5, v3  }
0x102: {  	v3 =	vsel vm1, $0x1, v2  }
0x103: {  	(xrf0) =	vadd.scan.msk.s32 $0xffff, v3;
	_ =	sdelay $0x4  }
0x104: {  	v3 =	vbroadcast v4, $0xF  }
0x105: {  	v36 =	vld [tilespmem:$0x520];
	v37, _, _ =	vpop (xrf0)  }
0x106: {  	v3 =	vadd.s32 v3, v37;
	_ =	sdelay $0x2  }
0x107: {  	[tilespmem:$0x3100] =	vst v4  }
0x108: {  	[tilespmem:$0x1100] =	vst v36;
	v38 =	vshrl.u32 v5, $0x7  }
0x109: {  	[tilespmem:v3+s11+$0x0] =	vst.idx.msk vm1, v38  }
0x10a: {  	v4 =	vld [tilespmem:$0x140];
	_ =	sdelay $0x4  }
0x10b: {  	v5 =	vbroadcast v5, $0xF;
	v39 =	vperm.xlane v4, v0;
	_ =	sdelay $0x1  }
0x10c: {  	v5 =	vsel vm0, v5, v39  }
0x10d: {  	vm1 =	vne.s32 v4, v5  }
0x10e: {  	v5 =	vsel vm1, $0x1, v2  }
0x10f: {  	(xrf0) =	vadd.scan.msk.s32 $0xffff, v5;
	_ =	sdelay $0x4  }
0x110: {  	v40 =	vbroadcast v3, $0xF  }
0x111: {  	v41 =	vld [tilespmem:$0x530];
	v42, _, _ =	vpop (xrf0)  }
0x112: {  	v5 =	vadd.s32 v40, v42;
	_ =	sdelay $0x2  }
0x113: {  	[tilespmem:$0x3180] =	vst v3  }
0x114: {  	[tilespmem:$0x1180] =	vst v41;
	v3 =	vshrl.u32 v4, $0x7  }
0x115: {  	[tilespmem:v5+s11+$0x0] =	vst.idx.msk vm1, v3  }
0x116: {  	v3 =	vld [tilespmem:$0x150];
	_ =	sdelay $0x4  }
0x117: {  	v4 =	vbroadcast v4, $0xF;
	v43 =	vperm.xlane v3, v0;
	_ =	sdelay $0x1  }
0x118: {  	v4 =	vsel vm0, v4, v43  }
0x119: {  	vm1 =	vne.s32 v3, v4  }
0x11a: {  	v4 =	vsel vm1, $0x1, v2  }
0x11b: {  	(xrf0) =	vadd.scan.msk.s32 $0xffff, v4;
	_ =	sdelay $0x4  }
0x11c: {  	v44 =	vbroadcast v5, $0xF  }
0x11d: {  	v45 =	vld [tilespmem:$0x540];
	v46, _, _ =	vpop (xrf0)  }
0x11e: {  	v4 =	vadd.s32 v44, v46;
	_ =	sdelay $0x2  }
0x11f: {  	[tilespmem:$0x3200] =	vst v5  }
0x120: {  	[tilespmem:$0x1200] =	vst v45;
	v47 =	vshrl.u32 v3, $0x7  }
0x121: {  	[tilespmem:v4+s11+$0x0] =	vst.idx.msk vm1, v47  }
0x122: {  	v5 =	vld [tilespmem:$0x160];
	_ =	sdelay $0x4  }
0x123: {  	v3 =	vbroadcast v3, $0xF;
	v48 =	vperm.xlane v5, v0;
	_ =	sdelay $0x1  }
0x124: {  	v3 =	vsel vm0, v3, v48  }
0x125: {  	vm1 =	vne.s32 v5, v3  }
0x126: {  	v3 =	vsel vm1, $0x1, v2  }
0x127: {  	(xrf0) =	vadd.scan.msk.s32 $0xffff, v3;
	_ =	sdelay $0x4  }
0x128: {  	v3 =	vbroadcast v4, $0xF  }
0x129: {  	v49 =	vld [tilespmem:$0x550];
	v50, _, _ =	vpop (xrf0)  }
0x12a: {  	v3 =	vadd.s32 v3, v50;
	_ =	sdelay $0x2  }
0x12b: {  	[tilespmem:$0x3280] =	vst v4  }
0x12c: {  	[tilespmem:$0x1280] =	vst v49;
	v51 =	vshrl.u32 v5, $0x7  }
0x12d: {  	[tilespmem:v3+s11+$0x0] =	vst.idx.msk vm1, v51  }
0x12e: {  	v4 =	vld [tilespmem:$0x170];
	_ =	sdelay $0x4  }
0x12f: {  	v5 =	vbroadcast v5, $0xF;
	v52 =	vperm.xlane v4, v0;
	_ =	sdelay $0x1  }
0x130: {  	v5 =	vsel vm0, v5, v52  }
0x131: {  	vm1 =	vne.s32 v4, v5  }
0x132: {  	v5 =	vsel vm1, $0x1, v2  }
0x133: {  	(xrf0) =	vadd.scan.msk.s32 $0xffff, v5;
	_ =	sdelay $0x4  }
0x134: {  	v53 =	vbroadcast v3, $0xF  }
0x135: {  	v54 =	vld [tilespmem:$0x560];
	v55, _, _ =	vpop (xrf0)  }
0x136: {  	v5 =	vadd.s32 v53, v55;
	_ =	sdelay $0x2  }
0x137: {  	[tilespmem:$0x3300] =	vst v3  }
0x138: {  	[tilespmem:$0x1300] =	vst v54;
	v3 =	vshrl.u32 v4, $0x7  }
0x139: {  	[tilespmem:v5+s11+$0x0] =	vst.idx.msk vm1, v3  }
0x13a: {  	v3 =	vld [tilespmem:$0x180];
	_ =	sdelay $0x4  }
0x13b: {  	v4 =	vbroadcast v4, $0xF;
	v56 =	vperm.xlane v3, v0;
	_ =	sdelay $0x1  }
0x13c: {  	v4 =	vsel vm0, v4, v56  }
0x13d: {  	vm1 =	vne.s32 v3, v4  }
0x13e: {  	v4 =	vsel vm1, $0x1, v2  }
0x13f: {  	(xrf0) =	vadd.scan.msk.s32 $0xffff, v4;
	_ =	sdelay $0x4  }
0x140: {  	v57 =	vbroadcast v5, $0xF  }
0x141: {  	v58 =	vld [tilespmem:$0x570];
	v59, _, _ =	vpop (xrf0)  }
0x142: {  	v4 =	vadd.s32 v57, v59;
	_ =	sdelay $0x2  }
0x143: {  	[tilespmem:$0x3380] =	vst v5  }
0x144: {  	[tilespmem:$0x1380] =	vst v58;
	v60 =	vshrl.u32 v3, $0x7  }
0x145: {  	[tilespmem:v4+s11+$0x0] =	vst.idx.msk vm1, v60  }
0x146: {  	v5 =	vld [tilespmem:$0x190];
	_ =	sdelay $0x4  }
0x147: {  	v3 =	vbroadcast v3, $0xF;
	v61 =	vperm.xlane v5, v0;
	_ =	sdelay $0x1  }
0x148: {  	v3 =	vsel vm0, v3, v61  }
0x149: {  	vm1 =	vne.s32 v5, v3  }
0x14a: {  	v3 =	vsel vm1, $0x1, v2  }
0x14b: {  	(xrf0) =	vadd.scan.msk.s32 $0xffff, v3;
	_ =	sdelay $0x4  }
0x14c: {  	v3 =	vbroadcast v4, $0xF  }
0x14d: {  	v62 =	vld [tilespmem:$0x580];
	v63, _, _ =	vpop (xrf0)  }
0x14e: {  	v3 =	vadd.s32 v3, v63;
	_ =	sdelay $0x2  }
0x14f: {  	[tilespmem:$0x3400] =	vst v4  }
0x150: {  	[tilespmem:$0x1400] =	vst v62;
	v9 =	vshrl.u32 v5, $0x7  }
0x151: {  	[tilespmem:v3+s11+$0x0] =	vst.idx.msk vm1, v9  }
0x152: {  	v4 =	vld [tilespmem:$0x1A0];
	_ =	sdelay $0x4  }
0x153: {  	v5 =	vbroadcast v5, $0xF;
	v10 =	vperm.xlane v4, v0;
	_ =	sdelay $0x1  }
0x154: {  	v5 =	vsel vm0, v5, v10  }
0x155: {  	vm1 =	vne.s32 v4, v5  }
0x156: {  	v5 =	vsel vm1, $0x1, v2  }
0x157: {  	(xrf0) =	vadd.scan.msk.s32 $0xffff, v5;
	_ =	sdelay $0x4  }
0x158: {  	v11 =	vbroadcast v3, $0xF  }
0x159: {  	v12 =	vld [tilespmem:$0x590];
	v13, _, _ =	vpop (xrf0)  }
0x15a: {  	v5 =	vadd.s32 v11, v13;
	_ =	sdelay $0x2  }
0x15b: {  	[tilespmem:$0x3480] =	vst v3  }
0x15c: {  	[tilespmem:$0x1480] =	vst v12;
	v3 =	vshrl.u32 v4, $0x7  }
0x15d: {  	[tilespmem:v5+s11+$0x0] =	vst.idx.msk vm1, v3  }
0x15e: {  	v3 =	vld [tilespmem:$0x1B0];
	_ =	sdelay $0x4  }
0x15f: {  	v4 =	vbroadcast v4, $0xF;
	v14 =	vperm.xlane v3, v0;
	_ =	sdelay $0x1  }
0x160: {  	v4 =	vsel vm0, v4, v14  }
0x161: {  	vm1 =	vne.s32 v3, v4  }
0x162: {  	v4 =	vsel vm1, $0x1, v2  }
0x163: {  	(xrf0) =	vadd.scan.msk.s32 $0xffff, v4;
	_ =	sdelay $0x4  }
0x164: {  	v15 =	vbroadcast v5, $0xF  }
0x165: {  	v16 =	vld [tilespmem:$0x5A0];
	v17, _, _ =	vpop (xrf0)  }
0x166: {  	v4 =	vadd.s32 v15, v17;
	_ =	sdelay $0x2  }
0x167: {  	[tilespmem:$0x3500] =	vst v5  }
0x168: {  	[tilespmem:$0x1500] =	vst v16;
	v18 =	vshrl.u32 v3, $0x7  }
0x169: {  	[tilespmem:v4+s11+$0x0] =	vst.idx.msk vm1, v18  }
0x16a: {  	v5 =	vld [tilespmem:$0x1C0];
	_ =	sdelay $0x4  }
0x16b: {  	v3 =	vbroadcast v3, $0xF;
	v19 =	vperm.xlane v5, v0;
	_ =	sdelay $0x1  }
0x16c: {  	v3 =	vsel vm0, v3, v19  }
0x16d: {  	vm1 =	vne.s32 v5, v3  }
0x16e: {  	v3 =	vsel vm1, $0x1, v2  }
0x16f: {  	(xrf0) =	vadd.scan.msk.s32 $0xffff, v3;
	_ =	sdelay $0x4  }
0x170: {  	v3 =	vbroadcast v4, $0xF  }
0x171: {  	v20 =	vld [tilespmem:$0x5B0];
	v21, _, _ =	vpop (xrf0)  }
0x172: {  	v3 =	vadd.s32 v3, v21;
	_ =	sdelay $0x2  }
0x173: {  	[tilespmem:$0x3580] =	vst v4  }
0x174: {  	[tilespmem:$0x1580] =	vst v20;
	v22 =	vshrl.u32 v5, $0x7  }
0x175: {  	[tilespmem:v3+s11+$0x0] =	vst.idx.msk vm1, v22  }
0x176: {  	v4 =	vld [tilespmem:$0x1D0];
	_ =	sdelay $0x4  }
0x177: {  	v5 =	vbroadcast v5, $0xF;
	v23 =	vperm.xlane v4, v0;
	_ =	sdelay $0x1  }
0x178: {  	v5 =	vsel vm0, v5, v23  }
0x179: {  	vm1 =	vne.s32 v4, v5  }
0x17a: {  	v5 =	vsel vm1, $0x1, v2  }
0x17b: {  	(xrf0) =	vadd.scan.msk.s32 $0xffff, v5;
	_ =	sdelay $0x4  }
0x17c: {  	v24 =	vbroadcast v3, $0xF  }
0x17d: {  	v25 =	vld [tilespmem:$0x5C0];
	v26, _, _ =	vpop (xrf0)  }
0x17e: {  	v5 =	vadd.s32 v24, v26;
	_ =	sdelay $0x2  }
0x17f: {  	[tilespmem:$0x3600] =	vst v3  }
0x180: {  	[tilespmem:$0x1600] =	vst v25;
	v3 =	vshrl.u32 v4, $0x7  }
0x181: {  	[tilespmem:v5+s11+$0x0] =	vst.idx.msk vm1, v3  }
0x182: {  	v3 =	vld [tilespmem:$0x1E0];
	_ =	sdelay $0x4  }
0x183: {  	v4 =	vbroadcast v4, $0xF;
	v27 =	vperm.xlane v3, v0;
	_ =	sdelay $0x1  }
0x184: {  	v4 =	vsel vm0, v4, v27  }
0x185: {  	vm1 =	vne.s32 v3, v4  }
0x186: {  	v4 =	vsel vm1, $0x1, v2  }
0x187: {  	(xrf0) =	vadd.scan.msk.s32 $0xffff, v4;
	_ =	sdelay $0x4  }
0x188: {  	v28 =	vbroadcast v5, $0xF  }
0x189: {  	v29 =	vld [tilespmem:$0x5D0];
	v30, _, _ =	vpop (xrf0)  }
0x18a: {  	v4 =	vadd.s32 v28, v30;
	_ =	sdelay $0x2  }
0x18b: {  	[tilespmem:$0x3680] =	vst v5  }
0x18c: {  	[tilespmem:$0x1680] =	vst v29;
	v31 =	vshrl.u32 v3, $0x7  }
0x18d: {  	[tilespmem:v4+s11+$0x0] =	vst.idx.msk vm1, v31  }
0x18e: {  	v5 =	vld [tilespmem:$0x1F0];
	_ =	sdelay $0x4  }
0x18f: {  	v3 =	vbroadcast v3, $0xF;
	v32 =	vperm.xlane v5, v0;
	_ =	sdelay $0x1  }
0x190: {  	v3 =	vsel vm0, v3, v32  }
0x191: {  	vm1 =	vne.s32 v5, v3  }
0x192: {  	v3 =	vsel vm1, $0x1, v2  }
0x193: {  	(xrf0) =	vadd.scan.msk.s32 $0xffff, v3;
	_ =	sdelay $0x4  }
0x194: {  	v3 =	vbroadcast v4, $0xF  }
0x195: {  	v33 =	vld [tilespmem:$0x5E0];
	v34, _, _ =	vpop (xrf0)  }
0x196: {  	v3 =	vadd.s32 v3, v34;
	_ =	sdelay $0x2  }
0x197: {  	[tilespmem:$0x3700] =	vst v4  }
0x198: {  	[tilespmem:$0x1700] =	vst v33;
	v35 =	vshrl.u32 v5, $0x7  }
0x199: {  	[tilespmem:v3+s11+$0x0] =	vst.idx.msk vm1, v35  }
0x19a: {  	v4 =	vld [tilespmem:$0x200];
	_ =	sdelay $0x4  }
0x19b: {  	v5 =	vbroadcast v5, $0xF;
	v36 =	vperm.xlane v4, v0;
	_ =	sdelay $0x1  }
0x19c: {  	v5 =	vsel vm0, v5, v36  }
0x19d: {  	vm1 =	vne.s32 v4, v5  }
0x19e: {  	v5 =	vsel vm1, $0x1, v2  }
0x19f: {  	(xrf0) =	vadd.scan.msk.s32 $0xffff, v5;
	_ =	sdelay $0x4  }
0x1a0: {  	v37 =	vbroadcast v3, $0xF  }
0x1a1: {  	v38 =	vld [tilespmem:$0x5F0];
	v39, _, _ =	vpop (xrf0)  }
0x1a2: {  	v5 =	vadd.s32 v37, v39;
	_ =	sdelay $0x2  }
0x1a3: {  	[tilespmem:$0x3780] =	vst v3  }
0x1a4: {  	[tilespmem:$0x1780] =	vst v38;
	v3 =	vshrl.u32 v4, $0x7  }
0x1a5: {  	[tilespmem:v5+s11+$0x0] =	vst.idx.msk vm1, v3  }
0x1a6: {  	v3 =	vld [tilespmem:$0x210];
	_ =	sdelay $0x4  }
0x1a7: {  	v4 =	vbroadcast v4, $0xF;
	v40 =	vperm.xlane v3, v0;
	_ =	sdelay $0x1  }
0x1a8: {  	v4 =	vsel vm0, v4, v40  }
0x1a9: {  	vm1 =	vne.s32 v3, v4  }
0x1aa: {  	v4 =	vsel vm1, $0x1, v2  }
0x1ab: {  	(xrf0) =	vadd.scan.msk.s32 $0xffff, v4;
	_ =	sdelay $0x4  }
0x1ac: {  	v41 =	vbroadcast v5, $0xF  }
0x1ad: {  	v42 =	vld [tilespmem:$0x600];
	v43, _, _ =	vpop (xrf0)  }
0x1ae: {  	v4 =	vadd.s32 v41, v43;
	_ =	sdelay $0x2  }
0x1af: {  	[tilespmem:$0x3800] =	vst v5  }
0x1b0: {  	[tilespmem:$0x1800] =	vst v42;
	v44 =	vshrl.u32 v3, $0x7  }
0x1b1: {  	[tilespmem:v4+s11+$0x0] =	vst.idx.msk vm1, v44  }
0x1b2: {  	v5 =	vld [tilespmem:$0x220];
	_ =	sdelay $0x4  }
0x1b3: {  	v3 =	vbroadcast v3, $0xF;
	v45 =	vperm.xlane v5, v0;
	_ =	sdelay $0x1  }
0x1b4: {  	v3 =	vsel vm0, v3, v45  }
0x1b5: {  	vm1 =	vne.s32 v5, v3  }
0x1b6: {  	v3 =	vsel vm1, $0x1, v2  }
0x1b7: {  	(xrf0) =	vadd.scan.msk.s32 $0xffff, v3;
	_ =	sdelay $0x4  }
0x1b8: {  	v3 =	vbroadcast v4, $0xF  }
0x1b9: {  	v46 =	vld [tilespmem:$0x610];
	v47, _, _ =	vpop (xrf0)  }
0x1ba: {  	v3 =	vadd.s32 v3, v47;
	_ =	sdelay $0x2  }
0x1bb: {  	[tilespmem:$0x3880] =	vst v4  }
0x1bc: {  	[tilespmem:$0x1880] =	vst v46;
	v48 =	vshrl.u32 v5, $0x7  }
0x1bd: {  	[tilespmem:v3+s11+$0x0] =	vst.idx.msk vm1, v48  }
0x1be: {  	v4 =	vld [tilespmem:$0x230];
	_ =	sdelay $0x4  }
0x1bf: {  	v5 =	vbroadcast v5, $0xF;
	v49 =	vperm.xlane v4, v0;
	_ =	sdelay $0x1  }
0x1c0: {  	v5 =	vsel vm0, v5, v49  }
0x1c1: {  	vm1 =	vne.s32 v4, v5  }
0x1c2: {  	v5 =	vsel vm1, $0x1, v2  }
0x1c3: {  	(xrf0) =	vadd.scan.msk.s32 $0xffff, v5;
	_ =	sdelay $0x4  }
0x1c4: {  	v50 =	vbroadcast v3, $0xF  }
0x1c5: {  	v51 =	vld [tilespmem:$0x620];
	v52, _, _ =	vpop (xrf0)  }
0x1c6: {  	v5 =	vadd.s32 v50, v52;
	_ =	sdelay $0x2  }
0x1c7: {  	[tilespmem:$0x3900] =	vst v3  }
0x1c8: {  	[tilespmem:$0x1900] =	vst v51;
	v3 =	vshrl.u32 v4, $0x7  }
0x1c9: {  	[tilespmem:v5+s11+$0x0] =	vst.idx.msk vm1, v3  }
0x1ca: {  	v3 =	vld [tilespmem:$0x240];
	_ =	sdelay $0x4  }
0x1cb: {  	v4 =	vbroadcast v4, $0xF;
	v53 =	vperm.xlane v3, v0;
	_ =	sdelay $0x1  }
0x1cc: {  	v4 =	vsel vm0, v4, v53  }
0x1cd: {  	vm1 =	vne.s32 v3, v4  }
0x1ce: {  	v4 =	vsel vm1, $0x1, v2  }
0x1cf: {  	(xrf0) =	vadd.scan.msk.s32 $0xffff, v4;
	_ =	sdelay $0x4  }
0x1d0: {  	v54 =	vbroadcast v5, $0xF  }
0x1d1: {  	v55 =	vld [tilespmem:$0x630];
	v56, _, _ =	vpop (xrf0)  }
0x1d2: {  	v4 =	vadd.s32 v54, v56;
	_ =	sdelay $0x2  }
0x1d3: {  	[tilespmem:$0x3980] =	vst v5  }
0x1d4: {  	[tilespmem:$0x1980] =	vst v55;
	v57 =	vshrl.u32 v3, $0x7  }
0x1d5: {  	[tilespmem:v4+s11+$0x0] =	vst.idx.msk vm1, v57  }
0x1d6: {  	v5 =	vld [tilespmem:$0x250];
	_ =	sdelay $0x4  }
0x1d7: {  	v3 =	vbroadcast v3, $0xF;
	v58 =	vperm.xlane v5, v0;
	_ =	sdelay $0x1  }
0x1d8: {  	v3 =	vsel vm0, v3, v58  }
0x1d9: {  	vm1 =	vne.s32 v5, v3  }
0x1da: {  	v3 =	vsel vm1, $0x1, v2  }
0x1db: {  	(xrf0) =	vadd.scan.msk.s32 $0xffff, v3;
	_ =	sdelay $0x4  }
0x1dc: {  	v3 =	vbroadcast v4, $0xF  }
0x1dd: {  	v59 =	vld [tilespmem:$0x640];
	v60, _, _ =	vpop (xrf0)  }
0x1de: {  	v3 =	vadd.s32 v3, v60;
	_ =	sdelay $0x2  }
0x1df: {  	[tilespmem:$0x3A00] =	vst v4  }
0x1e0: {  	[tilespmem:$0x1A00] =	vst v59;
	v61 =	vshrl.u32 v5, $0x7  }
0x1e1: {  	[tilespmem:v3+s11+$0x0] =	vst.idx.msk vm1, v61  }
0x1e2: {  	v4 =	vld [tilespmem:$0x260];
	_ =	sdelay $0x4  }
0x1e3: {  	v5 =	vbroadcast v5, $0xF;
	v62 =	vperm.xlane v4, v0;
	_ =	sdelay $0x1  }
0x1e4: {  	v5 =	vsel vm0, v5, v62  }
0x1e5: {  	vm1 =	vne.s32 v4, v5  }
0x1e6: {  	v5 =	vsel vm1, $0x1, v2  }
0x1e7: {  	(xrf0) =	vadd.scan.msk.s32 $0xffff, v5;
	_ =	sdelay $0x4  }
0x1e8: {  	v63 =	vbroadcast v3, $0xF  }
0x1e9: {  	v9 =	vld [tilespmem:$0x650];
	v10, _, _ =	vpop (xrf0)  }
0x1ea: {  	v5 =	vadd.s32 v63, v10;
	_ =	sdelay $0x2  }
0x1eb: {  	[tilespmem:$0x3A80] =	vst v3  }
0x1ec: {  	[tilespmem:$0x1A80] =	vst v9;
	v3 =	vshrl.u32 v4, $0x7  }
0x1ed: {  	[tilespmem:v5+s11+$0x0] =	vst.idx.msk vm1, v3  }
0x1ee: {  	v3 =	vld [tilespmem:$0x270];
	_ =	sdelay $0x4  }
0x1ef: {  	v4 =	vbroadcast v4, $0xF;
	v11 =	vperm.xlane v3, v0;
	_ =	sdelay $0x1  }
0x1f0: {  	v4 =	vsel vm0, v4, v11  }
0x1f1: {  	vm1 =	vne.s32 v3, v4  }
0x1f2: {  	v4 =	vsel vm1, $0x1, v2  }
0x1f3: {  	(xrf0) =	vadd.scan.msk.s32 $0xffff, v4;
	_ =	sdelay $0x4  }
0x1f4: {  	v12 =	vbroadcast v5, $0xF  }
0x1f5: {  	v13 =	vld [tilespmem:$0x660];
	v14, _, _ =	vpop (xrf0)  }
0x1f6: {  	v4 =	vadd.s32 v12, v14;
	_ =	sdelay $0x2  }
0x1f7: {  	[tilespmem:$0x3B00] =	vst v5  }
0x1f8: {  	[tilespmem:$0x1B00] =	vst v13;
	v15 =	vshrl.u32 v3, $0x7  }
0x1f9: {  	[tilespmem:v4+s11+$0x0] =	vst.idx.msk vm1, v15  }
0x1fa: {  	v5 =	vld [tilespmem:$0x280];
	_ =	sdelay $0x4  }
0x1fb: {  	v3 =	vbroadcast v3, $0xF;
	v16 =	vperm.xlane v5, v0;
	_ =	sdelay $0x1  }
0x1fc: {  	v3 =	vsel vm0, v3, v16  }
0x1fd: {  	vm1 =	vne.s32 v5, v3  }
0x1fe: {  	v3 =	vsel vm1, $0x1, v2  }
0x1ff: {  	(xrf0) =	vadd.scan.msk.s32 $0xffff, v3;
	_ =	sdelay $0x4  }
0x200: {  	v3 =	vbroadcast v4, $0xF  }
0x201: {  	v17 =	vld [tilespmem:$0x670];
	v18, _, _ =	vpop (xrf0)  }
0x202: {  	v3 =	vadd.s32 v3, v18;
	_ =	sdelay $0x2  }
0x203: {  	[tilespmem:$0x3B80] =	vst v4  }
0x204: {  	[tilespmem:$0x1B80] =	vst v17;
	v19 =	vshrl.u32 v5, $0x7  }
0x205: {  	[tilespmem:v3+s11+$0x0] =	vst.idx.msk vm1, v19  }
0x206: {  	v4 =	vld [tilespmem:$0x290];
	_ =	sdelay $0x4  }
0x207: {  	v5 =	vbroadcast v5, $0xF;
	v20 =	vperm.xlane v4, v0;
	_ =	sdelay $0x1  }
0x208: {  	v5 =	vsel vm0, v5, v20  }
0x209: {  	vm1 =	vne.s32 v4, v5  }
0x20a: {  	v5 =	vsel vm1, $0x1, v2  }
0x20b: {  	(xrf0) =	vadd.scan.msk.s32 $0xffff, v5;
	_ =	sdelay $0x4  }
0x20c: {  	v21 =	vbroadcast v3, $0xF  }
0x20d: {  	v22 =	vld [tilespmem:$0x680];
	v23, _, _ =	vpop (xrf0)  }
0x20e: {  	v5 =	vadd.s32 v21, v23;
	_ =	sdelay $0x2  }
0x20f: {  	[tilespmem:$0x3C00] =	vst v3  }
0x210: {  	[tilespmem:$0x1C00] =	vst v22;
	v3 =	vshrl.u32 v4, $0x7  }
0x211: {  	[tilespmem:v5+s11+$0x0] =	vst.idx.msk vm1, v3  }
0x212: {  	v3 =	vld [tilespmem:$0x2A0];
	_ =	sdelay $0x4  }
0x213: {  	v4 =	vbroadcast v4, $0xF;
	v24 =	vperm.xlane v3, v0;
	_ =	sdelay $0x1  }
0x214: {  	v4 =	vsel vm0, v4, v24  }
0x215: {  	vm1 =	vne.s32 v3, v4  }
0x216: {  	v4 =	vsel vm1, $0x1, v2  }
0x217: {  	(xrf0) =	vadd.scan.msk.s32 $0xffff, v4;
	_ =	sdelay $0x4  }
0x218: {  	v25 =	vbroadcast v5, $0xF  }
0x219: {  	v26 =	vld [tilespmem:$0x690];
	v27, _, _ =	vpop (xrf0)  }
0x21a: {  	v4 =	vadd.s32 v25, v27;
	_ =	sdelay $0x2  }
0x21b: {  	[tilespmem:$0x3C80] =	vst v5  }
0x21c: {  	[tilespmem:$0x1C80] =	vst v26;
	v28 =	vshrl.u32 v3, $0x7  }
0x21d: {  	[tilespmem:v4+s11+$0x0] =	vst.idx.msk vm1, v28  }
0x21e: {  	v5 =	vld [tilespmem:$0x2B0];
	_ =	sdelay $0x4  }
0x21f: {  	v3 =	vbroadcast v3, $0xF;
	v29 =	vperm.xlane v5, v0;
	_ =	sdelay $0x1  }
0x220: {  	v3 =	vsel vm0, v3, v29  }
0x221: {  	vm1 =	vne.s32 v5, v3  }
0x222: {  	v3 =	vsel vm1, $0x1, v2  }
0x223: {  	(xrf0) =	vadd.scan.msk.s32 $0xffff, v3;
	_ =	sdelay $0x4  }
0x224: {  	v3 =	vbroadcast v4, $0xF  }
0x225: {  	v30 =	vld [tilespmem:$0x6A0];
	v31, _, _ =	vpop (xrf0)  }
0x226: {  	v3 =	vadd.s32 v3, v31;
	_ =	sdelay $0x2  }
0x227: {  	[tilespmem:$0x3D00] =	vst v4  }
0x228: {  	[tilespmem:$0x1D00] =	vst v30;
	v32 =	vshrl.u32 v5, $0x7  }
0x229: {  	[tilespmem:v3+s11+$0x0] =	vst.idx.msk vm1, v32  }
0x22a: {  	v4 =	vld [tilespmem:$0x2C0];
	_ =	sdelay $0x4  }
0x22b: {  	v5 =	vbroadcast v5, $0xF;
	v33 =	vperm.xlane v4, v0;
	_ =	sdelay $0x1  }
0x22c: {  	v5 =	vsel vm0, v5, v33  }
0x22d: {  	vm1 =	vne.s32 v4, v5  }
0x22e: {  	v5 =	vsel vm1, $0x1, v2  }
0x22f: {  	(xrf0) =	vadd.scan.msk.s32 $0xffff, v5;
	_ =	sdelay $0x4  }
0x230: {  	v34 =	vbroadcast v3, $0xF  }
0x231: {  	v35 =	vld [tilespmem:$0x6B0];
	v36, _, _ =	vpop (xrf0)  }
0x232: {  	v5 =	vadd.s32 v34, v36;
	_ =	sdelay $0x2  }
0x233: {  	[tilespmem:$0x3D80] =	vst v3  }
0x234: {  	[tilespmem:$0x1D80] =	vst v35;
	v3 =	vshrl.u32 v4, $0x7  }
0x235: {  	[tilespmem:v5+s11+$0x0] =	vst.idx.msk vm1, v3  }
0x236: {  	v3 =	vld [tilespmem:$0x2D0];
	_ =	sdelay $0x4  }
0x237: {  	v4 =	vbroadcast v4, $0xF;
	v37 =	vperm.xlane v3, v0;
	_ =	sdelay $0x1  }
0x238: {  	v4 =	vsel vm0, v4, v37  }
0x239: {  	vm1 =	vne.s32 v3, v4  }
0x23a: {  	v4 =	vsel vm1, $0x1, v2  }
0x23b: {  	(xrf0) =	vadd.scan.msk.s32 $0xffff, v4;
	_ =	sdelay $0x4  }
0x23c: {  	v38 =	vbroadcast v5, $0xF  }
0x23d: {  	v39 =	vld [tilespmem:$0x6C0];
	v40, _, _ =	vpop (xrf0)  }
0x23e: {  	v4 =	vadd.s32 v38, v40;
	_ =	sdelay $0x2  }
0x23f: {  	[tilespmem:$0x3E00] =	vst v5  }
0x240: {  	[tilespmem:$0x1E00] =	vst v39;
	v41 =	vshrl.u32 v3, $0x7  }
0x241: {  	[tilespmem:v4+s11+$0x0] =	vst.idx.msk vm1, v41  }
0x242: {  	v5 =	vld [tilespmem:$0x2E0];
	_ =	sdelay $0x4  }
0x243: {  	v3 =	vbroadcast v3, $0xF;
	v42 =	vperm.xlane v5, v0;
	_ =	sdelay $0x1  }
0x244: {  	v3 =	vsel vm0, v3, v42  }
0x245: {  	vm1 =	vne.s32 v5, v3  }
0x246: {  	v3 =	vsel vm1, $0x1, v2  }
0x247: {  	(xrf0) =	vadd.scan.msk.s32 $0xffff, v3;
	_ =	sdelay $0x4  }
0x248: {  	v3 =	vbroadcast v4, $0xF  }
0x249: {  	v43 =	vld [tilespmem:$0x6D0];
	v44, _, _ =	vpop (xrf0)  }
0x24a: {  	v3 =	vadd.s32 v3, v44;
	_ =	sdelay $0x2  }
0x24b: {  	[tilespmem:$0x3E80] =	vst v4  }
0x24c: {  	[tilespmem:$0x1E80] =	vst v43;
	v45 =	vshrl.u32 v5, $0x7  }
0x24d: {  	[tilespmem:v3+s11+$0x0] =	vst.idx.msk vm1, v45  }
0x24e: {  	v4 =	vld [tilespmem:$0x2F0];
	_ =	sdelay $0x4  }
0x24f: {  	v5 =	vbroadcast v5, $0xF;
	v46 =	vperm.xlane v4, v0;
	_ =	sdelay $0x1  }
0x250: {  	v5 =	vsel vm0, v5, v46  }
0x251: {  	vm1 =	vne.s32 v4, v5  }
0x252: {  	v5 =	vsel vm1, $0x1, v2  }
0x253: {  	(xrf0) =	vadd.scan.msk.s32 $0xffff, v5;
	_ =	sdelay $0x4  }
0x254: {  	v47 =	vbroadcast v3, $0xF  }
0x255: {  	v48 =	vld [tilespmem:$0x6E0];
	v49, _, _ =	vpop (xrf0)  }
0x256: {  	v5 =	vadd.s32 v47, v49;
	_ =	sdelay $0x2  }
0x257: {  	[tilespmem:$0x3F00] =	vst v3  }
0x258: {  	[tilespmem:$0x1F00] =	vst v48;
	v3 =	vshrl.u32 v4, $0x7  }
0x259: {  	[tilespmem:v5+s11+$0x0] =	vst.idx.msk vm1, v3  }
0x25a: {  	v3 =	vld [tilespmem:$0x300];
	_ =	sdelay $0x4  }
0x25b: {  	v4 =	vbroadcast v4, $0xF;
	v50 =	vperm.xlane v3, v0;
	_ =	sdelay $0x1  }
0x25c: {  	v4 =	vsel vm0, v4, v50  }
0x25d: {  	vm1 =	vne.s32 v3, v4  }
0x25e: {  	v4 =	vsel vm1, $0x1, v2  }
0x25f: {  	(xrf0) =	vadd.scan.msk.s32 $0xffff, v4;
	_ =	sdelay $0x4  }
0x260: {  	v51 =	vbroadcast v5, $0xF  }
0x261: {  	v52 =	vld [tilespmem:$0x6F0];
	v53, _, _ =	vpop (xrf0)  }
0x262: {  	v4 =	vadd.s32 v51, v53;
	_ =	sdelay $0x2  }
0x263: {  	[tilespmem:$0x3F80] =	vst v5  }
0x264: {  	[tilespmem:$0x1F80] =	vst v52;
	v54 =	vshrl.u32 v3, $0x7  }
0x265: {  	[tilespmem:v4+s11+$0x0] =	vst.idx.msk vm1, v54  }
0x266: {  	v5 =	vld [tilespmem:$0x310];
	_ =	sdelay $0x4  }
0x267: {  	v3 =	vbroadcast v3, $0xF;
	v55 =	vperm.xlane v5, v0;
	_ =	sdelay $0x1  }
0x268: {  	v3 =	vsel vm0, v3, v55  }
0x269: {  	vm1 =	vne.s32 v5, v3  }
0x26a: {  	v3 =	vsel vm1, $0x1, v2  }
0x26b: {  	(xrf0) =	vadd.scan.msk.s32 $0xffff, v3;
	_ =	sdelay $0x4  }
0x26c: {  	v3 =	vbroadcast v4, $0xF  }
0x26d: {  	v56 =	vld [tilespmem:$0x700];
	v57, _, _ =	vpop (xrf0)  }
0x26e: {  	v3 =	vadd.s32 v3, v57;
	_ =	sdelay $0x2  }
0x26f: {  	[tilespmem:$0x4000] =	vst v4  }
0x270: {  	[tilespmem:$0x2000] =	vst v56;
	v58 =	vshrl.u32 v5, $0x7  }
0x271: {  	[tilespmem:v3+s11+$0x0] =	vst.idx.msk vm1, v58  }
0x272: {  	v4 =	vld [tilespmem:$0x320];
	_ =	sdelay $0x4  }
0x273: {  	v5 =	vbroadcast v5, $0xF;
	v59 =	vperm.xlane v4, v0;
	_ =	sdelay $0x1  }
0x274: {  	v5 =	vsel vm0, v5, v59  }
0x275: {  	vm1 =	vne.s32 v4, v5  }
0x276: {  	v5 =	vsel vm1, $0x1, v2  }
0x277: {  	(xrf0) =	vadd.scan.msk.s32 $0xffff, v5;
	_ =	sdelay $0x4  }
0x278: {  	v60 =	vbroadcast v3, $0xF  }
0x279: {  	v61 =	vld [tilespmem:$0x710];
	v62, _, _ =	vpop (xrf0)  }
0x27a: {  	v5 =	vadd.s32 v60, v62;
	_ =	sdelay $0x2  }
0x27b: {  	[tilespmem:$0x4080] =	vst v3  }
0x27c: {  	[tilespmem:$0x2080] =	vst v61;
	v3 =	vshrl.u32 v4, $0x7  }
0x27d: {  	[tilespmem:v5+s11+$0x0] =	vst.idx.msk vm1, v3  }
0x27e: {  	v3 =	vld [tilespmem:$0x330];
	_ =	sdelay $0x4  }
0x27f: {  	v4 =	vbroadcast v4, $0xF;
	v63 =	vperm.xlane v3, v0;
	_ =	sdelay $0x1  }
0x280: {  	v4 =	vsel vm0, v4, v63  }
0x281: {  	vm1 =	vne.s32 v3, v4  }
0x282: {  	v4 =	vsel vm1, $0x1, v2  }
0x283: {  	(xrf0) =	vadd.scan.msk.s32 $0xffff, v4;
	_ =	sdelay $0x4  }
0x284: {  	v9 =	vbroadcast v5, $0xF  }
0x285: {  	v10 =	vld [tilespmem:$0x720];
	v11, _, _ =	vpop (xrf0)  }
0x286: {  	v4 =	vadd.s32 v9, v11;
	_ =	sdelay $0x2  }
0x287: {  	[tilespmem:$0x4100] =	vst v5  }
0x288: {  	[tilespmem:$0x2100] =	vst v10;
	v12 =	vshrl.u32 v3, $0x7  }
0x289: {  	[tilespmem:v4+s11+$0x0] =	vst.idx.msk vm1, v12  }
0x28a: {  	v5 =	vld [tilespmem:$0x340];
	_ =	sdelay $0x4  }
0x28b: {  	v3 =	vbroadcast v3, $0xF;
	v13 =	vperm.xlane v5, v0;
	_ =	sdelay $0x1  }
0x28c: {  	v3 =	vsel vm0, v3, v13  }
0x28d: {  	vm1 =	vne.s32 v5, v3  }
0x28e: {  	v3 =	vsel vm1, $0x1, v2  }
0x28f: {  	(xrf0) =	vadd.scan.msk.s32 $0xffff, v3;
	_ =	sdelay $0x4  }
0x290: {  	v3 =	vbroadcast v4, $0xF  }
0x291: {  	v14 =	vld [tilespmem:$0x730];
	v15, _, _ =	vpop (xrf0)  }
0x292: {  	v3 =	vadd.s32 v3, v15;
	_ =	sdelay $0x2  }
0x293: {  	[tilespmem:$0x4180] =	vst v4  }
0x294: {  	[tilespmem:$0x2180] =	vst v14;
	v16 =	vshrl.u32 v5, $0x7  }
0x295: {  	[tilespmem:v3+s11+$0x0] =	vst.idx.msk vm1, v16  }
0x296: {  	v4 =	vld [tilespmem:$0x350];
	_ =	sdelay $0x4  }
0x297: {  	v5 =	vbroadcast v5, $0xF;
	v17 =	vperm.xlane v4, v0;
	_ =	sdelay $0x1  }
0x298: {  	v5 =	vsel vm0, v5, v17  }
0x299: {  	vm1 =	vne.s32 v4, v5  }
0x29a: {  	v5 =	vsel vm1, $0x1, v2  }
0x29b: {  	(xrf0) =	vadd.scan.msk.s32 $0xffff, v5;
	_ =	sdelay $0x4  }
0x29c: {  	v18 =	vbroadcast v3, $0xF  }
0x29d: {  	v19 =	vld [tilespmem:$0x740];
	v20, _, _ =	vpop (xrf0)  }
0x29e: {  	v5 =	vadd.s32 v18, v20;
	_ =	sdelay $0x2  }
0x29f: {  	[tilespmem:$0x4200] =	vst v3  }
0x2a0: {  	[tilespmem:$0x2200] =	vst v19;
	v3 =	vshrl.u32 v4, $0x7  }
0x2a1: {  	[tilespmem:v5+s11+$0x0] =	vst.idx.msk vm1, v3  }
0x2a2: {  	v3 =	vld [tilespmem:$0x360];
	_ =	sdelay $0x4  }
0x2a3: {  	v4 =	vbroadcast v4, $0xF;
	v21 =	vperm.xlane v3, v0;
	_ =	sdelay $0x1  }
0x2a4: {  	v4 =	vsel vm0, v4, v21  }
0x2a5: {  	vm1 =	vne.s32 v3, v4  }
0x2a6: {  	v4 =	vsel vm1, $0x1, v2  }
0x2a7: {  	(xrf0) =	vadd.scan.msk.s32 $0xffff, v4;
	_ =	sdelay $0x4  }
0x2a8: {  	v22 =	vbroadcast v5, $0xF  }
0x2a9: {  	v23 =	vld [tilespmem:$0x750];
	v24, _, _ =	vpop (xrf0)  }
0x2aa: {  	v4 =	vadd.s32 v22, v24;
	_ =	sdelay $0x2  }
0x2ab: {  	[tilespmem:$0x4280] =	vst v5  }
0x2ac: {  	[tilespmem:$0x2280] =	vst v23;
	v25 =	vshrl.u32 v3, $0x7  }
0x2ad: {  	[tilespmem:v4+s11+$0x0] =	vst.idx.msk vm1, v25  }
0x2ae: {  	v5 =	vld [tilespmem:$0x370];
	_ =	sdelay $0x4  }
0x2af: {  	v3 =	vbroadcast v3, $0xF;
	v26 =	vperm.xlane v5, v0;
	_ =	sdelay $0x1  }
0x2b0: {  	v3 =	vsel vm0, v3, v26  }
0x2b1: {  	vm1 =	vne.s32 v5, v3  }
0x2b2: {  	v3 =	vsel vm1, $0x1, v2  }
0x2b3: {  	(xrf0) =	vadd.scan.msk.s32 $0xffff, v3;
	_ =	sdelay $0x4  }
0x2b4: {  	v3 =	vbroadcast v4, $0xF  }
0x2b5: {  	v27 =	vld [tilespmem:$0x760];
	v28, _, _ =	vpop (xrf0)  }
0x2b6: {  	v3 =	vadd.s32 v3, v28;
	_ =	sdelay $0x2  }
0x2b7: {  	[tilespmem:$0x4300] =	vst v4  }
0x2b8: {  	[tilespmem:$0x2300] =	vst v27;
	v29 =	vshrl.u32 v5, $0x7  }
0x2b9: {  	[tilespmem:v3+s11+$0x0] =	vst.idx.msk vm1, v29  }
0x2ba: {  	v4 =	vld [tilespmem:$0x380];
	_ =	sdelay $0x4  }
0x2bb: {  	v5 =	vbroadcast v5, $0xF;
	v30 =	vperm.xlane v4, v0;
	_ =	sdelay $0x1  }
0x2bc: {  	v5 =	vsel vm0, v5, v30  }
0x2bd: {  	vm1 =	vne.s32 v4, v5  }
0x2be: {  	v5 =	vsel vm1, $0x1, v2  }
0x2bf: {  	(xrf0) =	vadd.scan.msk.s32 $0xffff, v5;
	_ =	sdelay $0x4  }
0x2c0: {  	v31 =	vbroadcast v3, $0xF  }
0x2c1: {  	v32 =	vld [tilespmem:$0x770];
	v33, _, _ =	vpop (xrf0)  }
0x2c2: {  	v5 =	vadd.s32 v31, v33;
	_ =	sdelay $0x2  }
0x2c3: {  	[tilespmem:$0x4380] =	vst v3  }
0x2c4: {  	[tilespmem:$0x2380] =	vst v32;
	v3 =	vshrl.u32 v4, $0x7  }
0x2c5: {  	[tilespmem:v5+s11+$0x0] =	vst.idx.msk vm1, v3  }
0x2c6: {  	v3 =	vld [tilespmem:$0x390];
	_ =	sdelay $0x4  }
0x2c7: {  	v4 =	vbroadcast v4, $0xF;
	v34 =	vperm.xlane v3, v0;
	_ =	sdelay $0x1  }
0x2c8: {  	v4 =	vsel vm0, v4, v34  }
0x2c9: {  	vm1 =	vne.s32 v3, v4  }
0x2ca: {  	v4 =	vsel vm1, $0x1, v2  }
0x2cb: {  	(xrf0) =	vadd.scan.msk.s32 $0xffff, v4;
	_ =	sdelay $0x4  }
0x2cc: {  	v35 =	vbroadcast v5, $0xF  }
0x2cd: {  	v36 =	vld [tilespmem:$0x780];
	v37, _, _ =	vpop (xrf0)  }
0x2ce: {  	v4 =	vadd.s32 v35, v37;
	_ =	sdelay $0x2  }
0x2cf: {  	[tilespmem:$0x4400] =	vst v5  }
0x2d0: {  	[tilespmem:$0x2400] =	vst v36;
	v38 =	vshrl.u32 v3, $0x7  }
0x2d1: {  	[tilespmem:v4+s11+$0x0] =	vst.idx.msk vm1, v38  }
0x2d2: {  	v5 =	vld [tilespmem:$0x3A0];
	_ =	sdelay $0x4  }
0x2d3: {  	v3 =	vbroadcast v3, $0xF;
	v39 =	vperm.xlane v5, v0;
	_ =	sdelay $0x1  }
0x2d4: {  	v3 =	vsel vm0, v3, v39  }
0x2d5: {  	vm1 =	vne.s32 v5, v3  }
0x2d6: {  	v3 =	vsel vm1, $0x1, v2  }
0x2d7: {  	(xrf0) =	vadd.scan.msk.s32 $0xffff, v3;
	_ =	sdelay $0x4  }
0x2d8: {  	v3 =	vbroadcast v4, $0xF  }
0x2d9: {  	v40 =	vld [tilespmem:$0x790];
	v41, _, _ =	vpop (xrf0)  }
0x2da: {  	v3 =	vadd.s32 v3, v41;
	_ =	sdelay $0x2  }
0x2db: {  	[tilespmem:$0x4480] =	vst v4  }
0x2dc: {  	[tilespmem:$0x2480] =	vst v40;
	v42 =	vshrl.u32 v5, $0x7  }
0x2dd: {  	[tilespmem:v3+s11+$0x0] =	vst.idx.msk vm1, v42  }
0x2de: {  	v4 =	vld [tilespmem:$0x3B0];
	_ =	sdelay $0x4  }
0x2df: {  	v5 =	vbroadcast v5, $0xF;
	v43 =	vperm.xlane v4, v0;
	_ =	sdelay $0x1  }
0x2e0: {  	v5 =	vsel vm0, v5, v43  }
0x2e1: {  	vm1 =	vne.s32 v4, v5  }
0x2e2: {  	v5 =	vsel vm1, $0x1, v2  }
0x2e3: {  	(xrf0) =	vadd.scan.msk.s32 $0xffff, v5;
	_ =	sdelay $0x4  }
0x2e4: {  	v44 =	vbroadcast v3, $0xF  }
0x2e5: {  	v45 =	vld [tilespmem:$0x7A0];
	v46, _, _ =	vpop (xrf0)  }
0x2e6: {  	v5 =	vadd.s32 v44, v46;
	_ =	sdelay $0x2  }
0x2e7: {  	[tilespmem:$0x4500] =	vst v3  }
0x2e8: {  	[tilespmem:$0x2500] =	vst v45;
	v3 =	vshrl.u32 v4, $0x7  }
0x2e9: {  	[tilespmem:v5+s11+$0x0] =	vst.idx.msk vm1, v3  }
0x2ea: {  	v3 =	vld [tilespmem:$0x3C0];
	_ =	sdelay $0x4  }
0x2eb: {  	v4 =	vbroadcast v4, $0xF;
	v47 =	vperm.xlane v3, v0;
	_ =	sdelay $0x1  }
0x2ec: {  	v4 =	vsel vm0, v4, v47  }
0x2ed: {  	vm1 =	vne.s32 v3, v4  }
0x2ee: {  	v4 =	vsel vm1, $0x1, v2  }
0x2ef: {  	(xrf0) =	vadd.scan.msk.s32 $0xffff, v4;
	_ =	sdelay $0x4  }
0x2f0: {  	v48 =	vbroadcast v5, $0xF  }
0x2f1: {  	v49 =	vld [tilespmem:$0x7B0];
	v50, _, _ =	vpop (xrf0)  }
0x2f2: {  	v4 =	vadd.s32 v48, v50;
	_ =	sdelay $0x2  }
0x2f3: {  	[tilespmem:$0x4580] =	vst v5  }
0x2f4: {  	[tilespmem:$0x2580] =	vst v49;
	v51 =	vshrl.u32 v3, $0x7  }
0x2f5: {  	[tilespmem:v4+s11+$0x0] =	vst.idx.msk vm1, v51  }
0x2f6: {  	v5 =	vld [tilespmem:$0x3D0];
	_ =	sdelay $0x4  }
0x2f7: {  	v3 =	vbroadcast v3, $0xF;
	v52 =	vperm.xlane v5, v0;
	_ =	sdelay $0x1  }
0x2f8: {  	v3 =	vsel vm0, v3, v52  }
0x2f9: {  	vm1 =	vne.s32 v5, v3  }
0x2fa: {  	v3 =	vsel vm1, $0x1, v2  }
0x2fb: {  	(xrf0) =	vadd.scan.msk.s32 $0xffff, v3;
	_ =	sdelay $0x4  }
0x2fc: {  	v3 =	vbroadcast v4, $0xF  }
0x2fd: {  	v53 =	vld [tilespmem:$0x7C0];
	v54, _, _ =	vpop (xrf0)  }
0x2fe: {  	v3 =	vadd.s32 v3, v54;
	_ =	sdelay $0x2  }
0x2ff: {  	[tilespmem:$0x4600] =	vst v4  }
0x300: {  	[tilespmem:$0x2600] =	vst v53;
	v55 =	vshrl.u32 v5, $0x7  }
0x301: {  	[tilespmem:v3+s11+$0x0] =	vst.idx.msk vm1, v55  }
0x302: {  	v4 =	vld [tilespmem:$0x3E0];
	_ =	sdelay $0x4  }
0x303: {  	v5 =	vbroadcast v5, $0xF;
	v56 =	vperm.xlane v4, v0;
	_ =	sdelay $0x1  }
0x304: {  	v5 =	vsel vm0, v5, v56  }
0x305: {  	vm1 =	vne.s32 v4, v5  }
0x306: {  	v5 =	vsel vm1, $0x1, v2  }
0x307: {  	(xrf0) =	vadd.scan.msk.s32 $0xffff, v5;
	_ =	sdelay $0x4  }
0x308: {  	v57 =	vbroadcast v3, $0xF  }
0x309: {  	v58 =	vld [tilespmem:$0x7D0];
	v59, _, _ =	vpop (xrf0)  }
0x30a: {  	v5 =	vadd.s32 v57, v59;
	_ =	sdelay $0x2  }
0x30b: {  	[tilespmem:$0x4680] =	vst v3  }
0x30c: {  	[tilespmem:$0x2680] =	vst v58;
	v3 =	vshrl.u32 v4, $0x7  }
0x30d: {  	[tilespmem:v5+s11+$0x0] =	vst.idx.msk vm1, v3  }
0x30e: {  	v3 =	vld [tilespmem:$0x3F0];
	_ =	sdelay $0x4  }
0x30f: {  	v4 =	vbroadcast v4, $0xF;
	v60 =	vperm.xlane v3, v0;
	_ =	sdelay $0x1  }
0x310: {  	v4 =	vsel vm0, v4, v60  }
0x311: {  	vm1 =	vne.s32 v3, v4  }
0x312: {  	v4 =	vsel vm1, $0x1, v2  }
0x313: {  	(xrf0) =	vadd.scan.msk.s32 $0xffff, v4;
	_ =	sdelay $0x4  }
0x314: {  	v61 =	vbroadcast v5, $0xF  }
0x315: {  	v62, _, _ =	vpop (xrf0)  }
0x316: {  	v4 =	vadd.s32 v61, v62  }
0x317: {  	(v2sf) =	vpush v4, $0xF;
	_ =	sdelay $0x2  }
0x318: {  	v63 =	vld [tilespmem:$0x7E0];
	_ =	sdelay $0x3  }
0x319: {  	[tilespmem:$0x4700] =	vst v5  }
0x31a: {  	[tilespmem:$0x2700] =	vst v63;
	v3 =	vshrl.u32 v3, $0x7  }
0x31b: {  	[tilespmem:v4+s11+$0x0] =	vst.idx.msk vm1, v3  }
0x31c: {  	v3 =	vld [tilespmem:$0x7F0]  }
.Ltmp2:
0x31d: {  	_ = 	snop;
	(pc) =	sbr.rel .LBB2_2-.Ltmp2, $3  }
0x31e: {  	_ =	sdelay $0x1  }
0x31f: {  	s17 =	simm.s32 $0x0;
	[tilespmem:$0x4780] =	vst v4  }
0x320: {  	s19 =	simm.s32 $0x0;
	s18 =	simm.s32 $0x0;
	[tilespmem:$0x2780] =	vst v3;
	s16 =	spop (v2sf)  }
.LBB2_11:
0x321: {  	[sflag:s12] =	ssyncadd.s32 $0xFFFFE000  }
.LBB2_12:
0x322: {  	v4 =	vperm.xlane v5, v4  }
0x323: {  	v3 =	vshll.u32 v3, $0xD  }
0x324: {  	v62 =	vmul.u32 $0x80, v1;
	v3 =	vand.u32 $0xE000, v3;
	v4 =	vand.u32 $0x7F, v4  }
0x325: {  	v3 =	vor.u32 v3, v4  }
0x326: {  	v4 =	vor.u32 v62, v3;
	_ =	sdelay $0x4  }
0x327: {  	v6 =	vor.u32 $0x800, v62;
	v4 =	vld.idx.msk [tilespmem:v4+s13+$0x0], $0xffff  }
0x328: {  	v6 =	vor.u32 v6, v3;
	_ =	sdelay $0x1  }
0x329: {  	s0 =	sshll.u32 s18, $0x7  }
0x32a: {  	s23 =	sand.u32 $0xF80, s0  }
0x32b: {  	[tilespmem:s23+$0x14C00] =	vst v4  }
0x32c: {  	v63 =	vor.u32 $0x1000, v62;
	v4 =	vld.idx.msk [tilespmem:v6+s13+$0x0], $0xffff  }
0x32d: {  	v6 =	vor.u32 v63, v3;
	_ =	sdelay $0x3  }
0x32e: {  	[tilespmem:s23+$0x14C10] =	vst v4  }
0x32f: {  	v5 =	vor.u32 $0x1800, v62;
	v4 =	vld.idx.msk [tilespmem:v6+s13+$0x0], $0xffff  }
0x330: {  	v3 =	vor.u32 v5, v3;
	_ =	sdelay $0x3  }
0x331: {  	[tilespmem:s23+$0x14C20] =	vst v4  }
0x332: {  	v3 =	vld.idx.msk [tilespmem:v3+s13+$0x0], $0xffff;
	_ =	sdelay $0x1  }
0x333: {  	p0 =	sne.s32 s22, $0xF  }
0x334: {  	p1 =	slt.u32 @!p0 s18, $0x20  }
0x335: {  	p1 =	por p1, p0  }
0x336: {  	s22 =	simm.s32 @!p1 $0x2;
	[tilespmem:s23+$0x14C30] =	vst v3  }
0x337: {  	_ =	swait.ge @!p1 [sflag:s22], $0x800  }
0x338: {  	s0 =	sand.u32 @!p0 $0x800, s0;
	s20 =	sadd.s32 @!p0 $0x800, s20;
	[sflag:s22] =	ssyncset.done @!p1 $0x0  }
0x339: {  	s0 =	sadd.s32 @!p0 $0x14C00, s0;
	[sflag:s22] =	ssyncadd.s32 @!p1 $0xFFFFF800;
	s22 =	simm.s32 @!p0 $0x10  }
0x33a: {  	[hbm4b:s5+s22] =	stream.indirect.scatter @!p0 [tilespmem:s0], [sflag:$0x2], $0x80, s20, s22, $0xb8;
	[tilespmem:$0x15C00] =	vst v63  }
0x33b: {  	s18 =	sadd.s32 $0x1, s18;
	p0 =	sgt.s32 s19, s21  }
0x33c: {  	s21 =	smov.u32 @p0 s19;
	p0 =	sne.s32 s18, $0x400  }
.Ltmp3:
0x33d: {  	_ = 	snop;
	(pc) =	sbr.rel @!p0 .LBB2_13-.Ltmp3, $4  }
0x33e: {  	_ = 	snop  }
0x33f: {  	p1 =	sgt.s32 s17, s24  }
0x340: {  	s24 =	smov.u32 @p1 s17  }
0x341: {  	s17 =	smov.u32 s24;
	s19 =	smov.u32 s21  }
.LBB2_2:
0x342: {  	s20 =	sshll.u32 s18, $0x3  }
0x343: {  	s20 =	sand.u32 $0x1F80, s20  }
0x344: {  	v3 =	vld [tilespmem:s20+$0x2800];
	_ =	sdelay $0x2  }
0x345: {  	s22 =	sand.u32 $0xF, s18  }
0x346: {  	v4 =	vmov s22  }
0x347: {  	v3 =	vperm.xlane v3, v4;
	_ =	sdelay $0x1  }
0x348: {  	(v2sf) =	vpush v3, $0x0;
	_ =	sdelay $0xe  }
0x349: {  	s23 =	spop (v2sf)  }
0x34a: {  	s21 =	sadd.s32 $0x7, s23  }
0x34b: {  	s24 =	smov.u32 s16;
	p0 =	slt.s32 s21, s16  }
0x34c: {  	s24 =	smov.u32 @p0 s21  }
0x34d: {  	s21 =	sadd.s32 $0x1, s24  }
0x34e: {  	p0 =	sge.s32 s19, s21  }
.Ltmp4:
0x34f: {  	_ = 	snop;
	(pc) =	sbr.rel @p0 .LBB2_8-.Ltmp4, $3  }
0x350: {  	_ =	sdelay $0x1  }
0x351: {  	s31 =	sand.u32 $0x3F0, s18  }
0x352: {  	v5 =	vld [tilespmem:s31+$0x0]  }
0x353: {  	s25 =	sadd.s32 $0x1, s19  }
0x354: {  	p1 =	sne.s32 s21, s25  }
.Ltmp5:
0x355: {  	_ = 	snop;
	(pc) =	sbr.rel @!p1 .LBB2_4-.Ltmp5, $2  }
0x356: {  	_ =	sdelay $0x2  }
0x357: {  	s24 =	sshll.u32 s19, $0xF;
	s28 =	sand.u32 $0xFFFFFFF0, s19;
	p0 =	por $0x0, $0x0  }
0x358: {  	v6 =	vld [tilespmem:s28+$0x4800];
	_ =	sdelay $0x3  }
0x359: {  	v7 =	vmov s19  }
0x35a: {  	v6 =	vperm.xlane v6, v7;
	_ =	sdelay $0x1  }
0x35b: {  	(v2sf) =	vpush v6, $0x0;
	_ =	sdelay $0xe  }
0x35c: {  	s31 =	sshrl.u32 s24, $0x2;
	s26 =	spop (v2sf)  }
0x35d: {  	s29 =	smov.u32 s2;
	s28 =	sshll.u32 s26, $0x7;
	p0 =	slt.s32 s26, $0x2000  }
0x35e: {  	s30 =	sand.u32 $0xE000, s31;
	s28 =	sand.u32 $0xFFF80, s28;
	s29 =	smov.u32 @p0 s1  }
0x35f: {  	s26 =	sadd.s32 $0x4C00, s30;
	s31 =	sadd.s32 s29, s28  }
0x360: {  	[tilespmem:s26], [sflag:$0x1] =	stream.linear.gather [hbm4b:s31+s3], $0x400, $0x38;
	[tilespmem:$0x15C00] =	vst v63  }
0x361: {  	s0 =	sadd.s32 $0x5000, s30;
	s28 =	sadd.s32 $0xF4280, s31  }
0x362: {  	[tilespmem:s0], [sflag:$0x1] =	stream.linear.gather [hbm4b:s28+s3], $0x400, $0x38;
	[tilespmem:$0x15C00] =	vst v63  }
0x363: {  	s24 =	sadd.s32 $0x8000, s24;
	s0 =	sadd.s32 $0x5400, s30;
	s28 =	sadd.s32 $0x1E8500, s31  }
0x364: {  	[tilespmem:s0], [sflag:$0x1] =	stream.linear.gather [hbm4b:s28+s3], $0x400, $0x38;
	[tilespmem:$0x15C00] =	vst v63  }
0x365: {  	s26 =	sadd.s32 $0x1, s25;
	s0 =	sadd.s32 $0x5800, s30;
	s28 =	sadd.s32 $0x2DC780, s31  }
0x366: {  	[tilespmem:s0], [sflag:$0x1] =	stream.linear.gather [hbm4b:s28+s3], $0x400, $0x38;
	[tilespmem:$0x15C00] =	vst v63  }
0x367: {  	p1 =	sne.s32 s21, s26;
	s0 =	sadd.s32 $0x5C00, s30;
	s28 =	sadd.s32 $0x3D0A00, s31  }
0x368: {  	[tilespmem:s0], [sflag:$0x1] =	stream.linear.gather [hbm4b:s28+s3], $0x400, $0x38;
	[tilespmem:$0x15C00] =	vst v63  }
.Ltmp6:
0x369: {  	s0 =	sadd.s32 $0x6000, s30;
	s28 =	sadd.s32 $0x4C4C80, s31;
	(pc) =	sbr.rel @!p1 .LBB2_7-.Ltmp6, $4  }
0x36a: {  	[tilespmem:s0], [sflag:$0x1] =	stream.linear.gather [hbm4b:s28+s3], $0x400, $0x38;
	[tilespmem:$0x15C00] =	vst v63  }
0x36b: {  	p0 =	por $0x1, $0x1;
	s29 =	sadd.s32 $0x5B8F00, s31;
	s28 =	sadd.s32 $0x6400, s30  }
0x36c: {  	[tilespmem:s28], [sflag:$0x1] =	stream.linear.gather [hbm4b:s29+s3], $0x400, $0x38;
	[tilespmem:$0x15C00] =	vst v63  }
0x36d: {  	s28 =	sand.u32 $0xFFFFFFF0, s25;
	s29 =	sadd.s32 $0x6800, s30;
	s30 =	sadd.s32 $0x6AD180, s31  }
.LBB2_6:
0x36e: {  	[tilespmem:s29], [sflag:$0x1] =	stream.linear.gather [hbm4b:s30+s3], $0x400, $0x38;
	[tilespmem:$0x15C00] =	vst v63  }
0x36f: {  	s29 =	smov.u32 s26;
	v6 =	vld [tilespmem:s28+$0x4800];
	s28 =	sand.u32 $0xFFFFFFF0, s26;
	s26 =	sadd.s32 $0x1, s26  }
0x370: {  	p1 =	sne.s32 s21, s26;
	_ =	sdelay $0x2  }
0x371: {  	v7 =	vmov s25;
	s25 =	smov.u32 s29  }
0x372: {  	v6 =	vperm.xlane v6, v7;
	_ =	sdelay $0x1  }
0x373: {  	(v2sf) =	vpush v6, $0x0;
	_ =	sdelay $0xe  }
0x374: {  	s31 =	smov.u32 s2;
	s29 =	spop (v2sf)  }
0x375: {  	s30 =	sshll.u32 s29, $0x7;
	p2 =	slt.s32 s29, $0x2000;
	s29 =	sshrl.u32 s24, $0x2  }
0x376: {  	s30 =	sand.u32 $0xFFF80, s30;
	s29 =	sand.u32 $0xE000, s29;
	s31 =	smov.u32 @p2 s1  }
0x377: {  	s0 =	sadd.s32 $0x4C00, s29;
	s30 =	sadd.s32 s31, s30  }
0x378: {  	[tilespmem:s0], [sflag:$0x1] =	stream.linear.gather [hbm4b:s30+s3], $0x400, $0x38;
	[tilespmem:$0x15C00] =	vst v63  }
0x379: {  	s0 =	sadd.s32 $0x5000, s29;
	s31 =	sadd.s32 $0xF4280, s30  }
0x37a: {  	[tilespmem:s0], [sflag:$0x1] =	stream.linear.gather [hbm4b:s31+s3], $0x400, $0x38;
	[tilespmem:$0x15C00] =	vst v63  }
0x37b: {  	s0 =	sadd.s32 $0x5400, s29;
	s31 =	sadd.s32 $0x1E8500, s30  }
0x37c: {  	[tilespmem:s0], [sflag:$0x1] =	stream.linear.gather [hbm4b:s31+s3], $0x400, $0x38;
	[tilespmem:$0x15C00] =	vst v63  }
0x37d: {  	s0 =	sadd.s32 $0x5800, s29;
	s31 =	sadd.s32 $0x2DC780, s30  }
0x37e: {  	[tilespmem:s0], [sflag:$0x1] =	stream.linear.gather [hbm4b:s31+s3], $0x400, $0x38;
	[tilespmem:$0x15C00] =	vst v63  }
0x37f: {  	s0 =	sadd.s32 $0x5C00, s29;
	s31 =	sadd.s32 $0x3D0A00, s30  }
0x380: {  	[tilespmem:s0], [sflag:$0x1] =	stream.linear.gather [hbm4b:s31+s3], $0x400, $0x38;
	[tilespmem:$0x15C00] =	vst v63  }
.Ltmp7:
0x381: {  	s0 =	sadd.s32 $0x6000, s29;
	s31 =	sadd.s32 $0x4C4C80, s30;
	(pc) =	sbr.rel @p1 .LBB2_6-.Ltmp7, $4  }
0x382: {  	[tilespmem:s0], [sflag:$0x1] =	stream.linear.gather [hbm4b:s31+s3], $0x400, $0x38;
	[tilespmem:$0x15C00] =	vst v63  }
0x383: {  	s0 =	sadd.s32 $0x6400, s29;
	s31 =	sadd.s32 $0x5B8F00, s30  }
0x384: {  	[tilespmem:s0], [sflag:$0x1] =	stream.linear.gather [hbm4b:s31+s3], $0x400, $0x38;
	[tilespmem:$0x15C00] =	vst v63  }
0x385: {  	s24 =	sadd.s32 $0x8000, s24;
	s29 =	sadd.s32 $0x6800, s29;
	s30 =	sadd.s32 $0x6AD180, s30  }
.LBB2_7:
0x386: {  	[tilespmem:s29], [sflag:$0x1] =	stream.linear.gather @p0 [hbm4b:s30+s3], $0x400, $0x38;
	[tilespmem:$0x15C00] =	vst v63  }
0x387: {  	v6 =	vld [tilespmem:s28+$0x4800];
	_ =	sdelay $0x3  }
0x388: {  	v7 =	vmov s25  }
0x389: {  	v6 =	vperm.xlane v6, v7;
	_ =	sdelay $0x1  }
0x38a: {  	(v2sf) =	vpush v6, $0x0;
	_ =	sdelay $0xe  }
0x38b: {  	s26 =	sshrl.u32 s24, $0x2;
	s0 =	spop (v2sf)  }
0x38c: {  	s24 =	smov.u32 s2;
	s31 =	sshll.u32 s0, $0x7;
	p0 =	slt.s32 s0, $0x2000  }
0x38d: {  	s0 =	sand.u32 $0xE000, s26;
	s25 =	sand.u32 $0xFFF80, s31;
	s24 =	smov.u32 @p0 s1  }
0x38e: {  	s26 =	sadd.s32 $0x4C00, s0;
	s24 =	sadd.s32 s24, s25  }
0x38f: {  	[tilespmem:s26], [sflag:$0x1] =	stream.linear.gather [hbm4b:s24+s3], $0x400, $0x38;
	[tilespmem:$0x15C00] =	vst v63  }
0x390: {  	s28 =	sadd.s32 $0x5000, s0;
	s29 =	sadd.s32 $0xF4280, s24  }
0x391: {  	[tilespmem:s28], [sflag:$0x1] =	stream.linear.gather [hbm4b:s29+s3], $0x400, $0x38;
	[tilespmem:$0x15C00] =	vst v63  }
0x392: {  	s30 =	sadd.s32 $0x5400, s0;
	s31 =	sadd.s32 $0x1E8500, s24  }
0x393: {  	[tilespmem:s30], [sflag:$0x1] =	stream.linear.gather [hbm4b:s31+s3], $0x400, $0x38;
	[tilespmem:$0x15C00] =	vst v63  }
0x394: {  	s28 =	sadd.s32 $0x5800, s0;
	s29 =	sadd.s32 $0x2DC780, s24  }
0x395: {  	[tilespmem:s28], [sflag:$0x1] =	stream.linear.gather [hbm4b:s29+s3], $0x400, $0x38;
	[tilespmem:$0x15C00] =	vst v63  }
0x396: {  	s30 =	sadd.s32 $0x5C00, s0;
	s31 =	sadd.s32 $0x3D0A00, s24  }
0x397: {  	[tilespmem:s30], [sflag:$0x1] =	stream.linear.gather [hbm4b:s31+s3], $0x400, $0x38;
	[tilespmem:$0x15C00] =	vst v63  }
0x398: {  	s28 =	sadd.s32 $0x6000, s0;
	s29 =	sadd.s32 $0x4C4C80, s24  }
0x399: {  	[tilespmem:s28], [sflag:$0x1] =	stream.linear.gather [hbm4b:s29+s3], $0x400, $0x38;
	[tilespmem:$0x15C00] =	vst v63  }
0x39a: {  	s30 =	sadd.s32 $0x6400, s0;
	s31 =	sadd.s32 $0x5B8F00, s24  }
0x39b: {  	[tilespmem:s30], [sflag:$0x1] =	stream.linear.gather [hbm4b:s31+s3], $0x400, $0x38;
	[tilespmem:$0x15C00] =	vst v63  }
0x39c: {  	s0 =	sadd.s32 $0x6800, s0;
	s24 =	sadd.s32 $0x6AD180, s24  }
0x39d: {  	[tilespmem:s0], [sflag:$0x1] =	stream.linear.gather [hbm4b:s24+s3], $0x400, $0x38;
	[tilespmem:$0x15C00] =	vst v63  }
.LBB2_8:
0x39e: {  	s24 =	sadd.s32 $0x1, s23  }
0x39f: {  	p0 =	sge.s32 s17, s24  }
.Ltmp8:
0x3a0: {  	_ = 	snop;
	(pc) =	sbr.rel @p0 .LBB2_12-.Ltmp8, $1  }
0x3a1: {  	_ =	sdelay $0x3  }
0x3a2: {  	s0 =	ssub.s32 s23, s17  }
0x3a3: {  	s0 =	sadd.s32 $0x1, s0  }
0x3a4: {  	p0 =	sne.s32 s0, $0x1  }
.Ltmp9:
0x3a5: {  	_ = 	snop;
	(pc) =	sbr.rel @!p0 .LBB2_11-.Ltmp9, $3  }
0x3a6: {  	_ =	sdelay $0x1  }
0x3a7: {  	_ =	swait.ge [sflag:s12], $0x2000  }
0x3a8: {  	[sflag:s12] =	ssyncset.done $0x0;
	s23 =	sadd.s32 $0xFFFFFFFF, s0  }
.LBB2_10:
0x3a9: {  	p0 =	sne.s32 s23, $0x1;
	s23 =	sadd.s32 $0xFFFFFFFF, s23;
	[sflag:s12] =	ssyncadd.s32 $0xFFFFE000  }
.Ltmp10:
0x3aa: {  	(pc) =	sbr.rel @p0 .LBB2_10-.Ltmp10, $3  }
0x3ab: {  	_ =	sdelay $0x1  }
0x3ac: {  	_ =	swait.ge [sflag:s12], $0x2000  }
0x3ad: {  	[sflag:s12] =	ssyncset.done $0x0  }
.Ltmp11:
0x3ae: {  	_ = 	snop;
	(pc) =	sbr.rel .LBB2_11-.Ltmp11, $1  }
0x3af: {  	_ =	sdelay $0x3  }
.LBB2_4:
.Ltmp12:
0x3b0: {  	(pc) =	sbr.rel .LBB2_7-.Ltmp12, $2  }
0x3b1: {  	_ =	sdelay $0x2  }
0x3b2: {  	s25 =	smov.u32 s19  }
.LBB2_14:
0x3b3: {  	_ =	sfence.sel $0x180000  }
0x3b4: {  	[bflag:$0x0] =	sbarrier.arrive $0xFFFF  }
0x3b5: {  	_ =	strace $0x90000047  }
0x3b6: {  	[bflag:$0x2] =	sbarrier.arrive $0xFFFF  }
0x3b7: {  	p0 =	sne.s32 s4, $0x0;
	s0 =	rddreg [dreg:$0x3]  }
0x3b8: {  	s0 =	sadd.s32 @!p0 $0x100000, s0  }
0x3b9: {  	[sflag:s0] =	ssyncadd.tile.s32 @!p0 $0x1;
	_ =	shalt  }
.Lfunc_end2:
_tile_overlayer_lowered:
.L_overlay_start_2:
0x3ba: {  	(tag) =	ssettag $0x2  }
0x3bb: {  	s0 =	rddreg [dreg:$0x0];
	s2 =	stileid.u32  }
0x3bc: {  	s1 =	rddreg [dreg:$0x1];
	p0 =	sne.s32 s2, $0x0  }
0x3bd: {  	s3 =	rddreg [dreg:$0x2];
	[bflag:$0x3] =	sbarrier.arrive $0xFFFF;
	s2 =	simm.s32 @!p0 $0x1C03  }
0x3be: {  	[timem:s3], [sflag:s2] =	dma.local @!p0 [hbm:s0], s1  }
0x3bf: {  	s0 =	simm.s32 @!p0 $0x3  }
0x3c0: {  	_ =	swait.ge @!p0 [sflag:s0], s1  }
0x3c1: {  	s1 =	ssub.s32 @!p0 $0x0, s1;
	[sflag:s0] =	ssyncset.done @!p0 $0x0  }
0x3c2: {  	[sflag:s0] =	ssyncadd.s32 @!p0 s1  }
0x3c3: {  	[bflag:$0x3] =	sbarrier.arrive $0xFFFF  }
0x3c4: {  	_ =	shalt  }

</sc_bundles>
